<compile_context>
chip_gen: v7x
topology: tpu7x:2x2x1
jax: 0.10.2.dev20260603
libtpu: 0.0.44.dev20260713+nightly
codegen_flags: <defaults>
</compile_context>

<pallas_src>
import functools

import jax
import jax.numpy as jnp
from jax import lax
from jax.experimental import pallas as pl
from jax.experimental.pallas import tpu as pltpu
from jax.experimental.pallas import tpu_sc as plsc

_ROWS = 100000
_COLS = 512
_NW = 32
_WROWS = 3120
_BLOCK = 80
_NBUF = 3
_NBLK = _WROWS // _BLOCK
_MAIN = _NW * _WROWS
_TAIL = _ROWS - _MAIN


@functools.partial(
    pl.kernel,
    out_type=jax.ShapeDtypeStruct((_ROWS, _COLS), jnp.float32),
    mesh=plsc.VectorSubcoreMesh(core_axis_name="c", subcore_axis_name="s"),
    scratch_types=[
        pltpu.VMEM((_NBUF, _BLOCK, _COLS), jnp.float32),
        pltpu.SemaphoreType.DMA((_NBUF,)),
        pltpu.SemaphoreType.DMA((_NBUF,)),
    ],
)
def _sc_copy_assign(x_hbm, o_hbm, bufs, in_sems, out_sems):
    wid = lax.axis_index("s") * 2 + lax.axis_index("c")
    row0 = wid * _WROWS

    def in_copy(k):
        b = k % _NBUF
        return pltpu.make_async_copy(
            x_hbm.at[pl.ds(row0 + k * _BLOCK, _BLOCK)], bufs.at[b], in_sems.at[b])

    def out_copy(k):
        b = k % _NBUF
        return pltpu.make_async_copy(
            bufs.at[b], o_hbm.at[pl.ds(row0 + k * _BLOCK, _BLOCK)], out_sems.at[b])

    for k in range(_NBUF - 1):
        in_copy(k).start()
    for k in range(_NBLK):
        in_copy(k).wait()
        if k == 0:
            @pl.when(wid == 0)
            def _():
                ones = jnp.full((16,), 1.0, dtype=jnp.float32)
                for r in (1, 2):
                    for j in range(_COLS // 16):
                        bufs[0, r, pl.ds(j * 16, 16)] = ones
        out_copy(k).start()
        if k + _NBUF - 1 < _NBLK:
            if k >= 1:
                out_copy(k - 1).wait()
            in_copy(k + _NBUF - 1).start()
    for k in range(_NBLK - _NBUF, _NBLK):
        out_copy(k).wait()

    @pl.when(wid < _TAIL // 8)
    def _():
        tstart = _MAIN + wid * 8
        pltpu.sync_copy(x_hbm.at[pl.ds(tstart, 8)], bufs.at[0].at[pl.ds(0, 8)])
        pltpu.sync_copy(bufs.at[0].at[pl.ds(0, 8)], o_hbm.at[pl.ds(tstart, 8)])


def kernel(x):
    return _sc_copy_assign(x)

# --- scband reference (transcript-rebuilt; emitter-appended) ---
"""Pipeline reference for scband-correct-assign-61933428412695 (READ-ONLY COPY).

The authoritative reference and input builder live on the scoring server;
editing this copy changes nothing except your own understanding.
"""

import jax, jax.numpy as jnp
import numpy as np

def setup_inputs(seed: int = 0) -> dict:
    key = jax.random.key(seed)
    x = jax.random.normal(key, (100000, 512), dtype=jnp.float32)
    return {"x": x}

def reference(x):
    # x_copy = x.clone(); x_copy[[1, 2]] = 1.0
    idx = jnp.array([1, 2], dtype=jnp.int32)
    x_copy = x.at[idx].set(1.0)
    return x_copy

if __name__ == "__main__":
    import jax
    _d = setup_inputs()
    print(jax.jit(kernel)(*tuple(_d.values())))

</pallas_src>

<mosaic_0001>
#map = affine_map<(d0, d1) -> (0, 0)>
module attributes {stable_mosaic.version = 14 : i64} {
  func.func @_sc_copy_assign(%arg0: i32, %arg1: i32, %arg2: memref<100000x512xf32, #tpu.memory_space<hbm>>, %arg3: memref<100000x512xf32, #tpu.memory_space<hbm>>, %arg4: memref<3x80x512xf32, #tpu.memory_space<vmem>>, %arg5: memref<3x!tpu.dma_semaphore, #tpu.memory_space<semaphore_mem>>, %arg6: memref<3x!tpu.dma_semaphore, #tpu.memory_space<semaphore_mem>>) attributes {dimension_semantics = [#tpu.dimension_semantics<core_parallel>, #tpu.dimension_semantics<subcore_parallel>], iteration_bounds = array<i64: 2, 16>, scalar_prefetch = 0 : i64, scratch_operands = 3 : i64, tpu.core_type = #tpu.core_type<sc_vector_subcore>, window_params = [{transform_indices = #map}, {transform_indices = #map}]} {
    %mul3A = arith.constant 2 : i32
    %mul3A_0 = arith.muli %arg1, %mul3A : i32
    %add3A = arith.addi %mul3A_0, %arg0 : i32
    %mul3A_1 = arith.constant 3120 : i32
    %mul3A_2 = arith.muli %add3A, %mul3A_1 : i32
    %add3A_3 = arith.constant 0 : i32
    %add3A_4 = arith.addi %mul3A_2, %add3A_3 : i32
    %dma_start3A = arith.constant 0 : i32
    %dma_start3A_5 = arith.constant 0 : i32
    %dma_start3A_6 = arith.constant 0 : i32
    %dma_start3A_7 = arith.constant 0 : i32
    %dma_start3A_8 = tpu.memref_slice %arg4[%dma_start3A, %dma_start3A_6, %dma_start3A_7] : memref<3x80x512xf32, #tpu.memory_space<vmem>> -> memref<1x80x512xf32, #tpu.memory_space<vmem>>
    %dma_start3A_9 = tpu.memref_squeeze %dma_start3A_8 : memref<1x80x512xf32, #tpu.memory_space<vmem>> -> memref<80x512xf32, #tpu.memory_space<vmem>>
    %dma_start3A_10 = arith.constant 0 : i32
    %dma_start3A_11 = tpu.memref_slice %arg2[%add3A_4, %dma_start3A_10] : memref<100000x512xf32, #tpu.memory_space<hbm>> -> memref<80x512xf32, #tpu.memory_space<hbm>>
    %dma_start3A_12 = tpu.memref_slice %arg5[%dma_start3A_5] : memref<3x!tpu.dma_semaphore, #tpu.memory_space<semaphore_mem>> -> memref<1x!tpu.dma_semaphore, #tpu.memory_space<semaphore_mem>>
    %dma_start3A_13 = tpu.memref_squeeze %dma_start3A_12 : memref<1x!tpu.dma_semaphore, #tpu.memory_space<semaphore_mem>> -> memref<!tpu.dma_semaphore, #tpu.memory_space<semaphore_mem>>
    %dma_start3A_14 = arith.constant 0 : i32
    %dma_start3A_15 = arith.constant 0 : i32
    %dma_start3A_16 = tpu.memref_slice %arg4[%dma_start3A, %dma_start3A_14, %dma_start3A_15] : memref<3x80x512xf32, #tpu.memory_space<vmem>> -> memref<1x80x512xf32, #tpu.memory_space<vmem>>
    %dma_start3A_17 = tpu.memref_squeeze %dma_start3A_16 : memref<1x80x512xf32, #tpu.memory_space<vmem>> -> memref<80x512xf32, #tpu.memory_space<vmem>>
    %dma_start3A_18 = arith.constant 0 : i32
    %dma_start3A_19 = tpu.memref_slice %arg2[%add3A_4, %dma_start3A_18] : memref<100000x512xf32, #tpu.memory_space<hbm>> -> memref<80x512xf32, #tpu.memory_space<hbm>>
    tpu.enqueue_dma source(%dma_start3A_19 : memref<80x512xf32, #tpu.memory_space<hbm>>) target(%dma_start3A_17 : memref<80x512xf32, #tpu.memory_space<vmem>>) target_semaphore(%dma_start3A_13 : memref<!tpu.dma_semaphore, #tpu.memory_space<semaphore_mem>>)
    %add3A_20 = arith.constant 80 : i32
    %add3A_21 = arith.addi %mul3A_2, %add3A_20 : i32
    %dma_start3A_22 = arith.constant 1 : i32
    %dma_start3A_23 = arith.constant 1 : i32
    %dma_start3A_24 = arith.constant 0 : i32
    %dma_start3A_25 = arith.constant 0 : i32
    %dma_start3A_26 = tpu.memref_slice %arg4[%dma_start3A_22, %dma_start3A_24, %dma_start3A_25] : memref<3x80x512xf32, #tpu.memory_space<vmem>> -> memref<1x80x512xf32, #tpu.memory_space<vmem>>
    %dma_start3A_27 = tpu.memref_squeeze %dma_start3A_26 : memref<1x80x512xf32, #tpu.memory_space<vmem>> -> memref<80x512xf32, #tpu.memory_space<vmem>>
    %dma_start3A_28 = arith.constant 0 : i32
    %dma_start3A_29 = tpu.memref_slice %arg2[%add3A_21, %dma_start3A_28] : memref<100000x512xf32, #tpu.memory_space<hbm>> -> memref<80x512xf32, #tpu.memory_space<hbm>>
    %dma_start3A_30 = tpu.memref_slice %arg5[%dma_start3A_23] : memref<3x!tpu.dma_semaphore, #tpu.memory_space<semaphore_mem>> -> memref<1x!tpu.dma_semaphore, #tpu.memory_space<semaphore_mem>>
    %dma_start3A_31 = tpu.memref_squeeze %dma_start3A_30 : memref<1x!tpu.dma_semaphore, #tpu.memory_space<semaphore_mem>> -> memref<!tpu.dma_semaphore, #tpu.memory_space<semaphore_mem>>
    %dma_start3A_32 = arith.constant 0 : i32
    %dma_start3A_33 = arith.constant 0 : i32
    %dma_start3A_34 = tpu.memref_slice %arg4[%dma_start3A_22, %dma_start3A_32, %dma_start3A_33] : memref<3x80x512xf32, #tpu.memory_space<vmem>> -> memref<1x80x512xf32, #tpu.memory_space<vmem>>
    %dma_start3A_35 = tpu.memref_squeeze %dma_start3A_34 : memref<1x80x512xf32, #tpu.memory_space<vmem>> -> memref<80x512xf32, #tpu.memory_space<vmem>>
    %dma_start3A_36 = arith.constant 0 : i32
    %dma_start3A_37 = tpu.memref_slice %arg2[%add3A_21, %dma_start3A_36] : memref<100000x512xf32, #tpu.memory_space<hbm>> -> memref<80x512xf32, #tpu.memory_space<hbm>>
    tpu.enqueue_dma source(%dma_start3A_37 : memref<80x512xf32, #tpu.memory_space<hbm>>) target(%dma_start3A_35 : memref<80x512xf32, #tpu.memory_space<vmem>>) target_semaphore(%dma_start3A_31 : memref<!tpu.dma_semaphore, #tpu.memory_space<semaphore_mem>>)
    %add3A_38 = arith.constant 0 : i32
    %add3A_39 = arith.addi %mul3A_2, %add3A_38 : i32
    %dma_wait3A = arith.constant 0 : i32
    %dma_wait3A_40 = arith.constant 0 : i32
    %dma_wait3A_41 = arith.constant 0 : i32
    %dma_wait3A_42 = arith.constant 0 : i32
    %dma_wait3A_43 = tpu.memref_slice %arg4[%dma_wait3A, %dma_wait3A_41, %dma_wait3A_42] : memref<3x80x512xf32, #tpu.memory_space<vmem>> -> memref<1x80x512xf32, #tpu.memory_space<vmem>>
    %dma_wait3A_44 = tpu.memref_squeeze %dma_wait3A_43 : memref<1x80x512xf32, #tpu.memory_space<vmem>> -> memref<80x512xf32, #tpu.memory_space<vmem>>
    %dma_wait3A_45 = arith.constant 0 : i32
    %dma_wait3A_46 = tpu.memref_slice %arg2[%add3A_39, %dma_wait3A_45] : memref<100000x512xf32, #tpu.memory_space<hbm>> -> memref<80x512xf32, #tpu.memory_space<hbm>>
    %dma_wait3A_47 = tpu.memref_slice %arg5[%dma_wait3A_40] : memref<3x!tpu.dma_semaphore, #tpu.memory_space<semaphore_mem>> -> memref<1x!tpu.dma_semaphore, #tpu.memory_space<semaphore_mem>>
    %dma_wait3A_48 = tpu.memref_squeeze %dma_wait3A_47 : memref<1x!tpu.dma_semaphore, #tpu.memory_space<semaphore_mem>> -> memref<!tpu.dma_semaphore, #tpu.memory_space<semaphore_mem>>
    %dma_wait3A_49 = arith.constant 0 : i32
    %dma_wait3A_50 = arith.constant 0 : i32
    %dma_wait3A_51 = tpu.memref_slice %arg4[%dma_wait3A, %dma_wait3A_49, %dma_wait3A_50] : memref<3x80x512xf32, #tpu.memory_space<vmem>> -> memref<1x80x512xf32, #tpu.memory_space<vmem>>
    %dma_wait3A_52 = tpu.memref_squeeze %dma_wait3A_51 : memref<1x80x512xf32, #tpu.memory_space<vmem>> -> memref<80x512xf32, #tpu.memory_space<vmem>>
    %dma_wait3A_53 = arith.constant 0 : i32
    %dma_wait3A_54 = tpu.memref_slice %arg2[%add3A_39, %dma_wait3A_53] : memref<100000x512xf32, #tpu.memory_space<hbm>> -> memref<80x512xf32, #tpu.memory_space<hbm>>
    tpu.wait_dma2 semaphore(%dma_wait3A_48 : memref<!tpu.dma_semaphore, #tpu.memory_space<semaphore_mem>>) src(%dma_wait3A_54 : memref<80x512xf32, #tpu.memory_space<hbm>>) dst(%dma_wait3A_52 : memref<80x512xf32, #tpu.memory_space<vmem>>)
    %eq3A = arith.constant 0 : i32
    %eq3A_55 = arith.cmpi eq, %add3A, %eq3A : i32
    %convert_element_type3A = arith.extui %eq3A_55 : i1 to i32
    %cond3A = arith.constant 0 : i32
    %cond3A_56 = arith.cmpi ne, %convert_element_type3A, %cond3A : i32
    scf.if %cond3A_56 {
      %broadcast_in_dim3A = arith.constant 1.000000e+00 : f32
      %broadcast_in_dim3A_2815 = vector.broadcast %broadcast_in_dim3A : f32 to vector<16xf32>
      %swap3A = arith.constant 0 : i32
      %swap3A_2816 = arith.constant 1 : i32
      %swap3A_2817 = arith.index_cast %swap3A : i32 to index
      %swap3A_2818 = arith.index_cast %swap3A_2816 : i32 to index
      %swap3A_2819 = arith.constant 0 : index
      %swap3A_2820 = tpu.vector_load %arg4[%swap3A_2817, %swap3A_2818, %swap3A_2819] {strides = array<i32>} : memref<3x80x512xf32, #tpu.memory_space<vmem>>, vector<1x1x16xf32>,
      %swap3A_2821 = vector.shape_cast %swap3A_2820 : vector<1x1x16xf32> to vector<16xf32>
      %swap3A_2822 = vector.shape_cast %broadcast_in_dim3A_2815 : vector<16xf32> to vector<1x1x16xf32>
      tpu.vector_store %arg4[%swap3A_2817, %swap3A_2818, %swap3A_2819], %swap3A_2822 {strides = array<i32>} : memref<3x80x512xf32, #tpu.memory_space<vmem>>, vector<1x1x16xf32>,
      %swap3A_2823 = arith.constant 0 : i32
      %swap3A_2824 = arith.constant 1 : i32
      %swap3A_2825 = arith.index_cast %swap3A_2823 : i32 to index
      %swap3A_2826 = arith.index_cast %swap3A_2824 : i32 to index
      %swap3A_2827 = arith.constant 16 : index
      %swap3A_2828 = tpu.vector_load %arg4[%swap3A_2825, %swap3A_2826, %swap3A_2827] {strides = array<i32>} : memref<3x80x512xf32, #tpu.memory_space<vmem>>, vector<1x1x16xf32>,
      %swap3A_2829 = vector.shape_cast %swap3A_2828 : vector<1x1x16xf32> to vector<16xf32>
      %swap3A_2830 = vector.shape_cast %broadcast_in_dim3A_2815 : vector<16xf32> to vector<1x1x16xf32>
      tpu.vector_store %arg4[%swap3A_2825, %swap3A_2826, %swap3A_2827], %swap3A_2830 {strides = array<i32>} : memref<3x80x512xf32, #tpu.memory_space<vmem>>, vector<1x1x16xf32>,
      %swap3A_2831 = arith.constant 0 : i32
      %swap3A_2832 = arith.constant 1 : i32
      %swap3A_2833 = arith.index_cast %swap3A_2831 : i32 to index
      %swap3A_2834 = arith.index_cast %swap3A_2832 : i32 to index
      %swap3A_2835 = arith.constant 32 : index
      %swap3A_2836 = tpu.vector_load %arg4[%swap3A_2833, %swap3A_2834, %swap3A_2835] {strides = array<i32>} : memref<3x80x512xf32, #tpu.memory_space<vmem>>, vector<1x1x16xf32>,
      %swap3A_2837 = vector.shape_cast %swap3A_2836 : vector<1x1x16xf32> to vector<16xf32>
      %swap3A_2838 = vector.shape_cast %broadcast_in_dim3A_2815 : vector<16xf32> to vector<1x1x16xf32>
      tpu.vector_store %arg4[%swap3A_2833, %swap3A_2834, %swap3A_2835], %swap3A_2838 {strides = array<i32>} : memref<3x80x512xf32, #tpu.memory_space<vmem>>, vector<1x1x16xf32>,
      %swap3A_2839 = arith.constant 0 : i32
      %swap3A_2840 = arith.constant 1 : i32
      %swap3A_2841 = arith.index_cast %swap3A_2839 : i32 to index
      %swap3A_2842 = arith.index_cast %swap3A_2840 : i32 to index
      %swap3A_2843 = arith.constant 48 : index
      %swap3A_2844 = tpu.vector_load %arg4[%swap3A_2841, %swap3A_2842, %swap3A_2843] {strides = array<i32>} : memref<3x80x512xf32, #tpu.memory_space<vmem>>, vector<1x1x16xf32>,
      %swap3A_2845 = vector.shape_cast %swap3A_2844 : vector<1x1x16xf32> to vector<16xf32>
      %swap3A_2846 = vector.shape_cast %broadcast_in_dim3A_2815 : vector<16xf32> to vector<1x1x16xf32>
      tpu.vector_store %arg4[%swap3A_2841, %swap3A_2842, %swap3A_2843], %swap3A_2846 {strides = array<i32>} : memref<3x80x512xf32, #tpu.memory_space<vmem>>, vector<1x1x16xf32>,
      %swap3A_2847 = arith.constant 0 : i32
      %swap3A_2848 = arith.constant 1 : i32
      %swap3A_2849 = arith.index_cast %swap3A_2847 : i32 to index
      %swap3A_2850 = arith.index_cast %swap3A_2848 : i32 to index
      %swap3A_2851 = arith.constant 64 : index
      %swap3A_2852 = tpu.vector_load %arg4[%swap3A_2849, %swap3A_2850, %swap3A_2851] {strides = array<i32>} : memref<3x80x512xf32, #tpu.memory_space<vmem>>, vector<1x1x16xf32>,
      %swap3A_2853 = vector.shape_cast %swap3A_2852 : vector<1x1x16xf32> to vector<16xf32>
      %swap3A_2854 = vector.shape_cast %broadcast_in_dim3A_2815 : vector<16xf32> to vector<1x1x16xf32>
      tpu.vector_store %arg4[%swap3A_2849, %swap3A_2850, %swap3A_2851], %swap3A_2854 {strides = array<i32>} : memref<3x80x512xf32, #tpu.memory_space<vmem>>, vector<1x1x16xf32>,
      %swap3A_2855 = arith.constant 0 : i32
      %swap3A_2856 = arith.constant 1 : i32
      %swap3A_2857 = arith.index_cast %swap3A_2855 : i32 to index
      %swap3A_2858 = arith.index_cast %swap3A_2856 : i32 to index
      %swap3A_2859 = arith.constant 80 : index
      %swap3A_2860 = tpu.vector_load %arg4[%swap3A_2857, %swap3A_2858, %swap3A_2859] {strides = array<i32>} : memref<3x80x512xf32, #tpu.memory_space<vmem>>, vector<1x1x16xf32>,
      %swap3A_2861 = vector.shape_cast %swap3A_2860 : vector<1x1x16xf32> to vector<16xf32>
      %swap3A_2862 = vector.shape_cast %broadcast_in_dim3A_2815 : vector<16xf32> to vector<1x1x16xf32>
      tpu.vector_store %arg4[%swap3A_2857, %swap3A_2858, %swap3A_2859], %swap3A_2862 {strides = array<i32>} : memref<3x80x512xf32, #tpu.memory_space<vmem>>, vector<1x1x16xf32>,
      %swap3A_2863 = arith.constant 0 : i32
      %swap3A_2864 = arith.constant 1 : i32
      %swap3A_2865 = arith.index_cast %swap3A_2863 : i32 to index
      %swap3A_2866 = arith.index_cast %swap3A_2864 : i32 to index
      %swap3A_2867 = arith.constant 96 : index
      %swap3A_2868 = tpu.vector_load %arg4[%swap3A_2865, %swap3A_2866, %swap3A_2867] {strides = array<i32>} : memref<3x80x512xf32, #tpu.memory_space<vmem>>, vector<1x1x16xf32>,
      %swap3A_2869 = vector.shape_cast %swap3A_2868 : vector<1x1x16xf32> to vector<16xf32>
      %swap3A_2870 = vector.shape_cast %broadcast_in_dim3A_2815 : vector<16xf32> to vector<1x1x16xf32>
      tpu.vector_store %arg4[%swap3A_2865, %swap3A_2866, %swap3A_2867], %swap3A_2870 {strides = array<i32>} : memref<3x80x512xf32, #tpu.memory_space<vmem>>, vector<1x1x16xf32>,
      %swap3A_2871 = arith.constant 0 : i32
      %swap3A_2872 = arith.constant 1 : i32
      %swap3A_2873 = arith.index_cast %swap3A_2871 : i32 to index
      %swap3A_2874 = arith.index_cast %swap3A_2872 : i32 to index
      %swap3A_2875 = arith.constant 112 : index
      %swap3A_2876 = tpu.vector_load %arg4[%swap3A_2873, %swap3A_2874, %swap3A_2875] {strides = array<i32>} : memref<3x80x512xf32, #tpu.memory_space<vmem>>, vector<1x1x16xf32>,
      %swap3A_2877 = vector.shape_cast %swap3A_2876 : vector<1x1x16xf32> to vector<16xf32>
      %swap3A_2878 = vector.shape_cast %broadcast_in_dim3A_2815 : vector<16xf32> to vector<1x1x16xf32>
      tpu.vector_store %arg4[%swap3A_2873, %swap3A_2874, %swap3A_2875], %swap3A_2878 {strides = array<i32>} : memref<3x80x512xf32, #tpu.memory_space<vmem>>, vector<1x1x16xf32>,
      %swap3A_2879 = arith.constant 0 : i32
      %swap3A_2880 = arith.constant 1 : i32
      %swap3A_2881 = arith.index_cast %swap3A_2879 : i32 to index
      %swap3A_2882 = arith.index_cast %swap3A_2880 : i32 to index
      %swap3A_2883 = arith.constant 128 : index
      %swap3A_2884 = tpu.vector_load %arg4[%swap3A_2881, %swap3A_2882, %swap3A_2883] {strides = array<i32>} : memref<3x80x512xf32, #tpu.memory_space<vmem>>, vector<1x1x16xf32>,
      %swap3A_2885 = vector.shape_cast %swap3A_2884 : vector<1x1x16xf32> to vector<16xf32>
      %swap3A_2886 = vector.shape_cast %broadcast_in_dim3A_2815 : vector<16xf32> to vector<1x1x16xf32>
      tpu.vector_store %arg4[%swap3A_2881, %swap3A_2882, %swap3A_2883], %swap3A_2886 {strides = array<i32>} : memref<3x80x512xf32, #tpu.memory_space<vmem>>, vector<1x1x16xf32>,
      %swap3A_2887 = arith.constant 0 : i32
      %swap3A_2888 = arith.constant 1 : i32
      %swap3A_2889 = arith.index_cast %swap3A_2887 : i32 to index
      %swap3A_2890 = arith.index_cast %swap3A_2888 : i32 to index
      %swap3A_2891 = arith.constant 144 : index
      %swap3A_2892 = tpu.vector_load %arg4[%swap3A_2889, %swap3A_2890, %swap3A_2891] {strides = array<i32>} : memref<3x80x512xf32, #tpu.memory_space<vmem>>, vector<1x1x16xf32>,
      %swap3A_2893 = vector.shape_cast %swap3A_2892 : vector<1x1x16xf32> to vector<16xf32>
      %swap3A_2894 = vector.shape_cast %broadcast_in_dim3A_2815 : vector<16xf32> to vector<1x1x16xf32>
      tpu.vector_store %arg4[%swap3A_2889, %swap3A_2890, %swap3A_2891], %swap3A_2894 {strides = array<i32>} : memref<3x80x512xf32, #tpu.memory_space<vmem>>, vector<1x1x16xf32>,
      %swap3A_2895 = arith.constant 0 : i32
      %swap3A_2896 = arith.constant 1 : i32
      %swap3A_2897 = arith.index_cast %swap3A_2895 : i32 to index
      %swap3A_2898 = arith.index_cast %swap3A_2896 : i32 to index
      %swap3A_2899 = arith.constant 160 : index
      %swap3A_2900 = tpu.vector_load %arg4[%swap3A_2897, %swap3A_2898, %swap3A_2899] {strides = array<i32>} : memref<3x80x512xf32, #tpu.memory_space<vmem>>, vector<1x1x16xf32>,
      %swap3A_2901 = vector.shape_cast %swap3A_2900 : vector<1x1x16xf32> to vector<16xf32>
      %swap3A_2902 = vector.shape_cast %broadcast_in_dim3A_2815 : vector<16xf32> to vector<1x1x16xf32>
      tpu.vector_store %arg4[%swap3A_2897, %swap3A_2898, %swap3A_2899], %swap3A_2902 {strides = array<i32>} : memref<3x80x512xf32, #tpu.memory_space<vmem>>, vector<1x1x16xf32>,
      %swap3A_2903 = arith.constant 0 : i32
      %swap3A_2904 = arith.constant 1 : i32
      %swap3A_2905 = arith.index_cast %swap3A_2903 : i32 to index
      %swap3A_2906 = arith.index_cast %swap3A_2904 : i32 to index
      %swap3A_2907 = arith.constant 176 : index
      %swap3A_2908 = tpu.vector_load %arg4[%swap3A_2905, %swap3A_2906, %swap3A_2907] {strides = array<i32>} : memref<3x80x512xf32, #tpu.memory_space<vmem>>, vector<1x1x16xf32>,
      %swap3A_2909 = vector.shape_cast %swap3A_2908 : vector<1x1x16xf32> to vector<16xf32>
      %swap3A_2910 = vector.shape_cast %broadcast_in_dim3A_2815 : vector<16xf32> to vector<1x1x16xf32>
      tpu.vector_store %arg4[%swap3A_2905, %swap3A_2906, %swap3A_2907], %swap3A_2910 {strides = array<i32>} : memref<3x80x512xf32, #tpu.memory_space<vmem>>, vector<1x1x16xf32>,
      %swap3A_2911 = arith.constant 0 : i32
      %swap3A_2912 = arith.constant 1 : i32
      %swap3A_2913 = arith.index_cast %swap3A_2911 : i32 to index
      %swap3A_2914 = arith.index_cast %swap3A_2912 : i32 to index
      %swap3A_2915 = arith.constant 192 : index
      %swap3A_2916 = tpu.vector_load %arg4[%swap3A_2913, %swap3A_2914, %swap3A_2915] {strides = array<i32>} : memref<3x80x512xf32, #tpu.memory_space<vmem>>, vector<1x1x16xf32>,
      %swap3A_2917 = vector.shape_cast %swap3A_2916 : vector<1x1x16xf32> to vector<16xf32>
      %swap3A_2918 = vector.shape_cast %broadcast_in_dim3A_2815 : vector<16xf32> to vector<1x1x16xf32>
      tpu.vector_store %arg4[%swap3A_2913, %swap3A_2914, %swap3A_2915], %swap3A_2918 {strides = array<i32>} : memref<3x80x512xf32, #tpu.memory_space<vmem>>, vector<1x1x16xf32>,
      %swap3A_2919 = arith.constant 0 : i32
      %swap3A_2920 = arith.constant 1 : i32
      %swap3A_2921 = arith.index_cast %swap3A_2919 : i32 to index
      %swap3A_2922 = arith.index_cast %swap3A_2920 : i32 to index
      %swap3A_2923 = arith.constant 208 : index
      %swap3A_2924 = tpu.vector_load %arg4[%swap3A_2921, %swap3A_2922, %swap3A_2923] {strides = array<i32>} : memref<3x80x512xf32, #tpu.memory_space<vmem>>, vector<1x1x16xf32>,
      %swap3A_2925 = vector.shape_cast %swap3A_2924 : vector<1x1x16xf32> to vector<16xf32>
      %swap3A_2926 = vector.shape_cast %broadcast_in_dim3A_2815 : vector<16xf32> to vector<1x1x16xf32>
      tpu.vector_store %arg4[%swap3A_2921, %swap3A_2922, %swap3A_2923], %swap3A_2926 {strides = array<i32>} : memref<3x80x512xf32, #tpu.memory_space<vmem>>, vector<1x1x16xf32>,
      %swap3A_2927 = arith.constant 0 : i32
      %swap3A_2928 = arith.constant 1 : i32
      %swap3A_2929 = arith.index_cast %swap3A_2927 : i32 to index
      %swap3A_2930 = arith.index_cast %swap3A_2928 : i32 to index
      %swap3A_2931 = arith.constant 224 : index
      %swap3A_2932 = tpu.vector_load %arg4[%swap3A_2929, %swap3A_2930, %swap3A_2931] {strides = array<i32>} : memref<3x80x512xf32, #tpu.memory_space<vmem>>, vector<1x1x16xf32>,
      %swap3A_2933 = vector.shape_cast %swap3A_2932 : vector<1x1x16xf32> to vector<16xf32>
      %swap3A_2934 = vector.shape_cast %broadcast_in_dim3A_2815 : vector<16xf32> to vector<1x1x16xf32>
      tpu.vector_store %arg4[%swap3A_2929, %swap3A_2930, %swap3A_2931], %swap3A_2934 {strides = array<i32>} : memref<3x80x512xf32, #tpu.memory_space<vmem>>, vector<1x1x16xf32>,
      %swap3A_2935 = arith.constant 0 : i32
      %swap3A_2936 = arith.constant 1 : i32
      %swap3A_2937 = arith.index_cast %swap3A_2935 : i32 to index
      %swap3A_2938 = arith.index_cast %swap3A_2936 : i32 to index
      %swap3A_2939 = arith.constant 240 : index
      %swap3A_2940 = tpu.vector_load %arg4[%swap3A_2937, %swap3A_2938, %swap3A_2939] {strides = array<i32>} : memref<3x80x512xf32, #tpu.memory_space<vmem>>, vector<1x1x16xf32>,
      %swap3A_2941 = vector.shape_cast %swap3A_2940 : vector<1x1x16xf32> to vector<16xf32>
      %swap3A_2942 = vector.shape_cast %broadcast_in_dim3A_2815 : vector<16xf32> to vector<1x1x16xf32>
      tpu.vector_store %arg4[%swap3A_2937, %swap3A_2938, %swap3A_2939], %swap3A_2942 {strides = array<i32>} : memref<3x80x512xf32, #tpu.memory_space<vmem>>, vector<1x1x16xf32>,
      %swap3A_2943 = arith.constant 0 : i32
      %swap3A_2944 = arith.constant 1 : i32
      %swap3A_2945 = arith.index_cast %swap3A_2943 : i32 to index
      %swap3A_2946 = arith.index_cast %swap3A_2944 : i32 to index
      %swap3A_2947 = arith.constant 256 : index
      %swap3A_2948 = tpu.vector_load %arg4[%swap3A_2945, %swap3A_2946, %swap3A_2947] {strides = array<i32>} : memref<3x80x512xf32, #tpu.memory_space<vmem>>, vector<1x1x16xf32>,
      %swap3A_2949 = vector.shape_cast %swap3A_2948 : vector<1x1x16xf32> to vector<16xf32>
      %swap3A_2950 = vector.shape_cast %broadcast_in_dim3A_2815 : vector<16xf32> to vector<1x1x16xf32>
      tpu.vector_store %arg4[%swap3A_2945, %swap3A_2946, %swap3A_2947], %swap3A_2950 {strides = array<i32>} : memref<3x80x512xf32, #tpu.memory_space<vmem>>, vector<1x1x16xf32>,
      %swap3A_2951 = arith.constant 0 : i32
      %swap3A_2952 = arith.constant 1 : i32
      %swap3A_2953 = arith.index_cast %swap3A_2951 : i32 to index
      %swap3A_2954 = arith.index_cast %swap3A_2952 : i32 to index
      %swap3A_2955 = arith.constant 272 : index
      %swap3A_2956 = tpu.vector_load %arg4[%swap3A_2953, %swap3A_2954, %swap3A_2955] {strides = array<i32>} : memref<3x80x512xf32, #tpu.memory_space<vmem>>, vector<1x1x16xf32>,
      %swap3A_2957 = vector.shape_cast %swap3A_2956 : vector<1x1x16xf32> to vector<16xf32>
      %swap3A_2958 = vector.shape_cast %broadcast_in_dim3A_2815 : vector<16xf32> to vector<1x1x16xf32>
      tpu.vector_store %arg4[%swap3A_2953, %swap3A_2954, %swap3A_2955], %swap3A_2958 {strides = array<i32>} : memref<3x80x512xf32, #tpu.memory_space<vmem>>, vector<1x1x16xf32>,
      %swap3A_2959 = arith.constant 0 : i32
      %swap3A_2960 = arith.constant 1 : i32
      %swap3A_2961 = arith.index_cast %swap3A_2959 : i32 to index
      %swap3A_2962 = arith.index_cast %swap3A_2960 : i32 to index
      %swap3A_2963 = arith.constant 288 : index
      %swap3A_2964 = tpu.vector_load %arg4[%swap3A_2961, %swap3A_2962, %swap3A_2963] {strides = array<i32>} : memref<3x80x512xf32, #tpu.memory_space<vmem>>, vector<1x1x16xf32>,
      %swap3A_2965 = vector.shape_cast %swap3A_2964 : vector<1x1x16xf32> to vector<16xf32>
      %swap3A_2966 = vector.shape_cast %broadcast_in_dim3A_2815 : vector<16xf32> to vector<1x1x16xf32>
      tpu.vector_store %arg4[%swap3A_2961, %swap3A_2962, %swap3A_2963], %swap3A_2966 {strides = array<i32>} : memref<3x80x512xf32, #tpu.memory_space<vmem>>, vector<1x1x16xf32>,
      %swap3A_2967 = arith.constant 0 : i32
      %swap3A_2968 = arith.constant 1 : i32
      %swap3A_2969 = arith.index_cast %swap3A_2967 : i32 to index
      %swap3A_2970 = arith.index_cast %swap3A_2968 : i32 to index
      %swap3A_2971 = arith.constant 304 : index
      %swap3A_2972 = tpu.vector_load %arg4[%swap3A_2969, %swap3A_2970, %swap3A_2971] {strides = array<i32>} : memref<3x80x512xf32, #tpu.memory_space<vmem>>, vector<1x1x16xf32>,
      %swap3A_2973 = vector.shape_cast %swap3A_2972 : vector<1x1x16xf32> to vector<16xf32>
      %swap3A_2974 = vector.shape_cast %broadcast_in_dim3A_2815 : vector<16xf32> to vector<1x1x16xf32>
      tpu.vector_store %arg4[%swap3A_2969, %swap3A_2970, %swap3A_2971], %swap3A_2974 {strides = array<i32>} : memref<3x80x512xf32, #tpu.memory_space<vmem>>, vector<1x1x16xf32>,
      %swap3A_2975 = arith.constant 0 : i32
      %swap3A_2976 = arith.constant 1 : i32
      %swap3A_2977 = arith.index_cast %swap3A_2975 : i32 to index
      %swap3A_2978 = arith.index_cast %swap3A_2976 : i32 to index
      %swap3A_2979 = arith.constant 320 : index
      %swap3A_2980 = tpu.vector_load %arg4[%swap3A_2977, %swap3A_2978, %swap3A_2979] {strides = array<i32>} : memref<3x80x512xf32, #tpu.memory_space<vmem>>, vector<1x1x16xf32>,
      %swap3A_2981 = vector.shape_cast %swap3A_2980 : vector<1x1x16xf32> to vector<16xf32>
      %swap3A_2982 = vector.shape_cast %broadcast_in_dim3A_2815 : vector<16xf32> to vector<1x1x16xf32>
      tpu.vector_store %arg4[%swap3A_2977, %swap3A_2978, %swap3A_2979], %swap3A_2982 {strides = array<i32>} : memref<3x80x512xf32, #tpu.memory_space<vmem>>, vector<1x1x16xf32>,
      %swap3A_2983 = arith.constant 0 : i32
      %swap3A_2984 = arith.constant 1 : i32
      %swap3A_2985 = arith.index_cast %swap3A_2983 : i32 to index
      %swap3A_2986 = arith.index_cast %swap3A_2984 : i32 to index
      %swap3A_2987 = arith.constant 336 : index
      %swap3A_2988 = tpu.vector_load %arg4[%swap3A_2985, %swap3A_2986, %swap3A_2987] {strides = array<i32>} : memref<3x80x512xf32, #tpu.memory_space<vmem>>, vector<1x1x16xf32>,
      %swap3A_2989 = vector.shape_cast %swap3A_2988 : vector<1x1x16xf32> to vector<16xf32>
      %swap3A_2990 = vector.shape_cast %broadcast_in_dim3A_2815 : vector<16xf32> to vector<1x1x16xf32>
      tpu.vector_store %arg4[%swap3A_2985, %swap3A_2986, %swap3A_2987], %swap3A_2990 {strides = array<i32>} : memref<3x80x512xf32, #tpu.memory_space<vmem>>, vector<1x1x16xf32>,
      %swap3A_2991 = arith.constant 0 : i32
      %swap3A_2992 = arith.constant 1 : i32
      %swap3A_2993 = arith.index_cast %swap3A_2991 : i32 to index
      %swap3A_2994 = arith.index_cast %swap3A_2992 : i32 to index
      %swap3A_2995 = arith.constant 352 : index
      %swap3A_2996 = tpu.vector_load %arg4[%swap3A_2993, %swap3A_2994, %swap3A_2995] {strides = array<i32>} : memref<3x80x512xf32, #tpu.memory_space<vmem>>, vector<1x1x16xf32>,
      %swap3A_2997 = vector.shape_cast %swap3A_2996 : vector<1x1x16xf32> to vector<16xf32>
      %swap3A_2998 = vector.shape_cast %broadcast_in_dim3A_2815 : vector<16xf32> to vector<1x1x16xf32>
      tpu.vector_store %arg4[%swap3A_2993, %swap3A_2994, %swap3A_2995], %swap3A_2998 {strides = array<i32>} : memref<3x80x512xf32, #tpu.memory_space<vmem>>, vector<1x1x16xf32>,
      %swap3A_2999 = arith.constant 0 : i32
      %swap3A_3000 = arith.constant 1 : i32
      %swap3A_3001 = arith.index_cast %swap3A_2999 : i32 to index
      %swap3A_3002 = arith.index_cast %swap3A_3000 : i32 to index
      %swap3A_3003 = arith.constant 368 : index
      %swap3A_3004 = tpu.vector_load %arg4[%swap3A_3001, %swap3A_3002, %swap3A_3003] {strides = array<i32>} : memref<3x80x512xf32, #tpu.memory_space<vmem>>, vector<1x1x16xf32>,
      %swap3A_3005 = vector.shape_cast %swap3A_3004 : vector<1x1x16xf32> to vector<16xf32>
      %swap3A_3006 = vector.shape_cast %broadcast_in_dim3A_2815 : vector<16xf32> to vector<1x1x16xf32>
      tpu.vector_store %arg4[%swap3A_3001, %swap3A_3002, %swap3A_3003], %swap3A_3006 {strides = array<i32>} : memref<3x80x512xf32, #tpu.memory_space<vmem>>, vector<1x1x16xf32>,
      %swap3A_3007 = arith.constant 0 : i32
      %swap3A_3008 = arith.constant 1 : i32
      %swap3A_3009 = arith.index_cast %swap3A_3007 : i32 to index
      %swap3A_3010 = arith.index_cast %swap3A_3008 : i32 to index
      %swap3A_3011 = arith.constant 384 : index
      %swap3A_3012 = tpu.vector_load %arg4[%swap3A_3009, %swap3A_3010, %swap3A_3011] {strides = array<i32>} : memref<3x80x512xf32, #tpu.memory_space<vmem>>, vector<1x1x16xf32>,
      %swap3A_3013 = vector.shape_cast %swap3A_3012 : vector<1x1x16xf32> to vector<16xf32>
      %swap3A_3014 = vector.shape_cast %broadcast_in_dim3A_2815 : vector<16xf32> to vector<1x1x16xf32>
      tpu.vector_store %arg4[%swap3A_3009, %swap3A_3010, %swap3A_3011], %swap3A_3014 {strides = array<i32>} : memref<3x80x512xf32, #tpu.memory_space<vmem>>, vector<1x1x16xf32>,
      %swap3A_3015 = arith.constant 0 : i32
      %swap3A_3016 = arith.constant 1 : i32
      %swap3A_3017 = arith.index_cast %swap3A_3015 : i32 to index
      %swap3A_3018 = arith.index_cast %swap3A_3016 : i32 to index
      %swap3A_3019 = arith.constant 400 : index
      %swap3A_3020 = tpu.vector_load %arg4[%swap3A_3017, %swap3A_3018, %swap3A_3019] {strides = array<i32>} : memref<3x80x512xf32, #tpu.memory_space<vmem>>, vector<1x1x16xf32>,
      %swap3A_3021 = vector.shape_cast %swap3A_3020 : vector<1x1x16xf32> to vector<16xf32>
      %swap3A_3022 = vector.shape_cast %broadcast_in_dim3A_2815 : vector<16xf32> to vector<1x1x16xf32>
      tpu.vector_store %arg4[%swap3A_3017, %swap3A_3018, %swap3A_3019], %swap3A_3022 {strides = array<i32>} : memref<3x80x512xf32, #tpu.memory_space<vmem>>, vector<1x1x16xf32>,
      %swap3A_3023 = arith.constant 0 : i32
      %swap3A_3024 = arith.constant 1 : i32
      %swap3A_3025 = arith.index_cast %swap3A_3023 : i32 to index
      %swap3A_3026 = arith.index_cast %swap3A_3024 : i32 to index
      %swap3A_3027 = arith.constant 416 : index
      %swap3A_3028 = tpu.vector_load %arg4[%swap3A_3025, %swap3A_3026, %swap3A_3027] {strides = array<i32>} : memref<3x80x512xf32, #tpu.memory_space<vmem>>, vector<1x1x16xf32>,
      %swap3A_3029 = vector.shape_cast %swap3A_3028 : vector<1x1x16xf32> to vector<16xf32>
      %swap3A_3030 = vector.shape_cast %broadcast_in_dim3A_2815 : vector<16xf32> to vector<1x1x16xf32>
      tpu.vector_store %arg4[%swap3A_3025, %swap3A_3026, %swap3A_3027], %swap3A_3030 {strides = array<i32>} : memref<3x80x512xf32, #tpu.memory_space<vmem>>, vector<1x1x16xf32>,
      %swap3A_3031 = arith.constant 0 : i32
      %swap3A_3032 = arith.constant 1 : i32
      %swap3A_3033 = arith.index_cast %swap3A_3031 : i32 to index
      %swap3A_3034 = arith.index_cast %swap3A_3032 : i32 to index
      %swap3A_3035 = arith.constant 432 : index
      %swap3A_3036 = tpu.vector_load %arg4[%swap3A_3033, %swap3A_3034, %swap3A_3035] {strides = array<i32>} : memref<3x80x512xf32, #tpu.memory_space<vmem>>, vector<1x1x16xf32>,
      %swap3A_3037 = vector.shape_cast %swap3A_3036 : vector<1x1x16xf32> to vector<16xf32>
      %swap3A_3038 = vector.shape_cast %broadcast_in_dim3A_2815 : vector<16xf32> to vector<1x1x16xf32>
      tpu.vector_store %arg4[%swap3A_3033, %swap3A_3034, %swap3A_3035], %swap3A_3038 {strides = array<i32>} : memref<3x80x512xf32, #tpu.memory_space<vmem>>, vector<1x1x16xf32>,
      %swap3A_3039 = arith.constant 0 : i32
      %swap3A_3040 = arith.constant 1 : i32
      %swap3A_3041 = arith.index_cast %swap3A_3039 : i32 to index
      %swap3A_3042 = arith.index_cast %swap3A_3040 : i32 to index
      %swap3A_3043 = arith.constant 448 : index
      %swap3A_3044 = tpu.vector_load %arg4[%swap3A_3041, %swap3A_3042, %swap3A_3043] {strides = array<i32>} : memref<3x80x512xf32, #tpu.memory_space<vmem>>, vector<1x1x16xf32>,
      %swap3A_3045 = vector.shape_cast %swap3A_3044 : vector<1x1x16xf32> to vector<16xf32>
      %swap3A_3046 = vector.shape_cast %broadcast_in_dim3A_2815 : vector<16xf32> to vector<1x1x16xf32>
      tpu.vector_store %arg4[%swap3A_3041, %swap3A_3042, %swap3A_3043], %swap3A_3046 {strides = array<i32>} : memref<3x80x512xf32, #tpu.memory_space<vmem>>, vector<1x1x16xf32>,
      %swap3A_3047 = arith.constant 0 : i32
      %swap3A_3048 = arith.constant 1 : i32
      %swap3A_3049 = arith.index_cast %swap3A_3047 : i32 to index
      %swap3A_3050 = arith.index_cast %swap3A_3048 : i32 to index
      %swap3A_3051 = arith.constant 464 : index
      %swap3A_3052 = tpu.vector_load %arg4[%swap3A_3049, %swap3A_3050, %swap3A_3051] {strides = array<i32>} : memref<3x80x512xf32, #tpu.memory_space<vmem>>, vector<1x1x16xf32>,
      %swap3A_3053 = vector.shape_cast %swap3A_3052 : vector<1x1x16xf32> to vector<16xf32>
      %swap3A_3054 = vector.shape_cast %broadcast_in_dim3A_2815 : vector<16xf32> to vector<1x1x16xf32>
      tpu.vector_store %arg4[%swap3A_3049, %swap3A_3050, %swap3A_3051], %swap3A_3054 {strides = array<i32>} : memref<3x80x512xf32, #tpu.memory_space<vmem>>, vector<1x1x16xf32>,
      %swap3A_3055 = arith.constant 0 : i32
      %swap3A_3056 = arith.constant 1 : i32
      %swap3A_3057 = arith.index_cast %swap3A_3055 : i32 to index
      %swap3A_3058 = arith.index_cast %swap3A_3056 : i32 to index
      %swap3A_3059 = arith.constant 480 : index
      %swap3A_3060 = tpu.vector_load %arg4[%swap3A_3057, %swap3A_3058, %swap3A_3059] {strides = array<i32>} : memref<3x80x512xf32, #tpu.memory_space<vmem>>, vector<1x1x16xf32>,
      %swap3A_3061 = vector.shape_cast %swap3A_3060 : vector<1x1x16xf32> to vector<16xf32>
      %swap3A_3062 = vector.shape_cast %broadcast_in_dim3A_2815 : vector<16xf32> to vector<1x1x16xf32>
      tpu.vector_store %arg4[%swap3A_3057, %swap3A_3058, %swap3A_3059], %swap3A_3062 {strides = array<i32>} : memref<3x80x512xf32, #tpu.memory_space<vmem>>, vector<1x1x16xf32>,
      %swap3A_3063 = arith.constant 0 : i32
      %swap3A_3064 = arith.constant 1 : i32
      %swap3A_3065 = arith.index_cast %swap3A_3063 : i32 to index
      %swap3A_3066 = arith.index_cast %swap3A_3064 : i32 to index
      %swap3A_3067 = arith.constant 496 : index
      %swap3A_3068 = tpu.vector_load %arg4[%swap3A_3065, %swap3A_3066, %swap3A_3067] {strides = array<i32>} : memref<3x80x512xf32, #tpu.memory_space<vmem>>, vector<1x1x16xf32>,
      %swap3A_3069 = vector.shape_cast %swap3A_3068 : vector<1x1x16xf32> to vector<16xf32>
      %swap3A_3070 = vector.shape_cast %broadcast_in_dim3A_2815 : vector<16xf32> to vector<1x1x16xf32>
      tpu.vector_store %arg4[%swap3A_3065, %swap3A_3066, %swap3A_3067], %swap3A_3070 {strides = array<i32>} : memref<3x80x512xf32, #tpu.memory_space<vmem>>, vector<1x1x16xf32>,
      %swap3A_3071 = arith.constant 0 : i32
      %swap3A_3072 = arith.constant 2 : i32
      %swap3A_3073 = arith.index_cast %swap3A_3071 : i32 to index
      %swap3A_3074 = arith.index_cast %swap3A_3072 : i32 to index
      %swap3A_3075 = arith.constant 0 : index
      %swap3A_3076 = tpu.vector_load %arg4[%swap3A_3073, %swap3A_3074, %swap3A_3075] {strides = array<i32>} : memref<3x80x512xf32, #tpu.memory_space<vmem>>, vector<1x1x16xf32>,
      %swap3A_3077 = vector.shape_cast %swap3A_3076 : vector<1x1x16xf32> to vector<16xf32>
      %swap3A_3078 = vector.shape_cast %broadcast_in_dim3A_2815 : vector<16xf32> to vector<1x1x16xf32>
      tpu.vector_store %arg4[%swap3A_3073, %swap3A_3074, %swap3A_3075], %swap3A_3078 {strides = array<i32>} : memref<3x80x512xf32, #tpu.memory_space<vmem>>, vector<1x1x16xf32>,
      %swap3A_3079 = arith.constant 0 : i32
      %swap3A_3080 = arith.constant 2 : i32
      %swap3A_3081 = arith.index_cast %swap3A_3079 : i32 to index
      %swap3A_3082 = arith.index_cast %swap3A_3080 : i32 to index
      %swap3A_3083 = arith.constant 16 : index
      %swap3A_3084 = tpu.vector_load %arg4[%swap3A_3081, %swap3A_3082, %swap3A_3083] {strides = array<i32>} : memref<3x80x512xf32, #tpu.memory_space<vmem>>, vector<1x1x16xf32>,
      %swap3A_3085 = vector.shape_cast %swap3A_3084 : vector<1x1x16xf32> to vector<16xf32>
      %swap3A_3086 = vector.shape_cast %broadcast_in_dim3A_2815 : vector<16xf32> to vector<1x1x16xf32>
      tpu.vector_store %arg4[%swap3A_3081, %swap3A_3082, %swap3A_3083], %swap3A_3086 {strides = array<i32>} : memref<3x80x512xf32, #tpu.memory_space<vmem>>, vector<1x1x16xf32>,
      %swap3A_3087 = arith.constant 0 : i32
      %swap3A_3088 = arith.constant 2 : i32
      %swap3A_3089 = arith.index_cast %swap3A_3087 : i32 to index
      %swap3A_3090 = arith.index_cast %swap3A_3088 : i32 to index
      %swap3A_3091 = arith.constant 32 : index
      %swap3A_3092 = tpu.vector_load %arg4[%swap3A_3089, %swap3A_3090, %swap3A_3091] {strides = array<i32>} : memref<3x80x512xf32, #tpu.memory_space<vmem>>, vector<1x1x16xf32>,
      %swap3A_3093 = vector.shape_cast %swap3A_3092 : vector<1x1x16xf32> to vector<16xf32>
      %swap3A_3094 = vector.shape_cast %broadcast_in_dim3A_2815 : vector<16xf32> to vector<1x1x16xf32>
      tpu.vector_store %arg4[%swap3A_3089, %swap3A_3090, %swap3A_3091], %swap3A_3094 {strides = array<i32>} : memref<3x80x512xf32, #tpu.memory_space<vmem>>, vector<1x1x16xf32>,
      %swap3A_3095 = arith.constant 0 : i32
      %swap3A_3096 = arith.constant 2 : i32
      %swap3A_3097 = arith.index_cast %swap3A_3095 : i32 to index
      %swap3A_3098 = arith.index_cast %swap3A_3096 : i32 to index
      %swap3A_3099 = arith.constant 48 : index
      %swap3A_3100 = tpu.vector_load %arg4[%swap3A_3097, %swap3A_3098, %swap3A_3099] {strides = array<i32>} : memref<3x80x512xf32, #tpu.memory_space<vmem>>, vector<1x1x16xf32>,
      %swap3A_3101 = vector.shape_cast %swap3A_3100 : vector<1x1x16xf32> to vector<16xf32>
      %swap3A_3102 = vector.shape_cast %broadcast_in_dim3A_2815 : vector<16xf32> to vector<1x1x16xf32>
      tpu.vector_store %arg4[%swap3A_3097, %swap3A_3098, %swap3A_3099], %swap3A_3102 {strides = array<i32>} : memref<3x80x512xf32, #tpu.memory_space<vmem>>, vector<1x1x16xf32>,
      %swap3A_3103 = arith.constant 0 : i32
      %swap3A_3104 = arith.constant 2 : i32
      %swap3A_3105 = arith.index_cast %swap3A_3103 : i32 to index
      %swap3A_3106 = arith.index_cast %swap3A_3104 : i32 to index
      %swap3A_3107 = arith.constant 64 : index
      %swap3A_3108 = tpu.vector_load %arg4[%swap3A_3105, %swap3A_3106, %swap3A_3107] {strides = array<i32>} : memref<3x80x512xf32, #tpu.memory_space<vmem>>, vector<1x1x16xf32>,
      %swap3A_3109 = vector.shape_cast %swap3A_3108 : vector<1x1x16xf32> to vector<16xf32>
      %swap3A_3110 = vector.shape_cast %broadcast_in_dim3A_2815 : vector<16xf32> to vector<1x1x16xf32>
      tpu.vector_store %arg4[%swap3A_3105, %swap3A_3106, %swap3A_3107], %swap3A_3110 {strides = array<i32>} : memref<3x80x512xf32, #tpu.memory_space<vmem>>, vector<1x1x16xf32>,
      %swap3A_3111 = arith.constant 0 : i32
      %swap3A_3112 = arith.constant 2 : i32
      %swap3A_3113 = arith.index_cast %swap3A_3111 : i32 to index
      %swap3A_3114 = arith.index_cast %swap3A_3112 : i32 to index
      %swap3A_3115 = arith.constant 80 : index
      %swap3A_3116 = tpu.vector_load %arg4[%swap3A_3113, %swap3A_3114, %swap3A_3115] {strides = array<i32>} : memref<3x80x512xf32, #tpu.memory_space<vmem>>, vector<1x1x16xf32>,
      %swap3A_3117 = vector.shape_cast %swap3A_3116 : vector<1x1x16xf32> to vector<16xf32>
      %swap3A_3118 = vector.shape_cast %broadcast_in_dim3A_2815 : vector<16xf32> to vector<1x1x16xf32>
      tpu.vector_store %arg4[%swap3A_3113, %swap3A_3114, %swap3A_3115], %swap3A_3118 {strides = array<i32>} : memref<3x80x512xf32, #tpu.memory_space<vmem>>, vector<1x1x16xf32>,
      %swap3A_3119 = arith.constant 0 : i32
      %swap3A_3120 = arith.constant 2 : i32
      %swap3A_3121 = arith.index_cast %swap3A_3119 : i32 to index
      %swap3A_3122 = arith.index_cast %swap3A_3120 : i32 to index
      %swap3A_3123 = arith.constant 96 : index
      %swap3A_3124 = tpu.vector_load %arg4[%swap3A_3121, %swap3A_3122, %swap3A_3123] {strides = array<i32>} : memref<3x80x512xf32, #tpu.memory_space<vmem>>, vector<1x1x16xf32>,
      %swap3A_3125 = vector.shape_cast %swap3A_3124 : vector<1x1x16xf32> to vector<16xf32>
      %swap3A_3126 = vector.shape_cast %broadcast_in_dim3A_2815 : vector<16xf32> to vector<1x1x16xf32>
      tpu.vector_store %arg4[%swap3A_3121, %swap3A_3122, %swap3A_3123], %swap3A_3126 {strides = array<i32>} : memref<3x80x512xf32, #tpu.memory_space<vmem>>, vector<1x1x16xf32>,
      %swap3A_3127 = arith.constant 0 : i32
      %swap3A_3128 = arith.constant 2 : i32
      %swap3A_3129 = arith.index_cast %swap3A_3127 : i32 to index
      %swap3A_3130 = arith.index_cast %swap3A_3128 : i32 to index
      %swap3A_3131 = arith.constant 112 : index
      %swap3A_3132 = tpu.vector_load %arg4[%swap3A_3129, %swap3A_3130, %swap3A_3131] {strides = array<i32>} : memref<3x80x512xf32, #tpu.memory_space<vmem>>, vector<1x1x16xf32>,
      %swap3A_3133 = vector.shape_cast %swap3A_3132 : vector<1x1x16xf32> to vector<16xf32>
      %swap3A_3134 = vector.shape_cast %broadcast_in_dim3A_2815 : vector<16xf32> to vector<1x1x16xf32>
      tpu.vector_store %arg4[%swap3A_3129, %swap3A_3130, %swap3A_3131], %swap3A_3134 {strides = array<i32>} : memref<3x80x512xf32, #tpu.memory_space<vmem>>, vector<1x1x16xf32>,
      %swap3A_3135 = arith.constant 0 : i32
      %swap3A_3136 = arith.constant 2 : i32
      %swap3A_3137 = arith.index_cast %swap3A_3135 : i32 to index
      %swap3A_3138 = arith.index_cast %swap3A_3136 : i32 to index
      %swap3A_3139 = arith.constant 128 : index
      %swap3A_3140 = tpu.vector_load %arg4[%swap3A_3137, %swap3A_3138, %swap3A_3139] {strides = array<i32>} : memref<3x80x512xf32, #tpu.memory_space<vmem>>, vector<1x1x16xf32>,
      %swap3A_3141 = vector.shape_cast %swap3A_3140 : vector<1x1x16xf32> to vector<16xf32>
      %swap3A_3142 = vector.shape_cast %broadcast_in_dim3A_2815 : vector<16xf32> to vector<1x1x16xf32>
      tpu.vector_store %arg4[%swap3A_3137, %swap3A_3138, %swap3A_3139], %swap3A_3142 {strides = array<i32>} : memref<3x80x512xf32, #tpu.memory_space<vmem>>, vector<1x1x16xf32>,
      %swap3A_3143 = arith.constant 0 : i32
      %swap3A_3144 = arith.constant 2 : i32
      %swap3A_3145 = arith.index_cast %swap3A_3143 : i32 to index
      %swap3A_3146 = arith.index_cast %swap3A_3144 : i32 to index
      %swap3A_3147 = arith.constant 144 : index
      %swap3A_3148 = tpu.vector_load %arg4[%swap3A_3145, %swap3A_3146, %swap3A_3147] {strides = array<i32>} : memref<3x80x512xf32, #tpu.memory_space<vmem>>, vector<1x1x16xf32>,
      %swap3A_3149 = vector.shape_cast %swap3A_3148 : vector<1x1x16xf32> to vector<16xf32>
      %swap3A_3150 = vector.shape_cast %broadcast_in_dim3A_2815 : vector<16xf32> to vector<1x1x16xf32>
      tpu.vector_store %arg4[%swap3A_3145, %swap3A_3146, %swap3A_3147], %swap3A_3150 {strides = array<i32>} : memref<3x80x512xf32, #tpu.memory_space<vmem>>, vector<1x1x16xf32>,
      %swap3A_3151 = arith.constant 0 : i32
      %swap3A_3152 = arith.constant 2 : i32
      %swap3A_3153 = arith.index_cast %swap3A_3151 : i32 to index
      %swap3A_3154 = arith.index_cast %swap3A_3152 : i32 to index
      %swap3A_3155 = arith.constant 160 : index
      %swap3A_3156 = tpu.vector_load %arg4[%swap3A_3153, %swap3A_3154, %swap3A_3155] {strides = array<i32>} : memref<3x80x512xf32, #tpu.memory_space<vmem>>, vector<1x1x16xf32>,
      %swap3A_3157 = vector.shape_cast %swap3A_3156 : vector<1x1x16xf32> to vector<16xf32>
      %swap3A_3158 = vector.shape_cast %broadcast_in_dim3A_2815 : vector<16xf32> to vector<1x1x16xf32>
      tpu.vector_store %arg4[%swap3A_3153, %swap3A_3154, %swap3A_3155], %swap3A_3158 {strides = array<i32>} : memref<3x80x512xf32, #tpu.memory_space<vmem>>, vector<1x1x16xf32>,
      %swap3A_3159 = arith.constant 0 : i32
      %swap3A_3160 = arith.constant 2 : i32
      %swap3A_3161 = arith.index_cast %swap3A_3159 : i32 to index
      %swap3A_3162 = arith.index_cast %swap3A_3160 : i32 to index
      %swap3A_3163 = arith.constant 176 : index
      %swap3A_3164 = tpu.vector_load %arg4[%swap3A_3161, %swap3A_3162, %swap3A_3163] {strides = array<i32>} : memref<3x80x512xf32, #tpu.memory_space<vmem>>, vector<1x1x16xf32>,
      %swap3A_3165 = vector.shape_cast %swap3A_3164 : vector<1x1x16xf32> to vector<16xf32>
      %swap3A_3166 = vector.shape_cast %broadcast_in_dim3A_2815 : vector<16xf32> to vector<1x1x16xf32>
      tpu.vector_store %arg4[%swap3A_3161, %swap3A_3162, %swap3A_3163], %swap3A_3166 {strides = array<i32>} : memref<3x80x512xf32, #tpu.memory_space<vmem>>, vector<1x1x16xf32>,
      %swap3A_3167 = arith.constant 0 : i32
      %swap3A_3168 = arith.constant 2 : i32
      %swap3A_3169 = arith.index_cast %swap3A_3167 : i32 to index
      %swap3A_3170 = arith.index_cast %swap3A_3168 : i32 to index
      %swap3A_3171 = arith.constant 192 : index
      %swap3A_3172 = tpu.vector_load %arg4[%swap3A_3169, %swap3A_3170, %swap3A_3171] {strides = array<i32>} : memref<3x80x512xf32, #tpu.memory_space<vmem>>, vector<1x1x16xf32>,
      %swap3A_3173 = vector.shape_cast %swap3A_3172 : vector<1x1x16xf32> to vector<16xf32>
      %swap3A_3174 = vector.shape_cast %broadcast_in_dim3A_2815 : vector<16xf32> to vector<1x1x16xf32>
      tpu.vector_store %arg4[%swap3A_3169, %swap3A_3170, %swap3A_3171], %swap3A_3174 {strides = array<i32>} : memref<3x80x512xf32, #tpu.memory_space<vmem>>, vector<1x1x16xf32>,
      %swap3A_3175 = arith.constant 0 : i32
      %swap3A_3176 = arith.constant 2 : i32
      %swap3A_3177 = arith.index_cast %swap3A_3175 : i32 to index
      %swap3A_3178 = arith.index_cast %swap3A_3176 : i32 to index
      %swap3A_3179 = arith.constant 208 : index
      %swap3A_3180 = tpu.vector_load %arg4[%swap3A_3177, %swap3A_3178, %swap3A_3179] {strides = array<i32>} : memref<3x80x512xf32, #tpu.memory_space<vmem>>, vector<1x1x16xf32>,
      %swap3A_3181 = vector.shape_cast %swap3A_3180 : vector<1x1x16xf32> to vector<16xf32>
      %swap3A_3182 = vector.shape_cast %broadcast_in_dim3A_2815 : vector<16xf32> to vector<1x1x16xf32>
      tpu.vector_store %arg4[%swap3A_3177, %swap3A_3178, %swap3A_3179], %swap3A_3182 {strides = array<i32>} : memref<3x80x512xf32, #tpu.memory_space<vmem>>, vector<1x1x16xf32>,
      %swap3A_3183 = arith.constant 0 : i32
      %swap3A_3184 = arith.constant 2 : i32
      %swap3A_3185 = arith.index_cast %swap3A_3183 : i32 to index
      %swap3A_3186 = arith.index_cast %swap3A_3184 : i32 to index
      %swap3A_3187 = arith.constant 224 : index
      %swap3A_3188 = tpu.vector_load %arg4[%swap3A_3185, %swap3A_3186, %swap3A_3187] {strides = array<i32>} : memref<3x80x512xf32, #tpu.memory_space<vmem>>, vector<1x1x16xf32>,
      %swap3A_3189 = vector.shape_cast %swap3A_3188 : vector<1x1x16xf32> to vector<16xf32>
      %swap3A_3190 = vector.shape_cast %broadcast_in_dim3A_2815 : vector<16xf32> to vector<1x1x16xf32>
      tpu.vector_store %arg4[%swap3A_3185, %swap3A_3186, %swap3A_3187], %swap3A_3190 {strides = array<i32>} : memref<3x80x512xf32, #tpu.memory_space<vmem>>, vector<1x1x16xf32>,
      %swap3A_3191 = arith.constant 0 : i32
      %swap3A_3192 = arith.constant 2 : i32
      %swap3A_3193 = arith.index_cast %swap3A_3191 : i32 to index
      %swap3A_3194 = arith.index_cast %swap3A_3192 : i32 to index
      %swap3A_3195 = arith.constant 240 : index
      %swap3A_3196 = tpu.vector_load %arg4[%swap3A_3193, %swap3A_3194, %swap3A_3195] {strides = array<i32>} : memref<3x80x512xf32, #tpu.memory_space<vmem>>, vector<1x1x16xf32>,
      %swap3A_3197 = vector.shape_cast %swap3A_3196 : vector<1x1x16xf32> to vector<16xf32>
      %swap3A_3198 = vector.shape_cast %broadcast_in_dim3A_2815 : vector<16xf32> to vector<1x1x16xf32>
      tpu.vector_store %arg4[%swap3A_3193, %swap3A_3194, %swap3A_3195], %swap3A_3198 {strides = array<i32>} : memref<3x80x512xf32, #tpu.memory_space<vmem>>, vector<1x1x16xf32>,
      %swap3A_3199 = arith.constant 0 : i32
      %swap3A_3200 = arith.constant 2 : i32
      %swap3A_3201 = arith.index_cast %swap3A_3199 : i32 to index
      %swap3A_3202 = arith.index_cast %swap3A_3200 : i32 to index
      %swap3A_3203 = arith.constant 256 : index
      %swap3A_3204 = tpu.vector_load %arg4[%swap3A_3201, %swap3A_3202, %swap3A_3203] {strides = array<i32>} : memref<3x80x512xf32, #tpu.memory_space<vmem>>, vector<1x1x16xf32>,
      %swap3A_3205 = vector.shape_cast %swap3A_3204 : vector<1x1x16xf32> to vector<16xf32>
      %swap3A_3206 = vector.shape_cast %broadcast_in_dim3A_2815 : vector<16xf32> to vector<1x1x16xf32>
      tpu.vector_store %arg4[%swap3A_3201, %swap3A_3202, %swap3A_3203], %swap3A_3206 {strides = array<i32>} : memref<3x80x512xf32, #tpu.memory_space<vmem>>, vector<1x1x16xf32>,
      %swap3A_3207 = arith.constant 0 : i32
      %swap3A_3208 = arith.constant 2 : i32
      %swap3A_3209 = arith.index_cast %swap3A_3207 : i32 to index
      %swap3A_3210 = arith.index_cast %swap3A_3208 : i32 to index
      %swap3A_3211 = arith.constant 272 : index
      %swap3A_3212 = tpu.vector_load %arg4[%swap3A_3209, %swap3A_3210, %swap3A_3211] {strides = array<i32>} : memref<3x80x512xf32, #tpu.memory_space<vmem>>, vector<1x1x16xf32>,
      %swap3A_3213 = vector.shape_cast %swap3A_3212 : vector<1x1x16xf32> to vector<16xf32>
      %swap3A_3214 = vector.shape_cast %broadcast_in_dim3A_2815 : vector<16xf32> to vector<1x1x16xf32>
      tpu.vector_store %arg4[%swap3A_3209, %swap3A_3210, %swap3A_3211], %swap3A_3214 {strides = array<i32>} : memref<3x80x512xf32, #tpu.memory_space<vmem>>, vector<1x1x16xf32>,
      %swap3A_3215 = arith.constant 0 : i32
      %swap3A_3216 = arith.constant 2 : i32
      %swap3A_3217 = arith.index_cast %swap3A_3215 : i32 to index
      %swap3A_3218 = arith.index_cast %swap3A_3216 : i32 to index
      %swap3A_3219 = arith.constant 288 : index
      %swap3A_3220 = tpu.vector_load %arg4[%swap3A_3217, %swap3A_3218, %swap3A_3219] {strides = array<i32>} : memref<3x80x512xf32, #tpu.memory_space<vmem>>, vector<1x1x16xf32>,
      %swap3A_3221 = vector.shape_cast %swap3A_3220 : vector<1x1x16xf32> to vector<16xf32>
      %swap3A_3222 = vector.shape_cast %broadcast_in_dim3A_2815 : vector<16xf32> to vector<1x1x16xf32>
      tpu.vector_store %arg4[%swap3A_3217, %swap3A_3218, %swap3A_3219], %swap3A_3222 {strides = array<i32>} : memref<3x80x512xf32, #tpu.memory_space<vmem>>, vector<1x1x16xf32>,
      %swap3A_3223 = arith.constant 0 : i32
      %swap3A_3224 = arith.constant 2 : i32
      %swap3A_3225 = arith.index_cast %swap3A_3223 : i32 to index
      %swap3A_3226 = arith.index_cast %swap3A_3224 : i32 to index
      %swap3A_3227 = arith.constant 304 : index
      %swap3A_3228 = tpu.vector_load %arg4[%swap3A_3225, %swap3A_3226, %swap3A_3227] {strides = array<i32>} : memref<3x80x512xf32, #tpu.memory_space<vmem>>, vector<1x1x16xf32>,
      %swap3A_3229 = vector.shape_cast %swap3A_3228 : vector<1x1x16xf32> to vector<16xf32>
      %swap3A_3230 = vector.shape_cast %broadcast_in_dim3A_2815 : vector<16xf32> to vector<1x1x16xf32>
      tpu.vector_store %arg4[%swap3A_3225, %swap3A_3226, %swap3A_3227], %swap3A_3230 {strides = array<i32>} : memref<3x80x512xf32, #tpu.memory_space<vmem>>, vector<1x1x16xf32>,
      %swap3A_3231 = arith.constant 0 : i32
      %swap3A_3232 = arith.constant 2 : i32
      %swap3A_3233 = arith.index_cast %swap3A_3231 : i32 to index
      %swap3A_3234 = arith.index_cast %swap3A_3232 : i32 to index
      %swap3A_3235 = arith.constant 320 : index
      %swap3A_3236 = tpu.vector_load %arg4[%swap3A_3233, %swap3A_3234, %swap3A_3235] {strides = array<i32>} : memref<3x80x512xf32, #tpu.memory_space<vmem>>, vector<1x1x16xf32>,
      %swap3A_3237 = vector.shape_cast %swap3A_3236 : vector<1x1x16xf32> to vector<16xf32>
      %swap3A_3238 = vector.shape_cast %broadcast_in_dim3A_2815 : vector<16xf32> to vector<1x1x16xf32>
      tpu.vector_store %arg4[%swap3A_3233, %swap3A_3234, %swap3A_3235], %swap3A_3238 {strides = array<i32>} : memref<3x80x512xf32, #tpu.memory_space<vmem>>, vector<1x1x16xf32>,
      %swap3A_3239 = arith.constant 0 : i32
      %swap3A_3240 = arith.constant 2 : i32
      %swap3A_3241 = arith.index_cast %swap3A_3239 : i32 to index
      %swap3A_3242 = arith.index_cast %swap3A_3240 : i32 to index
      %swap3A_3243 = arith.constant 336 : index
      %swap3A_3244 = tpu.vector_load %arg4[%swap3A_3241, %swap3A_3242, %swap3A_3243] {strides = array<i32>} : memref<3x80x512xf32, #tpu.memory_space<vmem>>, vector<1x1x16xf32>,
      %swap3A_3245 = vector.shape_cast %swap3A_3244 : vector<1x1x16xf32> to vector<16xf32>
      %swap3A_3246 = vector.shape_cast %broadcast_in_dim3A_2815 : vector<16xf32> to vector<1x1x16xf32>
      tpu.vector_store %arg4[%swap3A_3241, %swap3A_3242, %swap3A_3243], %swap3A_3246 {strides = array<i32>} : memref<3x80x512xf32, #tpu.memory_space<vmem>>, vector<1x1x16xf32>,
      %swap3A_3247 = arith.constant 0 : i32
      %swap3A_3248 = arith.constant 2 : i32
      %swap3A_3249 = arith.index_cast %swap3A_3247 : i32 to index
      %swap3A_3250 = arith.index_cast %swap3A_3248 : i32 to index
      %swap3A_3251 = arith.constant 352 : index
      %swap3A_3252 = tpu.vector_load %arg4[%swap3A_3249, %swap3A_3250, %swap3A_3251] {strides = array<i32>} : memref<3x80x512xf32, #tpu.memory_space<vmem>>, vector<1x1x16xf32>,
      %swap3A_3253 = vector.shape_cast %swap3A_3252 : vector<1x1x16xf32> to vector<16xf32>
      %swap3A_3254 = vector.shape_cast %broadcast_in_dim3A_2815 : vector<16xf32> to vector<1x1x16xf32>
      tpu.vector_store %arg4[%swap3A_3249, %swap3A_3250, %swap3A_3251], %swap3A_3254 {strides = array<i32>} : memref<3x80x512xf32, #tpu.memory_space<vmem>>, vector<1x1x16xf32>,
      %swap3A_3255 = arith.constant 0 : i32
      %swap3A_3256 = arith.constant 2 : i32
      %swap3A_3257 = arith.index_cast %swap3A_3255 : i32 to index
      %swap3A_3258 = arith.index_cast %swap3A_3256 : i32 to index
      %swap3A_3259 = arith.constant 368 : index
      %swap3A_3260 = tpu.vector_load %arg4[%swap3A_3257, %swap3A_3258, %swap3A_3259] {strides = array<i32>} : memref<3x80x512xf32, #tpu.memory_space<vmem>>, vector<1x1x16xf32>,
      %swap3A_3261 = vector.shape_cast %swap3A_3260 : vector<1x1x16xf32> to vector<16xf32>
      %swap3A_3262 = vector.shape_cast %broadcast_in_dim3A_2815 : vector<16xf32> to vector<1x1x16xf32>
      tpu.vector_store %arg4[%swap3A_3257, %swap3A_3258, %swap3A_3259], %swap3A_3262 {strides = array<i32>} : memref<3x80x512xf32, #tpu.memory_space<vmem>>, vector<1x1x16xf32>,
      %swap3A_3263 = arith.constant 0 : i32
      %swap3A_3264 = arith.constant 2 : i32
      %swap3A_3265 = arith.index_cast %swap3A_3263 : i32 to index
      %swap3A_3266 = arith.index_cast %swap3A_3264 : i32 to index
      %swap3A_3267 = arith.constant 384 : index
      %swap3A_3268 = tpu.vector_load %arg4[%swap3A_3265, %swap3A_3266, %swap3A_3267] {strides = array<i32>} : memref<3x80x512xf32, #tpu.memory_space<vmem>>, vector<1x1x16xf32>,
      %swap3A_3269 = vector.shape_cast %swap3A_3268 : vector<1x1x16xf32> to vector<16xf32>
      %swap3A_3270 = vector.shape_cast %broadcast_in_dim3A_2815 : vector<16xf32> to vector<1x1x16xf32>
      tpu.vector_store %arg4[%swap3A_3265, %swap3A_3266, %swap3A_3267], %swap3A_3270 {strides = array<i32>} : memref<3x80x512xf32, #tpu.memory_space<vmem>>, vector<1x1x16xf32>,
      %swap3A_3271 = arith.constant 0 : i32
      %swap3A_3272 = arith.constant 2 : i32
      %swap3A_3273 = arith.index_cast %swap3A_3271 : i32 to index
      %swap3A_3274 = arith.index_cast %swap3A_3272 : i32 to index
      %swap3A_3275 = arith.constant 400 : index
      %swap3A_3276 = tpu.vector_load %arg4[%swap3A_3273, %swap3A_3274, %swap3A_3275] {strides = array<i32>} : memref<3x80x512xf32, #tpu.memory_space<vmem>>, vector<1x1x16xf32>,
      %swap3A_3277 = vector.shape_cast %swap3A_3276 : vector<1x1x16xf32> to vector<16xf32>
      %swap3A_3278 = vector.shape_cast %broadcast_in_dim3A_2815 : vector<16xf32> to vector<1x1x16xf32>
      tpu.vector_store %arg4[%swap3A_3273, %swap3A_3274, %swap3A_3275], %swap3A_3278 {strides = array<i32>} : memref<3x80x512xf32, #tpu.memory_space<vmem>>, vector<1x1x16xf32>,
      %swap3A_3279 = arith.constant 0 : i32
      %swap3A_3280 = arith.constant 2 : i32
      %swap3A_3281 = arith.index_cast %swap3A_3279 : i32 to index
      %swap3A_3282 = arith.index_cast %swap3A_3280 : i32 to index
      %swap3A_3283 = arith.constant 416 : index
      %swap3A_3284 = tpu.vector_load %arg4[%swap3A_3281, %swap3A_3282, %swap3A_3283] {strides = array<i32>} : memref<3x80x512xf32, #tpu.memory_space<vmem>>, vector<1x1x16xf32>,
      %swap3A_3285 = vector.shape_cast %swap3A_3284 : vector<1x1x16xf32> to vector<16xf32>
      %swap3A_3286 = vector.shape_cast %broadcast_in_dim3A_2815 : vector<16xf32> to vector<1x1x16xf32>
      tpu.vector_store %arg4[%swap3A_3281, %swap3A_3282, %swap3A_3283], %swap3A_3286 {strides = array<i32>} : memref<3x80x512xf32, #tpu.memory_space<vmem>>, vector<1x1x16xf32>,
      %swap3A_3287 = arith.constant 0 : i32
      %swap3A_3288 = arith.constant 2 : i32
      %swap3A_3289 = arith.index_cast %swap3A_3287 : i32 to index
      %swap3A_3290 = arith.index_cast %swap3A_3288 : i32 to index
      %swap3A_3291 = arith.constant 432 : index
      %swap3A_3292 = tpu.vector_load %arg4[%swap3A_3289, %swap3A_3290, %swap3A_3291] {strides = array<i32>} : memref<3x80x512xf32, #tpu.memory_space<vmem>>, vector<1x1x16xf32>,
      %swap3A_3293 = vector.shape_cast %swap3A_3292 : vector<1x1x16xf32> to vector<16xf32>
      %swap3A_3294 = vector.shape_cast %broadcast_in_dim3A_2815 : vector<16xf32> to vector<1x1x16xf32>
      tpu.vector_store %arg4[%swap3A_3289, %swap3A_3290, %swap3A_3291], %swap3A_3294 {strides = array<i32>} : memref<3x80x512xf32, #tpu.memory_space<vmem>>, vector<1x1x16xf32>,
      %swap3A_3295 = arith.constant 0 : i32
      %swap3A_3296 = arith.constant 2 : i32
      %swap3A_3297 = arith.index_cast %swap3A_3295 : i32 to index
      %swap3A_3298 = arith.index_cast %swap3A_3296 : i32 to index
      %swap3A_3299 = arith.constant 448 : index
      %swap3A_3300 = tpu.vector_load %arg4[%swap3A_3297, %swap3A_3298, %swap3A_3299] {strides = array<i32>} : memref<3x80x512xf32, #tpu.memory_space<vmem>>, vector<1x1x16xf32>,
      %swap3A_3301 = vector.shape_cast %swap3A_3300 : vector<1x1x16xf32> to vector<16xf32>
      %swap3A_3302 = vector.shape_cast %broadcast_in_dim3A_2815 : vector<16xf32> to vector<1x1x16xf32>
      tpu.vector_store %arg4[%swap3A_3297, %swap3A_3298, %swap3A_3299], %swap3A_3302 {strides = array<i32>} : memref<3x80x512xf32, #tpu.memory_space<vmem>>, vector<1x1x16xf32>,
      %swap3A_3303 = arith.constant 0 : i32
      %swap3A_3304 = arith.constant 2 : i32
      %swap3A_3305 = arith.index_cast %swap3A_3303 : i32 to index
      %swap3A_3306 = arith.index_cast %swap3A_3304 : i32 to index
      %swap3A_3307 = arith.constant 464 : index
      %swap3A_3308 = tpu.vector_load %arg4[%swap3A_3305, %swap3A_3306, %swap3A_3307] {strides = array<i32>} : memref<3x80x512xf32, #tpu.memory_space<vmem>>, vector<1x1x16xf32>,
      %swap3A_3309 = vector.shape_cast %swap3A_3308 : vector<1x1x16xf32> to vector<16xf32>
      %swap3A_3310 = vector.shape_cast %broadcast_in_dim3A_2815 : vector<16xf32> to vector<1x1x16xf32>
      tpu.vector_store %arg4[%swap3A_3305, %swap3A_3306, %swap3A_3307], %swap3A_3310 {strides = array<i32>} : memref<3x80x512xf32, #tpu.memory_space<vmem>>, vector<1x1x16xf32>,
      %swap3A_3311 = arith.constant 0 : i32
      %swap3A_3312 = arith.constant 2 : i32
      %swap3A_3313 = arith.index_cast %swap3A_3311 : i32 to index
      %swap3A_3314 = arith.index_cast %swap3A_3312 : i32 to index
      %swap3A_3315 = arith.constant 480 : index
      %swap3A_3316 = tpu.vector_load %arg4[%swap3A_3313, %swap3A_3314, %swap3A_3315] {strides = array<i32>} : memref<3x80x512xf32, #tpu.memory_space<vmem>>, vector<1x1x16xf32>,
      %swap3A_3317 = vector.shape_cast %swap3A_3316 : vector<1x1x16xf32> to vector<16xf32>
      %swap3A_3318 = vector.shape_cast %broadcast_in_dim3A_2815 : vector<16xf32> to vector<1x1x16xf32>
      tpu.vector_store %arg4[%swap3A_3313, %swap3A_3314, %swap3A_3315], %swap3A_3318 {strides = array<i32>} : memref<3x80x512xf32, #tpu.memory_space<vmem>>, vector<1x1x16xf32>,
      %swap3A_3319 = arith.constant 0 : i32
      %swap3A_3320 = arith.constant 2 : i32
      %swap3A_3321 = arith.index_cast %swap3A_3319 : i32 to index
      %swap3A_3322 = arith.index_cast %swap3A_3320 : i32 to index
      %swap3A_3323 = arith.constant 496 : index
      %swap3A_3324 = tpu.vector_load %arg4[%swap3A_3321, %swap3A_3322, %swap3A_3323] {strides = array<i32>} : memref<3x80x512xf32, #tpu.memory_space<vmem>>, vector<1x1x16xf32>,
      %swap3A_3325 = vector.shape_cast %swap3A_3324 : vector<1x1x16xf32> to vector<16xf32>
      %swap3A_3326 = vector.shape_cast %broadcast_in_dim3A_2815 : vector<16xf32> to vector<1x1x16xf32>
      tpu.vector_store %arg4[%swap3A_3321, %swap3A_3322, %swap3A_3323], %swap3A_3326 {strides = array<i32>} : memref<3x80x512xf32, #tpu.memory_space<vmem>>, vector<1x1x16xf32>,
    } else {
    }
    %add3A_57 = arith.constant 0 : i32
    %add3A_58 = arith.addi %mul3A_2, %add3A_57 : i32
    %dma_start3A_59 = arith.constant 0 : i32
    %dma_start3A_60 = arith.constant 0 : i32
    %dma_start3A_61 = arith.constant 0 : i32
    %dma_start3A_62 = arith.constant 0 : i32
    %dma_start3A_63 = tpu.memref_slice %arg4[%dma_start3A_59, %dma_start3A_61, %dma_start3A_62] : memref<3x80x512xf32, #tpu.memory_space<vmem>> -> memref<1x80x512xf32, #tpu.memory_space<vmem>>
    %dma_start3A_64 = tpu.memref_squeeze %dma_start3A_63 : memref<1x80x512xf32, #tpu.memory_space<vmem>> -> memref<80x512xf32, #tpu.memory_space<vmem>>
    %dma_start3A_65 = arith.constant 0 : i32
    %dma_start3A_66 = tpu.memref_slice %arg3[%add3A_58, %dma_start3A_65] : memref<100000x512xf32, #tpu.memory_space<hbm>> -> memref<80x512xf32, #tpu.memory_space<hbm>>
    %dma_start3A_67 = tpu.memref_slice %arg6[%dma_start3A_60] : memref<3x!tpu.dma_semaphore, #tpu.memory_space<semaphore_mem>> -> memref<1x!tpu.dma_semaphore, #tpu.memory_space<semaphore_mem>>
    %dma_start3A_68 = tpu.memref_squeeze %dma_start3A_67 : memref<1x!tpu.dma_semaphore, #tpu.memory_space<semaphore_mem>> -> memref<!tpu.dma_semaphore, #tpu.memory_space<semaphore_mem>>
    %dma_start3A_69 = arith.constant 0 : i32
    %dma_start3A_70 = tpu.memref_slice %arg3[%add3A_58, %dma_start3A_69] : memref<100000x512xf32, #tpu.memory_space<hbm>> -> memref<80x512xf32, #tpu.memory_space<hbm>>
    %dma_start3A_71 = arith.constant 0 : i32
    %dma_start3A_72 = arith.constant 0 : i32
    %dma_start3A_73 = tpu.memref_slice %arg4[%dma_start3A_59, %dma_start3A_71, %dma_start3A_72] : memref<3x80x512xf32, #tpu.memory_space<vmem>> -> memref<1x80x512xf32, #tpu.memory_space<vmem>>
    %dma_start3A_74 = tpu.memref_squeeze %dma_start3A_73 : memref<1x80x512xf32, #tpu.memory_space<vmem>> -> memref<80x512xf32, #tpu.memory_space<vmem>>
    tpu.enqueue_dma source(%dma_start3A_74 : memref<80x512xf32, #tpu.memory_space<vmem>>) target(%dma_start3A_70 : memref<80x512xf32, #tpu.memory_space<hbm>>) target_semaphore(%dma_start3A_68 : memref<!tpu.dma_semaphore, #tpu.memory_space<semaphore_mem>>)
    %add3A_75 = arith.constant 160 : i32
    %add3A_76 = arith.addi %mul3A_2, %add3A_75 : i32
    %dma_start3A_77 = arith.constant 2 : i32
    %dma_start3A_78 = arith.constant 2 : i32
    %dma_start3A_79 = arith.constant 0 : i32
    %dma_start3A_80 = arith.constant 0 : i32
    %dma_start3A_81 = tpu.memref_slice %arg4[%dma_start3A_77, %dma_start3A_79, %dma_start3A_80] : memref<3x80x512xf32, #tpu.memory_space<vmem>> -> memref<1x80x512xf32, #tpu.memory_space<vmem>>
    %dma_start3A_82 = tpu.memref_squeeze %dma_start3A_81 : memref<1x80x512xf32, #tpu.memory_space<vmem>> -> memref<80x512xf32, #tpu.memory_space<vmem>>
    %dma_start3A_83 = arith.constant 0 : i32
    %dma_start3A_84 = tpu.memref_slice %arg2[%add3A_76, %dma_start3A_83] : memref<100000x512xf32, #tpu.memory_space<hbm>> -> memref<80x512xf32, #tpu.memory_space<hbm>>
    %dma_start3A_85 = tpu.memref_slice %arg5[%dma_start3A_78] : memref<3x!tpu.dma_semaphore, #tpu.memory_space<semaphore_mem>> -> memref<1x!tpu.dma_semaphore, #tpu.memory_space<semaphore_mem>>
    %dma_start3A_86 = tpu.memref_squeeze %dma_start3A_85 : memref<1x!tpu.dma_semaphore, #tpu.memory_space<semaphore_mem>> -> memref<!tpu.dma_semaphore, #tpu.memory_space<semaphore_mem>>
    %dma_start3A_87 = arith.constant 0 : i32
    %dma_start3A_88 = arith.constant 0 : i32
    %dma_start3A_89 = tpu.memref_slice %arg4[%dma_start3A_77, %dma_start3A_87, %dma_start3A_88] : memref<3x80x512xf32, #tpu.memory_space<vmem>> -> memref<1x80x512xf32, #tpu.memory_space<vmem>>
    %dma_start3A_90 = tpu.memref_squeeze %dma_start3A_89 : memref<1x80x512xf32, #tpu.memory_space<vmem>> -> memref<80x512xf32, #tpu.memory_space<vmem>>
    %dma_start3A_91 = arith.constant 0 : i32
    %dma_start3A_92 = tpu.memref_slice %arg2[%add3A_76, %dma_start3A_91] : memref<100000x512xf32, #tpu.memory_space<hbm>> -> memref<80x512xf32, #tpu.memory_space<hbm>>
    tpu.enqueue_dma source(%dma_start3A_92 : memref<80x512xf32, #tpu.memory_space<hbm>>) target(%dma_start3A_90 : memref<80x512xf32, #tpu.memory_space<vmem>>) target_semaphore(%dma_start3A_86 : memref<!tpu.dma_semaphore, #tpu.memory_space<semaphore_mem>>)
    %add3A_93 = arith.constant 80 : i32
    %add3A_94 = arith.addi %mul3A_2, %add3A_93 : i32
    %dma_wait3A_95 = arith.constant 1 : i32
    %dma_wait3A_96 = arith.constant 1 : i32
    %dma_wait3A_97 = arith.constant 0 : i32
    %dma_wait3A_98 = arith.constant 0 : i32
    %dma_wait3A_99 = tpu.memref_slice %arg4[%dma_wait3A_95, %dma_wait3A_97, %dma_wait3A_98] : memref<3x80x512xf32, #tpu.memory_space<vmem>> -> memref<1x80x512xf32, #tpu.memory_space<vmem>>
    %dma_wait3A_100 = tpu.memref_squeeze %dma_wait3A_99 : memref<1x80x512xf32, #tpu.memory_space<vmem>> -> memref<80x512xf32, #tpu.memory_space<vmem>>
    %dma_wait3A_101 = arith.constant 0 : i32
    %dma_wait3A_102 = tpu.memref_slice %arg2[%add3A_94, %dma_wait3A_101] : memref<100000x512xf32, #tpu.memory_space<hbm>> -> memref<80x512xf32, #tpu.memory_space<hbm>>
    %dma_wait3A_103 = tpu.memref_slice %arg5[%dma_wait3A_96] : memref<3x!tpu.dma_semaphore, #tpu.memory_space<semaphore_mem>> -> memref<1x!tpu.dma_semaphore, #tpu.memory_space<semaphore_mem>>
    %dma_wait3A_104 = tpu.memref_squeeze %dma_wait3A_103 : memref<1x!tpu.dma_semaphore, #tpu.memory_space<semaphore_mem>> -> memref<!tpu.dma_semaphore, #tpu.memory_space<semaphore_mem>>
    %dma_wait3A_105 = arith.constant 0 : i32
    %dma_wait3A_106 = arith.constant 0 : i32
    %dma_wait3A_107 = tpu.memref_slice %arg4[%dma_wait3A_95, %dma_wait3A_105, %dma_wait3A_106] : memref<3x80x512xf32, #tpu.memory_space<vmem>> -> memref<1x80x512xf32, #tpu.memory_space<vmem>>
    %dma_wait3A_108 = tpu.memref_squeeze %dma_wait3A_107 : memref<1x80x512xf32, #tpu.memory_space<vmem>> -> memref<80x512xf32, #tpu.memory_space<vmem>>
    %dma_wait3A_109 = arith.constant 0 : i32
    %dma_wait3A_110 = tpu.memref_slice %arg2[%add3A_94, %dma_wait3A_109] : memref<100000x512xf32, #tpu.memory_space<hbm>> -> memref<80x512xf32, #tpu.memory_space<hbm>>
    tpu.wait_dma2 semaphore(%dma_wait3A_104 : memref<!tpu.dma_semaphore, #tpu.memory_space<semaphore_mem>>) src(%dma_wait3A_110 : memref<80x512xf32, #tpu.memory_space<hbm>>) dst(%dma_wait3A_108 : memref<80x512xf32, #tpu.memory_space<vmem>>)
    %add3A_111 = arith.constant 80 : i32
    %add3A_112 = arith.addi %mul3A_2, %add3A_111 : i32
    %dma_start3A_113 = arith.constant 1 : i32
    %dma_start3A_114 = arith.constant 1 : i32
    %dma_start3A_115 = arith.constant 0 : i32
    %dma_start3A_116 = arith.constant 0 : i32
    %dma_start3A_117 = tpu.memref_slice %arg4[%dma_start3A_113, %dma_start3A_115, %dma_start3A_116] : memref<3x80x512xf32, #tpu.memory_space<vmem>> -> memref<1x80x512xf32, #tpu.memory_space<vmem>>
    %dma_start3A_118 = tpu.memref_squeeze %dma_start3A_117 : memref<1x80x512xf32, #tpu.memory_space<vmem>> -> memref<80x512xf32, #tpu.memory_space<vmem>>
    %dma_start3A_119 = arith.constant 0 : i32
    %dma_start3A_120 = tpu.memref_slice %arg3[%add3A_112, %dma_start3A_119] : memref<100000x512xf32, #tpu.memory_space<hbm>> -> memref<80x512xf32, #tpu.memory_space<hbm>>
    %dma_start3A_121 = tpu.memref_slice %arg6[%dma_start3A_114] : memref<3x!tpu.dma_semaphore, #tpu.memory_space<semaphore_mem>> -> memref<1x!tpu.dma_semaphore, #tpu.memory_space<semaphore_mem>>
    %dma_start3A_122 = tpu.memref_squeeze %dma_start3A_121 : memref<1x!tpu.dma_semaphore, #tpu.memory_space<semaphore_mem>> -> memref<!tpu.dma_semaphore, #tpu.memory_space<semaphore_mem>>
    %dma_start3A_123 = arith.constant 0 : i32
    %dma_start3A_124 = tpu.memref_slice %arg3[%add3A_112, %dma_start3A_123] : memref<100000x512xf32, #tpu.memory_space<hbm>> -> memref<80x512xf32, #tpu.memory_space<hbm>>
    %dma_start3A_125 = arith.constant 0 : i32
    %dma_start3A_126 = arith.constant 0 : i32
    %dma_start3A_127 = tpu.memref_slice %arg4[%dma_start3A_113, %dma_start3A_125, %dma_start3A_126] : memref<3x80x512xf32, #tpu.memory_space<vmem>> -> memref<1x80x512xf32, #tpu.memory_space<vmem>>
    %dma_start3A_128 = tpu.memref_squeeze %dma_start3A_127 : memref<1x80x512xf32, #tpu.memory_space<vmem>> -> memref<80x512xf32, #tpu.memory_space<vmem>>
    tpu.enqueue_dma source(%dma_start3A_128 : memref<80x512xf32, #tpu.memory_space<vmem>>) target(%dma_start3A_124 : memref<80x512xf32, #tpu.memory_space<hbm>>) target_semaphore(%dma_start3A_122 : memref<!tpu.dma_semaphore, #tpu.memory_space<semaphore_mem>>)
    %add3A_129 = arith.constant 0 : i32
    %add3A_130 = arith.addi %mul3A_2, %add3A_129 : i32
    %dma_wait3A_131 = arith.constant 0 : i32
    %dma_wait3A_132 = arith.constant 0 : i32
    %dma_wait3A_133 = arith.constant 0 : i32
    %dma_wait3A_134 = arith.constant 0 : i32
    %dma_wait3A_135 = tpu.memref_slice %arg4[%dma_wait3A_131, %dma_wait3A_133, %dma_wait3A_134] : memref<3x80x512xf32, #tpu.memory_space<vmem>> -> memref<1x80x512xf32, #tpu.memory_space<vmem>>
    %dma_wait3A_136 = tpu.memref_squeeze %dma_wait3A_135 : memref<1x80x512xf32, #tpu.memory_space<vmem>> -> memref<80x512xf32, #tpu.memory_space<vmem>>
    %dma_wait3A_137 = arith.constant 0 : i32
    %dma_wait3A_138 = tpu.memref_slice %arg3[%add3A_130, %dma_wait3A_137] : memref<100000x512xf32, #tpu.memory_space<hbm>> -> memref<80x512xf32, #tpu.memory_space<hbm>>
    %dma_wait3A_139 = tpu.memref_slice %arg6[%dma_wait3A_132] : memref<3x!tpu.dma_semaphore, #tpu.memory_space<semaphore_mem>> -> memref<1x!tpu.dma_semaphore, #tpu.memory_space<semaphore_mem>>
    %dma_wait3A_140 = tpu.memref_squeeze %dma_wait3A_139 : memref<1x!tpu.dma_semaphore, #tpu.memory_space<semaphore_mem>> -> memref<!tpu.dma_semaphore, #tpu.memory_space<semaphore_mem>>
    %dma_wait3A_141 = arith.constant 0 : i32
    %dma_wait3A_142 = tpu.memref_slice %arg3[%add3A_130, %dma_wait3A_141] : memref<100000x512xf32, #tpu.memory_space<hbm>> -> memref<80x512xf32, #tpu.memory_space<hbm>>
    %dma_wait3A_143 = arith.constant 0 : i32
    %dma_wait3A_144 = arith.constant 0 : i32
    %dma_wait3A_145 = tpu.memref_slice %arg4[%dma_wait3A_131, %dma_wait3A_143, %dma_wait3A_144] : memref<3x80x512xf32, #tpu.memory_space<vmem>> -> memref<1x80x512xf32, #tpu.memory_space<vmem>>
    %dma_wait3A_146 = tpu.memref_squeeze %dma_wait3A_145 : memref<1x80x512xf32, #tpu.memory_space<vmem>> -> memref<80x512xf32, #tpu.memory_space<vmem>>
    tpu.wait_dma2 semaphore(%dma_wait3A_140 : memref<!tpu.dma_semaphore, #tpu.memory_space<semaphore_mem>>) src(%dma_wait3A_146 : memref<80x512xf32, #tpu.memory_space<vmem>>) dst(%dma_wait3A_142 : memref<80x512xf32, #tpu.memory_space<hbm>>)
    %add3A_147 = arith.constant 240 : i32
    %add3A_148 = arith.addi %mul3A_2, %add3A_147 : i32
    %dma_start3A_149 = arith.constant 0 : i32
    %dma_start3A_150 = arith.constant 0 : i32
    %dma_start3A_151 = arith.constant 0 : i32
    %dma_start3A_152 = arith.constant 0 : i32
    %dma_start3A_153 = tpu.memref_slice %arg4[%dma_start3A_149, %dma_start3A_151, %dma_start3A_152] : memref<3x80x512xf32, #tpu.memory_space<vmem>> -> memref<1x80x512xf32, #tpu.memory_space<vmem>>
    %dma_start3A_154 = tpu.memref_squeeze %dma_start3A_153 : memref<1x80x512xf32, #tpu.memory_space<vmem>> -> memref<80x512xf32, #tpu.memory_space<vmem>>
    %dma_start3A_155 = arith.constant 0 : i32
    %dma_start3A_156 = tpu.memref_slice %arg2[%add3A_148, %dma_start3A_155] : memref<100000x512xf32, #tpu.memory_space<hbm>> -> memref<80x512xf32, #tpu.memory_space<hbm>>
    %dma_start3A_157 = tpu.memref_slice %arg5[%dma_start3A_150] : memref<3x!tpu.dma_semaphore, #tpu.memory_space<semaphore_mem>> -> memref<1x!tpu.dma_semaphore, #tpu.memory_space<semaphore_mem>>
    %dma_start3A_158 = tpu.memref_squeeze %dma_start3A_157 : memref<1x!tpu.dma_semaphore, #tpu.memory_space<semaphore_mem>> -> memref<!tpu.dma_semaphore, #tpu.memory_space<semaphore_mem>>
    %dma_start3A_159 = arith.constant 0 : i32
    %dma_start3A_160 = arith.constant 0 : i32
    %dma_start3A_161 = tpu.memref_slice %arg4[%dma_start3A_149, %dma_start3A_159, %dma_start3A_160] : memref<3x80x512xf32, #tpu.memory_space<vmem>> -> memref<1x80x512xf32, #tpu.memory_space<vmem>>
    %dma_start3A_162 = tpu.memref_squeeze %dma_start3A_161 : memref<1x80x512xf32, #tpu.memory_space<vmem>> -> memref<80x512xf32, #tpu.memory_space<vmem>>
    %dma_start3A_163 = arith.constant 0 : i32
    %dma_start3A_164 = tpu.memref_slice %arg2[%add3A_148, %dma_start3A_163] : memref<100000x512xf32, #tpu.memory_space<hbm>> -> memref<80x512xf32, #tpu.memory_space<hbm>>
    tpu.enqueue_dma source(%dma_start3A_164 : memref<80x512xf32, #tpu.memory_space<hbm>>) target(%dma_start3A_162 : memref<80x512xf32, #tpu.memory_space<vmem>>) target_semaphore(%dma_start3A_158 : memref<!tpu.dma_semaphore, #tpu.memory_space<semaphore_mem>>)
    %add3A_165 = arith.constant 160 : i32
    %add3A_166 = arith.addi %mul3A_2, %add3A_165 : i32
    %dma_wait3A_167 = arith.constant 2 : i32
    %dma_wait3A_168 = arith.constant 2 : i32
    %dma_wait3A_169 = arith.constant 0 : i32
    %dma_wait3A_170 = arith.constant 0 : i32
    %dma_wait3A_171 = tpu.memref_slice %arg4[%dma_wait3A_167, %dma_wait3A_169, %dma_wait3A_170] : memref<3x80x512xf32, #tpu.memory_space<vmem>> -> memref<1x80x512xf32, #tpu.memory_space<vmem>>
    %dma_wait3A_172 = tpu.memref_squeeze %dma_wait3A_171 : memref<1x80x512xf32, #tpu.memory_space<vmem>> -> memref<80x512xf32, #tpu.memory_space<vmem>>
    %dma_wait3A_173 = arith.constant 0 : i32
    %dma_wait3A_174 = tpu.memref_slice %arg2[%add3A_166, %dma_wait3A_173] : memref<100000x512xf32, #tpu.memory_space<hbm>> -> memref<80x512xf32, #tpu.memory_space<hbm>>
    %dma_wait3A_175 = tpu.memref_slice %arg5[%dma_wait3A_168] : memref<3x!tpu.dma_semaphore, #tpu.memory_space<semaphore_mem>> -> memref<1x!tpu.dma_semaphore, #tpu.memory_space<semaphore_mem>>
    %dma_wait3A_176 = tpu.memref_squeeze %dma_wait3A_175 : memref<1x!tpu.dma_semaphore, #tpu.memory_space<semaphore_mem>> -> memref<!tpu.dma_semaphore, #tpu.memory_space<semaphore_mem>>
    %dma_wait3A_177 = arith.constant 0 : i32
    %dma_wait3A_178 = arith.constant 0 : i32
    %dma_wait3A_179 = tpu.memref_slice %arg4[%dma_wait3A_167, %dma_wait3A_177, %dma_wait3A_178] : memref<3x80x512xf32, #tpu.memory_space<vmem>> -> memref<1x80x512xf32, #tpu.memory_space<vmem>>
    %dma_wait3A_180 = tpu.memref_squeeze %dma_wait3A_179 : memref<1x80x512xf32, #tpu.memory_space<vmem>> -> memref<80x512xf32, #tpu.memory_space<vmem>>
    %dma_wait3A_181 = arith.constant 0 : i32
    %dma_wait3A_182 = tpu.memref_slice %arg2[%add3A_166, %dma_wait3A_181] : memref<100000x512xf32, #tpu.memory_space<hbm>> -> memref<80x512xf32, #tpu.memory_space<hbm>>
    tpu.wait_dma2 semaphore(%dma_wait3A_176 : memref<!tpu.dma_semaphore, #tpu.memory_space<semaphore_mem>>) src(%dma_wait3A_182 : memref<80x512xf32, #tpu.memory_space<hbm>>) dst(%dma_wait3A_180 : memref<80x512xf32, #tpu.memory_space<vmem>>)
    %add3A_183 = arith.constant 160 : i32
    %add3A_184 = arith.addi %mul3A_2, %add3A_183 : i32
    %dma_start3A_185 = arith.constant 2 : i32
    %dma_start3A_186 = arith.constant 2 : i32
    %dma_start3A_187 = arith.constant 0 : i32
    %dma_start3A_188 = arith.constant 0 : i32
    %dma_start3A_189 = tpu.memref_slice %arg4[%dma_start3A_185, %dma_start3A_187, %dma_start3A_188] : memref<3x80x512xf32, #tpu.memory_space<vmem>> -> memref<1x80x512xf32, #tpu.memory_space<vmem>>
    %dma_start3A_190 = tpu.memref_squeeze %dma_start3A_189 : memref<1x80x512xf32, #tpu.memory_space<vmem>> -> memref<80x512xf32, #tpu.memory_space<vmem>>
    %dma_start3A_191 = arith.constant 0 : i32
    %dma_start3A_192 = tpu.memref_slice %arg3[%add3A_184, %dma_start3A_191] : memref<100000x512xf32, #tpu.memory_space<hbm>> -> memref<80x512xf32, #tpu.memory_space<hbm>>
    %dma_start3A_193 = tpu.memref_slice %arg6[%dma_start3A_186] : memref<3x!tpu.dma_semaphore, #tpu.memory_space<semaphore_mem>> -> memref<1x!tpu.dma_semaphore, #tpu.memory_space<semaphore_mem>>
    %dma_start3A_194 = tpu.memref_squeeze %dma_start3A_193 : memref<1x!tpu.dma_semaphore, #tpu.memory_space<semaphore_mem>> -> memref<!tpu.dma_semaphore, #tpu.memory_space<semaphore_mem>>
    %dma_start3A_195 = arith.constant 0 : i32
    %dma_start3A_196 = tpu.memref_slice %arg3[%add3A_184, %dma_start3A_195] : memref<100000x512xf32, #tpu.memory_space<hbm>> -> memref<80x512xf32, #tpu.memory_space<hbm>>
    %dma_start3A_197 = arith.constant 0 : i32
    %dma_start3A_198 = arith.constant 0 : i32
    %dma_start3A_199 = tpu.memref_slice %arg4[%dma_start3A_185, %dma_start3A_197, %dma_start3A_198] : memref<3x80x512xf32, #tpu.memory_space<vmem>> -> memref<1x80x512xf32, #tpu.memory_space<vmem>>
    %dma_start3A_200 = tpu.memref_squeeze %dma_start3A_199 : memref<1x80x512xf32, #tpu.memory_space<vmem>> -> memref<80x512xf32, #tpu.memory_space<vmem>>
    tpu.enqueue_dma source(%dma_start3A_200 : memref<80x512xf32, #tpu.memory_space<vmem>>) target(%dma_start3A_196 : memref<80x512xf32, #tpu.memory_space<hbm>>) target_semaphore(%dma_start3A_194 : memref<!tpu.dma_semaphore, #tpu.memory_space<semaphore_mem>>)
    %add3A_201 = arith.constant 80 : i32
    %add3A_202 = arith.addi %mul3A_2, %add3A_201 : i32
    %dma_wait3A_203 = arith.constant 1 : i32
    %dma_wait3A_204 = arith.constant 1 : i32
    %dma_wait3A_205 = arith.constant 0 : i32
    %dma_wait3A_206 = arith.constant 0 : i32
    %dma_wait3A_207 = tpu.memref_slice %arg4[%dma_wait3A_203, %dma_wait3A_205, %dma_wait3A_206] : memref<3x80x512xf32, #tpu.memory_space<vmem>> -> memref<1x80x512xf32, #tpu.memory_space<vmem>>
    %dma_wait3A_208 = tpu.memref_squeeze %dma_wait3A_207 : memref<1x80x512xf32, #tpu.memory_space<vmem>> -> memref<80x512xf32, #tpu.memory_space<vmem>>
    %dma_wait3A_209 = arith.constant 0 : i32
    %dma_wait3A_210 = tpu.memref_slice %arg3[%add3A_202, %dma_wait3A_209] : memref<100000x512xf32, #tpu.memory_space<hbm>> -> memref<80x512xf32, #tpu.memory_space<hbm>>
    %dma_wait3A_211 = tpu.memref_slice %arg6[%dma_wait3A_204] : memref<3x!tpu.dma_semaphore, #tpu.memory_space<semaphore_mem>> -> memref<1x!tpu.dma_semaphore, #tpu.memory_space<semaphore_mem>>
    %dma_wait3A_212 = tpu.memref_squeeze %dma_wait3A_211 : memref<1x!tpu.dma_semaphore, #tpu.memory_space<semaphore_mem>> -> memref<!tpu.dma_semaphore, #tpu.memory_space<semaphore_mem>>
    %dma_wait3A_213 = arith.constant 0 : i32
    %dma_wait3A_214 = tpu.memref_slice %arg3[%add3A_202, %dma_wait3A_213] : memref<100000x512xf32, #tpu.memory_space<hbm>> -> memref<80x512xf32, #tpu.memory_space<hbm>>
    %dma_wait3A_215 = arith.constant 0 : i32
    %dma_wait3A_216 = arith.constant 0 : i32
    %dma_wait3A_217 = tpu.memref_slice %arg4[%dma_wait3A_203, %dma_wait3A_215, %dma_wait3A_216] : memref<3x80x512xf32, #tpu.memory_space<vmem>> -> memref<1x80x512xf32, #tpu.memory_space<vmem>>
    %dma_wait3A_218 = tpu.memref_squeeze %dma_wait3A_217 : memref<1x80x512xf32, #tpu.memory_space<vmem>> -> memref<80x512xf32, #tpu.memory_space<vmem>>
    tpu.wait_dma2 semaphore(%dma_wait3A_212 : memref<!tpu.dma_semaphore, #tpu.memory_space<semaphore_mem>>) src(%dma_wait3A_218 : memref<80x512xf32, #tpu.memory_space<vmem>>) dst(%dma_wait3A_214 : memref<80x512xf32, #tpu.memory_space<hbm>>)
    %add3A_219 = arith.constant 320 : i32
    %add3A_220 = arith.addi %mul3A_2, %add3A_219 : i32
    %dma_start3A_221 = arith.constant 1 : i32
    %dma_start3A_222 = arith.constant 1 : i32
    %dma_start3A_223 = arith.constant 0 : i32
    %dma_start3A_224 = arith.constant 0 : i32
    %dma_start3A_225 = tpu.memref_slice %arg4[%dma_start3A_221, %dma_start3A_223, %dma_start3A_224] : memref<3x80x512xf32, #tpu.memory_space<vmem>> -> memref<1x80x512xf32, #tpu.memory_space<vmem>>
    %dma_start3A_226 = tpu.memref_squeeze %dma_start3A_225 : memref<1x80x512xf32, #tpu.memory_space<vmem>> -> memref<80x512xf32, #tpu.memory_space<vmem>>
    %dma_start3A_227 = arith.constant 0 : i32
    %dma_start3A_228 = tpu.memref_slice %arg2[%add3A_220, %dma_start3A_227] : memref<100000x512xf32, #tpu.memory_space<hbm>> -> memref<80x512xf32, #tpu.memory_space<hbm>>
    %dma_start3A_229 = tpu.memref_slice %arg5[%dma_start3A_222] : memref<3x!tpu.dma_semaphore, #tpu.memory_space<semaphore_mem>> -> memref<1x!tpu.dma_semaphore, #tpu.memory_space<semaphore_mem>>
    %dma_start3A_230 = tpu.memref_squeeze %dma_start3A_229 : memref<1x!tpu.dma_semaphore, #tpu.memory_space<semaphore_mem>> -> memref<!tpu.dma_semaphore, #tpu.memory_space<semaphore_mem>>
    %dma_start3A_231 = arith.constant 0 : i32
    %dma_start3A_232 = arith.constant 0 : i32
    %dma_start3A_233 = tpu.memref_slice %arg4[%dma_start3A_221, %dma_start3A_231, %dma_start3A_232] : memref<3x80x512xf32, #tpu.memory_space<vmem>> -> memref<1x80x512xf32, #tpu.memory_space<vmem>>
    %dma_start3A_234 = tpu.memref_squeeze %dma_start3A_233 : memref<1x80x512xf32, #tpu.memory_space<vmem>> -> memref<80x512xf32, #tpu.memory_space<vmem>>
    %dma_start3A_235 = arith.constant 0 : i32
    %dma_start3A_236 = tpu.memref_slice %arg2[%add3A_220, %dma_start3A_235] : memref<100000x512xf32, #tpu.memory_space<hbm>> -> memref<80x512xf32, #tpu.memory_space<hbm>>
    tpu.enqueue_dma source(%dma_start3A_236 : memref<80x512xf32, #tpu.memory_space<hbm>>) target(%dma_start3A_234 : memref<80x512xf32, #tpu.memory_space<vmem>>) target_semaphore(%dma_start3A_230 : memref<!tpu.dma_semaphore, #tpu.memory_space<semaphore_mem>>)
    %add3A_237 = arith.constant 240 : i32
    %add3A_238 = arith.addi %mul3A_2, %add3A_237 : i32
    %dma_wait3A_239 = arith.constant 0 : i32
    %dma_wait3A_240 = arith.constant 0 : i32
    %dma_wait3A_241 = arith.constant 0 : i32
    %dma_wait3A_242 = arith.constant 0 : i32
    %dma_wait3A_243 = tpu.memref_slice %arg4[%dma_wait3A_239, %dma_wait3A_241, %dma_wait3A_242] : memref<3x80x512xf32, #tpu.memory_space<vmem>> -> memref<1x80x512xf32, #tpu.memory_space<vmem>>
    %dma_wait3A_244 = tpu.memref_squeeze %dma_wait3A_243 : memref<1x80x512xf32, #tpu.memory_space<vmem>> -> memref<80x512xf32, #tpu.memory_space<vmem>>
    %dma_wait3A_245 = arith.constant 0 : i32
    %dma_wait3A_246 = tpu.memref_slice %arg2[%add3A_238, %dma_wait3A_245] : memref<100000x512xf32, #tpu.memory_space<hbm>> -> memref<80x512xf32, #tpu.memory_space<hbm>>
    %dma_wait3A_247 = tpu.memref_slice %arg5[%dma_wait3A_240] : memref<3x!tpu.dma_semaphore, #tpu.memory_space<semaphore_mem>> -> memref<1x!tpu.dma_semaphore, #tpu.memory_space<semaphore_mem>>
    %dma_wait3A_248 = tpu.memref_squeeze %dma_wait3A_247 : memref<1x!tpu.dma_semaphore, #tpu.memory_space<semaphore_mem>> -> memref<!tpu.dma_semaphore, #tpu.memory_space<semaphore_mem>>
    %dma_wait3A_249 = arith.constant 0 : i32
    %dma_wait3A_250 = arith.constant 0 : i32
    %dma_wait3A_251 = tpu.memref_slice %arg4[%dma_wait3A_239, %dma_wait3A_249, %dma_wait3A_250] : memref<3x80x512xf32, #tpu.memory_space<vmem>> -> memref<1x80x512xf32, #tpu.memory_space<vmem>>
    %dma_wait3A_252 = tpu.memref_squeeze %dma_wait3A_251 : memref<1x80x512xf32, #tpu.memory_space<vmem>> -> memref<80x512xf32, #tpu.memory_space<vmem>>
    %dma_wait3A_253 = arith.constant 0 : i32
    %dma_wait3A_254 = tpu.memref_slice %arg2[%add3A_238, %dma_wait3A_253] : memref<100000x512xf32, #tpu.memory_space<hbm>> -> memref<80x512xf32, #tpu.memory_space<hbm>>
    tpu.wait_dma2 semaphore(%dma_wait3A_248 : memref<!tpu.dma_semaphore, #tpu.memory_space<semaphore_mem>>) src(%dma_wait3A_254 : memref<80x512xf32, #tpu.memory_space<hbm>>) dst(%dma_wait3A_252 : memref<80x512xf32, #tpu.memory_space<vmem>>)
    %add3A_255 = arith.constant 240 : i32
    %add3A_256 = arith.addi %mul3A_2, %add3A_255 : i32
    %dma_start3A_257 = arith.constant 0 : i32
    %dma_start3A_258 = arith.constant 0 : i32
    %dma_start3A_259 = arith.constant 0 : i32
    %dma_start3A_260 = arith.constant 0 : i32
    %dma_start3A_261 = tpu.memref_slice %arg4[%dma_start3A_257, %dma_start3A_259, %dma_start3A_260] : memref<3x80x512xf32, #tpu.memory_space<vmem>> -> memref<1x80x512xf32, #tpu.memory_space<vmem>>
    %dma_start3A_262 = tpu.memref_squeeze %dma_start3A_261 : memref<1x80x512xf32, #tpu.memory_space<vmem>> -> memref<80x512xf32, #tpu.memory_space<vmem>>
    %dma_start3A_263 = arith.constant 0 : i32
    %dma_start3A_264 = tpu.memref_slice %arg3[%add3A_256, %dma_start3A_263] : memref<100000x512xf32, #tpu.memory_space<hbm>> -> memref<80x512xf32, #tpu.memory_space<hbm>>
    %dma_start3A_265 = tpu.memref_slice %arg6[%dma_start3A_258] : memref<3x!tpu.dma_semaphore, #tpu.memory_space<semaphore_mem>> -> memref<1x!tpu.dma_semaphore, #tpu.memory_space<semaphore_mem>>
    %dma_start3A_266 = tpu.memref_squeeze %dma_start3A_265 : memref<1x!tpu.dma_semaphore, #tpu.memory_space<semaphore_mem>> -> memref<!tpu.dma_semaphore, #tpu.memory_space<semaphore_mem>>
    %dma_start3A_267 = arith.constant 0 : i32
    %dma_start3A_268 = tpu.memref_slice %arg3[%add3A_256, %dma_start3A_267] : memref<100000x512xf32, #tpu.memory_space<hbm>> -> memref<80x512xf32, #tpu.memory_space<hbm>>
    %dma_start3A_269 = arith.constant 0 : i32
    %dma_start3A_270 = arith.constant 0 : i32
    %dma_start3A_271 = tpu.memref_slice %arg4[%dma_start3A_257, %dma_start3A_269, %dma_start3A_270] : memref<3x80x512xf32, #tpu.memory_space<vmem>> -> memref<1x80x512xf32, #tpu.memory_space<vmem>>
    %dma_start3A_272 = tpu.memref_squeeze %dma_start3A_271 : memref<1x80x512xf32, #tpu.memory_space<vmem>> -> memref<80x512xf32, #tpu.memory_space<vmem>>
    tpu.enqueue_dma source(%dma_start3A_272 : memref<80x512xf32, #tpu.memory_space<vmem>>) target(%dma_start3A_268 : memref<80x512xf32, #tpu.memory_space<hbm>>) target_semaphore(%dma_start3A_266 : memref<!tpu.dma_semaphore, #tpu.memory_space<semaphore_mem>>)
    %add3A_273 = arith.constant 160 : i32
    %add3A_274 = arith.addi %mul3A_2, %add3A_273 : i32
    %dma_wait3A_275 = arith.constant 2 : i32
    %dma_wait3A_276 = arith.constant 2 : i32
    %dma_wait3A_277 = arith.constant 0 : i32
    %dma_wait3A_278 = arith.constant 0 : i32
    %dma_wait3A_279 = tpu.memref_slice %arg4[%dma_wait3A_275, %dma_wait3A_277, %dma_wait3A_278] : memref<3x80x512xf32, #tpu.memory_space<vmem>> -> memref<1x80x512xf32, #tpu.memory_space<vmem>>
    %dma_wait3A_280 = tpu.memref_squeeze %dma_wait3A_279 : memref<1x80x512xf32, #tpu.memory_space<vmem>> -> memref<80x512xf32, #tpu.memory_space<vmem>>
    %dma_wait3A_281 = arith.constant 0 : i32
    %dma_wait3A_282 = tpu.memref_slice %arg3[%add3A_274, %dma_wait3A_281] : memref<100000x512xf32, #tpu.memory_space<hbm>> -> memref<80x512xf32, #tpu.memory_space<hbm>>
    %dma_wait3A_283 = tpu.memref_slice %arg6[%dma_wait3A_276] : memref<3x!tpu.dma_semaphore, #tpu.memory_space<semaphore_mem>> -> memref<1x!tpu.dma_semaphore, #tpu.memory_space<semaphore_mem>>
    %dma_wait3A_284 = tpu.memref_squeeze %dma_wait3A_283 : memref<1x!tpu.dma_semaphore, #tpu.memory_space<semaphore_mem>> -> memref<!tpu.dma_semaphore, #tpu.memory_space<semaphore_mem>>
    %dma_wait3A_285 = arith.constant 0 : i32
    %dma_wait3A_286 = tpu.memref_slice %arg3[%add3A_274, %dma_wait3A_285] : memref<100000x512xf32, #tpu.memory_space<hbm>> -> memref<80x512xf32, #tpu.memory_space<hbm>>
    %dma_wait3A_287 = arith.constant 0 : i32
    %dma_wait3A_288 = arith.constant 0 : i32
    %dma_wait3A_289 = tpu.memref_slice %arg4[%dma_wait3A_275, %dma_wait3A_287, %dma_wait3A_288] : memref<3x80x512xf32, #tpu.memory_space<vmem>> -> memref<1x80x512xf32, #tpu.memory_space<vmem>>
    %dma_wait3A_290 = tpu.memref_squeeze %dma_wait3A_289 : memref<1x80x512xf32, #tpu.memory_space<vmem>> -> memref<80x512xf32, #tpu.memory_space<vmem>>
    tpu.wait_dma2 semaphore(%dma_wait3A_284 : memref<!tpu.dma_semaphore, #tpu.memory_space<semaphore_mem>>) src(%dma_wait3A_290 : memref<80x512xf32, #tpu.memory_space<vmem>>) dst(%dma_wait3A_286 : memref<80x512xf32, #tpu.memory_space<hbm>>)
    %add3A_291 = arith.constant 400 : i32
    %add3A_292 = arith.addi %mul3A_2, %add3A_291 : i32
    %dma_start3A_293 = arith.constant 2 : i32
    %dma_start3A_294 = arith.constant 2 : i32
    %dma_start3A_295 = arith.constant 0 : i32
    %dma_start3A_296 = arith.constant 0 : i32
    %dma_start3A_297 = tpu.memref_slice %arg4[%dma_start3A_293, %dma_start3A_295, %dma_start3A_296] : memref<3x80x512xf32, #tpu.memory_space<vmem>> -> memref<1x80x512xf32, #tpu.memory_space<vmem>>
    %dma_start3A_298 = tpu.memref_squeeze %dma_start3A_297 : memref<1x80x512xf32, #tpu.memory_space<vmem>> -> memref<80x512xf32, #tpu.memory_space<vmem>>
    %dma_start3A_299 = arith.constant 0 : i32
    %dma_start3A_300 = tpu.memref_slice %arg2[%add3A_292, %dma_start3A_299] : memref<100000x512xf32, #tpu.memory_space<hbm>> -> memref<80x512xf32, #tpu.memory_space<hbm>>
    %dma_start3A_301 = tpu.memref_slice %arg5[%dma_start3A_294] : memref<3x!tpu.dma_semaphore, #tpu.memory_space<semaphore_mem>> -> memref<1x!tpu.dma_semaphore, #tpu.memory_space<semaphore_mem>>
    %dma_start3A_302 = tpu.memref_squeeze %dma_start3A_301 : memref<1x!tpu.dma_semaphore, #tpu.memory_space<semaphore_mem>> -> memref<!tpu.dma_semaphore, #tpu.memory_space<semaphore_mem>>
    %dma_start3A_303 = arith.constant 0 : i32
    %dma_start3A_304 = arith.constant 0 : i32
    %dma_start3A_305 = tpu.memref_slice %arg4[%dma_start3A_293, %dma_start3A_303, %dma_start3A_304] : memref<3x80x512xf32, #tpu.memory_space<vmem>> -> memref<1x80x512xf32, #tpu.memory_space<vmem>>
    %dma_start3A_306 = tpu.memref_squeeze %dma_start3A_305 : memref<1x80x512xf32, #tpu.memory_space<vmem>> -> memref<80x512xf32, #tpu.memory_space<vmem>>
    %dma_start3A_307 = arith.constant 0 : i32
    %dma_start3A_308 = tpu.memref_slice %arg2[%add3A_292, %dma_start3A_307] : memref<100000x512xf32, #tpu.memory_space<hbm>> -> memref<80x512xf32, #tpu.memory_space<hbm>>
    tpu.enqueue_dma source(%dma_start3A_308 : memref<80x512xf32, #tpu.memory_space<hbm>>) target(%dma_start3A_306 : memref<80x512xf32, #tpu.memory_space<vmem>>) target_semaphore(%dma_start3A_302 : memref<!tpu.dma_semaphore, #tpu.memory_space<semaphore_mem>>)
    %add3A_309 = arith.constant 320 : i32
    %add3A_310 = arith.addi %mul3A_2, %add3A_309 : i32
    %dma_wait3A_311 = arith.constant 1 : i32
    %dma_wait3A_312 = arith.constant 1 : i32
    %dma_wait3A_313 = arith.constant 0 : i32
    %dma_wait3A_314 = arith.constant 0 : i32
    %dma_wait3A_315 = tpu.memref_slice %arg4[%dma_wait3A_311, %dma_wait3A_313, %dma_wait3A_314] : memref<3x80x512xf32, #tpu.memory_space<vmem>> -> memref<1x80x512xf32, #tpu.memory_space<vmem>>
    %dma_wait3A_316 = tpu.memref_squeeze %dma_wait3A_315 : memref<1x80x512xf32, #tpu.memory_space<vmem>> -> memref<80x512xf32, #tpu.memory_space<vmem>>
    %dma_wait3A_317 = arith.constant 0 : i32
    %dma_wait3A_318 = tpu.memref_slice %arg2[%add3A_310, %dma_wait3A_317] : memref<100000x512xf32, #tpu.memory_space<hbm>> -> memref<80x512xf32, #tpu.memory_space<hbm>>
    %dma_wait3A_319 = tpu.memref_slice %arg5[%dma_wait3A_312] : memref<3x!tpu.dma_semaphore, #tpu.memory_space<semaphore_mem>> -> memref<1x!tpu.dma_semaphore, #tpu.memory_space<semaphore_mem>>
    %dma_wait3A_320 = tpu.memref_squeeze %dma_wait3A_319 : memref<1x!tpu.dma_semaphore, #tpu.memory_space<semaphore_mem>> -> memref<!tpu.dma_semaphore, #tpu.memory_space<semaphore_mem>>
    %dma_wait3A_321 = arith.constant 0 : i32
    %dma_wait3A_322 = arith.constant 0 : i32
    %dma_wait3A_323 = tpu.memref_slice %arg4[%dma_wait3A_311, %dma_wait3A_321, %dma_wait3A_322] : memref<3x80x512xf32, #tpu.memory_space<vmem>> -> memref<1x80x512xf32, #tpu.memory_space<vmem>>
    %dma_wait3A_324 = tpu.memref_squeeze %dma_wait3A_323 : memref<1x80x512xf32, #tpu.memory_space<vmem>> -> memref<80x512xf32, #tpu.memory_space<vmem>>
    %dma_wait3A_325 = arith.constant 0 : i32
    %dma_wait3A_326 = tpu.memref_slice %arg2[%add3A_310, %dma_wait3A_325] : memref<100000x512xf32, #tpu.memory_space<hbm>> -> memref<80x512xf32, #tpu.memory_space<hbm>>
    tpu.wait_dma2 semaphore(%dma_wait3A_320 : memref<!tpu.dma_semaphore, #tpu.memory_space<semaphore_mem>>) src(%dma_wait3A_326 : memref<80x512xf32, #tpu.memory_space<hbm>>) dst(%dma_wait3A_324 : memref<80x512xf32, #tpu.memory_space<vmem>>)
    %add3A_327 = arith.constant 320 : i32
    %add3A_328 = arith.addi %mul3A_2, %add3A_327 : i32
    %dma_start3A_329 = arith.constant 1 : i32
    %dma_start3A_330 = arith.constant 1 : i32
    %dma_start3A_331 = arith.constant 0 : i32
    %dma_start3A_332 = arith.constant 0 : i32
    %dma_start3A_333 = tpu.memref_slice %arg4[%dma_start3A_329, %dma_start3A_331, %dma_start3A_332] : memref<3x80x512xf32, #tpu.memory_space<vmem>> -> memref<1x80x512xf32, #tpu.memory_space<vmem>>
    %dma_start3A_334 = tpu.memref_squeeze %dma_start3A_333 : memref<1x80x512xf32, #tpu.memory_space<vmem>> -> memref<80x512xf32, #tpu.memory_space<vmem>>
    %dma_start3A_335 = arith.constant 0 : i32
    %dma_start3A_336 = tpu.memref_slice %arg3[%add3A_328, %dma_start3A_335] : memref<100000x512xf32, #tpu.memory_space<hbm>> -> memref<80x512xf32, #tpu.memory_space<hbm>>
    %dma_start3A_337 = tpu.memref_slice %arg6[%dma_start3A_330] : memref<3x!tpu.dma_semaphore, #tpu.memory_space<semaphore_mem>> -> memref<1x!tpu.dma_semaphore, #tpu.memory_space<semaphore_mem>>
    %dma_start3A_338 = tpu.memref_squeeze %dma_start3A_337 : memref<1x!tpu.dma_semaphore, #tpu.memory_space<semaphore_mem>> -> memref<!tpu.dma_semaphore, #tpu.memory_space<semaphore_mem>>
    %dma_start3A_339 = arith.constant 0 : i32
    %dma_start3A_340 = tpu.memref_slice %arg3[%add3A_328, %dma_start3A_339] : memref<100000x512xf32, #tpu.memory_space<hbm>> -> memref<80x512xf32, #tpu.memory_space<hbm>>
    %dma_start3A_341 = arith.constant 0 : i32
    %dma_start3A_342 = arith.constant 0 : i32
    %dma_start3A_343 = tpu.memref_slice %arg4[%dma_start3A_329, %dma_start3A_341, %dma_start3A_342] : memref<3x80x512xf32, #tpu.memory_space<vmem>> -> memref<1x80x512xf32, #tpu.memory_space<vmem>>
    %dma_start3A_344 = tpu.memref_squeeze %dma_start3A_343 : memref<1x80x512xf32, #tpu.memory_space<vmem>> -> memref<80x512xf32, #tpu.memory_space<vmem>>
    tpu.enqueue_dma source(%dma_start3A_344 : memref<80x512xf32, #tpu.memory_space<vmem>>) target(%dma_start3A_340 : memref<80x512xf32, #tpu.memory_space<hbm>>) target_semaphore(%dma_start3A_338 : memref<!tpu.dma_semaphore, #tpu.memory_space<semaphore_mem>>)
    %add3A_345 = arith.constant 240 : i32
    %add3A_346 = arith.addi %mul3A_2, %add3A_345 : i32
    %dma_wait3A_347 = arith.constant 0 : i32
    %dma_wait3A_348 = arith.constant 0 : i32
    %dma_wait3A_349 = arith.constant 0 : i32
    %dma_wait3A_350 = arith.constant 0 : i32
    %dma_wait3A_351 = tpu.memref_slice %arg4[%dma_wait3A_347, %dma_wait3A_349, %dma_wait3A_350] : memref<3x80x512xf32, #tpu.memory_space<vmem>> -> memref<1x80x512xf32, #tpu.memory_space<vmem>>
    %dma_wait3A_352 = tpu.memref_squeeze %dma_wait3A_351 : memref<1x80x512xf32, #tpu.memory_space<vmem>> -> memref<80x512xf32, #tpu.memory_space<vmem>>
    %dma_wait3A_353 = arith.constant 0 : i32
    %dma_wait3A_354 = tpu.memref_slice %arg3[%add3A_346, %dma_wait3A_353] : memref<100000x512xf32, #tpu.memory_space<hbm>> -> memref<80x512xf32, #tpu.memory_space<hbm>>
    %dma_wait3A_355 = tpu.memref_slice %arg6[%dma_wait3A_348] : memref<3x!tpu.dma_semaphore, #tpu.memory_space<semaphore_mem>> -> memref<1x!tpu.dma_semaphore, #tpu.memory_space<semaphore_mem>>
    %dma_wait3A_356 = tpu.memref_squeeze %dma_wait3A_355 : memref<1x!tpu.dma_semaphore, #tpu.memory_space<semaphore_mem>> -> memref<!tpu.dma_semaphore, #tpu.memory_space<semaphore_mem>>
    %dma_wait3A_357 = arith.constant 0 : i32
    %dma_wait3A_358 = tpu.memref_slice %arg3[%add3A_346, %dma_wait3A_357] : memref<100000x512xf32, #tpu.memory_space<hbm>> -> memref<80x512xf32, #tpu.memory_space<hbm>>
    %dma_wait3A_359 = arith.constant 0 : i32
    %dma_wait3A_360 = arith.constant 0 : i32
    %dma_wait3A_361 = tpu.memref_slice %arg4[%dma_wait3A_347, %dma_wait3A_359, %dma_wait3A_360] : memref<3x80x512xf32, #tpu.memory_space<vmem>> -> memref<1x80x512xf32, #tpu.memory_space<vmem>>
    %dma_wait3A_362 = tpu.memref_squeeze %dma_wait3A_361 : memref<1x80x512xf32, #tpu.memory_space<vmem>> -> memref<80x512xf32, #tpu.memory_space<vmem>>
    tpu.wait_dma2 semaphore(%dma_wait3A_356 : memref<!tpu.dma_semaphore, #tpu.memory_space<semaphore_mem>>) src(%dma_wait3A_362 : memref<80x512xf32, #tpu.memory_space<vmem>>) dst(%dma_wait3A_358 : memref<80x512xf32, #tpu.memory_space<hbm>>)
    %add3A_363 = arith.constant 480 : i32
    %add3A_364 = arith.addi %mul3A_2, %add3A_363 : i32
    %dma_start3A_365 = arith.constant 0 : i32
    %dma_start3A_366 = arith.constant 0 : i32
    %dma_start3A_367 = arith.constant 0 : i32
    %dma_start3A_368 = arith.constant 0 : i32
    %dma_start3A_369 = tpu.memref_slice %arg4[%dma_start3A_365, %dma_start3A_367, %dma_start3A_368] : memref<3x80x512xf32, #tpu.memory_space<vmem>> -> memref<1x80x512xf32, #tpu.memory_space<vmem>>
    %dma_start3A_370 = tpu.memref_squeeze %dma_start3A_369 : memref<1x80x512xf32, #tpu.memory_space<vmem>> -> memref<80x512xf32, #tpu.memory_space<vmem>>
    %dma_start3A_371 = arith.constant 0 : i32
    %dma_start3A_372 = tpu.memref_slice %arg2[%add3A_364, %dma_start3A_371] : memref<100000x512xf32, #tpu.memory_space<hbm>> -> memref<80x512xf32, #tpu.memory_space<hbm>>
    %dma_start3A_373 = tpu.memref_slice %arg5[%dma_start3A_366] : memref<3x!tpu.dma_semaphore, #tpu.memory_space<semaphore_mem>> -> memref<1x!tpu.dma_semaphore, #tpu.memory_space<semaphore_mem>>
    %dma_start3A_374 = tpu.memref_squeeze %dma_start3A_373 : memref<1x!tpu.dma_semaphore, #tpu.memory_space<semaphore_mem>> -> memref<!tpu.dma_semaphore, #tpu.memory_space<semaphore_mem>>
    %dma_start3A_375 = arith.constant 0 : i32
    %dma_start3A_376 = arith.constant 0 : i32
    %dma_start3A_377 = tpu.memref_slice %arg4[%dma_start3A_365, %dma_start3A_375, %dma_start3A_376] : memref<3x80x512xf32, #tpu.memory_space<vmem>> -> memref<1x80x512xf32, #tpu.memory_space<vmem>>
    %dma_start3A_378 = tpu.memref_squeeze %dma_start3A_377 : memref<1x80x512xf32, #tpu.memory_space<vmem>> -> memref<80x512xf32, #tpu.memory_space<vmem>>
    %dma_start3A_379 = arith.constant 0 : i32
    %dma_start3A_380 = tpu.memref_slice %arg2[%add3A_364, %dma_start3A_379] : memref<100000x512xf32, #tpu.memory_space<hbm>> -> memref<80x512xf32, #tpu.memory_space<hbm>>
    tpu.enqueue_dma source(%dma_start3A_380 : memref<80x512xf32, #tpu.memory_space<hbm>>) target(%dma_start3A_378 : memref<80x512xf32, #tpu.memory_space<vmem>>) target_semaphore(%dma_start3A_374 : memref<!tpu.dma_semaphore, #tpu.memory_space<semaphore_mem>>)
    %add3A_381 = arith.constant 400 : i32
    %add3A_382 = arith.addi %mul3A_2, %add3A_381 : i32
    %dma_wait3A_383 = arith.constant 2 : i32
    %dma_wait3A_384 = arith.constant 2 : i32
    %dma_wait3A_385 = arith.constant 0 : i32
    %dma_wait3A_386 = arith.constant 0 : i32
    %dma_wait3A_387 = tpu.memref_slice %arg4[%dma_wait3A_383, %dma_wait3A_385, %dma_wait3A_386] : memref<3x80x512xf32, #tpu.memory_space<vmem>> -> memref<1x80x512xf32, #tpu.memory_space<vmem>>
    %dma_wait3A_388 = tpu.memref_squeeze %dma_wait3A_387 : memref<1x80x512xf32, #tpu.memory_space<vmem>> -> memref<80x512xf32, #tpu.memory_space<vmem>>
    %dma_wait3A_389 = arith.constant 0 : i32
    %dma_wait3A_390 = tpu.memref_slice %arg2[%add3A_382, %dma_wait3A_389] : memref<100000x512xf32, #tpu.memory_space<hbm>> -> memref<80x512xf32, #tpu.memory_space<hbm>>
    %dma_wait3A_391 = tpu.memref_slice %arg5[%dma_wait3A_384] : memref<3x!tpu.dma_semaphore, #tpu.memory_space<semaphore_mem>> -> memref<1x!tpu.dma_semaphore, #tpu.memory_space<semaphore_mem>>
    %dma_wait3A_392 = tpu.memref_squeeze %dma_wait3A_391 : memref<1x!tpu.dma_semaphore, #tpu.memory_space<semaphore_mem>> -> memref<!tpu.dma_semaphore, #tpu.memory_space<semaphore_mem>>
    %dma_wait3A_393 = arith.constant 0 : i32
    %dma_wait3A_394 = arith.constant 0 : i32
    %dma_wait3A_395 = tpu.memref_slice %arg4[%dma_wait3A_383, %dma_wait3A_393, %dma_wait3A_394] : memref<3x80x512xf32, #tpu.memory_space<vmem>> -> memref<1x80x512xf32, #tpu.memory_space<vmem>>
    %dma_wait3A_396 = tpu.memref_squeeze %dma_wait3A_395 : memref<1x80x512xf32, #tpu.memory_space<vmem>> -> memref<80x512xf32, #tpu.memory_space<vmem>>
    %dma_wait3A_397 = arith.constant 0 : i32
    %dma_wait3A_398 = tpu.memref_slice %arg2[%add3A_382, %dma_wait3A_397] : memref<100000x512xf32, #tpu.memory_space<hbm>> -> memref<80x512xf32, #tpu.memory_space<hbm>>
    tpu.wait_dma2 semaphore(%dma_wait3A_392 : memref<!tpu.dma_semaphore, #tpu.memory_space<semaphore_mem>>) src(%dma_wait3A_398 : memref<80x512xf32, #tpu.memory_space<hbm>>) dst(%dma_wait3A_396 : memref<80x512xf32, #tpu.memory_space<vmem>>)
    %add3A_399 = arith.constant 400 : i32
    %add3A_400 = arith.addi %mul3A_2, %add3A_399 : i32
    %dma_start3A_401 = arith.constant 2 : i32
    %dma_start3A_402 = arith.constant 2 : i32
    %dma_start3A_403 = arith.constant 0 : i32
    %dma_start3A_404 = arith.constant 0 : i32
    %dma_start3A_405 = tpu.memref_slice %arg4[%dma_start3A_401, %dma_start3A_403, %dma_start3A_404] : memref<3x80x512xf32, #tpu.memory_space<vmem>> -> memref<1x80x512xf32, #tpu.memory_space<vmem>>
    %dma_start3A_406 = tpu.memref_squeeze %dma_start3A_405 : memref<1x80x512xf32, #tpu.memory_space<vmem>> -> memref<80x512xf32, #tpu.memory_space<vmem>>
    %dma_start3A_407 = arith.constant 0 : i32
    %dma_start3A_408 = tpu.memref_slice %arg3[%add3A_400, %dma_start3A_407] : memref<100000x512xf32, #tpu.memory_space<hbm>> -> memref<80x512xf32, #tpu.memory_space<hbm>>
    %dma_start3A_409 = tpu.memref_slice %arg6[%dma_start3A_402] : memref<3x!tpu.dma_semaphore, #tpu.memory_space<semaphore_mem>> -> memref<1x!tpu.dma_semaphore, #tpu.memory_space<semaphore_mem>>
    %dma_start3A_410 = tpu.memref_squeeze %dma_start3A_409 : memref<1x!tpu.dma_semaphore, #tpu.memory_space<semaphore_mem>> -> memref<!tpu.dma_semaphore, #tpu.memory_space<semaphore_mem>>
    %dma_start3A_411 = arith.constant 0 : i32
    %dma_start3A_412 = tpu.memref_slice %arg3[%add3A_400, %dma_start3A_411] : memref<100000x512xf32, #tpu.memory_space<hbm>> -> memref<80x512xf32, #tpu.memory_space<hbm>>
    %dma_start3A_413 = arith.constant 0 : i32
    %dma_start3A_414 = arith.constant 0 : i32
    %dma_start3A_415 = tpu.memref_slice %arg4[%dma_start3A_401, %dma_start3A_413, %dma_start3A_414] : memref<3x80x512xf32, #tpu.memory_space<vmem>> -> memref<1x80x512xf32, #tpu.memory_space<vmem>>
    %dma_start3A_416 = tpu.memref_squeeze %dma_start3A_415 : memref<1x80x512xf32, #tpu.memory_space<vmem>> -> memref<80x512xf32, #tpu.memory_space<vmem>>
    tpu.enqueue_dma source(%dma_start3A_416 : memref<80x512xf32, #tpu.memory_space<vmem>>) target(%dma_start3A_412 : memref<80x512xf32, #tpu.memory_space<hbm>>) target_semaphore(%dma_start3A_410 : memref<!tpu.dma_semaphore, #tpu.memory_space<semaphore_mem>>)
    %add3A_417 = arith.constant 320 : i32
    %add3A_418 = arith.addi %mul3A_2, %add3A_417 : i32
    %dma_wait3A_419 = arith.constant 1 : i32
    %dma_wait3A_420 = arith.constant 1 : i32
    %dma_wait3A_421 = arith.constant 0 : i32
    %dma_wait3A_422 = arith.constant 0 : i32
    %dma_wait3A_423 = tpu.memref_slice %arg4[%dma_wait3A_419, %dma_wait3A_421, %dma_wait3A_422] : memref<3x80x512xf32, #tpu.memory_space<vmem>> -> memref<1x80x512xf32, #tpu.memory_space<vmem>>
    %dma_wait3A_424 = tpu.memref_squeeze %dma_wait3A_423 : memref<1x80x512xf32, #tpu.memory_space<vmem>> -> memref<80x512xf32, #tpu.memory_space<vmem>>
    %dma_wait3A_425 = arith.constant 0 : i32
    %dma_wait3A_426 = tpu.memref_slice %arg3[%add3A_418, %dma_wait3A_425] : memref<100000x512xf32, #tpu.memory_space<hbm>> -> memref<80x512xf32, #tpu.memory_space<hbm>>
    %dma_wait3A_427 = tpu.memref_slice %arg6[%dma_wait3A_420] : memref<3x!tpu.dma_semaphore, #tpu.memory_space<semaphore_mem>> -> memref<1x!tpu.dma_semaphore, #tpu.memory_space<semaphore_mem>>
    %dma_wait3A_428 = tpu.memref_squeeze %dma_wait3A_427 : memref<1x!tpu.dma_semaphore, #tpu.memory_space<semaphore_mem>> -> memref<!tpu.dma_semaphore, #tpu.memory_space<semaphore_mem>>
    %dma_wait3A_429 = arith.constant 0 : i32
    %dma_wait3A_430 = tpu.memref_slice %arg3[%add3A_418, %dma_wait3A_429] : memref<100000x512xf32, #tpu.memory_space<hbm>> -> memref<80x512xf32, #tpu.memory_space<hbm>>
    %dma_wait3A_431 = arith.constant 0 : i32
    %dma_wait3A_432 = arith.constant 0 : i32
    %dma_wait3A_433 = tpu.memref_slice %arg4[%dma_wait3A_419, %dma_wait3A_431, %dma_wait3A_432] : memref<3x80x512xf32, #tpu.memory_space<vmem>> -> memref<1x80x512xf32, #tpu.memory_space<vmem>>
    %dma_wait3A_434 = tpu.memref_squeeze %dma_wait3A_433 : memref<1x80x512xf32, #tpu.memory_space<vmem>> -> memref<80x512xf32, #tpu.memory_space<vmem>>
    tpu.wait_dma2 semaphore(%dma_wait3A_428 : memref<!tpu.dma_semaphore, #tpu.memory_space<semaphore_mem>>) src(%dma_wait3A_434 : memref<80x512xf32, #tpu.memory_space<vmem>>) dst(%dma_wait3A_430 : memref<80x512xf32, #tpu.memory_space<hbm>>)
    %add3A_435 = arith.constant 560 : i32
    %add3A_436 = arith.addi %mul3A_2, %add3A_435 : i32
    %dma_start3A_437 = arith.constant 1 : i32
    %dma_start3A_438 = arith.constant 1 : i32
    %dma_start3A_439 = arith.constant 0 : i32
    %dma_start3A_440 = arith.constant 0 : i32
    %dma_start3A_441 = tpu.memref_slice %arg4[%dma_start3A_437, %dma_start3A_439, %dma_start3A_440] : memref<3x80x512xf32, #tpu.memory_space<vmem>> -> memref<1x80x512xf32, #tpu.memory_space<vmem>>
    %dma_start3A_442 = tpu.memref_squeeze %dma_start3A_441 : memref<1x80x512xf32, #tpu.memory_space<vmem>> -> memref<80x512xf32, #tpu.memory_space<vmem>>
    %dma_start3A_443 = arith.constant 0 : i32
    %dma_start3A_444 = tpu.memref_slice %arg2[%add3A_436, %dma_start3A_443] : memref<100000x512xf32, #tpu.memory_space<hbm>> -> memref<80x512xf32, #tpu.memory_space<hbm>>
    %dma_start3A_445 = tpu.memref_slice %arg5[%dma_start3A_438] : memref<3x!tpu.dma_semaphore, #tpu.memory_space<semaphore_mem>> -> memref<1x!tpu.dma_semaphore, #tpu.memory_space<semaphore_mem>>
    %dma_start3A_446 = tpu.memref_squeeze %dma_start3A_445 : memref<1x!tpu.dma_semaphore, #tpu.memory_space<semaphore_mem>> -> memref<!tpu.dma_semaphore, #tpu.memory_space<semaphore_mem>>
    %dma_start3A_447 = arith.constant 0 : i32
    %dma_start3A_448 = arith.constant 0 : i32
    %dma_start3A_449 = tpu.memref_slice %arg4[%dma_start3A_437, %dma_start3A_447, %dma_start3A_448] : memref<3x80x512xf32, #tpu.memory_space<vmem>> -> memref<1x80x512xf32, #tpu.memory_space<vmem>>
    %dma_start3A_450 = tpu.memref_squeeze %dma_start3A_449 : memref<1x80x512xf32, #tpu.memory_space<vmem>> -> memref<80x512xf32, #tpu.memory_space<vmem>>
    %dma_start3A_451 = arith.constant 0 : i32
    %dma_start3A_452 = tpu.memref_slice %arg2[%add3A_436, %dma_start3A_451] : memref<100000x512xf32, #tpu.memory_space<hbm>> -> memref<80x512xf32, #tpu.memory_space<hbm>>
    tpu.enqueue_dma source(%dma_start3A_452 : memref<80x512xf32, #tpu.memory_space<hbm>>) target(%dma_start3A_450 : memref<80x512xf32, #tpu.memory_space<vmem>>) target_semaphore(%dma_start3A_446 : memref<!tpu.dma_semaphore, #tpu.memory_space<semaphore_mem>>)
    %add3A_453 = arith.constant 480 : i32
    %add3A_454 = arith.addi %mul3A_2, %add3A_453 : i32
    %dma_wait3A_455 = arith.constant 0 : i32
    %dma_wait3A_456 = arith.constant 0 : i32
    %dma_wait3A_457 = arith.constant 0 : i32
    %dma_wait3A_458 = arith.constant 0 : i32
    %dma_wait3A_459 = tpu.memref_slice %arg4[%dma_wait3A_455, %dma_wait3A_457, %dma_wait3A_458] : memref<3x80x512xf32, #tpu.memory_space<vmem>> -> memref<1x80x512xf32, #tpu.memory_space<vmem>>
    %dma_wait3A_460 = tpu.memref_squeeze %dma_wait3A_459 : memref<1x80x512xf32, #tpu.memory_space<vmem>> -> memref<80x512xf32, #tpu.memory_space<vmem>>
    %dma_wait3A_461 = arith.constant 0 : i32
    %dma_wait3A_462 = tpu.memref_slice %arg2[%add3A_454, %dma_wait3A_461] : memref<100000x512xf32, #tpu.memory_space<hbm>> -> memref<80x512xf32, #tpu.memory_space<hbm>>
    %dma_wait3A_463 = tpu.memref_slice %arg5[%dma_wait3A_456] : memref<3x!tpu.dma_semaphore, #tpu.memory_space<semaphore_mem>> -> memref<1x!tpu.dma_semaphore, #tpu.memory_space<semaphore_mem>>
    %dma_wait3A_464 = tpu.memref_squeeze %dma_wait3A_463 : memref<1x!tpu.dma_semaphore, #tpu.memory_space<semaphore_mem>> -> memref<!tpu.dma_semaphore, #tpu.memory_space<semaphore_mem>>
    %dma_wait3A_465 = arith.constant 0 : i32
    %dma_wait3A_466 = arith.constant 0 : i32
    %dma_wait3A_467 = tpu.memref_slice %arg4[%dma_wait3A_455, %dma_wait3A_465, %dma_wait3A_466] : memref<3x80x512xf32, #tpu.memory_space<vmem>> -> memref<1x80x512xf32, #tpu.memory_space<vmem>>
    %dma_wait3A_468 = tpu.memref_squeeze %dma_wait3A_467 : memref<1x80x512xf32, #tpu.memory_space<vmem>> -> memref<80x512xf32, #tpu.memory_space<vmem>>
    %dma_wait3A_469 = arith.constant 0 : i32
    %dma_wait3A_470 = tpu.memref_slice %arg2[%add3A_454, %dma_wait3A_469] : memref<100000x512xf32, #tpu.memory_space<hbm>> -> memref<80x512xf32, #tpu.memory_space<hbm>>
    tpu.wait_dma2 semaphore(%dma_wait3A_464 : memref<!tpu.dma_semaphore, #tpu.memory_space<semaphore_mem>>) src(%dma_wait3A_470 : memref<80x512xf32, #tpu.memory_space<hbm>>) dst(%dma_wait3A_468 : memref<80x512xf32, #tpu.memory_space<vmem>>)
    %add3A_471 = arith.constant 480 : i32
    %add3A_472 = arith.addi %mul3A_2, %add3A_471 : i32
    %dma_start3A_473 = arith.constant 0 : i32
    %dma_start3A_474 = arith.constant 0 : i32
    %dma_start3A_475 = arith.constant 0 : i32
    %dma_start3A_476 = arith.constant 0 : i32
    %dma_start3A_477 = tpu.memref_slice %arg4[%dma_start3A_473, %dma_start3A_475, %dma_start3A_476] : memref<3x80x512xf32, #tpu.memory_space<vmem>> -> memref<1x80x512xf32, #tpu.memory_space<vmem>>
    %dma_start3A_478 = tpu.memref_squeeze %dma_start3A_477 : memref<1x80x512xf32, #tpu.memory_space<vmem>> -> memref<80x512xf32, #tpu.memory_space<vmem>>
    %dma_start3A_479 = arith.constant 0 : i32
    %dma_start3A_480 = tpu.memref_slice %arg3[%add3A_472, %dma_start3A_479] : memref<100000x512xf32, #tpu.memory_space<hbm>> -> memref<80x512xf32, #tpu.memory_space<hbm>>
    %dma_start3A_481 = tpu.memref_slice %arg6[%dma_start3A_474] : memref<3x!tpu.dma_semaphore, #tpu.memory_space<semaphore_mem>> -> memref<1x!tpu.dma_semaphore, #tpu.memory_space<semaphore_mem>>
    %dma_start3A_482 = tpu.memref_squeeze %dma_start3A_481 : memref<1x!tpu.dma_semaphore, #tpu.memory_space<semaphore_mem>> -> memref<!tpu.dma_semaphore, #tpu.memory_space<semaphore_mem>>
    %dma_start3A_483 = arith.constant 0 : i32
    %dma_start3A_484 = tpu.memref_slice %arg3[%add3A_472, %dma_start3A_483] : memref<100000x512xf32, #tpu.memory_space<hbm>> -> memref<80x512xf32, #tpu.memory_space<hbm>>
    %dma_start3A_485 = arith.constant 0 : i32
    %dma_start3A_486 = arith.constant 0 : i32
    %dma_start3A_487 = tpu.memref_slice %arg4[%dma_start3A_473, %dma_start3A_485, %dma_start3A_486] : memref<3x80x512xf32, #tpu.memory_space<vmem>> -> memref<1x80x512xf32, #tpu.memory_space<vmem>>
    %dma_start3A_488 = tpu.memref_squeeze %dma_start3A_487 : memref<1x80x512xf32, #tpu.memory_space<vmem>> -> memref<80x512xf32, #tpu.memory_space<vmem>>
    tpu.enqueue_dma source(%dma_start3A_488 : memref<80x512xf32, #tpu.memory_space<vmem>>) target(%dma_start3A_484 : memref<80x512xf32, #tpu.memory_space<hbm>>) target_semaphore(%dma_start3A_482 : memref<!tpu.dma_semaphore, #tpu.memory_space<semaphore_mem>>)
    %add3A_489 = arith.constant 400 : i32
    %add3A_490 = arith.addi %mul3A_2, %add3A_489 : i32
    %dma_wait3A_491 = arith.constant 2 : i32
    %dma_wait3A_492 = arith.constant 2 : i32
    %dma_wait3A_493 = arith.constant 0 : i32
    %dma_wait3A_494 = arith.constant 0 : i32
    %dma_wait3A_495 = tpu.memref_slice %arg4[%dma_wait3A_491, %dma_wait3A_493, %dma_wait3A_494] : memref<3x80x512xf32, #tpu.memory_space<vmem>> -> memref<1x80x512xf32, #tpu.memory_space<vmem>>
    %dma_wait3A_496 = tpu.memref_squeeze %dma_wait3A_495 : memref<1x80x512xf32, #tpu.memory_space<vmem>> -> memref<80x512xf32, #tpu.memory_space<vmem>>
    %dma_wait3A_497 = arith.constant 0 : i32
    %dma_wait3A_498 = tpu.memref_slice %arg3[%add3A_490, %dma_wait3A_497] : memref<100000x512xf32, #tpu.memory_space<hbm>> -> memref<80x512xf32, #tpu.memory_space<hbm>>
    %dma_wait3A_499 = tpu.memref_slice %arg6[%dma_wait3A_492] : memref<3x!tpu.dma_semaphore, #tpu.memory_space<semaphore_mem>> -> memref<1x!tpu.dma_semaphore, #tpu.memory_space<semaphore_mem>>
    %dma_wait3A_500 = tpu.memref_squeeze %dma_wait3A_499 : memref<1x!tpu.dma_semaphore, #tpu.memory_space<semaphore_mem>> -> memref<!tpu.dma_semaphore, #tpu.memory_space<semaphore_mem>>
    %dma_wait3A_501 = arith.constant 0 : i32
    %dma_wait3A_502 = tpu.memref_slice %arg3[%add3A_490, %dma_wait3A_501] : memref<100000x512xf32, #tpu.memory_space<hbm>> -> memref<80x512xf32, #tpu.memory_space<hbm>>
    %dma_wait3A_503 = arith.constant 0 : i32
    %dma_wait3A_504 = arith.constant 0 : i32
    %dma_wait3A_505 = tpu.memref_slice %arg4[%dma_wait3A_491, %dma_wait3A_503, %dma_wait3A_504] : memref<3x80x512xf32, #tpu.memory_space<vmem>> -> memref<1x80x512xf32, #tpu.memory_space<vmem>>
    %dma_wait3A_506 = tpu.memref_squeeze %dma_wait3A_505 : memref<1x80x512xf32, #tpu.memory_space<vmem>> -> memref<80x512xf32, #tpu.memory_space<vmem>>
    tpu.wait_dma2 semaphore(%dma_wait3A_500 : memref<!tpu.dma_semaphore, #tpu.memory_space<semaphore_mem>>) src(%dma_wait3A_506 : memref<80x512xf32, #tpu.memory_space<vmem>>) dst(%dma_wait3A_502 : memref<80x512xf32, #tpu.memory_space<hbm>>)
    %add3A_507 = arith.constant 640 : i32
    %add3A_508 = arith.addi %mul3A_2, %add3A_507 : i32
    %dma_start3A_509 = arith.constant 2 : i32
    %dma_start3A_510 = arith.constant 2 : i32
    %dma_start3A_511 = arith.constant 0 : i32
    %dma_start3A_512 = arith.constant 0 : i32
    %dma_start3A_513 = tpu.memref_slice %arg4[%dma_start3A_509, %dma_start3A_511, %dma_start3A_512] : memref<3x80x512xf32, #tpu.memory_space<vmem>> -> memref<1x80x512xf32, #tpu.memory_space<vmem>>
    %dma_start3A_514 = tpu.memref_squeeze %dma_start3A_513 : memref<1x80x512xf32, #tpu.memory_space<vmem>> -> memref<80x512xf32, #tpu.memory_space<vmem>>
    %dma_start3A_515 = arith.constant 0 : i32
    %dma_start3A_516 = tpu.memref_slice %arg2[%add3A_508, %dma_start3A_515] : memref<100000x512xf32, #tpu.memory_space<hbm>> -> memref<80x512xf32, #tpu.memory_space<hbm>>
    %dma_start3A_517 = tpu.memref_slice %arg5[%dma_start3A_510] : memref<3x!tpu.dma_semaphore, #tpu.memory_space<semaphore_mem>> -> memref<1x!tpu.dma_semaphore, #tpu.memory_space<semaphore_mem>>
    %dma_start3A_518 = tpu.memref_squeeze %dma_start3A_517 : memref<1x!tpu.dma_semaphore, #tpu.memory_space<semaphore_mem>> -> memref<!tpu.dma_semaphore, #tpu.memory_space<semaphore_mem>>
    %dma_start3A_519 = arith.constant 0 : i32
    %dma_start3A_520 = arith.constant 0 : i32
    %dma_start3A_521 = tpu.memref_slice %arg4[%dma_start3A_509, %dma_start3A_519, %dma_start3A_520] : memref<3x80x512xf32, #tpu.memory_space<vmem>> -> memref<1x80x512xf32, #tpu.memory_space<vmem>>
    %dma_start3A_522 = tpu.memref_squeeze %dma_start3A_521 : memref<1x80x512xf32, #tpu.memory_space<vmem>> -> memref<80x512xf32, #tpu.memory_space<vmem>>
    %dma_start3A_523 = arith.constant 0 : i32
    %dma_start3A_524 = tpu.memref_slice %arg2[%add3A_508, %dma_start3A_523] : memref<100000x512xf32, #tpu.memory_space<hbm>> -> memref<80x512xf32, #tpu.memory_space<hbm>>
    tpu.enqueue_dma source(%dma_start3A_524 : memref<80x512xf32, #tpu.memory_space<hbm>>) target(%dma_start3A_522 : memref<80x512xf32, #tpu.memory_space<vmem>>) target_semaphore(%dma_start3A_518 : memref<!tpu.dma_semaphore, #tpu.memory_space<semaphore_mem>>)
    %add3A_525 = arith.constant 560 : i32
    %add3A_526 = arith.addi %mul3A_2, %add3A_525 : i32
    %dma_wait3A_527 = arith.constant 1 : i32
    %dma_wait3A_528 = arith.constant 1 : i32
    %dma_wait3A_529 = arith.constant 0 : i32
    %dma_wait3A_530 = arith.constant 0 : i32
    %dma_wait3A_531 = tpu.memref_slice %arg4[%dma_wait3A_527, %dma_wait3A_529, %dma_wait3A_530] : memref<3x80x512xf32, #tpu.memory_space<vmem>> -> memref<1x80x512xf32, #tpu.memory_space<vmem>>
    %dma_wait3A_532 = tpu.memref_squeeze %dma_wait3A_531 : memref<1x80x512xf32, #tpu.memory_space<vmem>> -> memref<80x512xf32, #tpu.memory_space<vmem>>
    %dma_wait3A_533 = arith.constant 0 : i32
    %dma_wait3A_534 = tpu.memref_slice %arg2[%add3A_526, %dma_wait3A_533] : memref<100000x512xf32, #tpu.memory_space<hbm>> -> memref<80x512xf32, #tpu.memory_space<hbm>>
    %dma_wait3A_535 = tpu.memref_slice %arg5[%dma_wait3A_528] : memref<3x!tpu.dma_semaphore, #tpu.memory_space<semaphore_mem>> -> memref<1x!tpu.dma_semaphore, #tpu.memory_space<semaphore_mem>>
    %dma_wait3A_536 = tpu.memref_squeeze %dma_wait3A_535 : memref<1x!tpu.dma_semaphore, #tpu.memory_space<semaphore_mem>> -> memref<!tpu.dma_semaphore, #tpu.memory_space<semaphore_mem>>
    %dma_wait3A_537 = arith.constant 0 : i32
    %dma_wait3A_538 = arith.constant 0 : i32
    %dma_wait3A_539 = tpu.memref_slice %arg4[%dma_wait3A_527, %dma_wait3A_537, %dma_wait3A_538] : memref<3x80x512xf32, #tpu.memory_space<vmem>> -> memref<1x80x512xf32, #tpu.memory_space<vmem>>
    %dma_wait3A_540 = tpu.memref_squeeze %dma_wait3A_539 : memref<1x80x512xf32, #tpu.memory_space<vmem>> -> memref<80x512xf32, #tpu.memory_space<vmem>>
    %dma_wait3A_541 = arith.constant 0 : i32
    %dma_wait3A_542 = tpu.memref_slice %arg2[%add3A_526, %dma_wait3A_541] : memref<100000x512xf32, #tpu.memory_space<hbm>> -> memref<80x512xf32, #tpu.memory_space<hbm>>
    tpu.wait_dma2 semaphore(%dma_wait3A_536 : memref<!tpu.dma_semaphore, #tpu.memory_space<semaphore_mem>>) src(%dma_wait3A_542 : memref<80x512xf32, #tpu.memory_space<hbm>>) dst(%dma_wait3A_540 : memref<80x512xf32, #tpu.memory_space<vmem>>)
    %add3A_543 = arith.constant 560 : i32
    %add3A_544 = arith.addi %mul3A_2, %add3A_543 : i32
    %dma_start3A_545 = arith.constant 1 : i32
    %dma_start3A_546 = arith.constant 1 : i32
    %dma_start3A_547 = arith.constant 0 : i32
    %dma_start3A_548 = arith.constant 0 : i32
    %dma_start3A_549 = tpu.memref_slice %arg4[%dma_start3A_545, %dma_start3A_547, %dma_start3A_548] : memref<3x80x512xf32, #tpu.memory_space<vmem>> -> memref<1x80x512xf32, #tpu.memory_space<vmem>>
    %dma_start3A_550 = tpu.memref_squeeze %dma_start3A_549 : memref<1x80x512xf32, #tpu.memory_space<vmem>> -> memref<80x512xf32, #tpu.memory_space<vmem>>
    %dma_start3A_551 = arith.constant 0 : i32
    %dma_start3A_552 = tpu.memref_slice %arg3[%add3A_544, %dma_start3A_551] : memref<100000x512xf32, #tpu.memory_space<hbm>> -> memref<80x512xf32, #tpu.memory_space<hbm>>
    %dma_start3A_553 = tpu.memref_slice %arg6[%dma_start3A_546] : memref<3x!tpu.dma_semaphore, #tpu.memory_space<semaphore_mem>> -> memref<1x!tpu.dma_semaphore, #tpu.memory_space<semaphore_mem>>
    %dma_start3A_554 = tpu.memref_squeeze %dma_start3A_553 : memref<1x!tpu.dma_semaphore, #tpu.memory_space<semaphore_mem>> -> memref<!tpu.dma_semaphore, #tpu.memory_space<semaphore_mem>>
    %dma_start3A_555 = arith.constant 0 : i32
    %dma_start3A_556 = tpu.memref_slice %arg3[%add3A_544, %dma_start3A_555] : memref<100000x512xf32, #tpu.memory_space<hbm>> -> memref<80x512xf32, #tpu.memory_space<hbm>>
    %dma_start3A_557 = arith.constant 0 : i32
    %dma_start3A_558 = arith.constant 0 : i32
    %dma_start3A_559 = tpu.memref_slice %arg4[%dma_start3A_545, %dma_start3A_557, %dma_start3A_558] : memref<3x80x512xf32, #tpu.memory_space<vmem>> -> memref<1x80x512xf32, #tpu.memory_space<vmem>>
    %dma_start3A_560 = tpu.memref_squeeze %dma_start3A_559 : memref<1x80x512xf32, #tpu.memory_space<vmem>> -> memref<80x512xf32, #tpu.memory_space<vmem>>
    tpu.enqueue_dma source(%dma_start3A_560 : memref<80x512xf32, #tpu.memory_space<vmem>>) target(%dma_start3A_556 : memref<80x512xf32, #tpu.memory_space<hbm>>) target_semaphore(%dma_start3A_554 : memref<!tpu.dma_semaphore, #tpu.memory_space<semaphore_mem>>)
    %add3A_561 = arith.constant 480 : i32
    %add3A_562 = arith.addi %mul3A_2, %add3A_561 : i32
    %dma_wait3A_563 = arith.constant 0 : i32
    %dma_wait3A_564 = arith.constant 0 : i32
    %dma_wait3A_565 = arith.constant 0 : i32
    %dma_wait3A_566 = arith.constant 0 : i32
    %dma_wait3A_567 = tpu.memref_slice %arg4[%dma_wait3A_563, %dma_wait3A_565, %dma_wait3A_566] : memref<3x80x512xf32, #tpu.memory_space<vmem>> -> memref<1x80x512xf32, #tpu.memory_space<vmem>>
    %dma_wait3A_568 = tpu.memref_squeeze %dma_wait3A_567 : memref<1x80x512xf32, #tpu.memory_space<vmem>> -> memref<80x512xf32, #tpu.memory_space<vmem>>
    %dma_wait3A_569 = arith.constant 0 : i32
    %dma_wait3A_570 = tpu.memref_slice %arg3[%add3A_562, %dma_wait3A_569] : memref<100000x512xf32, #tpu.memory_space<hbm>> -> memref<80x512xf32, #tpu.memory_space<hbm>>
    %dma_wait3A_571 = tpu.memref_slice %arg6[%dma_wait3A_564] : memref<3x!tpu.dma_semaphore, #tpu.memory_space<semaphore_mem>> -> memref<1x!tpu.dma_semaphore, #tpu.memory_space<semaphore_mem>>
    %dma_wait3A_572 = tpu.memref_squeeze %dma_wait3A_571 : memref<1x!tpu.dma_semaphore, #tpu.memory_space<semaphore_mem>> -> memref<!tpu.dma_semaphore, #tpu.memory_space<semaphore_mem>>
    %dma_wait3A_573 = arith.constant 0 : i32
    %dma_wait3A_574 = tpu.memref_slice %arg3[%add3A_562, %dma_wait3A_573] : memref<100000x512xf32, #tpu.memory_space<hbm>> -> memref<80x512xf32, #tpu.memory_space<hbm>>
    %dma_wait3A_575 = arith.constant 0 : i32
    %dma_wait3A_576 = arith.constant 0 : i32
    %dma_wait3A_577 = tpu.memref_slice %arg4[%dma_wait3A_563, %dma_wait3A_575, %dma_wait3A_576] : memref<3x80x512xf32, #tpu.memory_space<vmem>> -> memref<1x80x512xf32, #tpu.memory_space<vmem>>
    %dma_wait3A_578 = tpu.memref_squeeze %dma_wait3A_577 : memref<1x80x512xf32, #tpu.memory_space<vmem>> -> memref<80x512xf32, #tpu.memory_space<vmem>>
    tpu.wait_dma2 semaphore(%dma_wait3A_572 : memref<!tpu.dma_semaphore, #tpu.memory_space<semaphore_mem>>) src(%dma_wait3A_578 : memref<80x512xf32, #tpu.memory_space<vmem>>) dst(%dma_wait3A_574 : memref<80x512xf32, #tpu.memory_space<hbm>>)
    %add3A_579 = arith.constant 720 : i32
    %add3A_580 = arith.addi %mul3A_2, %add3A_579 : i32
    %dma_start3A_581 = arith.constant 0 : i32
    %dma_start3A_582 = arith.constant 0 : i32
    %dma_start3A_583 = arith.constant 0 : i32
    %dma_start3A_584 = arith.constant 0 : i32
    %dma_start3A_585 = tpu.memref_slice %arg4[%dma_start3A_581, %dma_start3A_583, %dma_start3A_584] : memref<3x80x512xf32, #tpu.memory_space<vmem>> -> memref<1x80x512xf32, #tpu.memory_space<vmem>>
    %dma_start3A_586 = tpu.memref_squeeze %dma_start3A_585 : memref<1x80x512xf32, #tpu.memory_space<vmem>> -> memref<80x512xf32, #tpu.memory_space<vmem>>
    %dma_start3A_587 = arith.constant 0 : i32
    %dma_start3A_588 = tpu.memref_slice %arg2[%add3A_580, %dma_start3A_587] : memref<100000x512xf32, #tpu.memory_space<hbm>> -> memref<80x512xf32, #tpu.memory_space<hbm>>
    %dma_start3A_589 = tpu.memref_slice %arg5[%dma_start3A_582] : memref<3x!tpu.dma_semaphore, #tpu.memory_space<semaphore_mem>> -> memref<1x!tpu.dma_semaphore, #tpu.memory_space<semaphore_mem>>
    %dma_start3A_590 = tpu.memref_squeeze %dma_start3A_589 : memref<1x!tpu.dma_semaphore, #tpu.memory_space<semaphore_mem>> -> memref<!tpu.dma_semaphore, #tpu.memory_space<semaphore_mem>>
    %dma_start3A_591 = arith.constant 0 : i32
    %dma_start3A_592 = arith.constant 0 : i32
    %dma_start3A_593 = tpu.memref_slice %arg4[%dma_start3A_581, %dma_start3A_591, %dma_start3A_592] : memref<3x80x512xf32, #tpu.memory_space<vmem>> -> memref<1x80x512xf32, #tpu.memory_space<vmem>>
    %dma_start3A_594 = tpu.memref_squeeze %dma_start3A_593 : memref<1x80x512xf32, #tpu.memory_space<vmem>> -> memref<80x512xf32, #tpu.memory_space<vmem>>
    %dma_start3A_595 = arith.constant 0 : i32
    %dma_start3A_596 = tpu.memref_slice %arg2[%add3A_580, %dma_start3A_595] : memref<100000x512xf32, #tpu.memory_space<hbm>> -> memref<80x512xf32, #tpu.memory_space<hbm>>
    tpu.enqueue_dma source(%dma_start3A_596 : memref<80x512xf32, #tpu.memory_space<hbm>>) target(%dma_start3A_594 : memref<80x512xf32, #tpu.memory_space<vmem>>) target_semaphore(%dma_start3A_590 : memref<!tpu.dma_semaphore, #tpu.memory_space<semaphore_mem>>)
    %add3A_597 = arith.constant 640 : i32
    %add3A_598 = arith.addi %mul3A_2, %add3A_597 : i32
    %dma_wait3A_599 = arith.constant 2 : i32
    %dma_wait3A_600 = arith.constant 2 : i32
    %dma_wait3A_601 = arith.constant 0 : i32
    %dma_wait3A_602 = arith.constant 0 : i32
    %dma_wait3A_603 = tpu.memref_slice %arg4[%dma_wait3A_599, %dma_wait3A_601, %dma_wait3A_602] : memref<3x80x512xf32, #tpu.memory_space<vmem>> -> memref<1x80x512xf32, #tpu.memory_space<vmem>>
    %dma_wait3A_604 = tpu.memref_squeeze %dma_wait3A_603 : memref<1x80x512xf32, #tpu.memory_space<vmem>> -> memref<80x512xf32, #tpu.memory_space<vmem>>
    %dma_wait3A_605 = arith.constant 0 : i32
    %dma_wait3A_606 = tpu.memref_slice %arg2[%add3A_598, %dma_wait3A_605] : memref<100000x512xf32, #tpu.memory_space<hbm>> -> memref<80x512xf32, #tpu.memory_space<hbm>>
    %dma_wait3A_607 = tpu.memref_slice %arg5[%dma_wait3A_600] : memref<3x!tpu.dma_semaphore, #tpu.memory_space<semaphore_mem>> -> memref<1x!tpu.dma_semaphore, #tpu.memory_space<semaphore_mem>>
    %dma_wait3A_608 = tpu.memref_squeeze %dma_wait3A_607 : memref<1x!tpu.dma_semaphore, #tpu.memory_space<semaphore_mem>> -> memref<!tpu.dma_semaphore, #tpu.memory_space<semaphore_mem>>
    %dma_wait3A_609 = arith.constant 0 : i32
    %dma_wait3A_610 = arith.constant 0 : i32
    %dma_wait3A_611 = tpu.memref_slice %arg4[%dma_wait3A_599, %dma_wait3A_609, %dma_wait3A_610] : memref<3x80x512xf32, #tpu.memory_space<vmem>> -> memref<1x80x512xf32, #tpu.memory_space<vmem>>
    %dma_wait3A_612 = tpu.memref_squeeze %dma_wait3A_611 : memref<1x80x512xf32, #tpu.memory_space<vmem>> -> memref<80x512xf32, #tpu.memory_space<vmem>>
    %dma_wait3A_613 = arith.constant 0 : i32
    %dma_wait3A_614 = tpu.memref_slice %arg2[%add3A_598, %dma_wait3A_613] : memref<100000x512xf32, #tpu.memory_space<hbm>> -> memref<80x512xf32, #tpu.memory_space<hbm>>
    tpu.wait_dma2 semaphore(%dma_wait3A_608 : memref<!tpu.dma_semaphore, #tpu.memory_space<semaphore_mem>>) src(%dma_wait3A_614 : memref<80x512xf32, #tpu.memory_space<hbm>>) dst(%dma_wait3A_612 : memref<80x512xf32, #tpu.memory_space<vmem>>)
    %add3A_615 = arith.constant 640 : i32
    %add3A_616 = arith.addi %mul3A_2, %add3A_615 : i32
    %dma_start3A_617 = arith.constant 2 : i32
    %dma_start3A_618 = arith.constant 2 : i32
    %dma_start3A_619 = arith.constant 0 : i32
    %dma_start3A_620 = arith.constant 0 : i32
    %dma_start3A_621 = tpu.memref_slice %arg4[%dma_start3A_617, %dma_start3A_619, %dma_start3A_620] : memref<3x80x512xf32, #tpu.memory_space<vmem>> -> memref<1x80x512xf32, #tpu.memory_space<vmem>>
    %dma_start3A_622 = tpu.memref_squeeze %dma_start3A_621 : memref<1x80x512xf32, #tpu.memory_space<vmem>> -> memref<80x512xf32, #tpu.memory_space<vmem>>
    %dma_start3A_623 = arith.constant 0 : i32
    %dma_start3A_624 = tpu.memref_slice %arg3[%add3A_616, %dma_start3A_623] : memref<100000x512xf32, #tpu.memory_space<hbm>> -> memref<80x512xf32, #tpu.memory_space<hbm>>
    %dma_start3A_625 = tpu.memref_slice %arg6[%dma_start3A_618] : memref<3x!tpu.dma_semaphore, #tpu.memory_space<semaphore_mem>> -> memref<1x!tpu.dma_semaphore, #tpu.memory_space<semaphore_mem>>
    %dma_start3A_626 = tpu.memref_squeeze %dma_start3A_625 : memref<1x!tpu.dma_semaphore, #tpu.memory_space<semaphore_mem>> -> memref<!tpu.dma_semaphore, #tpu.memory_space<semaphore_mem>>
    %dma_start3A_627 = arith.constant 0 : i32
    %dma_start3A_628 = tpu.memref_slice %arg3[%add3A_616, %dma_start3A_627] : memref<100000x512xf32, #tpu.memory_space<hbm>> -> memref<80x512xf32, #tpu.memory_space<hbm>>
    %dma_start3A_629 = arith.constant 0 : i32
    %dma_start3A_630 = arith.constant 0 : i32
    %dma_start3A_631 = tpu.memref_slice %arg4[%dma_start3A_617, %dma_start3A_629, %dma_start3A_630] : memref<3x80x512xf32, #tpu.memory_space<vmem>> -> memref<1x80x512xf32, #tpu.memory_space<vmem>>
    %dma_start3A_632 = tpu.memref_squeeze %dma_start3A_631 : memref<1x80x512xf32, #tpu.memory_space<vmem>> -> memref<80x512xf32, #tpu.memory_space<vmem>>
    tpu.enqueue_dma source(%dma_start3A_632 : memref<80x512xf32, #tpu.memory_space<vmem>>) target(%dma_start3A_628 : memref<80x512xf32, #tpu.memory_space<hbm>>) target_semaphore(%dma_start3A_626 : memref<!tpu.dma_semaphore, #tpu.memory_space<semaphore_mem>>)
    %add3A_633 = arith.constant 560 : i32
    %add3A_634 = arith.addi %mul3A_2, %add3A_633 : i32
    %dma_wait3A_635 = arith.constant 1 : i32
    %dma_wait3A_636 = arith.constant 1 : i32
    %dma_wait3A_637 = arith.constant 0 : i32
    %dma_wait3A_638 = arith.constant 0 : i32
    %dma_wait3A_639 = tpu.memref_slice %arg4[%dma_wait3A_635, %dma_wait3A_637, %dma_wait3A_638] : memref<3x80x512xf32, #tpu.memory_space<vmem>> -> memref<1x80x512xf32, #tpu.memory_space<vmem>>
    %dma_wait3A_640 = tpu.memref_squeeze %dma_wait3A_639 : memref<1x80x512xf32, #tpu.memory_space<vmem>> -> memref<80x512xf32, #tpu.memory_space<vmem>>
    %dma_wait3A_641 = arith.constant 0 : i32
    %dma_wait3A_642 = tpu.memref_slice %arg3[%add3A_634, %dma_wait3A_641] : memref<100000x512xf32, #tpu.memory_space<hbm>> -> memref<80x512xf32, #tpu.memory_space<hbm>>
    %dma_wait3A_643 = tpu.memref_slice %arg6[%dma_wait3A_636] : memref<3x!tpu.dma_semaphore, #tpu.memory_space<semaphore_mem>> -> memref<1x!tpu.dma_semaphore, #tpu.memory_space<semaphore_mem>>
    %dma_wait3A_644 = tpu.memref_squeeze %dma_wait3A_643 : memref<1x!tpu.dma_semaphore, #tpu.memory_space<semaphore_mem>> -> memref<!tpu.dma_semaphore, #tpu.memory_space<semaphore_mem>>
    %dma_wait3A_645 = arith.constant 0 : i32
    %dma_wait3A_646 = tpu.memref_slice %arg3[%add3A_634, %dma_wait3A_645] : memref<100000x512xf32, #tpu.memory_space<hbm>> -> memref<80x512xf32, #tpu.memory_space<hbm>>
    %dma_wait3A_647 = arith.constant 0 : i32
    %dma_wait3A_648 = arith.constant 0 : i32
    %dma_wait3A_649 = tpu.memref_slice %arg4[%dma_wait3A_635, %dma_wait3A_647, %dma_wait3A_648] : memref<3x80x512xf32, #tpu.memory_space<vmem>> -> memref<1x80x512xf32, #tpu.memory_space<vmem>>
    %dma_wait3A_650 = tpu.memref_squeeze %dma_wait3A_649 : memref<1x80x512xf32, #tpu.memory_space<vmem>> -> memref<80x512xf32, #tpu.memory_space<vmem>>
    tpu.wait_dma2 semaphore(%dma_wait3A_644 : memref<!tpu.dma_semaphore, #tpu.memory_space<semaphore_mem>>) src(%dma_wait3A_650 : memref<80x512xf32, #tpu.memory_space<vmem>>) dst(%dma_wait3A_646 : memref<80x512xf32, #tpu.memory_space<hbm>>)
    %add3A_651 = arith.constant 800 : i32
    %add3A_652 = arith.addi %mul3A_2, %add3A_651 : i32
    %dma_start3A_653 = arith.constant 1 : i32
    %dma_start3A_654 = arith.constant 1 : i32
    %dma_start3A_655 = arith.constant 0 : i32
    %dma_start3A_656 = arith.constant 0 : i32
    %dma_start3A_657 = tpu.memref_slice %arg4[%dma_start3A_653, %dma_start3A_655, %dma_start3A_656] : memref<3x80x512xf32, #tpu.memory_space<vmem>> -> memref<1x80x512xf32, #tpu.memory_space<vmem>>
    %dma_start3A_658 = tpu.memref_squeeze %dma_start3A_657 : memref<1x80x512xf32, #tpu.memory_space<vmem>> -> memref<80x512xf32, #tpu.memory_space<vmem>>
    %dma_start3A_659 = arith.constant 0 : i32
    %dma_start3A_660 = tpu.memref_slice %arg2[%add3A_652, %dma_start3A_659] : memref<100000x512xf32, #tpu.memory_space<hbm>> -> memref<80x512xf32, #tpu.memory_space<hbm>>
    %dma_start3A_661 = tpu.memref_slice %arg5[%dma_start3A_654] : memref<3x!tpu.dma_semaphore, #tpu.memory_space<semaphore_mem>> -> memref<1x!tpu.dma_semaphore, #tpu.memory_space<semaphore_mem>>
    %dma_start3A_662 = tpu.memref_squeeze %dma_start3A_661 : memref<1x!tpu.dma_semaphore, #tpu.memory_space<semaphore_mem>> -> memref<!tpu.dma_semaphore, #tpu.memory_space<semaphore_mem>>
    %dma_start3A_663 = arith.constant 0 : i32
    %dma_start3A_664 = arith.constant 0 : i32
    %dma_start3A_665 = tpu.memref_slice %arg4[%dma_start3A_653, %dma_start3A_663, %dma_start3A_664] : memref<3x80x512xf32, #tpu.memory_space<vmem>> -> memref<1x80x512xf32, #tpu.memory_space<vmem>>
    %dma_start3A_666 = tpu.memref_squeeze %dma_start3A_665 : memref<1x80x512xf32, #tpu.memory_space<vmem>> -> memref<80x512xf32, #tpu.memory_space<vmem>>
    %dma_start3A_667 = arith.constant 0 : i32
    %dma_start3A_668 = tpu.memref_slice %arg2[%add3A_652, %dma_start3A_667] : memref<100000x512xf32, #tpu.memory_space<hbm>> -> memref<80x512xf32, #tpu.memory_space<hbm>>
    tpu.enqueue_dma source(%dma_start3A_668 : memref<80x512xf32, #tpu.memory_space<hbm>>) target(%dma_start3A_666 : memref<80x512xf32, #tpu.memory_space<vmem>>) target_semaphore(%dma_start3A_662 : memref<!tpu.dma_semaphore, #tpu.memory_space<semaphore_mem>>)
    %add3A_669 = arith.constant 720 : i32
    %add3A_670 = arith.addi %mul3A_2, %add3A_669 : i32
    %dma_wait3A_671 = arith.constant 0 : i32
    %dma_wait3A_672 = arith.constant 0 : i32
    %dma_wait3A_673 = arith.constant 0 : i32
    %dma_wait3A_674 = arith.constant 0 : i32
    %dma_wait3A_675 = tpu.memref_slice %arg4[%dma_wait3A_671, %dma_wait3A_673, %dma_wait3A_674] : memref<3x80x512xf32, #tpu.memory_space<vmem>> -> memref<1x80x512xf32, #tpu.memory_space<vmem>>
    %dma_wait3A_676 = tpu.memref_squeeze %dma_wait3A_675 : memref<1x80x512xf32, #tpu.memory_space<vmem>> -> memref<80x512xf32, #tpu.memory_space<vmem>>
    %dma_wait3A_677 = arith.constant 0 : i32
    %dma_wait3A_678 = tpu.memref_slice %arg2[%add3A_670, %dma_wait3A_677] : memref<100000x512xf32, #tpu.memory_space<hbm>> -> memref<80x512xf32, #tpu.memory_space<hbm>>
    %dma_wait3A_679 = tpu.memref_slice %arg5[%dma_wait3A_672] : memref<3x!tpu.dma_semaphore, #tpu.memory_space<semaphore_mem>> -> memref<1x!tpu.dma_semaphore, #tpu.memory_space<semaphore_mem>>
    %dma_wait3A_680 = tpu.memref_squeeze %dma_wait3A_679 : memref<1x!tpu.dma_semaphore, #tpu.memory_space<semaphore_mem>> -> memref<!tpu.dma_semaphore, #tpu.memory_space<semaphore_mem>>
    %dma_wait3A_681 = arith.constant 0 : i32
    %dma_wait3A_682 = arith.constant 0 : i32
    %dma_wait3A_683 = tpu.memref_slice %arg4[%dma_wait3A_671, %dma_wait3A_681, %dma_wait3A_682] : memref<3x80x512xf32, #tpu.memory_space<vmem>> -> memref<1x80x512xf32, #tpu.memory_space<vmem>>
    %dma_wait3A_684 = tpu.memref_squeeze %dma_wait3A_683 : memref<1x80x512xf32, #tpu.memory_space<vmem>> -> memref<80x512xf32, #tpu.memory_space<vmem>>
    %dma_wait3A_685 = arith.constant 0 : i32
    %dma_wait3A_686 = tpu.memref_slice %arg2[%add3A_670, %dma_wait3A_685] : memref<100000x512xf32, #tpu.memory_space<hbm>> -> memref<80x512xf32, #tpu.memory_space<hbm>>
    tpu.wait_dma2 semaphore(%dma_wait3A_680 : memref<!tpu.dma_semaphore, #tpu.memory_space<semaphore_mem>>) src(%dma_wait3A_686 : memref<80x512xf32, #tpu.memory_space<hbm>>) dst(%dma_wait3A_684 : memref<80x512xf32, #tpu.memory_space<vmem>>)
    %add3A_687 = arith.constant 720 : i32
    %add3A_688 = arith.addi %mul3A_2, %add3A_687 : i32
    %dma_start3A_689 = arith.constant 0 : i32
    %dma_start3A_690 = arith.constant 0 : i32
    %dma_start3A_691 = arith.constant 0 : i32
    %dma_start3A_692 = arith.constant 0 : i32
    %dma_start3A_693 = tpu.memref_slice %arg4[%dma_start3A_689, %dma_start3A_691, %dma_start3A_692] : memref<3x80x512xf32, #tpu.memory_space<vmem>> -> memref<1x80x512xf32, #tpu.memory_space<vmem>>
    %dma_start3A_694 = tpu.memref_squeeze %dma_start3A_693 : memref<1x80x512xf32, #tpu.memory_space<vmem>> -> memref<80x512xf32, #tpu.memory_space<vmem>>
    %dma_start3A_695 = arith.constant 0 : i32
    %dma_start3A_696 = tpu.memref_slice %arg3[%add3A_688, %dma_start3A_695] : memref<100000x512xf32, #tpu.memory_space<hbm>> -> memref<80x512xf32, #tpu.memory_space<hbm>>
    %dma_start3A_697 = tpu.memref_slice %arg6[%dma_start3A_690] : memref<3x!tpu.dma_semaphore, #tpu.memory_space<semaphore_mem>> -> memref<1x!tpu.dma_semaphore, #tpu.memory_space<semaphore_mem>>
    %dma_start3A_698 = tpu.memref_squeeze %dma_start3A_697 : memref<1x!tpu.dma_semaphore, #tpu.memory_space<semaphore_mem>> -> memref<!tpu.dma_semaphore, #tpu.memory_space<semaphore_mem>>
    %dma_start3A_699 = arith.constant 0 : i32
    %dma_start3A_700 = tpu.memref_slice %arg3[%add3A_688, %dma_start3A_699] : memref<100000x512xf32, #tpu.memory_space<hbm>> -> memref<80x512xf32, #tpu.memory_space<hbm>>
    %dma_start3A_701 = arith.constant 0 : i32
    %dma_start3A_702 = arith.constant 0 : i32
    %dma_start3A_703 = tpu.memref_slice %arg4[%dma_start3A_689, %dma_start3A_701, %dma_start3A_702] : memref<3x80x512xf32, #tpu.memory_space<vmem>> -> memref<1x80x512xf32, #tpu.memory_space<vmem>>
    %dma_start3A_704 = tpu.memref_squeeze %dma_start3A_703 : memref<1x80x512xf32, #tpu.memory_space<vmem>> -> memref<80x512xf32, #tpu.memory_space<vmem>>
    tpu.enqueue_dma source(%dma_start3A_704 : memref<80x512xf32, #tpu.memory_space<vmem>>) target(%dma_start3A_700 : memref<80x512xf32, #tpu.memory_space<hbm>>) target_semaphore(%dma_start3A_698 : memref<!tpu.dma_semaphore, #tpu.memory_space<semaphore_mem>>)
    %add3A_705 = arith.constant 640 : i32
    %add3A_706 = arith.addi %mul3A_2, %add3A_705 : i32
    %dma_wait3A_707 = arith.constant 2 : i32
    %dma_wait3A_708 = arith.constant 2 : i32
    %dma_wait3A_709 = arith.constant 0 : i32
    %dma_wait3A_710 = arith.constant 0 : i32
    %dma_wait3A_711 = tpu.memref_slice %arg4[%dma_wait3A_707, %dma_wait3A_709, %dma_wait3A_710] : memref<3x80x512xf32, #tpu.memory_space<vmem>> -> memref<1x80x512xf32, #tpu.memory_space<vmem>>
    %dma_wait3A_712 = tpu.memref_squeeze %dma_wait3A_711 : memref<1x80x512xf32, #tpu.memory_space<vmem>> -> memref<80x512xf32, #tpu.memory_space<vmem>>
    %dma_wait3A_713 = arith.constant 0 : i32
    %dma_wait3A_714 = tpu.memref_slice %arg3[%add3A_706, %dma_wait3A_713] : memref<100000x512xf32, #tpu.memory_space<hbm>> -> memref<80x512xf32, #tpu.memory_space<hbm>>
    %dma_wait3A_715 = tpu.memref_slice %arg6[%dma_wait3A_708] : memref<3x!tpu.dma_semaphore, #tpu.memory_space<semaphore_mem>> -> memref<1x!tpu.dma_semaphore, #tpu.memory_space<semaphore_mem>>
    %dma_wait3A_716 = tpu.memref_squeeze %dma_wait3A_715 : memref<1x!tpu.dma_semaphore, #tpu.memory_space<semaphore_mem>> -> memref<!tpu.dma_semaphore, #tpu.memory_space<semaphore_mem>>
    %dma_wait3A_717 = arith.constant 0 : i32
    %dma_wait3A_718 = tpu.memref_slice %arg3[%add3A_706, %dma_wait3A_717] : memref<100000x512xf32, #tpu.memory_space<hbm>> -> memref<80x512xf32, #tpu.memory_space<hbm>>
    %dma_wait3A_719 = arith.constant 0 : i32
    %dma_wait3A_720 = arith.constant 0 : i32
    %dma_wait3A_721 = tpu.memref_slice %arg4[%dma_wait3A_707, %dma_wait3A_719, %dma_wait3A_720] : memref<3x80x512xf32, #tpu.memory_space<vmem>> -> memref<1x80x512xf32, #tpu.memory_space<vmem>>
    %dma_wait3A_722 = tpu.memref_squeeze %dma_wait3A_721 : memref<1x80x512xf32, #tpu.memory_space<vmem>> -> memref<80x512xf32, #tpu.memory_space<vmem>>
    tpu.wait_dma2 semaphore(%dma_wait3A_716 : memref<!tpu.dma_semaphore, #tpu.memory_space<semaphore_mem>>) src(%dma_wait3A_722 : memref<80x512xf32, #tpu.memory_space<vmem>>) dst(%dma_wait3A_718 : memref<80x512xf32, #tpu.memory_space<hbm>>)
    %add3A_723 = arith.constant 880 : i32
    %add3A_724 = arith.addi %mul3A_2, %add3A_723 : i32
    %dma_start3A_725 = arith.constant 2 : i32
    %dma_start3A_726 = arith.constant 2 : i32
    %dma_start3A_727 = arith.constant 0 : i32
    %dma_start3A_728 = arith.constant 0 : i32
    %dma_start3A_729 = tpu.memref_slice %arg4[%dma_start3A_725, %dma_start3A_727, %dma_start3A_728] : memref<3x80x512xf32, #tpu.memory_space<vmem>> -> memref<1x80x512xf32, #tpu.memory_space<vmem>>
    %dma_start3A_730 = tpu.memref_squeeze %dma_start3A_729 : memref<1x80x512xf32, #tpu.memory_space<vmem>> -> memref<80x512xf32, #tpu.memory_space<vmem>>
    %dma_start3A_731 = arith.constant 0 : i32
    %dma_start3A_732 = tpu.memref_slice %arg2[%add3A_724, %dma_start3A_731] : memref<100000x512xf32, #tpu.memory_space<hbm>> -> memref<80x512xf32, #tpu.memory_space<hbm>>
    %dma_start3A_733 = tpu.memref_slice %arg5[%dma_start3A_726] : memref<3x!tpu.dma_semaphore, #tpu.memory_space<semaphore_mem>> -> memref<1x!tpu.dma_semaphore, #tpu.memory_space<semaphore_mem>>
    %dma_start3A_734 = tpu.memref_squeeze %dma_start3A_733 : memref<1x!tpu.dma_semaphore, #tpu.memory_space<semaphore_mem>> -> memref<!tpu.dma_semaphore, #tpu.memory_space<semaphore_mem>>
    %dma_start3A_735 = arith.constant 0 : i32
    %dma_start3A_736 = arith.constant 0 : i32
    %dma_start3A_737 = tpu.memref_slice %arg4[%dma_start3A_725, %dma_start3A_735, %dma_start3A_736] : memref<3x80x512xf32, #tpu.memory_space<vmem>> -> memref<1x80x512xf32, #tpu.memory_space<vmem>>
    %dma_start3A_738 = tpu.memref_squeeze %dma_start3A_737 : memref<1x80x512xf32, #tpu.memory_space<vmem>> -> memref<80x512xf32, #tpu.memory_space<vmem>>
    %dma_start3A_739 = arith.constant 0 : i32
    %dma_start3A_740 = tpu.memref_slice %arg2[%add3A_724, %dma_start3A_739] : memref<100000x512xf32, #tpu.memory_space<hbm>> -> memref<80x512xf32, #tpu.memory_space<hbm>>
    tpu.enqueue_dma source(%dma_start3A_740 : memref<80x512xf32, #tpu.memory_space<hbm>>) target(%dma_start3A_738 : memref<80x512xf32, #tpu.memory_space<vmem>>) target_semaphore(%dma_start3A_734 : memref<!tpu.dma_semaphore, #tpu.memory_space<semaphore_mem>>)
    %add3A_741 = arith.constant 800 : i32
    %add3A_742 = arith.addi %mul3A_2, %add3A_741 : i32
    %dma_wait3A_743 = arith.constant 1 : i32
    %dma_wait3A_744 = arith.constant 1 : i32
    %dma_wait3A_745 = arith.constant 0 : i32
    %dma_wait3A_746 = arith.constant 0 : i32
    %dma_wait3A_747 = tpu.memref_slice %arg4[%dma_wait3A_743, %dma_wait3A_745, %dma_wait3A_746] : memref<3x80x512xf32, #tpu.memory_space<vmem>> -> memref<1x80x512xf32, #tpu.memory_space<vmem>>
    %dma_wait3A_748 = tpu.memref_squeeze %dma_wait3A_747 : memref<1x80x512xf32, #tpu.memory_space<vmem>> -> memref<80x512xf32, #tpu.memory_space<vmem>>
    %dma_wait3A_749 = arith.constant 0 : i32
    %dma_wait3A_750 = tpu.memref_slice %arg2[%add3A_742, %dma_wait3A_749] : memref<100000x512xf32, #tpu.memory_space<hbm>> -> memref<80x512xf32, #tpu.memory_space<hbm>>
    %dma_wait3A_751 = tpu.memref_slice %arg5[%dma_wait3A_744] : memref<3x!tpu.dma_semaphore, #tpu.memory_space<semaphore_mem>> -> memref<1x!tpu.dma_semaphore, #tpu.memory_space<semaphore_mem>>
    %dma_wait3A_752 = tpu.memref_squeeze %dma_wait3A_751 : memref<1x!tpu.dma_semaphore, #tpu.memory_space<semaphore_mem>> -> memref<!tpu.dma_semaphore, #tpu.memory_space<semaphore_mem>>
    %dma_wait3A_753 = arith.constant 0 : i32
    %dma_wait3A_754 = arith.constant 0 : i32
    %dma_wait3A_755 = tpu.memref_slice %arg4[%dma_wait3A_743, %dma_wait3A_753, %dma_wait3A_754] : memref<3x80x512xf32, #tpu.memory_space<vmem>> -> memref<1x80x512xf32, #tpu.memory_space<vmem>>
    %dma_wait3A_756 = tpu.memref_squeeze %dma_wait3A_755 : memref<1x80x512xf32, #tpu.memory_space<vmem>> -> memref<80x512xf32, #tpu.memory_space<vmem>>
    %dma_wait3A_757 = arith.constant 0 : i32
    %dma_wait3A_758 = tpu.memref_slice %arg2[%add3A_742, %dma_wait3A_757] : memref<100000x512xf32, #tpu.memory_space<hbm>> -> memref<80x512xf32, #tpu.memory_space<hbm>>
    tpu.wait_dma2 semaphore(%dma_wait3A_752 : memref<!tpu.dma_semaphore, #tpu.memory_space<semaphore_mem>>) src(%dma_wait3A_758 : memref<80x512xf32, #tpu.memory_space<hbm>>) dst(%dma_wait3A_756 : memref<80x512xf32, #tpu.memory_space<vmem>>)
    %add3A_759 = arith.constant 800 : i32
    %add3A_760 = arith.addi %mul3A_2, %add3A_759 : i32
    %dma_start3A_761 = arith.constant 1 : i32
    %dma_start3A_762 = arith.constant 1 : i32
    %dma_start3A_763 = arith.constant 0 : i32
    %dma_start3A_764 = arith.constant 0 : i32
    %dma_start3A_765 = tpu.memref_slice %arg4[%dma_start3A_761, %dma_start3A_763, %dma_start3A_764] : memref<3x80x512xf32, #tpu.memory_space<vmem>> -> memref<1x80x512xf32, #tpu.memory_space<vmem>>
    %dma_start3A_766 = tpu.memref_squeeze %dma_start3A_765 : memref<1x80x512xf32, #tpu.memory_space<vmem>> -> memref<80x512xf32, #tpu.memory_space<vmem>>
    %dma_start3A_767 = arith.constant 0 : i32
    %dma_start3A_768 = tpu.memref_slice %arg3[%add3A_760, %dma_start3A_767] : memref<100000x512xf32, #tpu.memory_space<hbm>> -> memref<80x512xf32, #tpu.memory_space<hbm>>
    %dma_start3A_769 = tpu.memref_slice %arg6[%dma_start3A_762] : memref<3x!tpu.dma_semaphore, #tpu.memory_space<semaphore_mem>> -> memref<1x!tpu.dma_semaphore, #tpu.memory_space<semaphore_mem>>
    %dma_start3A_770 = tpu.memref_squeeze %dma_start3A_769 : memref<1x!tpu.dma_semaphore, #tpu.memory_space<semaphore_mem>> -> memref<!tpu.dma_semaphore, #tpu.memory_space<semaphore_mem>>
    %dma_start3A_771 = arith.constant 0 : i32
    %dma_start3A_772 = tpu.memref_slice %arg3[%add3A_760, %dma_start3A_771] : memref<100000x512xf32, #tpu.memory_space<hbm>> -> memref<80x512xf32, #tpu.memory_space<hbm>>
    %dma_start3A_773 = arith.constant 0 : i32
    %dma_start3A_774 = arith.constant 0 : i32
    %dma_start3A_775 = tpu.memref_slice %arg4[%dma_start3A_761, %dma_start3A_773, %dma_start3A_774] : memref<3x80x512xf32, #tpu.memory_space<vmem>> -> memref<1x80x512xf32, #tpu.memory_space<vmem>>
    %dma_start3A_776 = tpu.memref_squeeze %dma_start3A_775 : memref<1x80x512xf32, #tpu.memory_space<vmem>> -> memref<80x512xf32, #tpu.memory_space<vmem>>
    tpu.enqueue_dma source(%dma_start3A_776 : memref<80x512xf32, #tpu.memory_space<vmem>>) target(%dma_start3A_772 : memref<80x512xf32, #tpu.memory_space<hbm>>) target_semaphore(%dma_start3A_770 : memref<!tpu.dma_semaphore, #tpu.memory_space<semaphore_mem>>)
    %add3A_777 = arith.constant 720 : i32
    %add3A_778 = arith.addi %mul3A_2, %add3A_777 : i32
    %dma_wait3A_779 = arith.constant 0 : i32
    %dma_wait3A_780 = arith.constant 0 : i32
    %dma_wait3A_781 = arith.constant 0 : i32
    %dma_wait3A_782 = arith.constant 0 : i32
    %dma_wait3A_783 = tpu.memref_slice %arg4[%dma_wait3A_779, %dma_wait3A_781, %dma_wait3A_782] : memref<3x80x512xf32, #tpu.memory_space<vmem>> -> memref<1x80x512xf32, #tpu.memory_space<vmem>>
    %dma_wait3A_784 = tpu.memref_squeeze %dma_wait3A_783 : memref<1x80x512xf32, #tpu.memory_space<vmem>> -> memref<80x512xf32, #tpu.memory_space<vmem>>
    %dma_wait3A_785 = arith.constant 0 : i32
    %dma_wait3A_786 = tpu.memref_slice %arg3[%add3A_778, %dma_wait3A_785] : memref<100000x512xf32, #tpu.memory_space<hbm>> -> memref<80x512xf32, #tpu.memory_space<hbm>>
    %dma_wait3A_787 = tpu.memref_slice %arg6[%dma_wait3A_780] : memref<3x!tpu.dma_semaphore, #tpu.memory_space<semaphore_mem>> -> memref<1x!tpu.dma_semaphore, #tpu.memory_space<semaphore_mem>>
    %dma_wait3A_788 = tpu.memref_squeeze %dma_wait3A_787 : memref<1x!tpu.dma_semaphore, #tpu.memory_space<semaphore_mem>> -> memref<!tpu.dma_semaphore, #tpu.memory_space<semaphore_mem>>
    %dma_wait3A_789 = arith.constant 0 : i32
    %dma_wait3A_790 = tpu.memref_slice %arg3[%add3A_778, %dma_wait3A_789] : memref<100000x512xf32, #tpu.memory_space<hbm>> -> memref<80x512xf32, #tpu.memory_space<hbm>>
    %dma_wait3A_791 = arith.constant 0 : i32
    %dma_wait3A_792 = arith.constant 0 : i32
    %dma_wait3A_793 = tpu.memref_slice %arg4[%dma_wait3A_779, %dma_wait3A_791, %dma_wait3A_792] : memref<3x80x512xf32, #tpu.memory_space<vmem>> -> memref<1x80x512xf32, #tpu.memory_space<vmem>>
    %dma_wait3A_794 = tpu.memref_squeeze %dma_wait3A_793 : memref<1x80x512xf32, #tpu.memory_space<vmem>> -> memref<80x512xf32, #tpu.memory_space<vmem>>
    tpu.wait_dma2 semaphore(%dma_wait3A_788 : memref<!tpu.dma_semaphore, #tpu.memory_space<semaphore_mem>>) src(%dma_wait3A_794 : memref<80x512xf32, #tpu.memory_space<vmem>>) dst(%dma_wait3A_790 : memref<80x512xf32, #tpu.memory_space<hbm>>)
    %add3A_795 = arith.constant 960 : i32
    %add3A_796 = arith.addi %mul3A_2, %add3A_795 : i32
    %dma_start3A_797 = arith.constant 0 : i32
    %dma_start3A_798 = arith.constant 0 : i32
    %dma_start3A_799 = arith.constant 0 : i32
    %dma_start3A_800 = arith.constant 0 : i32
    %dma_start3A_801 = tpu.memref_slice %arg4[%dma_start3A_797, %dma_start3A_799, %dma_start3A_800] : memref<3x80x512xf32, #tpu.memory_space<vmem>> -> memref<1x80x512xf32, #tpu.memory_space<vmem>>
    %dma_start3A_802 = tpu.memref_squeeze %dma_start3A_801 : memref<1x80x512xf32, #tpu.memory_space<vmem>> -> memref<80x512xf32, #tpu.memory_space<vmem>>
    %dma_start3A_803 = arith.constant 0 : i32
    %dma_start3A_804 = tpu.memref_slice %arg2[%add3A_796, %dma_start3A_803] : memref<100000x512xf32, #tpu.memory_space<hbm>> -> memref<80x512xf32, #tpu.memory_space<hbm>>
    %dma_start3A_805 = tpu.memref_slice %arg5[%dma_start3A_798] : memref<3x!tpu.dma_semaphore, #tpu.memory_space<semaphore_mem>> -> memref<1x!tpu.dma_semaphore, #tpu.memory_space<semaphore_mem>>
    %dma_start3A_806 = tpu.memref_squeeze %dma_start3A_805 : memref<1x!tpu.dma_semaphore, #tpu.memory_space<semaphore_mem>> -> memref<!tpu.dma_semaphore, #tpu.memory_space<semaphore_mem>>
    %dma_start3A_807 = arith.constant 0 : i32
    %dma_start3A_808 = arith.constant 0 : i32
    %dma_start3A_809 = tpu.memref_slice %arg4[%dma_start3A_797, %dma_start3A_807, %dma_start3A_808] : memref<3x80x512xf32, #tpu.memory_space<vmem>> -> memref<1x80x512xf32, #tpu.memory_space<vmem>>
    %dma_start3A_810 = tpu.memref_squeeze %dma_start3A_809 : memref<1x80x512xf32, #tpu.memory_space<vmem>> -> memref<80x512xf32, #tpu.memory_space<vmem>>
    %dma_start3A_811 = arith.constant 0 : i32
    %dma_start3A_812 = tpu.memref_slice %arg2[%add3A_796, %dma_start3A_811] : memref<100000x512xf32, #tpu.memory_space<hbm>> -> memref<80x512xf32, #tpu.memory_space<hbm>>
    tpu.enqueue_dma source(%dma_start3A_812 : memref<80x512xf32, #tpu.memory_space<hbm>>) target(%dma_start3A_810 : memref<80x512xf32, #tpu.memory_space<vmem>>) target_semaphore(%dma_start3A_806 : memref<!tpu.dma_semaphore, #tpu.memory_space<semaphore_mem>>)
    %add3A_813 = arith.constant 880 : i32
    %add3A_814 = arith.addi %mul3A_2, %add3A_813 : i32
    %dma_wait3A_815 = arith.constant 2 : i32
    %dma_wait3A_816 = arith.constant 2 : i32
    %dma_wait3A_817 = arith.constant 0 : i32
    %dma_wait3A_818 = arith.constant 0 : i32
    %dma_wait3A_819 = tpu.memref_slice %arg4[%dma_wait3A_815, %dma_wait3A_817, %dma_wait3A_818] : memref<3x80x512xf32, #tpu.memory_space<vmem>> -> memref<1x80x512xf32, #tpu.memory_space<vmem>>
    %dma_wait3A_820 = tpu.memref_squeeze %dma_wait3A_819 : memref<1x80x512xf32, #tpu.memory_space<vmem>> -> memref<80x512xf32, #tpu.memory_space<vmem>>
    %dma_wait3A_821 = arith.constant 0 : i32
    %dma_wait3A_822 = tpu.memref_slice %arg2[%add3A_814, %dma_wait3A_821] : memref<100000x512xf32, #tpu.memory_space<hbm>> -> memref<80x512xf32, #tpu.memory_space<hbm>>
    %dma_wait3A_823 = tpu.memref_slice %arg5[%dma_wait3A_816] : memref<3x!tpu.dma_semaphore, #tpu.memory_space<semaphore_mem>> -> memref<1x!tpu.dma_semaphore, #tpu.memory_space<semaphore_mem>>
    %dma_wait3A_824 = tpu.memref_squeeze %dma_wait3A_823 : memref<1x!tpu.dma_semaphore, #tpu.memory_space<semaphore_mem>> -> memref<!tpu.dma_semaphore, #tpu.memory_space<semaphore_mem>>
    %dma_wait3A_825 = arith.constant 0 : i32
    %dma_wait3A_826 = arith.constant 0 : i32
    %dma_wait3A_827 = tpu.memref_slice %arg4[%dma_wait3A_815, %dma_wait3A_825, %dma_wait3A_826] : memref<3x80x512xf32, #tpu.memory_space<vmem>> -> memref<1x80x512xf32, #tpu.memory_space<vmem>>
    %dma_wait3A_828 = tpu.memref_squeeze %dma_wait3A_827 : memref<1x80x512xf32, #tpu.memory_space<vmem>> -> memref<80x512xf32, #tpu.memory_space<vmem>>
    %dma_wait3A_829 = arith.constant 0 : i32
    %dma_wait3A_830 = tpu.memref_slice %arg2[%add3A_814, %dma_wait3A_829] : memref<100000x512xf32, #tpu.memory_space<hbm>> -> memref<80x512xf32, #tpu.memory_space<hbm>>
    tpu.wait_dma2 semaphore(%dma_wait3A_824 : memref<!tpu.dma_semaphore, #tpu.memory_space<semaphore_mem>>) src(%dma_wait3A_830 : memref<80x512xf32, #tpu.memory_space<hbm>>) dst(%dma_wait3A_828 : memref<80x512xf32, #tpu.memory_space<vmem>>)
    %add3A_831 = arith.constant 880 : i32
    %add3A_832 = arith.addi %mul3A_2, %add3A_831 : i32
    %dma_start3A_833 = arith.constant 2 : i32
    %dma_start3A_834 = arith.constant 2 : i32
    %dma_start3A_835 = arith.constant 0 : i32
    %dma_start3A_836 = arith.constant 0 : i32
    %dma_start3A_837 = tpu.memref_slice %arg4[%dma_start3A_833, %dma_start3A_835, %dma_start3A_836] : memref<3x80x512xf32, #tpu.memory_space<vmem>> -> memref<1x80x512xf32, #tpu.memory_space<vmem>>
    %dma_start3A_838 = tpu.memref_squeeze %dma_start3A_837 : memref<1x80x512xf32, #tpu.memory_space<vmem>> -> memref<80x512xf32, #tpu.memory_space<vmem>>
    %dma_start3A_839 = arith.constant 0 : i32
    %dma_start3A_840 = tpu.memref_slice %arg3[%add3A_832, %dma_start3A_839] : memref<100000x512xf32, #tpu.memory_space<hbm>> -> memref<80x512xf32, #tpu.memory_space<hbm>>
    %dma_start3A_841 = tpu.memref_slice %arg6[%dma_start3A_834] : memref<3x!tpu.dma_semaphore, #tpu.memory_space<semaphore_mem>> -> memref<1x!tpu.dma_semaphore, #tpu.memory_space<semaphore_mem>>
    %dma_start3A_842 = tpu.memref_squeeze %dma_start3A_841 : memref<1x!tpu.dma_semaphore, #tpu.memory_space<semaphore_mem>> -> memref<!tpu.dma_semaphore, #tpu.memory_space<semaphore_mem>>
    %dma_start3A_843 = arith.constant 0 : i32
    %dma_start3A_844 = tpu.memref_slice %arg3[%add3A_832, %dma_start3A_843] : memref<100000x512xf32, #tpu.memory_space<hbm>> -> memref<80x512xf32, #tpu.memory_space<hbm>>
    %dma_start3A_845 = arith.constant 0 : i32
    %dma_start3A_846 = arith.constant 0 : i32
    %dma_start3A_847 = tpu.memref_slice %arg4[%dma_start3A_833, %dma_start3A_845, %dma_start3A_846] : memref<3x80x512xf32, #tpu.memory_space<vmem>> -> memref<1x80x512xf32, #tpu.memory_space<vmem>>
    %dma_start3A_848 = tpu.memref_squeeze %dma_start3A_847 : memref<1x80x512xf32, #tpu.memory_space<vmem>> -> memref<80x512xf32, #tpu.memory_space<vmem>>
    tpu.enqueue_dma source(%dma_start3A_848 : memref<80x512xf32, #tpu.memory_space<vmem>>) target(%dma_start3A_844 : memref<80x512xf32, #tpu.memory_space<hbm>>) target_semaphore(%dma_start3A_842 : memref<!tpu.dma_semaphore, #tpu.memory_space<semaphore_mem>>)
    %add3A_849 = arith.constant 800 : i32
    %add3A_850 = arith.addi %mul3A_2, %add3A_849 : i32
    %dma_wait3A_851 = arith.constant 1 : i32
    %dma_wait3A_852 = arith.constant 1 : i32
    %dma_wait3A_853 = arith.constant 0 : i32
    %dma_wait3A_854 = arith.constant 0 : i32
    %dma_wait3A_855 = tpu.memref_slice %arg4[%dma_wait3A_851, %dma_wait3A_853, %dma_wait3A_854] : memref<3x80x512xf32, #tpu.memory_space<vmem>> -> memref<1x80x512xf32, #tpu.memory_space<vmem>>
    %dma_wait3A_856 = tpu.memref_squeeze %dma_wait3A_855 : memref<1x80x512xf32, #tpu.memory_space<vmem>> -> memref<80x512xf32, #tpu.memory_space<vmem>>
    %dma_wait3A_857 = arith.constant 0 : i32
    %dma_wait3A_858 = tpu.memref_slice %arg3[%add3A_850, %dma_wait3A_857] : memref<100000x512xf32, #tpu.memory_space<hbm>> -> memref<80x512xf32, #tpu.memory_space<hbm>>
    %dma_wait3A_859 = tpu.memref_slice %arg6[%dma_wait3A_852] : memref<3x!tpu.dma_semaphore, #tpu.memory_space<semaphore_mem>> -> memref<1x!tpu.dma_semaphore, #tpu.memory_space<semaphore_mem>>
    %dma_wait3A_860 = tpu.memref_squeeze %dma_wait3A_859 : memref<1x!tpu.dma_semaphore, #tpu.memory_space<semaphore_mem>> -> memref<!tpu.dma_semaphore, #tpu.memory_space<semaphore_mem>>
    %dma_wait3A_861 = arith.constant 0 : i32
    %dma_wait3A_862 = tpu.memref_slice %arg3[%add3A_850, %dma_wait3A_861] : memref<100000x512xf32, #tpu.memory_space<hbm>> -> memref<80x512xf32, #tpu.memory_space<hbm>>
    %dma_wait3A_863 = arith.constant 0 : i32
    %dma_wait3A_864 = arith.constant 0 : i32
    %dma_wait3A_865 = tpu.memref_slice %arg4[%dma_wait3A_851, %dma_wait3A_863, %dma_wait3A_864] : memref<3x80x512xf32, #tpu.memory_space<vmem>> -> memref<1x80x512xf32, #tpu.memory_space<vmem>>
    %dma_wait3A_866 = tpu.memref_squeeze %dma_wait3A_865 : memref<1x80x512xf32, #tpu.memory_space<vmem>> -> memref<80x512xf32, #tpu.memory_space<vmem>>
    tpu.wait_dma2 semaphore(%dma_wait3A_860 : memref<!tpu.dma_semaphore, #tpu.memory_space<semaphore_mem>>) src(%dma_wait3A_866 : memref<80x512xf32, #tpu.memory_space<vmem>>) dst(%dma_wait3A_862 : memref<80x512xf32, #tpu.memory_space<hbm>>)
    %add3A_867 = arith.constant 1040 : i32
    %add3A_868 = arith.addi %mul3A_2, %add3A_867 : i32
    %dma_start3A_869 = arith.constant 1 : i32
    %dma_start3A_870 = arith.constant 1 : i32
    %dma_start3A_871 = arith.constant 0 : i32
    %dma_start3A_872 = arith.constant 0 : i32
    %dma_start3A_873 = tpu.memref_slice %arg4[%dma_start3A_869, %dma_start3A_871, %dma_start3A_872] : memref<3x80x512xf32, #tpu.memory_space<vmem>> -> memref<1x80x512xf32, #tpu.memory_space<vmem>>
    %dma_start3A_874 = tpu.memref_squeeze %dma_start3A_873 : memref<1x80x512xf32, #tpu.memory_space<vmem>> -> memref<80x512xf32, #tpu.memory_space<vmem>>
    %dma_start3A_875 = arith.constant 0 : i32
    %dma_start3A_876 = tpu.memref_slice %arg2[%add3A_868, %dma_start3A_875] : memref<100000x512xf32, #tpu.memory_space<hbm>> -> memref<80x512xf32, #tpu.memory_space<hbm>>
    %dma_start3A_877 = tpu.memref_slice %arg5[%dma_start3A_870] : memref<3x!tpu.dma_semaphore, #tpu.memory_space<semaphore_mem>> -> memref<1x!tpu.dma_semaphore, #tpu.memory_space<semaphore_mem>>
    %dma_start3A_878 = tpu.memref_squeeze %dma_start3A_877 : memref<1x!tpu.dma_semaphore, #tpu.memory_space<semaphore_mem>> -> memref<!tpu.dma_semaphore, #tpu.memory_space<semaphore_mem>>
    %dma_start3A_879 = arith.constant 0 : i32
    %dma_start3A_880 = arith.constant 0 : i32
    %dma_start3A_881 = tpu.memref_slice %arg4[%dma_start3A_869, %dma_start3A_879, %dma_start3A_880] : memref<3x80x512xf32, #tpu.memory_space<vmem>> -> memref<1x80x512xf32, #tpu.memory_space<vmem>>
    %dma_start3A_882 = tpu.memref_squeeze %dma_start3A_881 : memref<1x80x512xf32, #tpu.memory_space<vmem>> -> memref<80x512xf32, #tpu.memory_space<vmem>>
    %dma_start3A_883 = arith.constant 0 : i32
    %dma_start3A_884 = tpu.memref_slice %arg2[%add3A_868, %dma_start3A_883] : memref<100000x512xf32, #tpu.memory_space<hbm>> -> memref<80x512xf32, #tpu.memory_space<hbm>>
    tpu.enqueue_dma source(%dma_start3A_884 : memref<80x512xf32, #tpu.memory_space<hbm>>) target(%dma_start3A_882 : memref<80x512xf32, #tpu.memory_space<vmem>>) target_semaphore(%dma_start3A_878 : memref<!tpu.dma_semaphore, #tpu.memory_space<semaphore_mem>>)
    %add3A_885 = arith.constant 960 : i32
    %add3A_886 = arith.addi %mul3A_2, %add3A_885 : i32
    %dma_wait3A_887 = arith.constant 0 : i32
    %dma_wait3A_888 = arith.constant 0 : i32
    %dma_wait3A_889 = arith.constant 0 : i32
    %dma_wait3A_890 = arith.constant 0 : i32
    %dma_wait3A_891 = tpu.memref_slice %arg4[%dma_wait3A_887, %dma_wait3A_889, %dma_wait3A_890] : memref<3x80x512xf32, #tpu.memory_space<vmem>> -> memref<1x80x512xf32, #tpu.memory_space<vmem>>
    %dma_wait3A_892 = tpu.memref_squeeze %dma_wait3A_891 : memref<1x80x512xf32, #tpu.memory_space<vmem>> -> memref<80x512xf32, #tpu.memory_space<vmem>>
    %dma_wait3A_893 = arith.constant 0 : i32
    %dma_wait3A_894 = tpu.memref_slice %arg2[%add3A_886, %dma_wait3A_893] : memref<100000x512xf32, #tpu.memory_space<hbm>> -> memref<80x512xf32, #tpu.memory_space<hbm>>
    %dma_wait3A_895 = tpu.memref_slice %arg5[%dma_wait3A_888] : memref<3x!tpu.dma_semaphore, #tpu.memory_space<semaphore_mem>> -> memref<1x!tpu.dma_semaphore, #tpu.memory_space<semaphore_mem>>
    %dma_wait3A_896 = tpu.memref_squeeze %dma_wait3A_895 : memref<1x!tpu.dma_semaphore, #tpu.memory_space<semaphore_mem>> -> memref<!tpu.dma_semaphore, #tpu.memory_space<semaphore_mem>>
    %dma_wait3A_897 = arith.constant 0 : i32
    %dma_wait3A_898 = arith.constant 0 : i32
    %dma_wait3A_899 = tpu.memref_slice %arg4[%dma_wait3A_887, %dma_wait3A_897, %dma_wait3A_898] : memref<3x80x512xf32, #tpu.memory_space<vmem>> -> memref<1x80x512xf32, #tpu.memory_space<vmem>>
    %dma_wait3A_900 = tpu.memref_squeeze %dma_wait3A_899 : memref<1x80x512xf32, #tpu.memory_space<vmem>> -> memref<80x512xf32, #tpu.memory_space<vmem>>
    %dma_wait3A_901 = arith.constant 0 : i32
    %dma_wait3A_902 = tpu.memref_slice %arg2[%add3A_886, %dma_wait3A_901] : memref<100000x512xf32, #tpu.memory_space<hbm>> -> memref<80x512xf32, #tpu.memory_space<hbm>>
    tpu.wait_dma2 semaphore(%dma_wait3A_896 : memref<!tpu.dma_semaphore, #tpu.memory_space<semaphore_mem>>) src(%dma_wait3A_902 : memref<80x512xf32, #tpu.memory_space<hbm>>) dst(%dma_wait3A_900 : memref<80x512xf32, #tpu.memory_space<vmem>>)
    %add3A_903 = arith.constant 960 : i32
    %add3A_904 = arith.addi %mul3A_2, %add3A_903 : i32
    %dma_start3A_905 = arith.constant 0 : i32
    %dma_start3A_906 = arith.constant 0 : i32
    %dma_start3A_907 = arith.constant 0 : i32
    %dma_start3A_908 = arith.constant 0 : i32
    %dma_start3A_909 = tpu.memref_slice %arg4[%dma_start3A_905, %dma_start3A_907, %dma_start3A_908] : memref<3x80x512xf32, #tpu.memory_space<vmem>> -> memref<1x80x512xf32, #tpu.memory_space<vmem>>
    %dma_start3A_910 = tpu.memref_squeeze %dma_start3A_909 : memref<1x80x512xf32, #tpu.memory_space<vmem>> -> memref<80x512xf32, #tpu.memory_space<vmem>>
    %dma_start3A_911 = arith.constant 0 : i32
    %dma_start3A_912 = tpu.memref_slice %arg3[%add3A_904, %dma_start3A_911] : memref<100000x512xf32, #tpu.memory_space<hbm>> -> memref<80x512xf32, #tpu.memory_space<hbm>>
    %dma_start3A_913 = tpu.memref_slice %arg6[%dma_start3A_906] : memref<3x!tpu.dma_semaphore, #tpu.memory_space<semaphore_mem>> -> memref<1x!tpu.dma_semaphore, #tpu.memory_space<semaphore_mem>>
    %dma_start3A_914 = tpu.memref_squeeze %dma_start3A_913 : memref<1x!tpu.dma_semaphore, #tpu.memory_space<semaphore_mem>> -> memref<!tpu.dma_semaphore, #tpu.memory_space<semaphore_mem>>
    %dma_start3A_915 = arith.constant 0 : i32
    %dma_start3A_916 = tpu.memref_slice %arg3[%add3A_904, %dma_start3A_915] : memref<100000x512xf32, #tpu.memory_space<hbm>> -> memref<80x512xf32, #tpu.memory_space<hbm>>
    %dma_start3A_917 = arith.constant 0 : i32
    %dma_start3A_918 = arith.constant 0 : i32
    %dma_start3A_919 = tpu.memref_slice %arg4[%dma_start3A_905, %dma_start3A_917, %dma_start3A_918] : memref<3x80x512xf32, #tpu.memory_space<vmem>> -> memref<1x80x512xf32, #tpu.memory_space<vmem>>
    %dma_start3A_920 = tpu.memref_squeeze %dma_start3A_919 : memref<1x80x512xf32, #tpu.memory_space<vmem>> -> memref<80x512xf32, #tpu.memory_space<vmem>>
    tpu.enqueue_dma source(%dma_start3A_920 : memref<80x512xf32, #tpu.memory_space<vmem>>) target(%dma_start3A_916 : memref<80x512xf32, #tpu.memory_space<hbm>>) target_semaphore(%dma_start3A_914 : memref<!tpu.dma_semaphore, #tpu.memory_space<semaphore_mem>>)
    %add3A_921 = arith.constant 880 : i32
    %add3A_922 = arith.addi %mul3A_2, %add3A_921 : i32
    %dma_wait3A_923 = arith.constant 2 : i32
    %dma_wait3A_924 = arith.constant 2 : i32
    %dma_wait3A_925 = arith.constant 0 : i32
    %dma_wait3A_926 = arith.constant 0 : i32
    %dma_wait3A_927 = tpu.memref_slice %arg4[%dma_wait3A_923, %dma_wait3A_925, %dma_wait3A_926] : memref<3x80x512xf32, #tpu.memory_space<vmem>> -> memref<1x80x512xf32, #tpu.memory_space<vmem>>
    %dma_wait3A_928 = tpu.memref_squeeze %dma_wait3A_927 : memref<1x80x512xf32, #tpu.memory_space<vmem>> -> memref<80x512xf32, #tpu.memory_space<vmem>>
    %dma_wait3A_929 = arith.constant 0 : i32
    %dma_wait3A_930 = tpu.memref_slice %arg3[%add3A_922, %dma_wait3A_929] : memref<100000x512xf32, #tpu.memory_space<hbm>> -> memref<80x512xf32, #tpu.memory_space<hbm>>
    %dma_wait3A_931 = tpu.memref_slice %arg6[%dma_wait3A_924] : memref<3x!tpu.dma_semaphore, #tpu.memory_space<semaphore_mem>> -> memref<1x!tpu.dma_semaphore, #tpu.memory_space<semaphore_mem>>
    %dma_wait3A_932 = tpu.memref_squeeze %dma_wait3A_931 : memref<1x!tpu.dma_semaphore, #tpu.memory_space<semaphore_mem>> -> memref<!tpu.dma_semaphore, #tpu.memory_space<semaphore_mem>>
    %dma_wait3A_933 = arith.constant 0 : i32
    %dma_wait3A_934 = tpu.memref_slice %arg3[%add3A_922, %dma_wait3A_933] : memref<100000x512xf32, #tpu.memory_space<hbm>> -> memref<80x512xf32, #tpu.memory_space<hbm>>
    %dma_wait3A_935 = arith.constant 0 : i32
    %dma_wait3A_936 = arith.constant 0 : i32
    %dma_wait3A_937 = tpu.memref_slice %arg4[%dma_wait3A_923, %dma_wait3A_935, %dma_wait3A_936] : memref<3x80x512xf32, #tpu.memory_space<vmem>> -> memref<1x80x512xf32, #tpu.memory_space<vmem>>
    %dma_wait3A_938 = tpu.memref_squeeze %dma_wait3A_937 : memref<1x80x512xf32, #tpu.memory_space<vmem>> -> memref<80x512xf32, #tpu.memory_space<vmem>>
    tpu.wait_dma2 semaphore(%dma_wait3A_932 : memref<!tpu.dma_semaphore, #tpu.memory_space<semaphore_mem>>) src(%dma_wait3A_938 : memref<80x512xf32, #tpu.memory_space<vmem>>) dst(%dma_wait3A_934 : memref<80x512xf32, #tpu.memory_space<hbm>>)
    %add3A_939 = arith.constant 1120 : i32
    %add3A_940 = arith.addi %mul3A_2, %add3A_939 : i32
    %dma_start3A_941 = arith.constant 2 : i32
    %dma_start3A_942 = arith.constant 2 : i32
    %dma_start3A_943 = arith.constant 0 : i32
    %dma_start3A_944 = arith.constant 0 : i32
    %dma_start3A_945 = tpu.memref_slice %arg4[%dma_start3A_941, %dma_start3A_943, %dma_start3A_944] : memref<3x80x512xf32, #tpu.memory_space<vmem>> -> memref<1x80x512xf32, #tpu.memory_space<vmem>>
    %dma_start3A_946 = tpu.memref_squeeze %dma_start3A_945 : memref<1x80x512xf32, #tpu.memory_space<vmem>> -> memref<80x512xf32, #tpu.memory_space<vmem>>
    %dma_start3A_947 = arith.constant 0 : i32
    %dma_start3A_948 = tpu.memref_slice %arg2[%add3A_940, %dma_start3A_947] : memref<100000x512xf32, #tpu.memory_space<hbm>> -> memref<80x512xf32, #tpu.memory_space<hbm>>
    %dma_start3A_949 = tpu.memref_slice %arg5[%dma_start3A_942] : memref<3x!tpu.dma_semaphore, #tpu.memory_space<semaphore_mem>> -> memref<1x!tpu.dma_semaphore, #tpu.memory_space<semaphore_mem>>
    %dma_start3A_950 = tpu.memref_squeeze %dma_start3A_949 : memref<1x!tpu.dma_semaphore, #tpu.memory_space<semaphore_mem>> -> memref<!tpu.dma_semaphore, #tpu.memory_space<semaphore_mem>>
    %dma_start3A_951 = arith.constant 0 : i32
    %dma_start3A_952 = arith.constant 0 : i32
    %dma_start3A_953 = tpu.memref_slice %arg4[%dma_start3A_941, %dma_start3A_951, %dma_start3A_952] : memref<3x80x512xf32, #tpu.memory_space<vmem>> -> memref<1x80x512xf32, #tpu.memory_space<vmem>>
    %dma_start3A_954 = tpu.memref_squeeze %dma_start3A_953 : memref<1x80x512xf32, #tpu.memory_space<vmem>> -> memref<80x512xf32, #tpu.memory_space<vmem>>
    %dma_start3A_955 = arith.constant 0 : i32
    %dma_start3A_956 = tpu.memref_slice %arg2[%add3A_940, %dma_start3A_955] : memref<100000x512xf32, #tpu.memory_space<hbm>> -> memref<80x512xf32, #tpu.memory_space<hbm>>
    tpu.enqueue_dma source(%dma_start3A_956 : memref<80x512xf32, #tpu.memory_space<hbm>>) target(%dma_start3A_954 : memref<80x512xf32, #tpu.memory_space<vmem>>) target_semaphore(%dma_start3A_950 : memref<!tpu.dma_semaphore, #tpu.memory_space<semaphore_mem>>)
    %add3A_957 = arith.constant 1040 : i32
    %add3A_958 = arith.addi %mul3A_2, %add3A_957 : i32
    %dma_wait3A_959 = arith.constant 1 : i32
    %dma_wait3A_960 = arith.constant 1 : i32
    %dma_wait3A_961 = arith.constant 0 : i32
    %dma_wait3A_962 = arith.constant 0 : i32
    %dma_wait3A_963 = tpu.memref_slice %arg4[%dma_wait3A_959, %dma_wait3A_961, %dma_wait3A_962] : memref<3x80x512xf32, #tpu.memory_space<vmem>> -> memref<1x80x512xf32, #tpu.memory_space<vmem>>
    %dma_wait3A_964 = tpu.memref_squeeze %dma_wait3A_963 : memref<1x80x512xf32, #tpu.memory_space<vmem>> -> memref<80x512xf32, #tpu.memory_space<vmem>>
    %dma_wait3A_965 = arith.constant 0 : i32
    %dma_wait3A_966 = tpu.memref_slice %arg2[%add3A_958, %dma_wait3A_965] : memref<100000x512xf32, #tpu.memory_space<hbm>> -> memref<80x512xf32, #tpu.memory_space<hbm>>
    %dma_wait3A_967 = tpu.memref_slice %arg5[%dma_wait3A_960] : memref<3x!tpu.dma_semaphore, #tpu.memory_space<semaphore_mem>> -> memref<1x!tpu.dma_semaphore, #tpu.memory_space<semaphore_mem>>
    %dma_wait3A_968 = tpu.memref_squeeze %dma_wait3A_967 : memref<1x!tpu.dma_semaphore, #tpu.memory_space<semaphore_mem>> -> memref<!tpu.dma_semaphore, #tpu.memory_space<semaphore_mem>>
    %dma_wait3A_969 = arith.constant 0 : i32
    %dma_wait3A_970 = arith.constant 0 : i32
    %dma_wait3A_971 = tpu.memref_slice %arg4[%dma_wait3A_959, %dma_wait3A_969, %dma_wait3A_970] : memref<3x80x512xf32, #tpu.memory_space<vmem>> -> memref<1x80x512xf32, #tpu.memory_space<vmem>>
    %dma_wait3A_972 = tpu.memref_squeeze %dma_wait3A_971 : memref<1x80x512xf32, #tpu.memory_space<vmem>> -> memref<80x512xf32, #tpu.memory_space<vmem>>
    %dma_wait3A_973 = arith.constant 0 : i32
    %dma_wait3A_974 = tpu.memref_slice %arg2[%add3A_958, %dma_wait3A_973] : memref<100000x512xf32, #tpu.memory_space<hbm>> -> memref<80x512xf32, #tpu.memory_space<hbm>>
    tpu.wait_dma2 semaphore(%dma_wait3A_968 : memref<!tpu.dma_semaphore, #tpu.memory_space<semaphore_mem>>) src(%dma_wait3A_974 : memref<80x512xf32, #tpu.memory_space<hbm>>) dst(%dma_wait3A_972 : memref<80x512xf32, #tpu.memory_space<vmem>>)
    %add3A_975 = arith.constant 1040 : i32
    %add3A_976 = arith.addi %mul3A_2, %add3A_975 : i32
    %dma_start3A_977 = arith.constant 1 : i32
    %dma_start3A_978 = arith.constant 1 : i32
    %dma_start3A_979 = arith.constant 0 : i32
    %dma_start3A_980 = arith.constant 0 : i32
    %dma_start3A_981 = tpu.memref_slice %arg4[%dma_start3A_977, %dma_start3A_979, %dma_start3A_980] : memref<3x80x512xf32, #tpu.memory_space<vmem>> -> memref<1x80x512xf32, #tpu.memory_space<vmem>>
    %dma_start3A_982 = tpu.memref_squeeze %dma_start3A_981 : memref<1x80x512xf32, #tpu.memory_space<vmem>> -> memref<80x512xf32, #tpu.memory_space<vmem>>
    %dma_start3A_983 = arith.constant 0 : i32
    %dma_start3A_984 = tpu.memref_slice %arg3[%add3A_976, %dma_start3A_983] : memref<100000x512xf32, #tpu.memory_space<hbm>> -> memref<80x512xf32, #tpu.memory_space<hbm>>
    %dma_start3A_985 = tpu.memref_slice %arg6[%dma_start3A_978] : memref<3x!tpu.dma_semaphore, #tpu.memory_space<semaphore_mem>> -> memref<1x!tpu.dma_semaphore, #tpu.memory_space<semaphore_mem>>
    %dma_start3A_986 = tpu.memref_squeeze %dma_start3A_985 : memref<1x!tpu.dma_semaphore, #tpu.memory_space<semaphore_mem>> -> memref<!tpu.dma_semaphore, #tpu.memory_space<semaphore_mem>>
    %dma_start3A_987 = arith.constant 0 : i32
    %dma_start3A_988 = tpu.memref_slice %arg3[%add3A_976, %dma_start3A_987] : memref<100000x512xf32, #tpu.memory_space<hbm>> -> memref<80x512xf32, #tpu.memory_space<hbm>>
    %dma_start3A_989 = arith.constant 0 : i32
    %dma_start3A_990 = arith.constant 0 : i32
    %dma_start3A_991 = tpu.memref_slice %arg4[%dma_start3A_977, %dma_start3A_989, %dma_start3A_990] : memref<3x80x512xf32, #tpu.memory_space<vmem>> -> memref<1x80x512xf32, #tpu.memory_space<vmem>>
    %dma_start3A_992 = tpu.memref_squeeze %dma_start3A_991 : memref<1x80x512xf32, #tpu.memory_space<vmem>> -> memref<80x512xf32, #tpu.memory_space<vmem>>
    tpu.enqueue_dma source(%dma_start3A_992 : memref<80x512xf32, #tpu.memory_space<vmem>>) target(%dma_start3A_988 : memref<80x512xf32, #tpu.memory_space<hbm>>) target_semaphore(%dma_start3A_986 : memref<!tpu.dma_semaphore, #tpu.memory_space<semaphore_mem>>)
    %add3A_993 = arith.constant 960 : i32
    %add3A_994 = arith.addi %mul3A_2, %add3A_993 : i32
    %dma_wait3A_995 = arith.constant 0 : i32
    %dma_wait3A_996 = arith.constant 0 : i32
    %dma_wait3A_997 = arith.constant 0 : i32
    %dma_wait3A_998 = arith.constant 0 : i32
    %dma_wait3A_999 = tpu.memref_slice %arg4[%dma_wait3A_995, %dma_wait3A_997, %dma_wait3A_998] : memref<3x80x512xf32, #tpu.memory_space<vmem>> -> memref<1x80x512xf32, #tpu.memory_space<vmem>>
    %dma_wait3A_1000 = tpu.memref_squeeze %dma_wait3A_999 : memref<1x80x512xf32, #tpu.memory_space<vmem>> -> memref<80x512xf32, #tpu.memory_space<vmem>>
    %dma_wait3A_1001 = arith.constant 0 : i32
    %dma_wait3A_1002 = tpu.memref_slice %arg3[%add3A_994, %dma_wait3A_1001] : memref<100000x512xf32, #tpu.memory_space<hbm>> -> memref<80x512xf32, #tpu.memory_space<hbm>>
    %dma_wait3A_1003 = tpu.memref_slice %arg6[%dma_wait3A_996] : memref<3x!tpu.dma_semaphore, #tpu.memory_space<semaphore_mem>> -> memref<1x!tpu.dma_semaphore, #tpu.memory_space<semaphore_mem>>
    %dma_wait3A_1004 = tpu.memref_squeeze %dma_wait3A_1003 : memref<1x!tpu.dma_semaphore, #tpu.memory_space<semaphore_mem>> -> memref<!tpu.dma_semaphore, #tpu.memory_space<semaphore_mem>>
    %dma_wait3A_1005 = arith.constant 0 : i32
    %dma_wait3A_1006 = tpu.memref_slice %arg3[%add3A_994, %dma_wait3A_1005] : memref<100000x512xf32, #tpu.memory_space<hbm>> -> memref<80x512xf32, #tpu.memory_space<hbm>>
    %dma_wait3A_1007 = arith.constant 0 : i32
    %dma_wait3A_1008 = arith.constant 0 : i32
    %dma_wait3A_1009 = tpu.memref_slice %arg4[%dma_wait3A_995, %dma_wait3A_1007, %dma_wait3A_1008] : memref<3x80x512xf32, #tpu.memory_space<vmem>> -> memref<1x80x512xf32, #tpu.memory_space<vmem>>
    %dma_wait3A_1010 = tpu.memref_squeeze %dma_wait3A_1009 : memref<1x80x512xf32, #tpu.memory_space<vmem>> -> memref<80x512xf32, #tpu.memory_space<vmem>>
    tpu.wait_dma2 semaphore(%dma_wait3A_1004 : memref<!tpu.dma_semaphore, #tpu.memory_space<semaphore_mem>>) src(%dma_wait3A_1010 : memref<80x512xf32, #tpu.memory_space<vmem>>) dst(%dma_wait3A_1006 : memref<80x512xf32, #tpu.memory_space<hbm>>)
    %add3A_1011 = arith.constant 1200 : i32
    %add3A_1012 = arith.addi %mul3A_2, %add3A_1011 : i32
    %dma_start3A_1013 = arith.constant 0 : i32
    %dma_start3A_1014 = arith.constant 0 : i32
    %dma_start3A_1015 = arith.constant 0 : i32
    %dma_start3A_1016 = arith.constant 0 : i32
    %dma_start3A_1017 = tpu.memref_slice %arg4[%dma_start3A_1013, %dma_start3A_1015, %dma_start3A_1016] : memref<3x80x512xf32, #tpu.memory_space<vmem>> -> memref<1x80x512xf32, #tpu.memory_space<vmem>>
    %dma_start3A_1018 = tpu.memref_squeeze %dma_start3A_1017 : memref<1x80x512xf32, #tpu.memory_space<vmem>> -> memref<80x512xf32, #tpu.memory_space<vmem>>
    %dma_start3A_1019 = arith.constant 0 : i32
    %dma_start3A_1020 = tpu.memref_slice %arg2[%add3A_1012, %dma_start3A_1019] : memref<100000x512xf32, #tpu.memory_space<hbm>> -> memref<80x512xf32, #tpu.memory_space<hbm>>
    %dma_start3A_1021 = tpu.memref_slice %arg5[%dma_start3A_1014] : memref<3x!tpu.dma_semaphore, #tpu.memory_space<semaphore_mem>> -> memref<1x!tpu.dma_semaphore, #tpu.memory_space<semaphore_mem>>
    %dma_start3A_1022 = tpu.memref_squeeze %dma_start3A_1021 : memref<1x!tpu.dma_semaphore, #tpu.memory_space<semaphore_mem>> -> memref<!tpu.dma_semaphore, #tpu.memory_space<semaphore_mem>>
    %dma_start3A_1023 = arith.constant 0 : i32
    %dma_start3A_1024 = arith.constant 0 : i32
    %dma_start3A_1025 = tpu.memref_slice %arg4[%dma_start3A_1013, %dma_start3A_1023, %dma_start3A_1024] : memref<3x80x512xf32, #tpu.memory_space<vmem>> -> memref<1x80x512xf32, #tpu.memory_space<vmem>>
    %dma_start3A_1026 = tpu.memref_squeeze %dma_start3A_1025 : memref<1x80x512xf32, #tpu.memory_space<vmem>> -> memref<80x512xf32, #tpu.memory_space<vmem>>
    %dma_start3A_1027 = arith.constant 0 : i32
    %dma_start3A_1028 = tpu.memref_slice %arg2[%add3A_1012, %dma_start3A_1027] : memref<100000x512xf32, #tpu.memory_space<hbm>> -> memref<80x512xf32, #tpu.memory_space<hbm>>
    tpu.enqueue_dma source(%dma_start3A_1028 : memref<80x512xf32, #tpu.memory_space<hbm>>) target(%dma_start3A_1026 : memref<80x512xf32, #tpu.memory_space<vmem>>) target_semaphore(%dma_start3A_1022 : memref<!tpu.dma_semaphore, #tpu.memory_space<semaphore_mem>>)
    %add3A_1029 = arith.constant 1120 : i32
    %add3A_1030 = arith.addi %mul3A_2, %add3A_1029 : i32
    %dma_wait3A_1031 = arith.constant 2 : i32
    %dma_wait3A_1032 = arith.constant 2 : i32
    %dma_wait3A_1033 = arith.constant 0 : i32
    %dma_wait3A_1034 = arith.constant 0 : i32
    %dma_wait3A_1035 = tpu.memref_slice %arg4[%dma_wait3A_1031, %dma_wait3A_1033, %dma_wait3A_1034] : memref<3x80x512xf32, #tpu.memory_space<vmem>> -> memref<1x80x512xf32, #tpu.memory_space<vmem>>
    %dma_wait3A_1036 = tpu.memref_squeeze %dma_wait3A_1035 : memref<1x80x512xf32, #tpu.memory_space<vmem>> -> memref<80x512xf32, #tpu.memory_space<vmem>>
    %dma_wait3A_1037 = arith.constant 0 : i32
    %dma_wait3A_1038 = tpu.memref_slice %arg2[%add3A_1030, %dma_wait3A_1037] : memref<100000x512xf32, #tpu.memory_space<hbm>> -> memref<80x512xf32, #tpu.memory_space<hbm>>
    %dma_wait3A_1039 = tpu.memref_slice %arg5[%dma_wait3A_1032] : memref<3x!tpu.dma_semaphore, #tpu.memory_space<semaphore_mem>> -> memref<1x!tpu.dma_semaphore, #tpu.memory_space<semaphore_mem>>
    %dma_wait3A_1040 = tpu.memref_squeeze %dma_wait3A_1039 : memref<1x!tpu.dma_semaphore, #tpu.memory_space<semaphore_mem>> -> memref<!tpu.dma_semaphore, #tpu.memory_space<semaphore_mem>>
    %dma_wait3A_1041 = arith.constant 0 : i32
    %dma_wait3A_1042 = arith.constant 0 : i32
    %dma_wait3A_1043 = tpu.memref_slice %arg4[%dma_wait3A_1031, %dma_wait3A_1041, %dma_wait3A_1042] : memref<3x80x512xf32, #tpu.memory_space<vmem>> -> memref<1x80x512xf32, #tpu.memory_space<vmem>>
    %dma_wait3A_1044 = tpu.memref_squeeze %dma_wait3A_1043 : memref<1x80x512xf32, #tpu.memory_space<vmem>> -> memref<80x512xf32, #tpu.memory_space<vmem>>
    %dma_wait3A_1045 = arith.constant 0 : i32
    %dma_wait3A_1046 = tpu.memref_slice %arg2[%add3A_1030, %dma_wait3A_1045] : memref<100000x512xf32, #tpu.memory_space<hbm>> -> memref<80x512xf32, #tpu.memory_space<hbm>>
    tpu.wait_dma2 semaphore(%dma_wait3A_1040 : memref<!tpu.dma_semaphore, #tpu.memory_space<semaphore_mem>>) src(%dma_wait3A_1046 : memref<80x512xf32, #tpu.memory_space<hbm>>) dst(%dma_wait3A_1044 : memref<80x512xf32, #tpu.memory_space<vmem>>)
    %add3A_1047 = arith.constant 1120 : i32
    %add3A_1048 = arith.addi %mul3A_2, %add3A_1047 : i32
    %dma_start3A_1049 = arith.constant 2 : i32
    %dma_start3A_1050 = arith.constant 2 : i32
    %dma_start3A_1051 = arith.constant 0 : i32
    %dma_start3A_1052 = arith.constant 0 : i32
    %dma_start3A_1053 = tpu.memref_slice %arg4[%dma_start3A_1049, %dma_start3A_1051, %dma_start3A_1052] : memref<3x80x512xf32, #tpu.memory_space<vmem>> -> memref<1x80x512xf32, #tpu.memory_space<vmem>>
    %dma_start3A_1054 = tpu.memref_squeeze %dma_start3A_1053 : memref<1x80x512xf32, #tpu.memory_space<vmem>> -> memref<80x512xf32, #tpu.memory_space<vmem>>
    %dma_start3A_1055 = arith.constant 0 : i32
    %dma_start3A_1056 = tpu.memref_slice %arg3[%add3A_1048, %dma_start3A_1055] : memref<100000x512xf32, #tpu.memory_space<hbm>> -> memref<80x512xf32, #tpu.memory_space<hbm>>
    %dma_start3A_1057 = tpu.memref_slice %arg6[%dma_start3A_1050] : memref<3x!tpu.dma_semaphore, #tpu.memory_space<semaphore_mem>> -> memref<1x!tpu.dma_semaphore, #tpu.memory_space<semaphore_mem>>
    %dma_start3A_1058 = tpu.memref_squeeze %dma_start3A_1057 : memref<1x!tpu.dma_semaphore, #tpu.memory_space<semaphore_mem>> -> memref<!tpu.dma_semaphore, #tpu.memory_space<semaphore_mem>>
    %dma_start3A_1059 = arith.constant 0 : i32
    %dma_start3A_1060 = tpu.memref_slice %arg3[%add3A_1048, %dma_start3A_1059] : memref<100000x512xf32, #tpu.memory_space<hbm>> -> memref<80x512xf32, #tpu.memory_space<hbm>>
    %dma_start3A_1061 = arith.constant 0 : i32
    %dma_start3A_1062 = arith.constant 0 : i32
    %dma_start3A_1063 = tpu.memref_slice %arg4[%dma_start3A_1049, %dma_start3A_1061, %dma_start3A_1062] : memref<3x80x512xf32, #tpu.memory_space<vmem>> -> memref<1x80x512xf32, #tpu.memory_space<vmem>>
    %dma_start3A_1064 = tpu.memref_squeeze %dma_start3A_1063 : memref<1x80x512xf32, #tpu.memory_space<vmem>> -> memref<80x512xf32, #tpu.memory_space<vmem>>
    tpu.enqueue_dma source(%dma_start3A_1064 : memref<80x512xf32, #tpu.memory_space<vmem>>) target(%dma_start3A_1060 : memref<80x512xf32, #tpu.memory_space<hbm>>) target_semaphore(%dma_start3A_1058 : memref<!tpu.dma_semaphore, #tpu.memory_space<semaphore_mem>>)
    %add3A_1065 = arith.constant 1040 : i32
    %add3A_1066 = arith.addi %mul3A_2, %add3A_1065 : i32
    %dma_wait3A_1067 = arith.constant 1 : i32
    %dma_wait3A_1068 = arith.constant 1 : i32
    %dma_wait3A_1069 = arith.constant 0 : i32
    %dma_wait3A_1070 = arith.constant 0 : i32
    %dma_wait3A_1071 = tpu.memref_slice %arg4[%dma_wait3A_1067, %dma_wait3A_1069, %dma_wait3A_1070] : memref<3x80x512xf32, #tpu.memory_space<vmem>> -> memref<1x80x512xf32, #tpu.memory_space<vmem>>
    %dma_wait3A_1072 = tpu.memref_squeeze %dma_wait3A_1071 : memref<1x80x512xf32, #tpu.memory_space<vmem>> -> memref<80x512xf32, #tpu.memory_space<vmem>>
    %dma_wait3A_1073 = arith.constant 0 : i32
    %dma_wait3A_1074 = tpu.memref_slice %arg3[%add3A_1066, %dma_wait3A_1073] : memref<100000x512xf32, #tpu.memory_space<hbm>> -> memref<80x512xf32, #tpu.memory_space<hbm>>
    %dma_wait3A_1075 = tpu.memref_slice %arg6[%dma_wait3A_1068] : memref<3x!tpu.dma_semaphore, #tpu.memory_space<semaphore_mem>> -> memref<1x!tpu.dma_semaphore, #tpu.memory_space<semaphore_mem>>
    %dma_wait3A_1076 = tpu.memref_squeeze %dma_wait3A_1075 : memref<1x!tpu.dma_semaphore, #tpu.memory_space<semaphore_mem>> -> memref<!tpu.dma_semaphore, #tpu.memory_space<semaphore_mem>>
    %dma_wait3A_1077 = arith.constant 0 : i32
    %dma_wait3A_1078 = tpu.memref_slice %arg3[%add3A_1066, %dma_wait3A_1077] : memref<100000x512xf32, #tpu.memory_space<hbm>> -> memref<80x512xf32, #tpu.memory_space<hbm>>
    %dma_wait3A_1079 = arith.constant 0 : i32
    %dma_wait3A_1080 = arith.constant 0 : i32
    %dma_wait3A_1081 = tpu.memref_slice %arg4[%dma_wait3A_1067, %dma_wait3A_1079, %dma_wait3A_1080] : memref<3x80x512xf32, #tpu.memory_space<vmem>> -> memref<1x80x512xf32, #tpu.memory_space<vmem>>
    %dma_wait3A_1082 = tpu.memref_squeeze %dma_wait3A_1081 : memref<1x80x512xf32, #tpu.memory_space<vmem>> -> memref<80x512xf32, #tpu.memory_space<vmem>>
    tpu.wait_dma2 semaphore(%dma_wait3A_1076 : memref<!tpu.dma_semaphore, #tpu.memory_space<semaphore_mem>>) src(%dma_wait3A_1082 : memref<80x512xf32, #tpu.memory_space<vmem>>) dst(%dma_wait3A_1078 : memref<80x512xf32, #tpu.memory_space<hbm>>)
    %add3A_1083 = arith.constant 1280 : i32
    %add3A_1084 = arith.addi %mul3A_2, %add3A_1083 : i32
    %dma_start3A_1085 = arith.constant 1 : i32
    %dma_start3A_1086 = arith.constant 1 : i32
    %dma_start3A_1087 = arith.constant 0 : i32
    %dma_start3A_1088 = arith.constant 0 : i32
    %dma_start3A_1089 = tpu.memref_slice %arg4[%dma_start3A_1085, %dma_start3A_1087, %dma_start3A_1088] : memref<3x80x512xf32, #tpu.memory_space<vmem>> -> memref<1x80x512xf32, #tpu.memory_space<vmem>>
    %dma_start3A_1090 = tpu.memref_squeeze %dma_start3A_1089 : memref<1x80x512xf32, #tpu.memory_space<vmem>> -> memref<80x512xf32, #tpu.memory_space<vmem>>
    %dma_start3A_1091 = arith.constant 0 : i32
    %dma_start3A_1092 = tpu.memref_slice %arg2[%add3A_1084, %dma_start3A_1091] : memref<100000x512xf32, #tpu.memory_space<hbm>> -> memref<80x512xf32, #tpu.memory_space<hbm>>
    %dma_start3A_1093 = tpu.memref_slice %arg5[%dma_start3A_1086] : memref<3x!tpu.dma_semaphore, #tpu.memory_space<semaphore_mem>> -> memref<1x!tpu.dma_semaphore, #tpu.memory_space<semaphore_mem>>
    %dma_start3A_1094 = tpu.memref_squeeze %dma_start3A_1093 : memref<1x!tpu.dma_semaphore, #tpu.memory_space<semaphore_mem>> -> memref<!tpu.dma_semaphore, #tpu.memory_space<semaphore_mem>>
    %dma_start3A_1095 = arith.constant 0 : i32
    %dma_start3A_1096 = arith.constant 0 : i32
    %dma_start3A_1097 = tpu.memref_slice %arg4[%dma_start3A_1085, %dma_start3A_1095, %dma_start3A_1096] : memref<3x80x512xf32, #tpu.memory_space<vmem>> -> memref<1x80x512xf32, #tpu.memory_space<vmem>>
    %dma_start3A_1098 = tpu.memref_squeeze %dma_start3A_1097 : memref<1x80x512xf32, #tpu.memory_space<vmem>> -> memref<80x512xf32, #tpu.memory_space<vmem>>
    %dma_start3A_1099 = arith.constant 0 : i32
    %dma_start3A_1100 = tpu.memref_slice %arg2[%add3A_1084, %dma_start3A_1099] : memref<100000x512xf32, #tpu.memory_space<hbm>> -> memref<80x512xf32, #tpu.memory_space<hbm>>
    tpu.enqueue_dma source(%dma_start3A_1100 : memref<80x512xf32, #tpu.memory_space<hbm>>) target(%dma_start3A_1098 : memref<80x512xf32, #tpu.memory_space<vmem>>) target_semaphore(%dma_start3A_1094 : memref<!tpu.dma_semaphore, #tpu.memory_space<semaphore_mem>>)
    %add3A_1101 = arith.constant 1200 : i32
    %add3A_1102 = arith.addi %mul3A_2, %add3A_1101 : i32
    %dma_wait3A_1103 = arith.constant 0 : i32
    %dma_wait3A_1104 = arith.constant 0 : i32
    %dma_wait3A_1105 = arith.constant 0 : i32
    %dma_wait3A_1106 = arith.constant 0 : i32
    %dma_wait3A_1107 = tpu.memref_slice %arg4[%dma_wait3A_1103, %dma_wait3A_1105, %dma_wait3A_1106] : memref<3x80x512xf32, #tpu.memory_space<vmem>> -> memref<1x80x512xf32, #tpu.memory_space<vmem>>
    %dma_wait3A_1108 = tpu.memref_squeeze %dma_wait3A_1107 : memref<1x80x512xf32, #tpu.memory_space<vmem>> -> memref<80x512xf32, #tpu.memory_space<vmem>>
    %dma_wait3A_1109 = arith.constant 0 : i32
    %dma_wait3A_1110 = tpu.memref_slice %arg2[%add3A_1102, %dma_wait3A_1109] : memref<100000x512xf32, #tpu.memory_space<hbm>> -> memref<80x512xf32, #tpu.memory_space<hbm>>
    %dma_wait3A_1111 = tpu.memref_slice %arg5[%dma_wait3A_1104] : memref<3x!tpu.dma_semaphore, #tpu.memory_space<semaphore_mem>> -> memref<1x!tpu.dma_semaphore, #tpu.memory_space<semaphore_mem>>
    %dma_wait3A_1112 = tpu.memref_squeeze %dma_wait3A_1111 : memref<1x!tpu.dma_semaphore, #tpu.memory_space<semaphore_mem>> -> memref<!tpu.dma_semaphore, #tpu.memory_space<semaphore_mem>>
    %dma_wait3A_1113 = arith.constant 0 : i32
    %dma_wait3A_1114 = arith.constant 0 : i32
    %dma_wait3A_1115 = tpu.memref_slice %arg4[%dma_wait3A_1103, %dma_wait3A_1113, %dma_wait3A_1114] : memref<3x80x512xf32, #tpu.memory_space<vmem>> -> memref<1x80x512xf32, #tpu.memory_space<vmem>>
    %dma_wait3A_1116 = tpu.memref_squeeze %dma_wait3A_1115 : memref<1x80x512xf32, #tpu.memory_space<vmem>> -> memref<80x512xf32, #tpu.memory_space<vmem>>
    %dma_wait3A_1117 = arith.constant 0 : i32
    %dma_wait3A_1118 = tpu.memref_slice %arg2[%add3A_1102, %dma_wait3A_1117] : memref<100000x512xf32, #tpu.memory_space<hbm>> -> memref<80x512xf32, #tpu.memory_space<hbm>>
    tpu.wait_dma2 semaphore(%dma_wait3A_1112 : memref<!tpu.dma_semaphore, #tpu.memory_space<semaphore_mem>>) src(%dma_wait3A_1118 : memref<80x512xf32, #tpu.memory_space<hbm>>) dst(%dma_wait3A_1116 : memref<80x512xf32, #tpu.memory_space<vmem>>)
    %add3A_1119 = arith.constant 1200 : i32
    %add3A_1120 = arith.addi %mul3A_2, %add3A_1119 : i32
    %dma_start3A_1121 = arith.constant 0 : i32
    %dma_start3A_1122 = arith.constant 0 : i32
    %dma_start3A_1123 = arith.constant 0 : i32
    %dma_start3A_1124 = arith.constant 0 : i32
    %dma_start3A_1125 = tpu.memref_slice %arg4[%dma_start3A_1121, %dma_start3A_1123, %dma_start3A_1124] : memref<3x80x512xf32, #tpu.memory_space<vmem>> -> memref<1x80x512xf32, #tpu.memory_space<vmem>>
    %dma_start3A_1126 = tpu.memref_squeeze %dma_start3A_1125 : memref<1x80x512xf32, #tpu.memory_space<vmem>> -> memref<80x512xf32, #tpu.memory_space<vmem>>
    %dma_start3A_1127 = arith.constant 0 : i32
    %dma_start3A_1128 = tpu.memref_slice %arg3[%add3A_1120, %dma_start3A_1127] : memref<100000x512xf32, #tpu.memory_space<hbm>> -> memref<80x512xf32, #tpu.memory_space<hbm>>
    %dma_start3A_1129 = tpu.memref_slice %arg6[%dma_start3A_1122] : memref<3x!tpu.dma_semaphore, #tpu.memory_space<semaphore_mem>> -> memref<1x!tpu.dma_semaphore, #tpu.memory_space<semaphore_mem>>
    %dma_start3A_1130 = tpu.memref_squeeze %dma_start3A_1129 : memref<1x!tpu.dma_semaphore, #tpu.memory_space<semaphore_mem>> -> memref<!tpu.dma_semaphore, #tpu.memory_space<semaphore_mem>>
    %dma_start3A_1131 = arith.constant 0 : i32
    %dma_start3A_1132 = tpu.memref_slice %arg3[%add3A_1120, %dma_start3A_1131] : memref<100000x512xf32, #tpu.memory_space<hbm>> -> memref<80x512xf32, #tpu.memory_space<hbm>>
    %dma_start3A_1133 = arith.constant 0 : i32
    %dma_start3A_1134 = arith.constant 0 : i32
    %dma_start3A_1135 = tpu.memref_slice %arg4[%dma_start3A_1121, %dma_start3A_1133, %dma_start3A_1134] : memref<3x80x512xf32, #tpu.memory_space<vmem>> -> memref<1x80x512xf32, #tpu.memory_space<vmem>>
    %dma_start3A_1136 = tpu.memref_squeeze %dma_start3A_1135 : memref<1x80x512xf32, #tpu.memory_space<vmem>> -> memref<80x512xf32, #tpu.memory_space<vmem>>
    tpu.enqueue_dma source(%dma_start3A_1136 : memref<80x512xf32, #tpu.memory_space<vmem>>) target(%dma_start3A_1132 : memref<80x512xf32, #tpu.memory_space<hbm>>) target_semaphore(%dma_start3A_1130 : memref<!tpu.dma_semaphore, #tpu.memory_space<semaphore_mem>>)
    %add3A_1137 = arith.constant 1120 : i32
    %add3A_1138 = arith.addi %mul3A_2, %add3A_1137 : i32
    %dma_wait3A_1139 = arith.constant 2 : i32
    %dma_wait3A_1140 = arith.constant 2 : i32
    %dma_wait3A_1141 = arith.constant 0 : i32
    %dma_wait3A_1142 = arith.constant 0 : i32
    %dma_wait3A_1143 = tpu.memref_slice %arg4[%dma_wait3A_1139, %dma_wait3A_1141, %dma_wait3A_1142] : memref<3x80x512xf32, #tpu.memory_space<vmem>> -> memref<1x80x512xf32, #tpu.memory_space<vmem>>
    %dma_wait3A_1144 = tpu.memref_squeeze %dma_wait3A_1143 : memref<1x80x512xf32, #tpu.memory_space<vmem>> -> memref<80x512xf32, #tpu.memory_space<vmem>>
    %dma_wait3A_1145 = arith.constant 0 : i32
    %dma_wait3A_1146 = tpu.memref_slice %arg3[%add3A_1138, %dma_wait3A_1145] : memref<100000x512xf32, #tpu.memory_space<hbm>> -> memref<80x512xf32, #tpu.memory_space<hbm>>
    %dma_wait3A_1147 = tpu.memref_slice %arg6[%dma_wait3A_1140] : memref<3x!tpu.dma_semaphore, #tpu.memory_space<semaphore_mem>> -> memref<1x!tpu.dma_semaphore, #tpu.memory_space<semaphore_mem>>
    %dma_wait3A_1148 = tpu.memref_squeeze %dma_wait3A_1147 : memref<1x!tpu.dma_semaphore, #tpu.memory_space<semaphore_mem>> -> memref<!tpu.dma_semaphore, #tpu.memory_space<semaphore_mem>>
    %dma_wait3A_1149 = arith.constant 0 : i32
    %dma_wait3A_1150 = tpu.memref_slice %arg3[%add3A_1138, %dma_wait3A_1149] : memref<100000x512xf32, #tpu.memory_space<hbm>> -> memref<80x512xf32, #tpu.memory_space<hbm>>
    %dma_wait3A_1151 = arith.constant 0 : i32
    %dma_wait3A_1152 = arith.constant 0 : i32
    %dma_wait3A_1153 = tpu.memref_slice %arg4[%dma_wait3A_1139, %dma_wait3A_1151, %dma_wait3A_1152] : memref<3x80x512xf32, #tpu.memory_space<vmem>> -> memref<1x80x512xf32, #tpu.memory_space<vmem>>
    %dma_wait3A_1154 = tpu.memref_squeeze %dma_wait3A_1153 : memref<1x80x512xf32, #tpu.memory_space<vmem>> -> memref<80x512xf32, #tpu.memory_space<vmem>>
    tpu.wait_dma2 semaphore(%dma_wait3A_1148 : memref<!tpu.dma_semaphore, #tpu.memory_space<semaphore_mem>>) src(%dma_wait3A_1154 : memref<80x512xf32, #tpu.memory_space<vmem>>) dst(%dma_wait3A_1150 : memref<80x512xf32, #tpu.memory_space<hbm>>)
    %add3A_1155 = arith.constant 1360 : i32
    %add3A_1156 = arith.addi %mul3A_2, %add3A_1155 : i32
    %dma_start3A_1157 = arith.constant 2 : i32
    %dma_start3A_1158 = arith.constant 2 : i32
    %dma_start3A_1159 = arith.constant 0 : i32
    %dma_start3A_1160 = arith.constant 0 : i32
    %dma_start3A_1161 = tpu.memref_slice %arg4[%dma_start3A_1157, %dma_start3A_1159, %dma_start3A_1160] : memref<3x80x512xf32, #tpu.memory_space<vmem>> -> memref<1x80x512xf32, #tpu.memory_space<vmem>>
    %dma_start3A_1162 = tpu.memref_squeeze %dma_start3A_1161 : memref<1x80x512xf32, #tpu.memory_space<vmem>> -> memref<80x512xf32, #tpu.memory_space<vmem>>
    %dma_start3A_1163 = arith.constant 0 : i32
    %dma_start3A_1164 = tpu.memref_slice %arg2[%add3A_1156, %dma_start3A_1163] : memref<100000x512xf32, #tpu.memory_space<hbm>> -> memref<80x512xf32, #tpu.memory_space<hbm>>
    %dma_start3A_1165 = tpu.memref_slice %arg5[%dma_start3A_1158] : memref<3x!tpu.dma_semaphore, #tpu.memory_space<semaphore_mem>> -> memref<1x!tpu.dma_semaphore, #tpu.memory_space<semaphore_mem>>
    %dma_start3A_1166 = tpu.memref_squeeze %dma_start3A_1165 : memref<1x!tpu.dma_semaphore, #tpu.memory_space<semaphore_mem>> -> memref<!tpu.dma_semaphore, #tpu.memory_space<semaphore_mem>>
    %dma_start3A_1167 = arith.constant 0 : i32
    %dma_start3A_1168 = arith.constant 0 : i32
    %dma_start3A_1169 = tpu.memref_slice %arg4[%dma_start3A_1157, %dma_start3A_1167, %dma_start3A_1168] : memref<3x80x512xf32, #tpu.memory_space<vmem>> -> memref<1x80x512xf32, #tpu.memory_space<vmem>>
    %dma_start3A_1170 = tpu.memref_squeeze %dma_start3A_1169 : memref<1x80x512xf32, #tpu.memory_space<vmem>> -> memref<80x512xf32, #tpu.memory_space<vmem>>
    %dma_start3A_1171 = arith.constant 0 : i32
    %dma_start3A_1172 = tpu.memref_slice %arg2[%add3A_1156, %dma_start3A_1171] : memref<100000x512xf32, #tpu.memory_space<hbm>> -> memref<80x512xf32, #tpu.memory_space<hbm>>
    tpu.enqueue_dma source(%dma_start3A_1172 : memref<80x512xf32, #tpu.memory_space<hbm>>) target(%dma_start3A_1170 : memref<80x512xf32, #tpu.memory_space<vmem>>) target_semaphore(%dma_start3A_1166 : memref<!tpu.dma_semaphore, #tpu.memory_space<semaphore_mem>>)
    %add3A_1173 = arith.constant 1280 : i32
    %add3A_1174 = arith.addi %mul3A_2, %add3A_1173 : i32
    %dma_wait3A_1175 = arith.constant 1 : i32
    %dma_wait3A_1176 = arith.constant 1 : i32
    %dma_wait3A_1177 = arith.constant 0 : i32
    %dma_wait3A_1178 = arith.constant 0 : i32
    %dma_wait3A_1179 = tpu.memref_slice %arg4[%dma_wait3A_1175, %dma_wait3A_1177, %dma_wait3A_1178] : memref<3x80x512xf32, #tpu.memory_space<vmem>> -> memref<1x80x512xf32, #tpu.memory_space<vmem>>
    %dma_wait3A_1180 = tpu.memref_squeeze %dma_wait3A_1179 : memref<1x80x512xf32, #tpu.memory_space<vmem>> -> memref<80x512xf32, #tpu.memory_space<vmem>>
    %dma_wait3A_1181 = arith.constant 0 : i32
    %dma_wait3A_1182 = tpu.memref_slice %arg2[%add3A_1174, %dma_wait3A_1181] : memref<100000x512xf32, #tpu.memory_space<hbm>> -> memref<80x512xf32, #tpu.memory_space<hbm>>
    %dma_wait3A_1183 = tpu.memref_slice %arg5[%dma_wait3A_1176] : memref<3x!tpu.dma_semaphore, #tpu.memory_space<semaphore_mem>> -> memref<1x!tpu.dma_semaphore, #tpu.memory_space<semaphore_mem>>
    %dma_wait3A_1184 = tpu.memref_squeeze %dma_wait3A_1183 : memref<1x!tpu.dma_semaphore, #tpu.memory_space<semaphore_mem>> -> memref<!tpu.dma_semaphore, #tpu.memory_space<semaphore_mem>>
    %dma_wait3A_1185 = arith.constant 0 : i32
    %dma_wait3A_1186 = arith.constant 0 : i32
    %dma_wait3A_1187 = tpu.memref_slice %arg4[%dma_wait3A_1175, %dma_wait3A_1185, %dma_wait3A_1186] : memref<3x80x512xf32, #tpu.memory_space<vmem>> -> memref<1x80x512xf32, #tpu.memory_space<vmem>>
    %dma_wait3A_1188 = tpu.memref_squeeze %dma_wait3A_1187 : memref<1x80x512xf32, #tpu.memory_space<vmem>> -> memref<80x512xf32, #tpu.memory_space<vmem>>
    %dma_wait3A_1189 = arith.constant 0 : i32
    %dma_wait3A_1190 = tpu.memref_slice %arg2[%add3A_1174, %dma_wait3A_1189] : memref<100000x512xf32, #tpu.memory_space<hbm>> -> memref<80x512xf32, #tpu.memory_space<hbm>>
    tpu.wait_dma2 semaphore(%dma_wait3A_1184 : memref<!tpu.dma_semaphore, #tpu.memory_space<semaphore_mem>>) src(%dma_wait3A_1190 : memref<80x512xf32, #tpu.memory_space<hbm>>) dst(%dma_wait3A_1188 : memref<80x512xf32, #tpu.memory_space<vmem>>)
    %add3A_1191 = arith.constant 1280 : i32
    %add3A_1192 = arith.addi %mul3A_2, %add3A_1191 : i32
    %dma_start3A_1193 = arith.constant 1 : i32
    %dma_start3A_1194 = arith.constant 1 : i32
    %dma_start3A_1195 = arith.constant 0 : i32
    %dma_start3A_1196 = arith.constant 0 : i32
    %dma_start3A_1197 = tpu.memref_slice %arg4[%dma_start3A_1193, %dma_start3A_1195, %dma_start3A_1196] : memref<3x80x512xf32, #tpu.memory_space<vmem>> -> memref<1x80x512xf32, #tpu.memory_space<vmem>>
    %dma_start3A_1198 = tpu.memref_squeeze %dma_start3A_1197 : memref<1x80x512xf32, #tpu.memory_space<vmem>> -> memref<80x512xf32, #tpu.memory_space<vmem>>
    %dma_start3A_1199 = arith.constant 0 : i32
    %dma_start3A_1200 = tpu.memref_slice %arg3[%add3A_1192, %dma_start3A_1199] : memref<100000x512xf32, #tpu.memory_space<hbm>> -> memref<80x512xf32, #tpu.memory_space<hbm>>
    %dma_start3A_1201 = tpu.memref_slice %arg6[%dma_start3A_1194] : memref<3x!tpu.dma_semaphore, #tpu.memory_space<semaphore_mem>> -> memref<1x!tpu.dma_semaphore, #tpu.memory_space<semaphore_mem>>
    %dma_start3A_1202 = tpu.memref_squeeze %dma_start3A_1201 : memref<1x!tpu.dma_semaphore, #tpu.memory_space<semaphore_mem>> -> memref<!tpu.dma_semaphore, #tpu.memory_space<semaphore_mem>>
    %dma_start3A_1203 = arith.constant 0 : i32
    %dma_start3A_1204 = tpu.memref_slice %arg3[%add3A_1192, %dma_start3A_1203] : memref<100000x512xf32, #tpu.memory_space<hbm>> -> memref<80x512xf32, #tpu.memory_space<hbm>>
    %dma_start3A_1205 = arith.constant 0 : i32
    %dma_start3A_1206 = arith.constant 0 : i32
    %dma_start3A_1207 = tpu.memref_slice %arg4[%dma_start3A_1193, %dma_start3A_1205, %dma_start3A_1206] : memref<3x80x512xf32, #tpu.memory_space<vmem>> -> memref<1x80x512xf32, #tpu.memory_space<vmem>>
    %dma_start3A_1208 = tpu.memref_squeeze %dma_start3A_1207 : memref<1x80x512xf32, #tpu.memory_space<vmem>> -> memref<80x512xf32, #tpu.memory_space<vmem>>
    tpu.enqueue_dma source(%dma_start3A_1208 : memref<80x512xf32, #tpu.memory_space<vmem>>) target(%dma_start3A_1204 : memref<80x512xf32, #tpu.memory_space<hbm>>) target_semaphore(%dma_start3A_1202 : memref<!tpu.dma_semaphore, #tpu.memory_space<semaphore_mem>>)
    %add3A_1209 = arith.constant 1200 : i32
    %add3A_1210 = arith.addi %mul3A_2, %add3A_1209 : i32
    %dma_wait3A_1211 = arith.constant 0 : i32
    %dma_wait3A_1212 = arith.constant 0 : i32
    %dma_wait3A_1213 = arith.constant 0 : i32
    %dma_wait3A_1214 = arith.constant 0 : i32
    %dma_wait3A_1215 = tpu.memref_slice %arg4[%dma_wait3A_1211, %dma_wait3A_1213, %dma_wait3A_1214] : memref<3x80x512xf32, #tpu.memory_space<vmem>> -> memref<1x80x512xf32, #tpu.memory_space<vmem>>
    %dma_wait3A_1216 = tpu.memref_squeeze %dma_wait3A_1215 : memref<1x80x512xf32, #tpu.memory_space<vmem>> -> memref<80x512xf32, #tpu.memory_space<vmem>>
    %dma_wait3A_1217 = arith.constant 0 : i32
    %dma_wait3A_1218 = tpu.memref_slice %arg3[%add3A_1210, %dma_wait3A_1217] : memref<100000x512xf32, #tpu.memory_space<hbm>> -> memref<80x512xf32, #tpu.memory_space<hbm>>
    %dma_wait3A_1219 = tpu.memref_slice %arg6[%dma_wait3A_1212] : memref<3x!tpu.dma_semaphore, #tpu.memory_space<semaphore_mem>> -> memref<1x!tpu.dma_semaphore, #tpu.memory_space<semaphore_mem>>
    %dma_wait3A_1220 = tpu.memref_squeeze %dma_wait3A_1219 : memref<1x!tpu.dma_semaphore, #tpu.memory_space<semaphore_mem>> -> memref<!tpu.dma_semaphore, #tpu.memory_space<semaphore_mem>>
    %dma_wait3A_1221 = arith.constant 0 : i32
    %dma_wait3A_1222 = tpu.memref_slice %arg3[%add3A_1210, %dma_wait3A_1221] : memref<100000x512xf32, #tpu.memory_space<hbm>> -> memref<80x512xf32, #tpu.memory_space<hbm>>
    %dma_wait3A_1223 = arith.constant 0 : i32
    %dma_wait3A_1224 = arith.constant 0 : i32
    %dma_wait3A_1225 = tpu.memref_slice %arg4[%dma_wait3A_1211, %dma_wait3A_1223, %dma_wait3A_1224] : memref<3x80x512xf32, #tpu.memory_space<vmem>> -> memref<1x80x512xf32, #tpu.memory_space<vmem>>
    %dma_wait3A_1226 = tpu.memref_squeeze %dma_wait3A_1225 : memref<1x80x512xf32, #tpu.memory_space<vmem>> -> memref<80x512xf32, #tpu.memory_space<vmem>>
    tpu.wait_dma2 semaphore(%dma_wait3A_1220 : memref<!tpu.dma_semaphore, #tpu.memory_space<semaphore_mem>>) src(%dma_wait3A_1226 : memref<80x512xf32, #tpu.memory_space<vmem>>) dst(%dma_wait3A_1222 : memref<80x512xf32, #tpu.memory_space<hbm>>)
    %add3A_1227 = arith.constant 1440 : i32
    %add3A_1228 = arith.addi %mul3A_2, %add3A_1227 : i32
    %dma_start3A_1229 = arith.constant 0 : i32
    %dma_start3A_1230 = arith.constant 0 : i32
    %dma_start3A_1231 = arith.constant 0 : i32
    %dma_start3A_1232 = arith.constant 0 : i32
    %dma_start3A_1233 = tpu.memref_slice %arg4[%dma_start3A_1229, %dma_start3A_1231, %dma_start3A_1232] : memref<3x80x512xf32, #tpu.memory_space<vmem>> -> memref<1x80x512xf32, #tpu.memory_space<vmem>>
    %dma_start3A_1234 = tpu.memref_squeeze %dma_start3A_1233 : memref<1x80x512xf32, #tpu.memory_space<vmem>> -> memref<80x512xf32, #tpu.memory_space<vmem>>
    %dma_start3A_1235 = arith.constant 0 : i32
    %dma_start3A_1236 = tpu.memref_slice %arg2[%add3A_1228, %dma_start3A_1235] : memref<100000x512xf32, #tpu.memory_space<hbm>> -> memref<80x512xf32, #tpu.memory_space<hbm>>
    %dma_start3A_1237 = tpu.memref_slice %arg5[%dma_start3A_1230] : memref<3x!tpu.dma_semaphore, #tpu.memory_space<semaphore_mem>> -> memref<1x!tpu.dma_semaphore, #tpu.memory_space<semaphore_mem>>
    %dma_start3A_1238 = tpu.memref_squeeze %dma_start3A_1237 : memref<1x!tpu.dma_semaphore, #tpu.memory_space<semaphore_mem>> -> memref<!tpu.dma_semaphore, #tpu.memory_space<semaphore_mem>>
    %dma_start3A_1239 = arith.constant 0 : i32
    %dma_start3A_1240 = arith.constant 0 : i32
    %dma_start3A_1241 = tpu.memref_slice %arg4[%dma_start3A_1229, %dma_start3A_1239, %dma_start3A_1240] : memref<3x80x512xf32, #tpu.memory_space<vmem>> -> memref<1x80x512xf32, #tpu.memory_space<vmem>>
    %dma_start3A_1242 = tpu.memref_squeeze %dma_start3A_1241 : memref<1x80x512xf32, #tpu.memory_space<vmem>> -> memref<80x512xf32, #tpu.memory_space<vmem>>
    %dma_start3A_1243 = arith.constant 0 : i32
    %dma_start3A_1244 = tpu.memref_slice %arg2[%add3A_1228, %dma_start3A_1243] : memref<100000x512xf32, #tpu.memory_space<hbm>> -> memref<80x512xf32, #tpu.memory_space<hbm>>
    tpu.enqueue_dma source(%dma_start3A_1244 : memref<80x512xf32, #tpu.memory_space<hbm>>) target(%dma_start3A_1242 : memref<80x512xf32, #tpu.memory_space<vmem>>) target_semaphore(%dma_start3A_1238 : memref<!tpu.dma_semaphore, #tpu.memory_space<semaphore_mem>>)
    %add3A_1245 = arith.constant 1360 : i32
    %add3A_1246 = arith.addi %mul3A_2, %add3A_1245 : i32
    %dma_wait3A_1247 = arith.constant 2 : i32
    %dma_wait3A_1248 = arith.constant 2 : i32
    %dma_wait3A_1249 = arith.constant 0 : i32
    %dma_wait3A_1250 = arith.constant 0 : i32
    %dma_wait3A_1251 = tpu.memref_slice %arg4[%dma_wait3A_1247, %dma_wait3A_1249, %dma_wait3A_1250] : memref<3x80x512xf32, #tpu.memory_space<vmem>> -> memref<1x80x512xf32, #tpu.memory_space<vmem>>
    %dma_wait3A_1252 = tpu.memref_squeeze %dma_wait3A_1251 : memref<1x80x512xf32, #tpu.memory_space<vmem>> -> memref<80x512xf32, #tpu.memory_space<vmem>>
    %dma_wait3A_1253 = arith.constant 0 : i32
    %dma_wait3A_1254 = tpu.memref_slice %arg2[%add3A_1246, %dma_wait3A_1253] : memref<100000x512xf32, #tpu.memory_space<hbm>> -> memref<80x512xf32, #tpu.memory_space<hbm>>
    %dma_wait3A_1255 = tpu.memref_slice %arg5[%dma_wait3A_1248] : memref<3x!tpu.dma_semaphore, #tpu.memory_space<semaphore_mem>> -> memref<1x!tpu.dma_semaphore, #tpu.memory_space<semaphore_mem>>
    %dma_wait3A_1256 = tpu.memref_squeeze %dma_wait3A_1255 : memref<1x!tpu.dma_semaphore, #tpu.memory_space<semaphore_mem>> -> memref<!tpu.dma_semaphore, #tpu.memory_space<semaphore_mem>>
    %dma_wait3A_1257 = arith.constant 0 : i32
    %dma_wait3A_1258 = arith.constant 0 : i32
    %dma_wait3A_1259 = tpu.memref_slice %arg4[%dma_wait3A_1247, %dma_wait3A_1257, %dma_wait3A_1258] : memref<3x80x512xf32, #tpu.memory_space<vmem>> -> memref<1x80x512xf32, #tpu.memory_space<vmem>>
    %dma_wait3A_1260 = tpu.memref_squeeze %dma_wait3A_1259 : memref<1x80x512xf32, #tpu.memory_space<vmem>> -> memref<80x512xf32, #tpu.memory_space<vmem>>
    %dma_wait3A_1261 = arith.constant 0 : i32
    %dma_wait3A_1262 = tpu.memref_slice %arg2[%add3A_1246, %dma_wait3A_1261] : memref<100000x512xf32, #tpu.memory_space<hbm>> -> memref<80x512xf32, #tpu.memory_space<hbm>>
    tpu.wait_dma2 semaphore(%dma_wait3A_1256 : memref<!tpu.dma_semaphore, #tpu.memory_space<semaphore_mem>>) src(%dma_wait3A_1262 : memref<80x512xf32, #tpu.memory_space<hbm>>) dst(%dma_wait3A_1260 : memref<80x512xf32, #tpu.memory_space<vmem>>)
    %add3A_1263 = arith.constant 1360 : i32
    %add3A_1264 = arith.addi %mul3A_2, %add3A_1263 : i32
    %dma_start3A_1265 = arith.constant 2 : i32
    %dma_start3A_1266 = arith.constant 2 : i32
    %dma_start3A_1267 = arith.constant 0 : i32
    %dma_start3A_1268 = arith.constant 0 : i32
    %dma_start3A_1269 = tpu.memref_slice %arg4[%dma_start3A_1265, %dma_start3A_1267, %dma_start3A_1268] : memref<3x80x512xf32, #tpu.memory_space<vmem>> -> memref<1x80x512xf32, #tpu.memory_space<vmem>>
    %dma_start3A_1270 = tpu.memref_squeeze %dma_start3A_1269 : memref<1x80x512xf32, #tpu.memory_space<vmem>> -> memref<80x512xf32, #tpu.memory_space<vmem>>
    %dma_start3A_1271 = arith.constant 0 : i32
    %dma_start3A_1272 = tpu.memref_slice %arg3[%add3A_1264, %dma_start3A_1271] : memref<100000x512xf32, #tpu.memory_space<hbm>> -> memref<80x512xf32, #tpu.memory_space<hbm>>
    %dma_start3A_1273 = tpu.memref_slice %arg6[%dma_start3A_1266] : memref<3x!tpu.dma_semaphore, #tpu.memory_space<semaphore_mem>> -> memref<1x!tpu.dma_semaphore, #tpu.memory_space<semaphore_mem>>
    %dma_start3A_1274 = tpu.memref_squeeze %dma_start3A_1273 : memref<1x!tpu.dma_semaphore, #tpu.memory_space<semaphore_mem>> -> memref<!tpu.dma_semaphore, #tpu.memory_space<semaphore_mem>>
    %dma_start3A_1275 = arith.constant 0 : i32
    %dma_start3A_1276 = tpu.memref_slice %arg3[%add3A_1264, %dma_start3A_1275] : memref<100000x512xf32, #tpu.memory_space<hbm>> -> memref<80x512xf32, #tpu.memory_space<hbm>>
    %dma_start3A_1277 = arith.constant 0 : i32
    %dma_start3A_1278 = arith.constant 0 : i32
    %dma_start3A_1279 = tpu.memref_slice %arg4[%dma_start3A_1265, %dma_start3A_1277, %dma_start3A_1278] : memref<3x80x512xf32, #tpu.memory_space<vmem>> -> memref<1x80x512xf32, #tpu.memory_space<vmem>>
    %dma_start3A_1280 = tpu.memref_squeeze %dma_start3A_1279 : memref<1x80x512xf32, #tpu.memory_space<vmem>> -> memref<80x512xf32, #tpu.memory_space<vmem>>
    tpu.enqueue_dma source(%dma_start3A_1280 : memref<80x512xf32, #tpu.memory_space<vmem>>) target(%dma_start3A_1276 : memref<80x512xf32, #tpu.memory_space<hbm>>) target_semaphore(%dma_start3A_1274 : memref<!tpu.dma_semaphore, #tpu.memory_space<semaphore_mem>>)
    %add3A_1281 = arith.constant 1280 : i32
    %add3A_1282 = arith.addi %mul3A_2, %add3A_1281 : i32
    %dma_wait3A_1283 = arith.constant 1 : i32
    %dma_wait3A_1284 = arith.constant 1 : i32
    %dma_wait3A_1285 = arith.constant 0 : i32
    %dma_wait3A_1286 = arith.constant 0 : i32
    %dma_wait3A_1287 = tpu.memref_slice %arg4[%dma_wait3A_1283, %dma_wait3A_1285, %dma_wait3A_1286] : memref<3x80x512xf32, #tpu.memory_space<vmem>> -> memref<1x80x512xf32, #tpu.memory_space<vmem>>
    %dma_wait3A_1288 = tpu.memref_squeeze %dma_wait3A_1287 : memref<1x80x512xf32, #tpu.memory_space<vmem>> -> memref<80x512xf32, #tpu.memory_space<vmem>>
    %dma_wait3A_1289 = arith.constant 0 : i32
    %dma_wait3A_1290 = tpu.memref_slice %arg3[%add3A_1282, %dma_wait3A_1289] : memref<100000x512xf32, #tpu.memory_space<hbm>> -> memref<80x512xf32, #tpu.memory_space<hbm>>
    %dma_wait3A_1291 = tpu.memref_slice %arg6[%dma_wait3A_1284] : memref<3x!tpu.dma_semaphore, #tpu.memory_space<semaphore_mem>> -> memref<1x!tpu.dma_semaphore, #tpu.memory_space<semaphore_mem>>
    %dma_wait3A_1292 = tpu.memref_squeeze %dma_wait3A_1291 : memref<1x!tpu.dma_semaphore, #tpu.memory_space<semaphore_mem>> -> memref<!tpu.dma_semaphore, #tpu.memory_space<semaphore_mem>>
    %dma_wait3A_1293 = arith.constant 0 : i32
    %dma_wait3A_1294 = tpu.memref_slice %arg3[%add3A_1282, %dma_wait3A_1293] : memref<100000x512xf32, #tpu.memory_space<hbm>> -> memref<80x512xf32, #tpu.memory_space<hbm>>
    %dma_wait3A_1295 = arith.constant 0 : i32
    %dma_wait3A_1296 = arith.constant 0 : i32
    %dma_wait3A_1297 = tpu.memref_slice %arg4[%dma_wait3A_1283, %dma_wait3A_1295, %dma_wait3A_1296] : memref<3x80x512xf32, #tpu.memory_space<vmem>> -> memref<1x80x512xf32, #tpu.memory_space<vmem>>
    %dma_wait3A_1298 = tpu.memref_squeeze %dma_wait3A_1297 : memref<1x80x512xf32, #tpu.memory_space<vmem>> -> memref<80x512xf32, #tpu.memory_space<vmem>>
    tpu.wait_dma2 semaphore(%dma_wait3A_1292 : memref<!tpu.dma_semaphore, #tpu.memory_space<semaphore_mem>>) src(%dma_wait3A_1298 : memref<80x512xf32, #tpu.memory_space<vmem>>) dst(%dma_wait3A_1294 : memref<80x512xf32, #tpu.memory_space<hbm>>)
    %add3A_1299 = arith.constant 1520 : i32
    %add3A_1300 = arith.addi %mul3A_2, %add3A_1299 : i32
    %dma_start3A_1301 = arith.constant 1 : i32
    %dma_start3A_1302 = arith.constant 1 : i32
    %dma_start3A_1303 = arith.constant 0 : i32
    %dma_start3A_1304 = arith.constant 0 : i32
    %dma_start3A_1305 = tpu.memref_slice %arg4[%dma_start3A_1301, %dma_start3A_1303, %dma_start3A_1304] : memref<3x80x512xf32, #tpu.memory_space<vmem>> -> memref<1x80x512xf32, #tpu.memory_space<vmem>>
    %dma_start3A_1306 = tpu.memref_squeeze %dma_start3A_1305 : memref<1x80x512xf32, #tpu.memory_space<vmem>> -> memref<80x512xf32, #tpu.memory_space<vmem>>
    %dma_start3A_1307 = arith.constant 0 : i32
    %dma_start3A_1308 = tpu.memref_slice %arg2[%add3A_1300, %dma_start3A_1307] : memref<100000x512xf32, #tpu.memory_space<hbm>> -> memref<80x512xf32, #tpu.memory_space<hbm>>
    %dma_start3A_1309 = tpu.memref_slice %arg5[%dma_start3A_1302] : memref<3x!tpu.dma_semaphore, #tpu.memory_space<semaphore_mem>> -> memref<1x!tpu.dma_semaphore, #tpu.memory_space<semaphore_mem>>
    %dma_start3A_1310 = tpu.memref_squeeze %dma_start3A_1309 : memref<1x!tpu.dma_semaphore, #tpu.memory_space<semaphore_mem>> -> memref<!tpu.dma_semaphore, #tpu.memory_space<semaphore_mem>>
    %dma_start3A_1311 = arith.constant 0 : i32
    %dma_start3A_1312 = arith.constant 0 : i32
    %dma_start3A_1313 = tpu.memref_slice %arg4[%dma_start3A_1301, %dma_start3A_1311, %dma_start3A_1312] : memref<3x80x512xf32, #tpu.memory_space<vmem>> -> memref<1x80x512xf32, #tpu.memory_space<vmem>>
    %dma_start3A_1314 = tpu.memref_squeeze %dma_start3A_1313 : memref<1x80x512xf32, #tpu.memory_space<vmem>> -> memref<80x512xf32, #tpu.memory_space<vmem>>
    %dma_start3A_1315 = arith.constant 0 : i32
    %dma_start3A_1316 = tpu.memref_slice %arg2[%add3A_1300, %dma_start3A_1315] : memref<100000x512xf32, #tpu.memory_space<hbm>> -> memref<80x512xf32, #tpu.memory_space<hbm>>
    tpu.enqueue_dma source(%dma_start3A_1316 : memref<80x512xf32, #tpu.memory_space<hbm>>) target(%dma_start3A_1314 : memref<80x512xf32, #tpu.memory_space<vmem>>) target_semaphore(%dma_start3A_1310 : memref<!tpu.dma_semaphore, #tpu.memory_space<semaphore_mem>>)
    %add3A_1317 = arith.constant 1440 : i32
    %add3A_1318 = arith.addi %mul3A_2, %add3A_1317 : i32
    %dma_wait3A_1319 = arith.constant 0 : i32
    %dma_wait3A_1320 = arith.constant 0 : i32
    %dma_wait3A_1321 = arith.constant 0 : i32
    %dma_wait3A_1322 = arith.constant 0 : i32
    %dma_wait3A_1323 = tpu.memref_slice %arg4[%dma_wait3A_1319, %dma_wait3A_1321, %dma_wait3A_1322] : memref<3x80x512xf32, #tpu.memory_space<vmem>> -> memref<1x80x512xf32, #tpu.memory_space<vmem>>
    %dma_wait3A_1324 = tpu.memref_squeeze %dma_wait3A_1323 : memref<1x80x512xf32, #tpu.memory_space<vmem>> -> memref<80x512xf32, #tpu.memory_space<vmem>>
    %dma_wait3A_1325 = arith.constant 0 : i32
    %dma_wait3A_1326 = tpu.memref_slice %arg2[%add3A_1318, %dma_wait3A_1325] : memref<100000x512xf32, #tpu.memory_space<hbm>> -> memref<80x512xf32, #tpu.memory_space<hbm>>
    %dma_wait3A_1327 = tpu.memref_slice %arg5[%dma_wait3A_1320] : memref<3x!tpu.dma_semaphore, #tpu.memory_space<semaphore_mem>> -> memref<1x!tpu.dma_semaphore, #tpu.memory_space<semaphore_mem>>
    %dma_wait3A_1328 = tpu.memref_squeeze %dma_wait3A_1327 : memref<1x!tpu.dma_semaphore, #tpu.memory_space<semaphore_mem>> -> memref<!tpu.dma_semaphore, #tpu.memory_space<semaphore_mem>>
    %dma_wait3A_1329 = arith.constant 0 : i32
    %dma_wait3A_1330 = arith.constant 0 : i32
    %dma_wait3A_1331 = tpu.memref_slice %arg4[%dma_wait3A_1319, %dma_wait3A_1329, %dma_wait3A_1330] : memref<3x80x512xf32, #tpu.memory_space<vmem>> -> memref<1x80x512xf32, #tpu.memory_space<vmem>>
    %dma_wait3A_1332 = tpu.memref_squeeze %dma_wait3A_1331 : memref<1x80x512xf32, #tpu.memory_space<vmem>> -> memref<80x512xf32, #tpu.memory_space<vmem>>
    %dma_wait3A_1333 = arith.constant 0 : i32
    %dma_wait3A_1334 = tpu.memref_slice %arg2[%add3A_1318, %dma_wait3A_1333] : memref<100000x512xf32, #tpu.memory_space<hbm>> -> memref<80x512xf32, #tpu.memory_space<hbm>>
    tpu.wait_dma2 semaphore(%dma_wait3A_1328 : memref<!tpu.dma_semaphore, #tpu.memory_space<semaphore_mem>>) src(%dma_wait3A_1334 : memref<80x512xf32, #tpu.memory_space<hbm>>) dst(%dma_wait3A_1332 : memref<80x512xf32, #tpu.memory_space<vmem>>)
    %add3A_1335 = arith.constant 1440 : i32
    %add3A_1336 = arith.addi %mul3A_2, %add3A_1335 : i32
    %dma_start3A_1337 = arith.constant 0 : i32
    %dma_start3A_1338 = arith.constant 0 : i32
    %dma_start3A_1339 = arith.constant 0 : i32
    %dma_start3A_1340 = arith.constant 0 : i32
    %dma_start3A_1341 = tpu.memref_slice %arg4[%dma_start3A_1337, %dma_start3A_1339, %dma_start3A_1340] : memref<3x80x512xf32, #tpu.memory_space<vmem>> -> memref<1x80x512xf32, #tpu.memory_space<vmem>>
    %dma_start3A_1342 = tpu.memref_squeeze %dma_start3A_1341 : memref<1x80x512xf32, #tpu.memory_space<vmem>> -> memref<80x512xf32, #tpu.memory_space<vmem>>
    %dma_start3A_1343 = arith.constant 0 : i32
    %dma_start3A_1344 = tpu.memref_slice %arg3[%add3A_1336, %dma_start3A_1343] : memref<100000x512xf32, #tpu.memory_space<hbm>> -> memref<80x512xf32, #tpu.memory_space<hbm>>
    %dma_start3A_1345 = tpu.memref_slice %arg6[%dma_start3A_1338] : memref<3x!tpu.dma_semaphore, #tpu.memory_space<semaphore_mem>> -> memref<1x!tpu.dma_semaphore, #tpu.memory_space<semaphore_mem>>
    %dma_start3A_1346 = tpu.memref_squeeze %dma_start3A_1345 : memref<1x!tpu.dma_semaphore, #tpu.memory_space<semaphore_mem>> -> memref<!tpu.dma_semaphore, #tpu.memory_space<semaphore_mem>>
    %dma_start3A_1347 = arith.constant 0 : i32
    %dma_start3A_1348 = tpu.memref_slice %arg3[%add3A_1336, %dma_start3A_1347] : memref<100000x512xf32, #tpu.memory_space<hbm>> -> memref<80x512xf32, #tpu.memory_space<hbm>>
    %dma_start3A_1349 = arith.constant 0 : i32
    %dma_start3A_1350 = arith.constant 0 : i32
    %dma_start3A_1351 = tpu.memref_slice %arg4[%dma_start3A_1337, %dma_start3A_1349, %dma_start3A_1350] : memref<3x80x512xf32, #tpu.memory_space<vmem>> -> memref<1x80x512xf32, #tpu.memory_space<vmem>>
    %dma_start3A_1352 = tpu.memref_squeeze %dma_start3A_1351 : memref<1x80x512xf32, #tpu.memory_space<vmem>> -> memref<80x512xf32, #tpu.memory_space<vmem>>
    tpu.enqueue_dma source(%dma_start3A_1352 : memref<80x512xf32, #tpu.memory_space<vmem>>) target(%dma_start3A_1348 : memref<80x512xf32, #tpu.memory_space<hbm>>) target_semaphore(%dma_start3A_1346 : memref<!tpu.dma_semaphore, #tpu.memory_space<semaphore_mem>>)
    %add3A_1353 = arith.constant 1360 : i32
    %add3A_1354 = arith.addi %mul3A_2, %add3A_1353 : i32
    %dma_wait3A_1355 = arith.constant 2 : i32
    %dma_wait3A_1356 = arith.constant 2 : i32
    %dma_wait3A_1357 = arith.constant 0 : i32
    %dma_wait3A_1358 = arith.constant 0 : i32
    %dma_wait3A_1359 = tpu.memref_slice %arg4[%dma_wait3A_1355, %dma_wait3A_1357, %dma_wait3A_1358] : memref<3x80x512xf32, #tpu.memory_space<vmem>> -> memref<1x80x512xf32, #tpu.memory_space<vmem>>
    %dma_wait3A_1360 = tpu.memref_squeeze %dma_wait3A_1359 : memref<1x80x512xf32, #tpu.memory_space<vmem>> -> memref<80x512xf32, #tpu.memory_space<vmem>>
    %dma_wait3A_1361 = arith.constant 0 : i32
    %dma_wait3A_1362 = tpu.memref_slice %arg3[%add3A_1354, %dma_wait3A_1361] : memref<100000x512xf32, #tpu.memory_space<hbm>> -> memref<80x512xf32, #tpu.memory_space<hbm>>
    %dma_wait3A_1363 = tpu.memref_slice %arg6[%dma_wait3A_1356] : memref<3x!tpu.dma_semaphore, #tpu.memory_space<semaphore_mem>> -> memref<1x!tpu.dma_semaphore, #tpu.memory_space<semaphore_mem>>
    %dma_wait3A_1364 = tpu.memref_squeeze %dma_wait3A_1363 : memref<1x!tpu.dma_semaphore, #tpu.memory_space<semaphore_mem>> -> memref<!tpu.dma_semaphore, #tpu.memory_space<semaphore_mem>>
    %dma_wait3A_1365 = arith.constant 0 : i32
    %dma_wait3A_1366 = tpu.memref_slice %arg3[%add3A_1354, %dma_wait3A_1365] : memref<100000x512xf32, #tpu.memory_space<hbm>> -> memref<80x512xf32, #tpu.memory_space<hbm>>
    %dma_wait3A_1367 = arith.constant 0 : i32
    %dma_wait3A_1368 = arith.constant 0 : i32
    %dma_wait3A_1369 = tpu.memref_slice %arg4[%dma_wait3A_1355, %dma_wait3A_1367, %dma_wait3A_1368] : memref<3x80x512xf32, #tpu.memory_space<vmem>> -> memref<1x80x512xf32, #tpu.memory_space<vmem>>
    %dma_wait3A_1370 = tpu.memref_squeeze %dma_wait3A_1369 : memref<1x80x512xf32, #tpu.memory_space<vmem>> -> memref<80x512xf32, #tpu.memory_space<vmem>>
    tpu.wait_dma2 semaphore(%dma_wait3A_1364 : memref<!tpu.dma_semaphore, #tpu.memory_space<semaphore_mem>>) src(%dma_wait3A_1370 : memref<80x512xf32, #tpu.memory_space<vmem>>) dst(%dma_wait3A_1366 : memref<80x512xf32, #tpu.memory_space<hbm>>)
    %add3A_1371 = arith.constant 1600 : i32
    %add3A_1372 = arith.addi %mul3A_2, %add3A_1371 : i32
    %dma_start3A_1373 = arith.constant 2 : i32
    %dma_start3A_1374 = arith.constant 2 : i32
    %dma_start3A_1375 = arith.constant 0 : i32
    %dma_start3A_1376 = arith.constant 0 : i32
    %dma_start3A_1377 = tpu.memref_slice %arg4[%dma_start3A_1373, %dma_start3A_1375, %dma_start3A_1376] : memref<3x80x512xf32, #tpu.memory_space<vmem>> -> memref<1x80x512xf32, #tpu.memory_space<vmem>>
    %dma_start3A_1378 = tpu.memref_squeeze %dma_start3A_1377 : memref<1x80x512xf32, #tpu.memory_space<vmem>> -> memref<80x512xf32, #tpu.memory_space<vmem>>
    %dma_start3A_1379 = arith.constant 0 : i32
    %dma_start3A_1380 = tpu.memref_slice %arg2[%add3A_1372, %dma_start3A_1379] : memref<100000x512xf32, #tpu.memory_space<hbm>> -> memref<80x512xf32, #tpu.memory_space<hbm>>
    %dma_start3A_1381 = tpu.memref_slice %arg5[%dma_start3A_1374] : memref<3x!tpu.dma_semaphore, #tpu.memory_space<semaphore_mem>> -> memref<1x!tpu.dma_semaphore, #tpu.memory_space<semaphore_mem>>
    %dma_start3A_1382 = tpu.memref_squeeze %dma_start3A_1381 : memref<1x!tpu.dma_semaphore, #tpu.memory_space<semaphore_mem>> -> memref<!tpu.dma_semaphore, #tpu.memory_space<semaphore_mem>>
    %dma_start3A_1383 = arith.constant 0 : i32
    %dma_start3A_1384 = arith.constant 0 : i32
    %dma_start3A_1385 = tpu.memref_slice %arg4[%dma_start3A_1373, %dma_start3A_1383, %dma_start3A_1384] : memref<3x80x512xf32, #tpu.memory_space<vmem>> -> memref<1x80x512xf32, #tpu.memory_space<vmem>>
    %dma_start3A_1386 = tpu.memref_squeeze %dma_start3A_1385 : memref<1x80x512xf32, #tpu.memory_space<vmem>> -> memref<80x512xf32, #tpu.memory_space<vmem>>
    %dma_start3A_1387 = arith.constant 0 : i32
    %dma_start3A_1388 = tpu.memref_slice %arg2[%add3A_1372, %dma_start3A_1387] : memref<100000x512xf32, #tpu.memory_space<hbm>> -> memref<80x512xf32, #tpu.memory_space<hbm>>
    tpu.enqueue_dma source(%dma_start3A_1388 : memref<80x512xf32, #tpu.memory_space<hbm>>) target(%dma_start3A_1386 : memref<80x512xf32, #tpu.memory_space<vmem>>) target_semaphore(%dma_start3A_1382 : memref<!tpu.dma_semaphore, #tpu.memory_space<semaphore_mem>>)
    %add3A_1389 = arith.constant 1520 : i32
    %add3A_1390 = arith.addi %mul3A_2, %add3A_1389 : i32
    %dma_wait3A_1391 = arith.constant 1 : i32
    %dma_wait3A_1392 = arith.constant 1 : i32
    %dma_wait3A_1393 = arith.constant 0 : i32
    %dma_wait3A_1394 = arith.constant 0 : i32
    %dma_wait3A_1395 = tpu.memref_slice %arg4[%dma_wait3A_1391, %dma_wait3A_1393, %dma_wait3A_1394] : memref<3x80x512xf32, #tpu.memory_space<vmem>> -> memref<1x80x512xf32, #tpu.memory_space<vmem>>
    %dma_wait3A_1396 = tpu.memref_squeeze %dma_wait3A_1395 : memref<1x80x512xf32, #tpu.memory_space<vmem>> -> memref<80x512xf32, #tpu.memory_space<vmem>>
    %dma_wait3A_1397 = arith.constant 0 : i32
    %dma_wait3A_1398 = tpu.memref_slice %arg2[%add3A_1390, %dma_wait3A_1397] : memref<100000x512xf32, #tpu.memory_space<hbm>> -> memref<80x512xf32, #tpu.memory_space<hbm>>
    %dma_wait3A_1399 = tpu.memref_slice %arg5[%dma_wait3A_1392] : memref<3x!tpu.dma_semaphore, #tpu.memory_space<semaphore_mem>> -> memref<1x!tpu.dma_semaphore, #tpu.memory_space<semaphore_mem>>
    %dma_wait3A_1400 = tpu.memref_squeeze %dma_wait3A_1399 : memref<1x!tpu.dma_semaphore, #tpu.memory_space<semaphore_mem>> -> memref<!tpu.dma_semaphore, #tpu.memory_space<semaphore_mem>>
    %dma_wait3A_1401 = arith.constant 0 : i32
    %dma_wait3A_1402 = arith.constant 0 : i32
    %dma_wait3A_1403 = tpu.memref_slice %arg4[%dma_wait3A_1391, %dma_wait3A_1401, %dma_wait3A_1402] : memref<3x80x512xf32, #tpu.memory_space<vmem>> -> memref<1x80x512xf32, #tpu.memory_space<vmem>>
    %dma_wait3A_1404 = tpu.memref_squeeze %dma_wait3A_1403 : memref<1x80x512xf32, #tpu.memory_space<vmem>> -> memref<80x512xf32, #tpu.memory_space<vmem>>
    %dma_wait3A_1405 = arith.constant 0 : i32
    %dma_wait3A_1406 = tpu.memref_slice %arg2[%add3A_1390, %dma_wait3A_1405] : memref<100000x512xf32, #tpu.memory_space<hbm>> -> memref<80x512xf32, #tpu.memory_space<hbm>>
    tpu.wait_dma2 semaphore(%dma_wait3A_1400 : memref<!tpu.dma_semaphore, #tpu.memory_space<semaphore_mem>>) src(%dma_wait3A_1406 : memref<80x512xf32, #tpu.memory_space<hbm>>) dst(%dma_wait3A_1404 : memref<80x512xf32, #tpu.memory_space<vmem>>)
    %add3A_1407 = arith.constant 1520 : i32
    %add3A_1408 = arith.addi %mul3A_2, %add3A_1407 : i32
    %dma_start3A_1409 = arith.constant 1 : i32
    %dma_start3A_1410 = arith.constant 1 : i32
    %dma_start3A_1411 = arith.constant 0 : i32
    %dma_start3A_1412 = arith.constant 0 : i32
    %dma_start3A_1413 = tpu.memref_slice %arg4[%dma_start3A_1409, %dma_start3A_1411, %dma_start3A_1412] : memref<3x80x512xf32, #tpu.memory_space<vmem>> -> memref<1x80x512xf32, #tpu.memory_space<vmem>>
    %dma_start3A_1414 = tpu.memref_squeeze %dma_start3A_1413 : memref<1x80x512xf32, #tpu.memory_space<vmem>> -> memref<80x512xf32, #tpu.memory_space<vmem>>
    %dma_start3A_1415 = arith.constant 0 : i32
    %dma_start3A_1416 = tpu.memref_slice %arg3[%add3A_1408, %dma_start3A_1415] : memref<100000x512xf32, #tpu.memory_space<hbm>> -> memref<80x512xf32, #tpu.memory_space<hbm>>
    %dma_start3A_1417 = tpu.memref_slice %arg6[%dma_start3A_1410] : memref<3x!tpu.dma_semaphore, #tpu.memory_space<semaphore_mem>> -> memref<1x!tpu.dma_semaphore, #tpu.memory_space<semaphore_mem>>
    %dma_start3A_1418 = tpu.memref_squeeze %dma_start3A_1417 : memref<1x!tpu.dma_semaphore, #tpu.memory_space<semaphore_mem>> -> memref<!tpu.dma_semaphore, #tpu.memory_space<semaphore_mem>>
    %dma_start3A_1419 = arith.constant 0 : i32
    %dma_start3A_1420 = tpu.memref_slice %arg3[%add3A_1408, %dma_start3A_1419] : memref<100000x512xf32, #tpu.memory_space<hbm>> -> memref<80x512xf32, #tpu.memory_space<hbm>>
    %dma_start3A_1421 = arith.constant 0 : i32
    %dma_start3A_1422 = arith.constant 0 : i32
    %dma_start3A_1423 = tpu.memref_slice %arg4[%dma_start3A_1409, %dma_start3A_1421, %dma_start3A_1422] : memref<3x80x512xf32, #tpu.memory_space<vmem>> -> memref<1x80x512xf32, #tpu.memory_space<vmem>>
    %dma_start3A_1424 = tpu.memref_squeeze %dma_start3A_1423 : memref<1x80x512xf32, #tpu.memory_space<vmem>> -> memref<80x512xf32, #tpu.memory_space<vmem>>
    tpu.enqueue_dma source(%dma_start3A_1424 : memref<80x512xf32, #tpu.memory_space<vmem>>) target(%dma_start3A_1420 : memref<80x512xf32, #tpu.memory_space<hbm>>) target_semaphore(%dma_start3A_1418 : memref<!tpu.dma_semaphore, #tpu.memory_space<semaphore_mem>>)
    %add3A_1425 = arith.constant 1440 : i32
    %add3A_1426 = arith.addi %mul3A_2, %add3A_1425 : i32
    %dma_wait3A_1427 = arith.constant 0 : i32
    %dma_wait3A_1428 = arith.constant 0 : i32
    %dma_wait3A_1429 = arith.constant 0 : i32
    %dma_wait3A_1430 = arith.constant 0 : i32
    %dma_wait3A_1431 = tpu.memref_slice %arg4[%dma_wait3A_1427, %dma_wait3A_1429, %dma_wait3A_1430] : memref<3x80x512xf32, #tpu.memory_space<vmem>> -> memref<1x80x512xf32, #tpu.memory_space<vmem>>
    %dma_wait3A_1432 = tpu.memref_squeeze %dma_wait3A_1431 : memref<1x80x512xf32, #tpu.memory_space<vmem>> -> memref<80x512xf32, #tpu.memory_space<vmem>>
    %dma_wait3A_1433 = arith.constant 0 : i32
    %dma_wait3A_1434 = tpu.memref_slice %arg3[%add3A_1426, %dma_wait3A_1433] : memref<100000x512xf32, #tpu.memory_space<hbm>> -> memref<80x512xf32, #tpu.memory_space<hbm>>
    %dma_wait3A_1435 = tpu.memref_slice %arg6[%dma_wait3A_1428] : memref<3x!tpu.dma_semaphore, #tpu.memory_space<semaphore_mem>> -> memref<1x!tpu.dma_semaphore, #tpu.memory_space<semaphore_mem>>
    %dma_wait3A_1436 = tpu.memref_squeeze %dma_wait3A_1435 : memref<1x!tpu.dma_semaphore, #tpu.memory_space<semaphore_mem>> -> memref<!tpu.dma_semaphore, #tpu.memory_space<semaphore_mem>>
    %dma_wait3A_1437 = arith.constant 0 : i32
    %dma_wait3A_1438 = tpu.memref_slice %arg3[%add3A_1426, %dma_wait3A_1437] : memref<100000x512xf32, #tpu.memory_space<hbm>> -> memref<80x512xf32, #tpu.memory_space<hbm>>
    %dma_wait3A_1439 = arith.constant 0 : i32
    %dma_wait3A_1440 = arith.constant 0 : i32
    %dma_wait3A_1441 = tpu.memref_slice %arg4[%dma_wait3A_1427, %dma_wait3A_1439, %dma_wait3A_1440] : memref<3x80x512xf32, #tpu.memory_space<vmem>> -> memref<1x80x512xf32, #tpu.memory_space<vmem>>
    %dma_wait3A_1442 = tpu.memref_squeeze %dma_wait3A_1441 : memref<1x80x512xf32, #tpu.memory_space<vmem>> -> memref<80x512xf32, #tpu.memory_space<vmem>>
    tpu.wait_dma2 semaphore(%dma_wait3A_1436 : memref<!tpu.dma_semaphore, #tpu.memory_space<semaphore_mem>>) src(%dma_wait3A_1442 : memref<80x512xf32, #tpu.memory_space<vmem>>) dst(%dma_wait3A_1438 : memref<80x512xf32, #tpu.memory_space<hbm>>)
    %add3A_1443 = arith.constant 1680 : i32
    %add3A_1444 = arith.addi %mul3A_2, %add3A_1443 : i32
    %dma_start3A_1445 = arith.constant 0 : i32
    %dma_start3A_1446 = arith.constant 0 : i32
    %dma_start3A_1447 = arith.constant 0 : i32
    %dma_start3A_1448 = arith.constant 0 : i32
    %dma_start3A_1449 = tpu.memref_slice %arg4[%dma_start3A_1445, %dma_start3A_1447, %dma_start3A_1448] : memref<3x80x512xf32, #tpu.memory_space<vmem>> -> memref<1x80x512xf32, #tpu.memory_space<vmem>>
    %dma_start3A_1450 = tpu.memref_squeeze %dma_start3A_1449 : memref<1x80x512xf32, #tpu.memory_space<vmem>> -> memref<80x512xf32, #tpu.memory_space<vmem>>
    %dma_start3A_1451 = arith.constant 0 : i32
    %dma_start3A_1452 = tpu.memref_slice %arg2[%add3A_1444, %dma_start3A_1451] : memref<100000x512xf32, #tpu.memory_space<hbm>> -> memref<80x512xf32, #tpu.memory_space<hbm>>
    %dma_start3A_1453 = tpu.memref_slice %arg5[%dma_start3A_1446] : memref<3x!tpu.dma_semaphore, #tpu.memory_space<semaphore_mem>> -> memref<1x!tpu.dma_semaphore, #tpu.memory_space<semaphore_mem>>
    %dma_start3A_1454 = tpu.memref_squeeze %dma_start3A_1453 : memref<1x!tpu.dma_semaphore, #tpu.memory_space<semaphore_mem>> -> memref<!tpu.dma_semaphore, #tpu.memory_space<semaphore_mem>>
    %dma_start3A_1455 = arith.constant 0 : i32
    %dma_start3A_1456 = arith.constant 0 : i32
    %dma_start3A_1457 = tpu.memref_slice %arg4[%dma_start3A_1445, %dma_start3A_1455, %dma_start3A_1456] : memref<3x80x512xf32, #tpu.memory_space<vmem>> -> memref<1x80x512xf32, #tpu.memory_space<vmem>>
    %dma_start3A_1458 = tpu.memref_squeeze %dma_start3A_1457 : memref<1x80x512xf32, #tpu.memory_space<vmem>> -> memref<80x512xf32, #tpu.memory_space<vmem>>
    %dma_start3A_1459 = arith.constant 0 : i32
    %dma_start3A_1460 = tpu.memref_slice %arg2[%add3A_1444, %dma_start3A_1459] : memref<100000x512xf32, #tpu.memory_space<hbm>> -> memref<80x512xf32, #tpu.memory_space<hbm>>
    tpu.enqueue_dma source(%dma_start3A_1460 : memref<80x512xf32, #tpu.memory_space<hbm>>) target(%dma_start3A_1458 : memref<80x512xf32, #tpu.memory_space<vmem>>) target_semaphore(%dma_start3A_1454 : memref<!tpu.dma_semaphore, #tpu.memory_space<semaphore_mem>>)
    %add3A_1461 = arith.constant 1600 : i32
    %add3A_1462 = arith.addi %mul3A_2, %add3A_1461 : i32
    %dma_wait3A_1463 = arith.constant 2 : i32
    %dma_wait3A_1464 = arith.constant 2 : i32
    %dma_wait3A_1465 = arith.constant 0 : i32
    %dma_wait3A_1466 = arith.constant 0 : i32
    %dma_wait3A_1467 = tpu.memref_slice %arg4[%dma_wait3A_1463, %dma_wait3A_1465, %dma_wait3A_1466] : memref<3x80x512xf32, #tpu.memory_space<vmem>> -> memref<1x80x512xf32, #tpu.memory_space<vmem>>
    %dma_wait3A_1468 = tpu.memref_squeeze %dma_wait3A_1467 : memref<1x80x512xf32, #tpu.memory_space<vmem>> -> memref<80x512xf32, #tpu.memory_space<vmem>>
    %dma_wait3A_1469 = arith.constant 0 : i32
    %dma_wait3A_1470 = tpu.memref_slice %arg2[%add3A_1462, %dma_wait3A_1469] : memref<100000x512xf32, #tpu.memory_space<hbm>> -> memref<80x512xf32, #tpu.memory_space<hbm>>
    %dma_wait3A_1471 = tpu.memref_slice %arg5[%dma_wait3A_1464] : memref<3x!tpu.dma_semaphore, #tpu.memory_space<semaphore_mem>> -> memref<1x!tpu.dma_semaphore, #tpu.memory_space<semaphore_mem>>
    %dma_wait3A_1472 = tpu.memref_squeeze %dma_wait3A_1471 : memref<1x!tpu.dma_semaphore, #tpu.memory_space<semaphore_mem>> -> memref<!tpu.dma_semaphore, #tpu.memory_space<semaphore_mem>>
    %dma_wait3A_1473 = arith.constant 0 : i32
    %dma_wait3A_1474 = arith.constant 0 : i32
    %dma_wait3A_1475 = tpu.memref_slice %arg4[%dma_wait3A_1463, %dma_wait3A_1473, %dma_wait3A_1474] : memref<3x80x512xf32, #tpu.memory_space<vmem>> -> memref<1x80x512xf32, #tpu.memory_space<vmem>>
    %dma_wait3A_1476 = tpu.memref_squeeze %dma_wait3A_1475 : memref<1x80x512xf32, #tpu.memory_space<vmem>> -> memref<80x512xf32, #tpu.memory_space<vmem>>
    %dma_wait3A_1477 = arith.constant 0 : i32
    %dma_wait3A_1478 = tpu.memref_slice %arg2[%add3A_1462, %dma_wait3A_1477] : memref<100000x512xf32, #tpu.memory_space<hbm>> -> memref<80x512xf32, #tpu.memory_space<hbm>>
    tpu.wait_dma2 semaphore(%dma_wait3A_1472 : memref<!tpu.dma_semaphore, #tpu.memory_space<semaphore_mem>>) src(%dma_wait3A_1478 : memref<80x512xf32, #tpu.memory_space<hbm>>) dst(%dma_wait3A_1476 : memref<80x512xf32, #tpu.memory_space<vmem>>)
    %add3A_1479 = arith.constant 1600 : i32
    %add3A_1480 = arith.addi %mul3A_2, %add3A_1479 : i32
    %dma_start3A_1481 = arith.constant 2 : i32
    %dma_start3A_1482 = arith.constant 2 : i32
    %dma_start3A_1483 = arith.constant 0 : i32
    %dma_start3A_1484 = arith.constant 0 : i32
    %dma_start3A_1485 = tpu.memref_slice %arg4[%dma_start3A_1481, %dma_start3A_1483, %dma_start3A_1484] : memref<3x80x512xf32, #tpu.memory_space<vmem>> -> memref<1x80x512xf32, #tpu.memory_space<vmem>>
    %dma_start3A_1486 = tpu.memref_squeeze %dma_start3A_1485 : memref<1x80x512xf32, #tpu.memory_space<vmem>> -> memref<80x512xf32, #tpu.memory_space<vmem>>
    %dma_start3A_1487 = arith.constant 0 : i32
    %dma_start3A_1488 = tpu.memref_slice %arg3[%add3A_1480, %dma_start3A_1487] : memref<100000x512xf32, #tpu.memory_space<hbm>> -> memref<80x512xf32, #tpu.memory_space<hbm>>
    %dma_start3A_1489 = tpu.memref_slice %arg6[%dma_start3A_1482] : memref<3x!tpu.dma_semaphore, #tpu.memory_space<semaphore_mem>> -> memref<1x!tpu.dma_semaphore, #tpu.memory_space<semaphore_mem>>
    %dma_start3A_1490 = tpu.memref_squeeze %dma_start3A_1489 : memref<1x!tpu.dma_semaphore, #tpu.memory_space<semaphore_mem>> -> memref<!tpu.dma_semaphore, #tpu.memory_space<semaphore_mem>>
    %dma_start3A_1491 = arith.constant 0 : i32
    %dma_start3A_1492 = tpu.memref_slice %arg3[%add3A_1480, %dma_start3A_1491] : memref<100000x512xf32, #tpu.memory_space<hbm>> -> memref<80x512xf32, #tpu.memory_space<hbm>>
    %dma_start3A_1493 = arith.constant 0 : i32
    %dma_start3A_1494 = arith.constant 0 : i32
    %dma_start3A_1495 = tpu.memref_slice %arg4[%dma_start3A_1481, %dma_start3A_1493, %dma_start3A_1494] : memref<3x80x512xf32, #tpu.memory_space<vmem>> -> memref<1x80x512xf32, #tpu.memory_space<vmem>>
    %dma_start3A_1496 = tpu.memref_squeeze %dma_start3A_1495 : memref<1x80x512xf32, #tpu.memory_space<vmem>> -> memref<80x512xf32, #tpu.memory_space<vmem>>
    tpu.enqueue_dma source(%dma_start3A_1496 : memref<80x512xf32, #tpu.memory_space<vmem>>) target(%dma_start3A_1492 : memref<80x512xf32, #tpu.memory_space<hbm>>) target_semaphore(%dma_start3A_1490 : memref<!tpu.dma_semaphore, #tpu.memory_space<semaphore_mem>>)
    %add3A_1497 = arith.constant 1520 : i32
    %add3A_1498 = arith.addi %mul3A_2, %add3A_1497 : i32
    %dma_wait3A_1499 = arith.constant 1 : i32
    %dma_wait3A_1500 = arith.constant 1 : i32
    %dma_wait3A_1501 = arith.constant 0 : i32
    %dma_wait3A_1502 = arith.constant 0 : i32
    %dma_wait3A_1503 = tpu.memref_slice %arg4[%dma_wait3A_1499, %dma_wait3A_1501, %dma_wait3A_1502] : memref<3x80x512xf32, #tpu.memory_space<vmem>> -> memref<1x80x512xf32, #tpu.memory_space<vmem>>
    %dma_wait3A_1504 = tpu.memref_squeeze %dma_wait3A_1503 : memref<1x80x512xf32, #tpu.memory_space<vmem>> -> memref<80x512xf32, #tpu.memory_space<vmem>>
    %dma_wait3A_1505 = arith.constant 0 : i32
    %dma_wait3A_1506 = tpu.memref_slice %arg3[%add3A_1498, %dma_wait3A_1505] : memref<100000x512xf32, #tpu.memory_space<hbm>> -> memref<80x512xf32, #tpu.memory_space<hbm>>
    %dma_wait3A_1507 = tpu.memref_slice %arg6[%dma_wait3A_1500] : memref<3x!tpu.dma_semaphore, #tpu.memory_space<semaphore_mem>> -> memref<1x!tpu.dma_semaphore, #tpu.memory_space<semaphore_mem>>
    %dma_wait3A_1508 = tpu.memref_squeeze %dma_wait3A_1507 : memref<1x!tpu.dma_semaphore, #tpu.memory_space<semaphore_mem>> -> memref<!tpu.dma_semaphore, #tpu.memory_space<semaphore_mem>>
    %dma_wait3A_1509 = arith.constant 0 : i32
    %dma_wait3A_1510 = tpu.memref_slice %arg3[%add3A_1498, %dma_wait3A_1509] : memref<100000x512xf32, #tpu.memory_space<hbm>> -> memref<80x512xf32, #tpu.memory_space<hbm>>
    %dma_wait3A_1511 = arith.constant 0 : i32
    %dma_wait3A_1512 = arith.constant 0 : i32
    %dma_wait3A_1513 = tpu.memref_slice %arg4[%dma_wait3A_1499, %dma_wait3A_1511, %dma_wait3A_1512] : memref<3x80x512xf32, #tpu.memory_space<vmem>> -> memref<1x80x512xf32, #tpu.memory_space<vmem>>
    %dma_wait3A_1514 = tpu.memref_squeeze %dma_wait3A_1513 : memref<1x80x512xf32, #tpu.memory_space<vmem>> -> memref<80x512xf32, #tpu.memory_space<vmem>>
    tpu.wait_dma2 semaphore(%dma_wait3A_1508 : memref<!tpu.dma_semaphore, #tpu.memory_space<semaphore_mem>>) src(%dma_wait3A_1514 : memref<80x512xf32, #tpu.memory_space<vmem>>) dst(%dma_wait3A_1510 : memref<80x512xf32, #tpu.memory_space<hbm>>)
    %add3A_1515 = arith.constant 1760 : i32
    %add3A_1516 = arith.addi %mul3A_2, %add3A_1515 : i32
    %dma_start3A_1517 = arith.constant 1 : i32
    %dma_start3A_1518 = arith.constant 1 : i32
    %dma_start3A_1519 = arith.constant 0 : i32
    %dma_start3A_1520 = arith.constant 0 : i32
    %dma_start3A_1521 = tpu.memref_slice %arg4[%dma_start3A_1517, %dma_start3A_1519, %dma_start3A_1520] : memref<3x80x512xf32, #tpu.memory_space<vmem>> -> memref<1x80x512xf32, #tpu.memory_space<vmem>>
    %dma_start3A_1522 = tpu.memref_squeeze %dma_start3A_1521 : memref<1x80x512xf32, #tpu.memory_space<vmem>> -> memref<80x512xf32, #tpu.memory_space<vmem>>
    %dma_start3A_1523 = arith.constant 0 : i32
    %dma_start3A_1524 = tpu.memref_slice %arg2[%add3A_1516, %dma_start3A_1523] : memref<100000x512xf32, #tpu.memory_space<hbm>> -> memref<80x512xf32, #tpu.memory_space<hbm>>
    %dma_start3A_1525 = tpu.memref_slice %arg5[%dma_start3A_1518] : memref<3x!tpu.dma_semaphore, #tpu.memory_space<semaphore_mem>> -> memref<1x!tpu.dma_semaphore, #tpu.memory_space<semaphore_mem>>
    %dma_start3A_1526 = tpu.memref_squeeze %dma_start3A_1525 : memref<1x!tpu.dma_semaphore, #tpu.memory_space<semaphore_mem>> -> memref<!tpu.dma_semaphore, #tpu.memory_space<semaphore_mem>>
    %dma_start3A_1527 = arith.constant 0 : i32
    %dma_start3A_1528 = arith.constant 0 : i32
    %dma_start3A_1529 = tpu.memref_slice %arg4[%dma_start3A_1517, %dma_start3A_1527, %dma_start3A_1528] : memref<3x80x512xf32, #tpu.memory_space<vmem>> -> memref<1x80x512xf32, #tpu.memory_space<vmem>>
    %dma_start3A_1530 = tpu.memref_squeeze %dma_start3A_1529 : memref<1x80x512xf32, #tpu.memory_space<vmem>> -> memref<80x512xf32, #tpu.memory_space<vmem>>
    %dma_start3A_1531 = arith.constant 0 : i32
    %dma_start3A_1532 = tpu.memref_slice %arg2[%add3A_1516, %dma_start3A_1531] : memref<100000x512xf32, #tpu.memory_space<hbm>> -> memref<80x512xf32, #tpu.memory_space<hbm>>
    tpu.enqueue_dma source(%dma_start3A_1532 : memref<80x512xf32, #tpu.memory_space<hbm>>) target(%dma_start3A_1530 : memref<80x512xf32, #tpu.memory_space<vmem>>) target_semaphore(%dma_start3A_1526 : memref<!tpu.dma_semaphore, #tpu.memory_space<semaphore_mem>>)
    %add3A_1533 = arith.constant 1680 : i32
    %add3A_1534 = arith.addi %mul3A_2, %add3A_1533 : i32
    %dma_wait3A_1535 = arith.constant 0 : i32
    %dma_wait3A_1536 = arith.constant 0 : i32
    %dma_wait3A_1537 = arith.constant 0 : i32
    %dma_wait3A_1538 = arith.constant 0 : i32
    %dma_wait3A_1539 = tpu.memref_slice %arg4[%dma_wait3A_1535, %dma_wait3A_1537, %dma_wait3A_1538] : memref<3x80x512xf32, #tpu.memory_space<vmem>> -> memref<1x80x512xf32, #tpu.memory_space<vmem>>
    %dma_wait3A_1540 = tpu.memref_squeeze %dma_wait3A_1539 : memref<1x80x512xf32, #tpu.memory_space<vmem>> -> memref<80x512xf32, #tpu.memory_space<vmem>>
    %dma_wait3A_1541 = arith.constant 0 : i32
    %dma_wait3A_1542 = tpu.memref_slice %arg2[%add3A_1534, %dma_wait3A_1541] : memref<100000x512xf32, #tpu.memory_space<hbm>> -> memref<80x512xf32, #tpu.memory_space<hbm>>
    %dma_wait3A_1543 = tpu.memref_slice %arg5[%dma_wait3A_1536] : memref<3x!tpu.dma_semaphore, #tpu.memory_space<semaphore_mem>> -> memref<1x!tpu.dma_semaphore, #tpu.memory_space<semaphore_mem>>
    %dma_wait3A_1544 = tpu.memref_squeeze %dma_wait3A_1543 : memref<1x!tpu.dma_semaphore, #tpu.memory_space<semaphore_mem>> -> memref<!tpu.dma_semaphore, #tpu.memory_space<semaphore_mem>>
    %dma_wait3A_1545 = arith.constant 0 : i32
    %dma_wait3A_1546 = arith.constant 0 : i32
    %dma_wait3A_1547 = tpu.memref_slice %arg4[%dma_wait3A_1535, %dma_wait3A_1545, %dma_wait3A_1546] : memref<3x80x512xf32, #tpu.memory_space<vmem>> -> memref<1x80x512xf32, #tpu.memory_space<vmem>>
    %dma_wait3A_1548 = tpu.memref_squeeze %dma_wait3A_1547 : memref<1x80x512xf32, #tpu.memory_space<vmem>> -> memref<80x512xf32, #tpu.memory_space<vmem>>
    %dma_wait3A_1549 = arith.constant 0 : i32
    %dma_wait3A_1550 = tpu.memref_slice %arg2[%add3A_1534, %dma_wait3A_1549] : memref<100000x512xf32, #tpu.memory_space<hbm>> -> memref<80x512xf32, #tpu.memory_space<hbm>>
    tpu.wait_dma2 semaphore(%dma_wait3A_1544 : memref<!tpu.dma_semaphore, #tpu.memory_space<semaphore_mem>>) src(%dma_wait3A_1550 : memref<80x512xf32, #tpu.memory_space<hbm>>) dst(%dma_wait3A_1548 : memref<80x512xf32, #tpu.memory_space<vmem>>)
    %add3A_1551 = arith.constant 1680 : i32
    %add3A_1552 = arith.addi %mul3A_2, %add3A_1551 : i32
    %dma_start3A_1553 = arith.constant 0 : i32
    %dma_start3A_1554 = arith.constant 0 : i32
    %dma_start3A_1555 = arith.constant 0 : i32
    %dma_start3A_1556 = arith.constant 0 : i32
    %dma_start3A_1557 = tpu.memref_slice %arg4[%dma_start3A_1553, %dma_start3A_1555, %dma_start3A_1556] : memref<3x80x512xf32, #tpu.memory_space<vmem>> -> memref<1x80x512xf32, #tpu.memory_space<vmem>>
    %dma_start3A_1558 = tpu.memref_squeeze %dma_start3A_1557 : memref<1x80x512xf32, #tpu.memory_space<vmem>> -> memref<80x512xf32, #tpu.memory_space<vmem>>
    %dma_start3A_1559 = arith.constant 0 : i32
    %dma_start3A_1560 = tpu.memref_slice %arg3[%add3A_1552, %dma_start3A_1559] : memref<100000x512xf32, #tpu.memory_space<hbm>> -> memref<80x512xf32, #tpu.memory_space<hbm>>
    %dma_start3A_1561 = tpu.memref_slice %arg6[%dma_start3A_1554] : memref<3x!tpu.dma_semaphore, #tpu.memory_space<semaphore_mem>> -> memref<1x!tpu.dma_semaphore, #tpu.memory_space<semaphore_mem>>
    %dma_start3A_1562 = tpu.memref_squeeze %dma_start3A_1561 : memref<1x!tpu.dma_semaphore, #tpu.memory_space<semaphore_mem>> -> memref<!tpu.dma_semaphore, #tpu.memory_space<semaphore_mem>>
    %dma_start3A_1563 = arith.constant 0 : i32
    %dma_start3A_1564 = tpu.memref_slice %arg3[%add3A_1552, %dma_start3A_1563] : memref<100000x512xf32, #tpu.memory_space<hbm>> -> memref<80x512xf32, #tpu.memory_space<hbm>>
    %dma_start3A_1565 = arith.constant 0 : i32
    %dma_start3A_1566 = arith.constant 0 : i32
    %dma_start3A_1567 = tpu.memref_slice %arg4[%dma_start3A_1553, %dma_start3A_1565, %dma_start3A_1566] : memref<3x80x512xf32, #tpu.memory_space<vmem>> -> memref<1x80x512xf32, #tpu.memory_space<vmem>>
    %dma_start3A_1568 = tpu.memref_squeeze %dma_start3A_1567 : memref<1x80x512xf32, #tpu.memory_space<vmem>> -> memref<80x512xf32, #tpu.memory_space<vmem>>
    tpu.enqueue_dma source(%dma_start3A_1568 : memref<80x512xf32, #tpu.memory_space<vmem>>) target(%dma_start3A_1564 : memref<80x512xf32, #tpu.memory_space<hbm>>) target_semaphore(%dma_start3A_1562 : memref<!tpu.dma_semaphore, #tpu.memory_space<semaphore_mem>>)
    %add3A_1569 = arith.constant 1600 : i32
    %add3A_1570 = arith.addi %mul3A_2, %add3A_1569 : i32
    %dma_wait3A_1571 = arith.constant 2 : i32
    %dma_wait3A_1572 = arith.constant 2 : i32
    %dma_wait3A_1573 = arith.constant 0 : i32
    %dma_wait3A_1574 = arith.constant 0 : i32
    %dma_wait3A_1575 = tpu.memref_slice %arg4[%dma_wait3A_1571, %dma_wait3A_1573, %dma_wait3A_1574] : memref<3x80x512xf32, #tpu.memory_space<vmem>> -> memref<1x80x512xf32, #tpu.memory_space<vmem>>
    %dma_wait3A_1576 = tpu.memref_squeeze %dma_wait3A_1575 : memref<1x80x512xf32, #tpu.memory_space<vmem>> -> memref<80x512xf32, #tpu.memory_space<vmem>>
    %dma_wait3A_1577 = arith.constant 0 : i32
    %dma_wait3A_1578 = tpu.memref_slice %arg3[%add3A_1570, %dma_wait3A_1577] : memref<100000x512xf32, #tpu.memory_space<hbm>> -> memref<80x512xf32, #tpu.memory_space<hbm>>
    %dma_wait3A_1579 = tpu.memref_slice %arg6[%dma_wait3A_1572] : memref<3x!tpu.dma_semaphore, #tpu.memory_space<semaphore_mem>> -> memref<1x!tpu.dma_semaphore, #tpu.memory_space<semaphore_mem>>
    %dma_wait3A_1580 = tpu.memref_squeeze %dma_wait3A_1579 : memref<1x!tpu.dma_semaphore, #tpu.memory_space<semaphore_mem>> -> memref<!tpu.dma_semaphore, #tpu.memory_space<semaphore_mem>>
    %dma_wait3A_1581 = arith.constant 0 : i32
    %dma_wait3A_1582 = tpu.memref_slice %arg3[%add3A_1570, %dma_wait3A_1581] : memref<100000x512xf32, #tpu.memory_space<hbm>> -> memref<80x512xf32, #tpu.memory_space<hbm>>
    %dma_wait3A_1583 = arith.constant 0 : i32
    %dma_wait3A_1584 = arith.constant 0 : i32
    %dma_wait3A_1585 = tpu.memref_slice %arg4[%dma_wait3A_1571, %dma_wait3A_1583, %dma_wait3A_1584] : memref<3x80x512xf32, #tpu.memory_space<vmem>> -> memref<1x80x512xf32, #tpu.memory_space<vmem>>
    %dma_wait3A_1586 = tpu.memref_squeeze %dma_wait3A_1585 : memref<1x80x512xf32, #tpu.memory_space<vmem>> -> memref<80x512xf32, #tpu.memory_space<vmem>>
    tpu.wait_dma2 semaphore(%dma_wait3A_1580 : memref<!tpu.dma_semaphore, #tpu.memory_space<semaphore_mem>>) src(%dma_wait3A_1586 : memref<80x512xf32, #tpu.memory_space<vmem>>) dst(%dma_wait3A_1582 : memref<80x512xf32, #tpu.memory_space<hbm>>)
    %add3A_1587 = arith.constant 1840 : i32
    %add3A_1588 = arith.addi %mul3A_2, %add3A_1587 : i32
    %dma_start3A_1589 = arith.constant 2 : i32
    %dma_start3A_1590 = arith.constant 2 : i32
    %dma_start3A_1591 = arith.constant 0 : i32
    %dma_start3A_1592 = arith.constant 0 : i32
    %dma_start3A_1593 = tpu.memref_slice %arg4[%dma_start3A_1589, %dma_start3A_1591, %dma_start3A_1592] : memref<3x80x512xf32, #tpu.memory_space<vmem>> -> memref<1x80x512xf32, #tpu.memory_space<vmem>>
    %dma_start3A_1594 = tpu.memref_squeeze %dma_start3A_1593 : memref<1x80x512xf32, #tpu.memory_space<vmem>> -> memref<80x512xf32, #tpu.memory_space<vmem>>
    %dma_start3A_1595 = arith.constant 0 : i32
    %dma_start3A_1596 = tpu.memref_slice %arg2[%add3A_1588, %dma_start3A_1595] : memref<100000x512xf32, #tpu.memory_space<hbm>> -> memref<80x512xf32, #tpu.memory_space<hbm>>
    %dma_start3A_1597 = tpu.memref_slice %arg5[%dma_start3A_1590] : memref<3x!tpu.dma_semaphore, #tpu.memory_space<semaphore_mem>> -> memref<1x!tpu.dma_semaphore, #tpu.memory_space<semaphore_mem>>
    %dma_start3A_1598 = tpu.memref_squeeze %dma_start3A_1597 : memref<1x!tpu.dma_semaphore, #tpu.memory_space<semaphore_mem>> -> memref<!tpu.dma_semaphore, #tpu.memory_space<semaphore_mem>>
    %dma_start3A_1599 = arith.constant 0 : i32
    %dma_start3A_1600 = arith.constant 0 : i32
    %dma_start3A_1601 = tpu.memref_slice %arg4[%dma_start3A_1589, %dma_start3A_1599, %dma_start3A_1600] : memref<3x80x512xf32, #tpu.memory_space<vmem>> -> memref<1x80x512xf32, #tpu.memory_space<vmem>>
    %dma_start3A_1602 = tpu.memref_squeeze %dma_start3A_1601 : memref<1x80x512xf32, #tpu.memory_space<vmem>> -> memref<80x512xf32, #tpu.memory_space<vmem>>
    %dma_start3A_1603 = arith.constant 0 : i32
    %dma_start3A_1604 = tpu.memref_slice %arg2[%add3A_1588, %dma_start3A_1603] : memref<100000x512xf32, #tpu.memory_space<hbm>> -> memref<80x512xf32, #tpu.memory_space<hbm>>
    tpu.enqueue_dma source(%dma_start3A_1604 : memref<80x512xf32, #tpu.memory_space<hbm>>) target(%dma_start3A_1602 : memref<80x512xf32, #tpu.memory_space<vmem>>) target_semaphore(%dma_start3A_1598 : memref<!tpu.dma_semaphore, #tpu.memory_space<semaphore_mem>>)
    %add3A_1605 = arith.constant 1760 : i32
    %add3A_1606 = arith.addi %mul3A_2, %add3A_1605 : i32
    %dma_wait3A_1607 = arith.constant 1 : i32
    %dma_wait3A_1608 = arith.constant 1 : i32
    %dma_wait3A_1609 = arith.constant 0 : i32
    %dma_wait3A_1610 = arith.constant 0 : i32
    %dma_wait3A_1611 = tpu.memref_slice %arg4[%dma_wait3A_1607, %dma_wait3A_1609, %dma_wait3A_1610] : memref<3x80x512xf32, #tpu.memory_space<vmem>> -> memref<1x80x512xf32, #tpu.memory_space<vmem>>
    %dma_wait3A_1612 = tpu.memref_squeeze %dma_wait3A_1611 : memref<1x80x512xf32, #tpu.memory_space<vmem>> -> memref<80x512xf32, #tpu.memory_space<vmem>>
    %dma_wait3A_1613 = arith.constant 0 : i32
    %dma_wait3A_1614 = tpu.memref_slice %arg2[%add3A_1606, %dma_wait3A_1613] : memref<100000x512xf32, #tpu.memory_space<hbm>> -> memref<80x512xf32, #tpu.memory_space<hbm>>
    %dma_wait3A_1615 = tpu.memref_slice %arg5[%dma_wait3A_1608] : memref<3x!tpu.dma_semaphore, #tpu.memory_space<semaphore_mem>> -> memref<1x!tpu.dma_semaphore, #tpu.memory_space<semaphore_mem>>
    %dma_wait3A_1616 = tpu.memref_squeeze %dma_wait3A_1615 : memref<1x!tpu.dma_semaphore, #tpu.memory_space<semaphore_mem>> -> memref<!tpu.dma_semaphore, #tpu.memory_space<semaphore_mem>>
    %dma_wait3A_1617 = arith.constant 0 : i32
    %dma_wait3A_1618 = arith.constant 0 : i32
    %dma_wait3A_1619 = tpu.memref_slice %arg4[%dma_wait3A_1607, %dma_wait3A_1617, %dma_wait3A_1618] : memref<3x80x512xf32, #tpu.memory_space<vmem>> -> memref<1x80x512xf32, #tpu.memory_space<vmem>>
    %dma_wait3A_1620 = tpu.memref_squeeze %dma_wait3A_1619 : memref<1x80x512xf32, #tpu.memory_space<vmem>> -> memref<80x512xf32, #tpu.memory_space<vmem>>
    %dma_wait3A_1621 = arith.constant 0 : i32
    %dma_wait3A_1622 = tpu.memref_slice %arg2[%add3A_1606, %dma_wait3A_1621] : memref<100000x512xf32, #tpu.memory_space<hbm>> -> memref<80x512xf32, #tpu.memory_space<hbm>>
    tpu.wait_dma2 semaphore(%dma_wait3A_1616 : memref<!tpu.dma_semaphore, #tpu.memory_space<semaphore_mem>>) src(%dma_wait3A_1622 : memref<80x512xf32, #tpu.memory_space<hbm>>) dst(%dma_wait3A_1620 : memref<80x512xf32, #tpu.memory_space<vmem>>)
    %add3A_1623 = arith.constant 1760 : i32
    %add3A_1624 = arith.addi %mul3A_2, %add3A_1623 : i32
    %dma_start3A_1625 = arith.constant 1 : i32
    %dma_start3A_1626 = arith.constant 1 : i32
    %dma_start3A_1627 = arith.constant 0 : i32
    %dma_start3A_1628 = arith.constant 0 : i32
    %dma_start3A_1629 = tpu.memref_slice %arg4[%dma_start3A_1625, %dma_start3A_1627, %dma_start3A_1628] : memref<3x80x512xf32, #tpu.memory_space<vmem>> -> memref<1x80x512xf32, #tpu.memory_space<vmem>>
    %dma_start3A_1630 = tpu.memref_squeeze %dma_start3A_1629 : memref<1x80x512xf32, #tpu.memory_space<vmem>> -> memref<80x512xf32, #tpu.memory_space<vmem>>
    %dma_start3A_1631 = arith.constant 0 : i32
    %dma_start3A_1632 = tpu.memref_slice %arg3[%add3A_1624, %dma_start3A_1631] : memref<100000x512xf32, #tpu.memory_space<hbm>> -> memref<80x512xf32, #tpu.memory_space<hbm>>
    %dma_start3A_1633 = tpu.memref_slice %arg6[%dma_start3A_1626] : memref<3x!tpu.dma_semaphore, #tpu.memory_space<semaphore_mem>> -> memref<1x!tpu.dma_semaphore, #tpu.memory_space<semaphore_mem>>
    %dma_start3A_1634 = tpu.memref_squeeze %dma_start3A_1633 : memref<1x!tpu.dma_semaphore, #tpu.memory_space<semaphore_mem>> -> memref<!tpu.dma_semaphore, #tpu.memory_space<semaphore_mem>>
    %dma_start3A_1635 = arith.constant 0 : i32
    %dma_start3A_1636 = tpu.memref_slice %arg3[%add3A_1624, %dma_start3A_1635] : memref<100000x512xf32, #tpu.memory_space<hbm>> -> memref<80x512xf32, #tpu.memory_space<hbm>>
    %dma_start3A_1637 = arith.constant 0 : i32
    %dma_start3A_1638 = arith.constant 0 : i32
    %dma_start3A_1639 = tpu.memref_slice %arg4[%dma_start3A_1625, %dma_start3A_1637, %dma_start3A_1638] : memref<3x80x512xf32, #tpu.memory_space<vmem>> -> memref<1x80x512xf32, #tpu.memory_space<vmem>>
    %dma_start3A_1640 = tpu.memref_squeeze %dma_start3A_1639 : memref<1x80x512xf32, #tpu.memory_space<vmem>> -> memref<80x512xf32, #tpu.memory_space<vmem>>
    tpu.enqueue_dma source(%dma_start3A_1640 : memref<80x512xf32, #tpu.memory_space<vmem>>) target(%dma_start3A_1636 : memref<80x512xf32, #tpu.memory_space<hbm>>) target_semaphore(%dma_start3A_1634 : memref<!tpu.dma_semaphore, #tpu.memory_space<semaphore_mem>>)
    %add3A_1641 = arith.constant 1680 : i32
    %add3A_1642 = arith.addi %mul3A_2, %add3A_1641 : i32
    %dma_wait3A_1643 = arith.constant 0 : i32
    %dma_wait3A_1644 = arith.constant 0 : i32
    %dma_wait3A_1645 = arith.constant 0 : i32
    %dma_wait3A_1646 = arith.constant 0 : i32
    %dma_wait3A_1647 = tpu.memref_slice %arg4[%dma_wait3A_1643, %dma_wait3A_1645, %dma_wait3A_1646] : memref<3x80x512xf32, #tpu.memory_space<vmem>> -> memref<1x80x512xf32, #tpu.memory_space<vmem>>
    %dma_wait3A_1648 = tpu.memref_squeeze %dma_wait3A_1647 : memref<1x80x512xf32, #tpu.memory_space<vmem>> -> memref<80x512xf32, #tpu.memory_space<vmem>>
    %dma_wait3A_1649 = arith.constant 0 : i32
    %dma_wait3A_1650 = tpu.memref_slice %arg3[%add3A_1642, %dma_wait3A_1649] : memref<100000x512xf32, #tpu.memory_space<hbm>> -> memref<80x512xf32, #tpu.memory_space<hbm>>
    %dma_wait3A_1651 = tpu.memref_slice %arg6[%dma_wait3A_1644] : memref<3x!tpu.dma_semaphore, #tpu.memory_space<semaphore_mem>> -> memref<1x!tpu.dma_semaphore, #tpu.memory_space<semaphore_mem>>
    %dma_wait3A_1652 = tpu.memref_squeeze %dma_wait3A_1651 : memref<1x!tpu.dma_semaphore, #tpu.memory_space<semaphore_mem>> -> memref<!tpu.dma_semaphore, #tpu.memory_space<semaphore_mem>>
    %dma_wait3A_1653 = arith.constant 0 : i32
    %dma_wait3A_1654 = tpu.memref_slice %arg3[%add3A_1642, %dma_wait3A_1653] : memref<100000x512xf32, #tpu.memory_space<hbm>> -> memref<80x512xf32, #tpu.memory_space<hbm>>
    %dma_wait3A_1655 = arith.constant 0 : i32
    %dma_wait3A_1656 = arith.constant 0 : i32
    %dma_wait3A_1657 = tpu.memref_slice %arg4[%dma_wait3A_1643, %dma_wait3A_1655, %dma_wait3A_1656] : memref<3x80x512xf32, #tpu.memory_space<vmem>> -> memref<1x80x512xf32, #tpu.memory_space<vmem>>
    %dma_wait3A_1658 = tpu.memref_squeeze %dma_wait3A_1657 : memref<1x80x512xf32, #tpu.memory_space<vmem>> -> memref<80x512xf32, #tpu.memory_space<vmem>>
    tpu.wait_dma2 semaphore(%dma_wait3A_1652 : memref<!tpu.dma_semaphore, #tpu.memory_space<semaphore_mem>>) src(%dma_wait3A_1658 : memref<80x512xf32, #tpu.memory_space<vmem>>) dst(%dma_wait3A_1654 : memref<80x512xf32, #tpu.memory_space<hbm>>)
    %add3A_1659 = arith.constant 1920 : i32
    %add3A_1660 = arith.addi %mul3A_2, %add3A_1659 : i32
    %dma_start3A_1661 = arith.constant 0 : i32
    %dma_start3A_1662 = arith.constant 0 : i32
    %dma_start3A_1663 = arith.constant 0 : i32
    %dma_start3A_1664 = arith.constant 0 : i32
    %dma_start3A_1665 = tpu.memref_slice %arg4[%dma_start3A_1661, %dma_start3A_1663, %dma_start3A_1664] : memref<3x80x512xf32, #tpu.memory_space<vmem>> -> memref<1x80x512xf32, #tpu.memory_space<vmem>>
    %dma_start3A_1666 = tpu.memref_squeeze %dma_start3A_1665 : memref<1x80x512xf32, #tpu.memory_space<vmem>> -> memref<80x512xf32, #tpu.memory_space<vmem>>
    %dma_start3A_1667 = arith.constant 0 : i32
    %dma_start3A_1668 = tpu.memref_slice %arg2[%add3A_1660, %dma_start3A_1667] : memref<100000x512xf32, #tpu.memory_space<hbm>> -> memref<80x512xf32, #tpu.memory_space<hbm>>
    %dma_start3A_1669 = tpu.memref_slice %arg5[%dma_start3A_1662] : memref<3x!tpu.dma_semaphore, #tpu.memory_space<semaphore_mem>> -> memref<1x!tpu.dma_semaphore, #tpu.memory_space<semaphore_mem>>
    %dma_start3A_1670 = tpu.memref_squeeze %dma_start3A_1669 : memref<1x!tpu.dma_semaphore, #tpu.memory_space<semaphore_mem>> -> memref<!tpu.dma_semaphore, #tpu.memory_space<semaphore_mem>>
    %dma_start3A_1671 = arith.constant 0 : i32
    %dma_start3A_1672 = arith.constant 0 : i32
    %dma_start3A_1673 = tpu.memref_slice %arg4[%dma_start3A_1661, %dma_start3A_1671, %dma_start3A_1672] : memref<3x80x512xf32, #tpu.memory_space<vmem>> -> memref<1x80x512xf32, #tpu.memory_space<vmem>>
    %dma_start3A_1674 = tpu.memref_squeeze %dma_start3A_1673 : memref<1x80x512xf32, #tpu.memory_space<vmem>> -> memref<80x512xf32, #tpu.memory_space<vmem>>
    %dma_start3A_1675 = arith.constant 0 : i32
    %dma_start3A_1676 = tpu.memref_slice %arg2[%add3A_1660, %dma_start3A_1675] : memref<100000x512xf32, #tpu.memory_space<hbm>> -> memref<80x512xf32, #tpu.memory_space<hbm>>
    tpu.enqueue_dma source(%dma_start3A_1676 : memref<80x512xf32, #tpu.memory_space<hbm>>) target(%dma_start3A_1674 : memref<80x512xf32, #tpu.memory_space<vmem>>) target_semaphore(%dma_start3A_1670 : memref<!tpu.dma_semaphore, #tpu.memory_space<semaphore_mem>>)
    %add3A_1677 = arith.constant 1840 : i32
    %add3A_1678 = arith.addi %mul3A_2, %add3A_1677 : i32
    %dma_wait3A_1679 = arith.constant 2 : i32
    %dma_wait3A_1680 = arith.constant 2 : i32
    %dma_wait3A_1681 = arith.constant 0 : i32
    %dma_wait3A_1682 = arith.constant 0 : i32
    %dma_wait3A_1683 = tpu.memref_slice %arg4[%dma_wait3A_1679, %dma_wait3A_1681, %dma_wait3A_1682] : memref<3x80x512xf32, #tpu.memory_space<vmem>> -> memref<1x80x512xf32, #tpu.memory_space<vmem>>
    %dma_wait3A_1684 = tpu.memref_squeeze %dma_wait3A_1683 : memref<1x80x512xf32, #tpu.memory_space<vmem>> -> memref<80x512xf32, #tpu.memory_space<vmem>>
    %dma_wait3A_1685 = arith.constant 0 : i32
    %dma_wait3A_1686 = tpu.memref_slice %arg2[%add3A_1678, %dma_wait3A_1685] : memref<100000x512xf32, #tpu.memory_space<hbm>> -> memref<80x512xf32, #tpu.memory_space<hbm>>
    %dma_wait3A_1687 = tpu.memref_slice %arg5[%dma_wait3A_1680] : memref<3x!tpu.dma_semaphore, #tpu.memory_space<semaphore_mem>> -> memref<1x!tpu.dma_semaphore, #tpu.memory_space<semaphore_mem>>
    %dma_wait3A_1688 = tpu.memref_squeeze %dma_wait3A_1687 : memref<1x!tpu.dma_semaphore, #tpu.memory_space<semaphore_mem>> -> memref<!tpu.dma_semaphore, #tpu.memory_space<semaphore_mem>>
    %dma_wait3A_1689 = arith.constant 0 : i32
    %dma_wait3A_1690 = arith.constant 0 : i32
    %dma_wait3A_1691 = tpu.memref_slice %arg4[%dma_wait3A_1679, %dma_wait3A_1689, %dma_wait3A_1690] : memref<3x80x512xf32, #tpu.memory_space<vmem>> -> memref<1x80x512xf32, #tpu.memory_space<vmem>>
    %dma_wait3A_1692 = tpu.memref_squeeze %dma_wait3A_1691 : memref<1x80x512xf32, #tpu.memory_space<vmem>> -> memref<80x512xf32, #tpu.memory_space<vmem>>
    %dma_wait3A_1693 = arith.constant 0 : i32
    %dma_wait3A_1694 = tpu.memref_slice %arg2[%add3A_1678, %dma_wait3A_1693] : memref<100000x512xf32, #tpu.memory_space<hbm>> -> memref<80x512xf32, #tpu.memory_space<hbm>>
    tpu.wait_dma2 semaphore(%dma_wait3A_1688 : memref<!tpu.dma_semaphore, #tpu.memory_space<semaphore_mem>>) src(%dma_wait3A_1694 : memref<80x512xf32, #tpu.memory_space<hbm>>) dst(%dma_wait3A_1692 : memref<80x512xf32, #tpu.memory_space<vmem>>)
    %add3A_1695 = arith.constant 1840 : i32
    %add3A_1696 = arith.addi %mul3A_2, %add3A_1695 : i32
    %dma_start3A_1697 = arith.constant 2 : i32
    %dma_start3A_1698 = arith.constant 2 : i32
    %dma_start3A_1699 = arith.constant 0 : i32
    %dma_start3A_1700 = arith.constant 0 : i32
    %dma_start3A_1701 = tpu.memref_slice %arg4[%dma_start3A_1697, %dma_start3A_1699, %dma_start3A_1700] : memref<3x80x512xf32, #tpu.memory_space<vmem>> -> memref<1x80x512xf32, #tpu.memory_space<vmem>>
    %dma_start3A_1702 = tpu.memref_squeeze %dma_start3A_1701 : memref<1x80x512xf32, #tpu.memory_space<vmem>> -> memref<80x512xf32, #tpu.memory_space<vmem>>
    %dma_start3A_1703 = arith.constant 0 : i32
    %dma_start3A_1704 = tpu.memref_slice %arg3[%add3A_1696, %dma_start3A_1703] : memref<100000x512xf32, #tpu.memory_space<hbm>> -> memref<80x512xf32, #tpu.memory_space<hbm>>
    %dma_start3A_1705 = tpu.memref_slice %arg6[%dma_start3A_1698] : memref<3x!tpu.dma_semaphore, #tpu.memory_space<semaphore_mem>> -> memref<1x!tpu.dma_semaphore, #tpu.memory_space<semaphore_mem>>
    %dma_start3A_1706 = tpu.memref_squeeze %dma_start3A_1705 : memref<1x!tpu.dma_semaphore, #tpu.memory_space<semaphore_mem>> -> memref<!tpu.dma_semaphore, #tpu.memory_space<semaphore_mem>>
    %dma_start3A_1707 = arith.constant 0 : i32
    %dma_start3A_1708 = tpu.memref_slice %arg3[%add3A_1696, %dma_start3A_1707] : memref<100000x512xf32, #tpu.memory_space<hbm>> -> memref<80x512xf32, #tpu.memory_space<hbm>>
    %dma_start3A_1709 = arith.constant 0 : i32
    %dma_start3A_1710 = arith.constant 0 : i32
    %dma_start3A_1711 = tpu.memref_slice %arg4[%dma_start3A_1697, %dma_start3A_1709, %dma_start3A_1710] : memref<3x80x512xf32, #tpu.memory_space<vmem>> -> memref<1x80x512xf32, #tpu.memory_space<vmem>>
    %dma_start3A_1712 = tpu.memref_squeeze %dma_start3A_1711 : memref<1x80x512xf32, #tpu.memory_space<vmem>> -> memref<80x512xf32, #tpu.memory_space<vmem>>
    tpu.enqueue_dma source(%dma_start3A_1712 : memref<80x512xf32, #tpu.memory_space<vmem>>) target(%dma_start3A_1708 : memref<80x512xf32, #tpu.memory_space<hbm>>) target_semaphore(%dma_start3A_1706 : memref<!tpu.dma_semaphore, #tpu.memory_space<semaphore_mem>>)
    %add3A_1713 = arith.constant 1760 : i32
    %add3A_1714 = arith.addi %mul3A_2, %add3A_1713 : i32
    %dma_wait3A_1715 = arith.constant 1 : i32
    %dma_wait3A_1716 = arith.constant 1 : i32
    %dma_wait3A_1717 = arith.constant 0 : i32
    %dma_wait3A_1718 = arith.constant 0 : i32
    %dma_wait3A_1719 = tpu.memref_slice %arg4[%dma_wait3A_1715, %dma_wait3A_1717, %dma_wait3A_1718] : memref<3x80x512xf32, #tpu.memory_space<vmem>> -> memref<1x80x512xf32, #tpu.memory_space<vmem>>
    %dma_wait3A_1720 = tpu.memref_squeeze %dma_wait3A_1719 : memref<1x80x512xf32, #tpu.memory_space<vmem>> -> memref<80x512xf32, #tpu.memory_space<vmem>>
    %dma_wait3A_1721 = arith.constant 0 : i32
    %dma_wait3A_1722 = tpu.memref_slice %arg3[%add3A_1714, %dma_wait3A_1721] : memref<100000x512xf32, #tpu.memory_space<hbm>> -> memref<80x512xf32, #tpu.memory_space<hbm>>
    %dma_wait3A_1723 = tpu.memref_slice %arg6[%dma_wait3A_1716] : memref<3x!tpu.dma_semaphore, #tpu.memory_space<semaphore_mem>> -> memref<1x!tpu.dma_semaphore, #tpu.memory_space<semaphore_mem>>
    %dma_wait3A_1724 = tpu.memref_squeeze %dma_wait3A_1723 : memref<1x!tpu.dma_semaphore, #tpu.memory_space<semaphore_mem>> -> memref<!tpu.dma_semaphore, #tpu.memory_space<semaphore_mem>>
    %dma_wait3A_1725 = arith.constant 0 : i32
    %dma_wait3A_1726 = tpu.memref_slice %arg3[%add3A_1714, %dma_wait3A_1725] : memref<100000x512xf32, #tpu.memory_space<hbm>> -> memref<80x512xf32, #tpu.memory_space<hbm>>
    %dma_wait3A_1727 = arith.constant 0 : i32
    %dma_wait3A_1728 = arith.constant 0 : i32
    %dma_wait3A_1729 = tpu.memref_slice %arg4[%dma_wait3A_1715, %dma_wait3A_1727, %dma_wait3A_1728] : memref<3x80x512xf32, #tpu.memory_space<vmem>> -> memref<1x80x512xf32, #tpu.memory_space<vmem>>
    %dma_wait3A_1730 = tpu.memref_squeeze %dma_wait3A_1729 : memref<1x80x512xf32, #tpu.memory_space<vmem>> -> memref<80x512xf32, #tpu.memory_space<vmem>>
    tpu.wait_dma2 semaphore(%dma_wait3A_1724 : memref<!tpu.dma_semaphore, #tpu.memory_space<semaphore_mem>>) src(%dma_wait3A_1730 : memref<80x512xf32, #tpu.memory_space<vmem>>) dst(%dma_wait3A_1726 : memref<80x512xf32, #tpu.memory_space<hbm>>)
    %add3A_1731 = arith.constant 2000 : i32
    %add3A_1732 = arith.addi %mul3A_2, %add3A_1731 : i32
    %dma_start3A_1733 = arith.constant 1 : i32
    %dma_start3A_1734 = arith.constant 1 : i32
    %dma_start3A_1735 = arith.constant 0 : i32
    %dma_start3A_1736 = arith.constant 0 : i32
    %dma_start3A_1737 = tpu.memref_slice %arg4[%dma_start3A_1733, %dma_start3A_1735, %dma_start3A_1736] : memref<3x80x512xf32, #tpu.memory_space<vmem>> -> memref<1x80x512xf32, #tpu.memory_space<vmem>>
    %dma_start3A_1738 = tpu.memref_squeeze %dma_start3A_1737 : memref<1x80x512xf32, #tpu.memory_space<vmem>> -> memref<80x512xf32, #tpu.memory_space<vmem>>
    %dma_start3A_1739 = arith.constant 0 : i32
    %dma_start3A_1740 = tpu.memref_slice %arg2[%add3A_1732, %dma_start3A_1739] : memref<100000x512xf32, #tpu.memory_space<hbm>> -> memref<80x512xf32, #tpu.memory_space<hbm>>
    %dma_start3A_1741 = tpu.memref_slice %arg5[%dma_start3A_1734] : memref<3x!tpu.dma_semaphore, #tpu.memory_space<semaphore_mem>> -> memref<1x!tpu.dma_semaphore, #tpu.memory_space<semaphore_mem>>
    %dma_start3A_1742 = tpu.memref_squeeze %dma_start3A_1741 : memref<1x!tpu.dma_semaphore, #tpu.memory_space<semaphore_mem>> -> memref<!tpu.dma_semaphore, #tpu.memory_space<semaphore_mem>>
    %dma_start3A_1743 = arith.constant 0 : i32
    %dma_start3A_1744 = arith.constant 0 : i32
    %dma_start3A_1745 = tpu.memref_slice %arg4[%dma_start3A_1733, %dma_start3A_1743, %dma_start3A_1744] : memref<3x80x512xf32, #tpu.memory_space<vmem>> -> memref<1x80x512xf32, #tpu.memory_space<vmem>>
    %dma_start3A_1746 = tpu.memref_squeeze %dma_start3A_1745 : memref<1x80x512xf32, #tpu.memory_space<vmem>> -> memref<80x512xf32, #tpu.memory_space<vmem>>
    %dma_start3A_1747 = arith.constant 0 : i32
    %dma_start3A_1748 = tpu.memref_slice %arg2[%add3A_1732, %dma_start3A_1747] : memref<100000x512xf32, #tpu.memory_space<hbm>> -> memref<80x512xf32, #tpu.memory_space<hbm>>
    tpu.enqueue_dma source(%dma_start3A_1748 : memref<80x512xf32, #tpu.memory_space<hbm>>) target(%dma_start3A_1746 : memref<80x512xf32, #tpu.memory_space<vmem>>) target_semaphore(%dma_start3A_1742 : memref<!tpu.dma_semaphore, #tpu.memory_space<semaphore_mem>>)
    %add3A_1749 = arith.constant 1920 : i32
    %add3A_1750 = arith.addi %mul3A_2, %add3A_1749 : i32
    %dma_wait3A_1751 = arith.constant 0 : i32
    %dma_wait3A_1752 = arith.constant 0 : i32
    %dma_wait3A_1753 = arith.constant 0 : i32
    %dma_wait3A_1754 = arith.constant 0 : i32
    %dma_wait3A_1755 = tpu.memref_slice %arg4[%dma_wait3A_1751, %dma_wait3A_1753, %dma_wait3A_1754] : memref<3x80x512xf32, #tpu.memory_space<vmem>> -> memref<1x80x512xf32, #tpu.memory_space<vmem>>
    %dma_wait3A_1756 = tpu.memref_squeeze %dma_wait3A_1755 : memref<1x80x512xf32, #tpu.memory_space<vmem>> -> memref<80x512xf32, #tpu.memory_space<vmem>>
    %dma_wait3A_1757 = arith.constant 0 : i32
    %dma_wait3A_1758 = tpu.memref_slice %arg2[%add3A_1750, %dma_wait3A_1757] : memref<100000x512xf32, #tpu.memory_space<hbm>> -> memref<80x512xf32, #tpu.memory_space<hbm>>
    %dma_wait3A_1759 = tpu.memref_slice %arg5[%dma_wait3A_1752] : memref<3x!tpu.dma_semaphore, #tpu.memory_space<semaphore_mem>> -> memref<1x!tpu.dma_semaphore, #tpu.memory_space<semaphore_mem>>
    %dma_wait3A_1760 = tpu.memref_squeeze %dma_wait3A_1759 : memref<1x!tpu.dma_semaphore, #tpu.memory_space<semaphore_mem>> -> memref<!tpu.dma_semaphore, #tpu.memory_space<semaphore_mem>>
    %dma_wait3A_1761 = arith.constant 0 : i32
    %dma_wait3A_1762 = arith.constant 0 : i32
    %dma_wait3A_1763 = tpu.memref_slice %arg4[%dma_wait3A_1751, %dma_wait3A_1761, %dma_wait3A_1762] : memref<3x80x512xf32, #tpu.memory_space<vmem>> -> memref<1x80x512xf32, #tpu.memory_space<vmem>>
    %dma_wait3A_1764 = tpu.memref_squeeze %dma_wait3A_1763 : memref<1x80x512xf32, #tpu.memory_space<vmem>> -> memref<80x512xf32, #tpu.memory_space<vmem>>
    %dma_wait3A_1765 = arith.constant 0 : i32
    %dma_wait3A_1766 = tpu.memref_slice %arg2[%add3A_1750, %dma_wait3A_1765] : memref<100000x512xf32, #tpu.memory_space<hbm>> -> memref<80x512xf32, #tpu.memory_space<hbm>>
    tpu.wait_dma2 semaphore(%dma_wait3A_1760 : memref<!tpu.dma_semaphore, #tpu.memory_space<semaphore_mem>>) src(%dma_wait3A_1766 : memref<80x512xf32, #tpu.memory_space<hbm>>) dst(%dma_wait3A_1764 : memref<80x512xf32, #tpu.memory_space<vmem>>)
    %add3A_1767 = arith.constant 1920 : i32
    %add3A_1768 = arith.addi %mul3A_2, %add3A_1767 : i32
    %dma_start3A_1769 = arith.constant 0 : i32
    %dma_start3A_1770 = arith.constant 0 : i32
    %dma_start3A_1771 = arith.constant 0 : i32
    %dma_start3A_1772 = arith.constant 0 : i32
    %dma_start3A_1773 = tpu.memref_slice %arg4[%dma_start3A_1769, %dma_start3A_1771, %dma_start3A_1772] : memref<3x80x512xf32, #tpu.memory_space<vmem>> -> memref<1x80x512xf32, #tpu.memory_space<vmem>>
    %dma_start3A_1774 = tpu.memref_squeeze %dma_start3A_1773 : memref<1x80x512xf32, #tpu.memory_space<vmem>> -> memref<80x512xf32, #tpu.memory_space<vmem>>
    %dma_start3A_1775 = arith.constant 0 : i32
    %dma_start3A_1776 = tpu.memref_slice %arg3[%add3A_1768, %dma_start3A_1775] : memref<100000x512xf32, #tpu.memory_space<hbm>> -> memref<80x512xf32, #tpu.memory_space<hbm>>
    %dma_start3A_1777 = tpu.memref_slice %arg6[%dma_start3A_1770] : memref<3x!tpu.dma_semaphore, #tpu.memory_space<semaphore_mem>> -> memref<1x!tpu.dma_semaphore, #tpu.memory_space<semaphore_mem>>
    %dma_start3A_1778 = tpu.memref_squeeze %dma_start3A_1777 : memref<1x!tpu.dma_semaphore, #tpu.memory_space<semaphore_mem>> -> memref<!tpu.dma_semaphore, #tpu.memory_space<semaphore_mem>>
    %dma_start3A_1779 = arith.constant 0 : i32
    %dma_start3A_1780 = tpu.memref_slice %arg3[%add3A_1768, %dma_start3A_1779] : memref<100000x512xf32, #tpu.memory_space<hbm>> -> memref<80x512xf32, #tpu.memory_space<hbm>>
    %dma_start3A_1781 = arith.constant 0 : i32
    %dma_start3A_1782 = arith.constant 0 : i32
    %dma_start3A_1783 = tpu.memref_slice %arg4[%dma_start3A_1769, %dma_start3A_1781, %dma_start3A_1782] : memref<3x80x512xf32, #tpu.memory_space<vmem>> -> memref<1x80x512xf32, #tpu.memory_space<vmem>>
    %dma_start3A_1784 = tpu.memref_squeeze %dma_start3A_1783 : memref<1x80x512xf32, #tpu.memory_space<vmem>> -> memref<80x512xf32, #tpu.memory_space<vmem>>
    tpu.enqueue_dma source(%dma_start3A_1784 : memref<80x512xf32, #tpu.memory_space<vmem>>) target(%dma_start3A_1780 : memref<80x512xf32, #tpu.memory_space<hbm>>) target_semaphore(%dma_start3A_1778 : memref<!tpu.dma_semaphore, #tpu.memory_space<semaphore_mem>>)
    %add3A_1785 = arith.constant 1840 : i32
    %add3A_1786 = arith.addi %mul3A_2, %add3A_1785 : i32
    %dma_wait3A_1787 = arith.constant 2 : i32
    %dma_wait3A_1788 = arith.constant 2 : i32
    %dma_wait3A_1789 = arith.constant 0 : i32
    %dma_wait3A_1790 = arith.constant 0 : i32
    %dma_wait3A_1791 = tpu.memref_slice %arg4[%dma_wait3A_1787, %dma_wait3A_1789, %dma_wait3A_1790] : memref<3x80x512xf32, #tpu.memory_space<vmem>> -> memref<1x80x512xf32, #tpu.memory_space<vmem>>
    %dma_wait3A_1792 = tpu.memref_squeeze %dma_wait3A_1791 : memref<1x80x512xf32, #tpu.memory_space<vmem>> -> memref<80x512xf32, #tpu.memory_space<vmem>>
    %dma_wait3A_1793 = arith.constant 0 : i32
    %dma_wait3A_1794 = tpu.memref_slice %arg3[%add3A_1786, %dma_wait3A_1793] : memref<100000x512xf32, #tpu.memory_space<hbm>> -> memref<80x512xf32, #tpu.memory_space<hbm>>
    %dma_wait3A_1795 = tpu.memref_slice %arg6[%dma_wait3A_1788] : memref<3x!tpu.dma_semaphore, #tpu.memory_space<semaphore_mem>> -> memref<1x!tpu.dma_semaphore, #tpu.memory_space<semaphore_mem>>
    %dma_wait3A_1796 = tpu.memref_squeeze %dma_wait3A_1795 : memref<1x!tpu.dma_semaphore, #tpu.memory_space<semaphore_mem>> -> memref<!tpu.dma_semaphore, #tpu.memory_space<semaphore_mem>>
    %dma_wait3A_1797 = arith.constant 0 : i32
    %dma_wait3A_1798 = tpu.memref_slice %arg3[%add3A_1786, %dma_wait3A_1797] : memref<100000x512xf32, #tpu.memory_space<hbm>> -> memref<80x512xf32, #tpu.memory_space<hbm>>
    %dma_wait3A_1799 = arith.constant 0 : i32
    %dma_wait3A_1800 = arith.constant 0 : i32
    %dma_wait3A_1801 = tpu.memref_slice %arg4[%dma_wait3A_1787, %dma_wait3A_1799, %dma_wait3A_1800] : memref<3x80x512xf32, #tpu.memory_space<vmem>> -> memref<1x80x512xf32, #tpu.memory_space<vmem>>
    %dma_wait3A_1802 = tpu.memref_squeeze %dma_wait3A_1801 : memref<1x80x512xf32, #tpu.memory_space<vmem>> -> memref<80x512xf32, #tpu.memory_space<vmem>>
    tpu.wait_dma2 semaphore(%dma_wait3A_1796 : memref<!tpu.dma_semaphore, #tpu.memory_space<semaphore_mem>>) src(%dma_wait3A_1802 : memref<80x512xf32, #tpu.memory_space<vmem>>) dst(%dma_wait3A_1798 : memref<80x512xf32, #tpu.memory_space<hbm>>)
    %add3A_1803 = arith.constant 2080 : i32
    %add3A_1804 = arith.addi %mul3A_2, %add3A_1803 : i32
    %dma_start3A_1805 = arith.constant 2 : i32
    %dma_start3A_1806 = arith.constant 2 : i32
    %dma_start3A_1807 = arith.constant 0 : i32
    %dma_start3A_1808 = arith.constant 0 : i32
    %dma_start3A_1809 = tpu.memref_slice %arg4[%dma_start3A_1805, %dma_start3A_1807, %dma_start3A_1808] : memref<3x80x512xf32, #tpu.memory_space<vmem>> -> memref<1x80x512xf32, #tpu.memory_space<vmem>>
    %dma_start3A_1810 = tpu.memref_squeeze %dma_start3A_1809 : memref<1x80x512xf32, #tpu.memory_space<vmem>> -> memref<80x512xf32, #tpu.memory_space<vmem>>
    %dma_start3A_1811 = arith.constant 0 : i32
    %dma_start3A_1812 = tpu.memref_slice %arg2[%add3A_1804, %dma_start3A_1811] : memref<100000x512xf32, #tpu.memory_space<hbm>> -> memref<80x512xf32, #tpu.memory_space<hbm>>
    %dma_start3A_1813 = tpu.memref_slice %arg5[%dma_start3A_1806] : memref<3x!tpu.dma_semaphore, #tpu.memory_space<semaphore_mem>> -> memref<1x!tpu.dma_semaphore, #tpu.memory_space<semaphore_mem>>
    %dma_start3A_1814 = tpu.memref_squeeze %dma_start3A_1813 : memref<1x!tpu.dma_semaphore, #tpu.memory_space<semaphore_mem>> -> memref<!tpu.dma_semaphore, #tpu.memory_space<semaphore_mem>>
    %dma_start3A_1815 = arith.constant 0 : i32
    %dma_start3A_1816 = arith.constant 0 : i32
    %dma_start3A_1817 = tpu.memref_slice %arg4[%dma_start3A_1805, %dma_start3A_1815, %dma_start3A_1816] : memref<3x80x512xf32, #tpu.memory_space<vmem>> -> memref<1x80x512xf32, #tpu.memory_space<vmem>>
    %dma_start3A_1818 = tpu.memref_squeeze %dma_start3A_1817 : memref<1x80x512xf32, #tpu.memory_space<vmem>> -> memref<80x512xf32, #tpu.memory_space<vmem>>
    %dma_start3A_1819 = arith.constant 0 : i32
    %dma_start3A_1820 = tpu.memref_slice %arg2[%add3A_1804, %dma_start3A_1819] : memref<100000x512xf32, #tpu.memory_space<hbm>> -> memref<80x512xf32, #tpu.memory_space<hbm>>
    tpu.enqueue_dma source(%dma_start3A_1820 : memref<80x512xf32, #tpu.memory_space<hbm>>) target(%dma_start3A_1818 : memref<80x512xf32, #tpu.memory_space<vmem>>) target_semaphore(%dma_start3A_1814 : memref<!tpu.dma_semaphore, #tpu.memory_space<semaphore_mem>>)
    %add3A_1821 = arith.constant 2000 : i32
    %add3A_1822 = arith.addi %mul3A_2, %add3A_1821 : i32
    %dma_wait3A_1823 = arith.constant 1 : i32
    %dma_wait3A_1824 = arith.constant 1 : i32
    %dma_wait3A_1825 = arith.constant 0 : i32
    %dma_wait3A_1826 = arith.constant 0 : i32
    %dma_wait3A_1827 = tpu.memref_slice %arg4[%dma_wait3A_1823, %dma_wait3A_1825, %dma_wait3A_1826] : memref<3x80x512xf32, #tpu.memory_space<vmem>> -> memref<1x80x512xf32, #tpu.memory_space<vmem>>
    %dma_wait3A_1828 = tpu.memref_squeeze %dma_wait3A_1827 : memref<1x80x512xf32, #tpu.memory_space<vmem>> -> memref<80x512xf32, #tpu.memory_space<vmem>>
    %dma_wait3A_1829 = arith.constant 0 : i32
    %dma_wait3A_1830 = tpu.memref_slice %arg2[%add3A_1822, %dma_wait3A_1829] : memref<100000x512xf32, #tpu.memory_space<hbm>> -> memref<80x512xf32, #tpu.memory_space<hbm>>
    %dma_wait3A_1831 = tpu.memref_slice %arg5[%dma_wait3A_1824] : memref<3x!tpu.dma_semaphore, #tpu.memory_space<semaphore_mem>> -> memref<1x!tpu.dma_semaphore, #tpu.memory_space<semaphore_mem>>
    %dma_wait3A_1832 = tpu.memref_squeeze %dma_wait3A_1831 : memref<1x!tpu.dma_semaphore, #tpu.memory_space<semaphore_mem>> -> memref<!tpu.dma_semaphore, #tpu.memory_space<semaphore_mem>>
    %dma_wait3A_1833 = arith.constant 0 : i32
    %dma_wait3A_1834 = arith.constant 0 : i32
    %dma_wait3A_1835 = tpu.memref_slice %arg4[%dma_wait3A_1823, %dma_wait3A_1833, %dma_wait3A_1834] : memref<3x80x512xf32, #tpu.memory_space<vmem>> -> memref<1x80x512xf32, #tpu.memory_space<vmem>>
    %dma_wait3A_1836 = tpu.memref_squeeze %dma_wait3A_1835 : memref<1x80x512xf32, #tpu.memory_space<vmem>> -> memref<80x512xf32, #tpu.memory_space<vmem>>
    %dma_wait3A_1837 = arith.constant 0 : i32
    %dma_wait3A_1838 = tpu.memref_slice %arg2[%add3A_1822, %dma_wait3A_1837] : memref<100000x512xf32, #tpu.memory_space<hbm>> -> memref<80x512xf32, #tpu.memory_space<hbm>>
    tpu.wait_dma2 semaphore(%dma_wait3A_1832 : memref<!tpu.dma_semaphore, #tpu.memory_space<semaphore_mem>>) src(%dma_wait3A_1838 : memref<80x512xf32, #tpu.memory_space<hbm>>) dst(%dma_wait3A_1836 : memref<80x512xf32, #tpu.memory_space<vmem>>)
    %add3A_1839 = arith.constant 2000 : i32
    %add3A_1840 = arith.addi %mul3A_2, %add3A_1839 : i32
    %dma_start3A_1841 = arith.constant 1 : i32
    %dma_start3A_1842 = arith.constant 1 : i32
    %dma_start3A_1843 = arith.constant 0 : i32
    %dma_start3A_1844 = arith.constant 0 : i32
    %dma_start3A_1845 = tpu.memref_slice %arg4[%dma_start3A_1841, %dma_start3A_1843, %dma_start3A_1844] : memref<3x80x512xf32, #tpu.memory_space<vmem>> -> memref<1x80x512xf32, #tpu.memory_space<vmem>>
    %dma_start3A_1846 = tpu.memref_squeeze %dma_start3A_1845 : memref<1x80x512xf32, #tpu.memory_space<vmem>> -> memref<80x512xf32, #tpu.memory_space<vmem>>
    %dma_start3A_1847 = arith.constant 0 : i32
    %dma_start3A_1848 = tpu.memref_slice %arg3[%add3A_1840, %dma_start3A_1847] : memref<100000x512xf32, #tpu.memory_space<hbm>> -> memref<80x512xf32, #tpu.memory_space<hbm>>
    %dma_start3A_1849 = tpu.memref_slice %arg6[%dma_start3A_1842] : memref<3x!tpu.dma_semaphore, #tpu.memory_space<semaphore_mem>> -> memref<1x!tpu.dma_semaphore, #tpu.memory_space<semaphore_mem>>
    %dma_start3A_1850 = tpu.memref_squeeze %dma_start3A_1849 : memref<1x!tpu.dma_semaphore, #tpu.memory_space<semaphore_mem>> -> memref<!tpu.dma_semaphore, #tpu.memory_space<semaphore_mem>>
    %dma_start3A_1851 = arith.constant 0 : i32
    %dma_start3A_1852 = tpu.memref_slice %arg3[%add3A_1840, %dma_start3A_1851] : memref<100000x512xf32, #tpu.memory_space<hbm>> -> memref<80x512xf32, #tpu.memory_space<hbm>>
    %dma_start3A_1853 = arith.constant 0 : i32
    %dma_start3A_1854 = arith.constant 0 : i32
    %dma_start3A_1855 = tpu.memref_slice %arg4[%dma_start3A_1841, %dma_start3A_1853, %dma_start3A_1854] : memref<3x80x512xf32, #tpu.memory_space<vmem>> -> memref<1x80x512xf32, #tpu.memory_space<vmem>>
    %dma_start3A_1856 = tpu.memref_squeeze %dma_start3A_1855 : memref<1x80x512xf32, #tpu.memory_space<vmem>> -> memref<80x512xf32, #tpu.memory_space<vmem>>
    tpu.enqueue_dma source(%dma_start3A_1856 : memref<80x512xf32, #tpu.memory_space<vmem>>) target(%dma_start3A_1852 : memref<80x512xf32, #tpu.memory_space<hbm>>) target_semaphore(%dma_start3A_1850 : memref<!tpu.dma_semaphore, #tpu.memory_space<semaphore_mem>>)
    %add3A_1857 = arith.constant 1920 : i32
    %add3A_1858 = arith.addi %mul3A_2, %add3A_1857 : i32
    %dma_wait3A_1859 = arith.constant 0 : i32
    %dma_wait3A_1860 = arith.constant 0 : i32
    %dma_wait3A_1861 = arith.constant 0 : i32
    %dma_wait3A_1862 = arith.constant 0 : i32
    %dma_wait3A_1863 = tpu.memref_slice %arg4[%dma_wait3A_1859, %dma_wait3A_1861, %dma_wait3A_1862] : memref<3x80x512xf32, #tpu.memory_space<vmem>> -> memref<1x80x512xf32, #tpu.memory_space<vmem>>
    %dma_wait3A_1864 = tpu.memref_squeeze %dma_wait3A_1863 : memref<1x80x512xf32, #tpu.memory_space<vmem>> -> memref<80x512xf32, #tpu.memory_space<vmem>>
    %dma_wait3A_1865 = arith.constant 0 : i32
    %dma_wait3A_1866 = tpu.memref_slice %arg3[%add3A_1858, %dma_wait3A_1865] : memref<100000x512xf32, #tpu.memory_space<hbm>> -> memref<80x512xf32, #tpu.memory_space<hbm>>
    %dma_wait3A_1867 = tpu.memref_slice %arg6[%dma_wait3A_1860] : memref<3x!tpu.dma_semaphore, #tpu.memory_space<semaphore_mem>> -> memref<1x!tpu.dma_semaphore, #tpu.memory_space<semaphore_mem>>
    %dma_wait3A_1868 = tpu.memref_squeeze %dma_wait3A_1867 : memref<1x!tpu.dma_semaphore, #tpu.memory_space<semaphore_mem>> -> memref<!tpu.dma_semaphore, #tpu.memory_space<semaphore_mem>>
    %dma_wait3A_1869 = arith.constant 0 : i32
    %dma_wait3A_1870 = tpu.memref_slice %arg3[%add3A_1858, %dma_wait3A_1869] : memref<100000x512xf32, #tpu.memory_space<hbm>> -> memref<80x512xf32, #tpu.memory_space<hbm>>
    %dma_wait3A_1871 = arith.constant 0 : i32
    %dma_wait3A_1872 = arith.constant 0 : i32
    %dma_wait3A_1873 = tpu.memref_slice %arg4[%dma_wait3A_1859, %dma_wait3A_1871, %dma_wait3A_1872] : memref<3x80x512xf32, #tpu.memory_space<vmem>> -> memref<1x80x512xf32, #tpu.memory_space<vmem>>
    %dma_wait3A_1874 = tpu.memref_squeeze %dma_wait3A_1873 : memref<1x80x512xf32, #tpu.memory_space<vmem>> -> memref<80x512xf32, #tpu.memory_space<vmem>>
    tpu.wait_dma2 semaphore(%dma_wait3A_1868 : memref<!tpu.dma_semaphore, #tpu.memory_space<semaphore_mem>>) src(%dma_wait3A_1874 : memref<80x512xf32, #tpu.memory_space<vmem>>) dst(%dma_wait3A_1870 : memref<80x512xf32, #tpu.memory_space<hbm>>)
    %add3A_1875 = arith.constant 2160 : i32
    %add3A_1876 = arith.addi %mul3A_2, %add3A_1875 : i32
    %dma_start3A_1877 = arith.constant 0 : i32
    %dma_start3A_1878 = arith.constant 0 : i32
    %dma_start3A_1879 = arith.constant 0 : i32
    %dma_start3A_1880 = arith.constant 0 : i32
    %dma_start3A_1881 = tpu.memref_slice %arg4[%dma_start3A_1877, %dma_start3A_1879, %dma_start3A_1880] : memref<3x80x512xf32, #tpu.memory_space<vmem>> -> memref<1x80x512xf32, #tpu.memory_space<vmem>>
    %dma_start3A_1882 = tpu.memref_squeeze %dma_start3A_1881 : memref<1x80x512xf32, #tpu.memory_space<vmem>> -> memref<80x512xf32, #tpu.memory_space<vmem>>
    %dma_start3A_1883 = arith.constant 0 : i32
    %dma_start3A_1884 = tpu.memref_slice %arg2[%add3A_1876, %dma_start3A_1883] : memref<100000x512xf32, #tpu.memory_space<hbm>> -> memref<80x512xf32, #tpu.memory_space<hbm>>
    %dma_start3A_1885 = tpu.memref_slice %arg5[%dma_start3A_1878] : memref<3x!tpu.dma_semaphore, #tpu.memory_space<semaphore_mem>> -> memref<1x!tpu.dma_semaphore, #tpu.memory_space<semaphore_mem>>
    %dma_start3A_1886 = tpu.memref_squeeze %dma_start3A_1885 : memref<1x!tpu.dma_semaphore, #tpu.memory_space<semaphore_mem>> -> memref<!tpu.dma_semaphore, #tpu.memory_space<semaphore_mem>>
    %dma_start3A_1887 = arith.constant 0 : i32
    %dma_start3A_1888 = arith.constant 0 : i32
    %dma_start3A_1889 = tpu.memref_slice %arg4[%dma_start3A_1877, %dma_start3A_1887, %dma_start3A_1888] : memref<3x80x512xf32, #tpu.memory_space<vmem>> -> memref<1x80x512xf32, #tpu.memory_space<vmem>>
    %dma_start3A_1890 = tpu.memref_squeeze %dma_start3A_1889 : memref<1x80x512xf32, #tpu.memory_space<vmem>> -> memref<80x512xf32, #tpu.memory_space<vmem>>
    %dma_start3A_1891 = arith.constant 0 : i32
    %dma_start3A_1892 = tpu.memref_slice %arg2[%add3A_1876, %dma_start3A_1891] : memref<100000x512xf32, #tpu.memory_space<hbm>> -> memref<80x512xf32, #tpu.memory_space<hbm>>
    tpu.enqueue_dma source(%dma_start3A_1892 : memref<80x512xf32, #tpu.memory_space<hbm>>) target(%dma_start3A_1890 : memref<80x512xf32, #tpu.memory_space<vmem>>) target_semaphore(%dma_start3A_1886 : memref<!tpu.dma_semaphore, #tpu.memory_space<semaphore_mem>>)
    %add3A_1893 = arith.constant 2080 : i32
    %add3A_1894 = arith.addi %mul3A_2, %add3A_1893 : i32
    %dma_wait3A_1895 = arith.constant 2 : i32
    %dma_wait3A_1896 = arith.constant 2 : i32
    %dma_wait3A_1897 = arith.constant 0 : i32
    %dma_wait3A_1898 = arith.constant 0 : i32
    %dma_wait3A_1899 = tpu.memref_slice %arg4[%dma_wait3A_1895, %dma_wait3A_1897, %dma_wait3A_1898] : memref<3x80x512xf32, #tpu.memory_space<vmem>> -> memref<1x80x512xf32, #tpu.memory_space<vmem>>
    %dma_wait3A_1900 = tpu.memref_squeeze %dma_wait3A_1899 : memref<1x80x512xf32, #tpu.memory_space<vmem>> -> memref<80x512xf32, #tpu.memory_space<vmem>>
    %dma_wait3A_1901 = arith.constant 0 : i32
    %dma_wait3A_1902 = tpu.memref_slice %arg2[%add3A_1894, %dma_wait3A_1901] : memref<100000x512xf32, #tpu.memory_space<hbm>> -> memref<80x512xf32, #tpu.memory_space<hbm>>
    %dma_wait3A_1903 = tpu.memref_slice %arg5[%dma_wait3A_1896] : memref<3x!tpu.dma_semaphore, #tpu.memory_space<semaphore_mem>> -> memref<1x!tpu.dma_semaphore, #tpu.memory_space<semaphore_mem>>
    %dma_wait3A_1904 = tpu.memref_squeeze %dma_wait3A_1903 : memref<1x!tpu.dma_semaphore, #tpu.memory_space<semaphore_mem>> -> memref<!tpu.dma_semaphore, #tpu.memory_space<semaphore_mem>>
    %dma_wait3A_1905 = arith.constant 0 : i32
    %dma_wait3A_1906 = arith.constant 0 : i32
    %dma_wait3A_1907 = tpu.memref_slice %arg4[%dma_wait3A_1895, %dma_wait3A_1905, %dma_wait3A_1906] : memref<3x80x512xf32, #tpu.memory_space<vmem>> -> memref<1x80x512xf32, #tpu.memory_space<vmem>>
    %dma_wait3A_1908 = tpu.memref_squeeze %dma_wait3A_1907 : memref<1x80x512xf32, #tpu.memory_space<vmem>> -> memref<80x512xf32, #tpu.memory_space<vmem>>
    %dma_wait3A_1909 = arith.constant 0 : i32
    %dma_wait3A_1910 = tpu.memref_slice %arg2[%add3A_1894, %dma_wait3A_1909] : memref<100000x512xf32, #tpu.memory_space<hbm>> -> memref<80x512xf32, #tpu.memory_space<hbm>>
    tpu.wait_dma2 semaphore(%dma_wait3A_1904 : memref<!tpu.dma_semaphore, #tpu.memory_space<semaphore_mem>>) src(%dma_wait3A_1910 : memref<80x512xf32, #tpu.memory_space<hbm>>) dst(%dma_wait3A_1908 : memref<80x512xf32, #tpu.memory_space<vmem>>)
    %add3A_1911 = arith.constant 2080 : i32
    %add3A_1912 = arith.addi %mul3A_2, %add3A_1911 : i32
    %dma_start3A_1913 = arith.constant 2 : i32
    %dma_start3A_1914 = arith.constant 2 : i32
    %dma_start3A_1915 = arith.constant 0 : i32
    %dma_start3A_1916 = arith.constant 0 : i32
    %dma_start3A_1917 = tpu.memref_slice %arg4[%dma_start3A_1913, %dma_start3A_1915, %dma_start3A_1916] : memref<3x80x512xf32, #tpu.memory_space<vmem>> -> memref<1x80x512xf32, #tpu.memory_space<vmem>>
    %dma_start3A_1918 = tpu.memref_squeeze %dma_start3A_1917 : memref<1x80x512xf32, #tpu.memory_space<vmem>> -> memref<80x512xf32, #tpu.memory_space<vmem>>
    %dma_start3A_1919 = arith.constant 0 : i32
    %dma_start3A_1920 = tpu.memref_slice %arg3[%add3A_1912, %dma_start3A_1919] : memref<100000x512xf32, #tpu.memory_space<hbm>> -> memref<80x512xf32, #tpu.memory_space<hbm>>
    %dma_start3A_1921 = tpu.memref_slice %arg6[%dma_start3A_1914] : memref<3x!tpu.dma_semaphore, #tpu.memory_space<semaphore_mem>> -> memref<1x!tpu.dma_semaphore, #tpu.memory_space<semaphore_mem>>
    %dma_start3A_1922 = tpu.memref_squeeze %dma_start3A_1921 : memref<1x!tpu.dma_semaphore, #tpu.memory_space<semaphore_mem>> -> memref<!tpu.dma_semaphore, #tpu.memory_space<semaphore_mem>>
    %dma_start3A_1923 = arith.constant 0 : i32
    %dma_start3A_1924 = tpu.memref_slice %arg3[%add3A_1912, %dma_start3A_1923] : memref<100000x512xf32, #tpu.memory_space<hbm>> -> memref<80x512xf32, #tpu.memory_space<hbm>>
    %dma_start3A_1925 = arith.constant 0 : i32
    %dma_start3A_1926 = arith.constant 0 : i32
    %dma_start3A_1927 = tpu.memref_slice %arg4[%dma_start3A_1913, %dma_start3A_1925, %dma_start3A_1926] : memref<3x80x512xf32, #tpu.memory_space<vmem>> -> memref<1x80x512xf32, #tpu.memory_space<vmem>>
    %dma_start3A_1928 = tpu.memref_squeeze %dma_start3A_1927 : memref<1x80x512xf32, #tpu.memory_space<vmem>> -> memref<80x512xf32, #tpu.memory_space<vmem>>
    tpu.enqueue_dma source(%dma_start3A_1928 : memref<80x512xf32, #tpu.memory_space<vmem>>) target(%dma_start3A_1924 : memref<80x512xf32, #tpu.memory_space<hbm>>) target_semaphore(%dma_start3A_1922 : memref<!tpu.dma_semaphore, #tpu.memory_space<semaphore_mem>>)
    %add3A_1929 = arith.constant 2000 : i32
    %add3A_1930 = arith.addi %mul3A_2, %add3A_1929 : i32
    %dma_wait3A_1931 = arith.constant 1 : i32
    %dma_wait3A_1932 = arith.constant 1 : i32
    %dma_wait3A_1933 = arith.constant 0 : i32
    %dma_wait3A_1934 = arith.constant 0 : i32
    %dma_wait3A_1935 = tpu.memref_slice %arg4[%dma_wait3A_1931, %dma_wait3A_1933, %dma_wait3A_1934] : memref<3x80x512xf32, #tpu.memory_space<vmem>> -> memref<1x80x512xf32, #tpu.memory_space<vmem>>
    %dma_wait3A_1936 = tpu.memref_squeeze %dma_wait3A_1935 : memref<1x80x512xf32, #tpu.memory_space<vmem>> -> memref<80x512xf32, #tpu.memory_space<vmem>>
    %dma_wait3A_1937 = arith.constant 0 : i32
    %dma_wait3A_1938 = tpu.memref_slice %arg3[%add3A_1930, %dma_wait3A_1937] : memref<100000x512xf32, #tpu.memory_space<hbm>> -> memref<80x512xf32, #tpu.memory_space<hbm>>
    %dma_wait3A_1939 = tpu.memref_slice %arg6[%dma_wait3A_1932] : memref<3x!tpu.dma_semaphore, #tpu.memory_space<semaphore_mem>> -> memref<1x!tpu.dma_semaphore, #tpu.memory_space<semaphore_mem>>
    %dma_wait3A_1940 = tpu.memref_squeeze %dma_wait3A_1939 : memref<1x!tpu.dma_semaphore, #tpu.memory_space<semaphore_mem>> -> memref<!tpu.dma_semaphore, #tpu.memory_space<semaphore_mem>>
    %dma_wait3A_1941 = arith.constant 0 : i32
    %dma_wait3A_1942 = tpu.memref_slice %arg3[%add3A_1930, %dma_wait3A_1941] : memref<100000x512xf32, #tpu.memory_space<hbm>> -> memref<80x512xf32, #tpu.memory_space<hbm>>
    %dma_wait3A_1943 = arith.constant 0 : i32
    %dma_wait3A_1944 = arith.constant 0 : i32
    %dma_wait3A_1945 = tpu.memref_slice %arg4[%dma_wait3A_1931, %dma_wait3A_1943, %dma_wait3A_1944] : memref<3x80x512xf32, #tpu.memory_space<vmem>> -> memref<1x80x512xf32, #tpu.memory_space<vmem>>
    %dma_wait3A_1946 = tpu.memref_squeeze %dma_wait3A_1945 : memref<1x80x512xf32, #tpu.memory_space<vmem>> -> memref<80x512xf32, #tpu.memory_space<vmem>>
    tpu.wait_dma2 semaphore(%dma_wait3A_1940 : memref<!tpu.dma_semaphore, #tpu.memory_space<semaphore_mem>>) src(%dma_wait3A_1946 : memref<80x512xf32, #tpu.memory_space<vmem>>) dst(%dma_wait3A_1942 : memref<80x512xf32, #tpu.memory_space<hbm>>)
    %add3A_1947 = arith.constant 2240 : i32
    %add3A_1948 = arith.addi %mul3A_2, %add3A_1947 : i32
    %dma_start3A_1949 = arith.constant 1 : i32
    %dma_start3A_1950 = arith.constant 1 : i32
    %dma_start3A_1951 = arith.constant 0 : i32
    %dma_start3A_1952 = arith.constant 0 : i32
    %dma_start3A_1953 = tpu.memref_slice %arg4[%dma_start3A_1949, %dma_start3A_1951, %dma_start3A_1952] : memref<3x80x512xf32, #tpu.memory_space<vmem>> -> memref<1x80x512xf32, #tpu.memory_space<vmem>>
    %dma_start3A_1954 = tpu.memref_squeeze %dma_start3A_1953 : memref<1x80x512xf32, #tpu.memory_space<vmem>> -> memref<80x512xf32, #tpu.memory_space<vmem>>
    %dma_start3A_1955 = arith.constant 0 : i32
    %dma_start3A_1956 = tpu.memref_slice %arg2[%add3A_1948, %dma_start3A_1955] : memref<100000x512xf32, #tpu.memory_space<hbm>> -> memref<80x512xf32, #tpu.memory_space<hbm>>
    %dma_start3A_1957 = tpu.memref_slice %arg5[%dma_start3A_1950] : memref<3x!tpu.dma_semaphore, #tpu.memory_space<semaphore_mem>> -> memref<1x!tpu.dma_semaphore, #tpu.memory_space<semaphore_mem>>
    %dma_start3A_1958 = tpu.memref_squeeze %dma_start3A_1957 : memref<1x!tpu.dma_semaphore, #tpu.memory_space<semaphore_mem>> -> memref<!tpu.dma_semaphore, #tpu.memory_space<semaphore_mem>>
    %dma_start3A_1959 = arith.constant 0 : i32
    %dma_start3A_1960 = arith.constant 0 : i32
    %dma_start3A_1961 = tpu.memref_slice %arg4[%dma_start3A_1949, %dma_start3A_1959, %dma_start3A_1960] : memref<3x80x512xf32, #tpu.memory_space<vmem>> -> memref<1x80x512xf32, #tpu.memory_space<vmem>>
    %dma_start3A_1962 = tpu.memref_squeeze %dma_start3A_1961 : memref<1x80x512xf32, #tpu.memory_space<vmem>> -> memref<80x512xf32, #tpu.memory_space<vmem>>
    %dma_start3A_1963 = arith.constant 0 : i32
    %dma_start3A_1964 = tpu.memref_slice %arg2[%add3A_1948, %dma_start3A_1963] : memref<100000x512xf32, #tpu.memory_space<hbm>> -> memref<80x512xf32, #tpu.memory_space<hbm>>
    tpu.enqueue_dma source(%dma_start3A_1964 : memref<80x512xf32, #tpu.memory_space<hbm>>) target(%dma_start3A_1962 : memref<80x512xf32, #tpu.memory_space<vmem>>) target_semaphore(%dma_start3A_1958 : memref<!tpu.dma_semaphore, #tpu.memory_space<semaphore_mem>>)
    %add3A_1965 = arith.constant 2160 : i32
    %add3A_1966 = arith.addi %mul3A_2, %add3A_1965 : i32
    %dma_wait3A_1967 = arith.constant 0 : i32
    %dma_wait3A_1968 = arith.constant 0 : i32
    %dma_wait3A_1969 = arith.constant 0 : i32
    %dma_wait3A_1970 = arith.constant 0 : i32
    %dma_wait3A_1971 = tpu.memref_slice %arg4[%dma_wait3A_1967, %dma_wait3A_1969, %dma_wait3A_1970] : memref<3x80x512xf32, #tpu.memory_space<vmem>> -> memref<1x80x512xf32, #tpu.memory_space<vmem>>
    %dma_wait3A_1972 = tpu.memref_squeeze %dma_wait3A_1971 : memref<1x80x512xf32, #tpu.memory_space<vmem>> -> memref<80x512xf32, #tpu.memory_space<vmem>>
    %dma_wait3A_1973 = arith.constant 0 : i32
    %dma_wait3A_1974 = tpu.memref_slice %arg2[%add3A_1966, %dma_wait3A_1973] : memref<100000x512xf32, #tpu.memory_space<hbm>> -> memref<80x512xf32, #tpu.memory_space<hbm>>
    %dma_wait3A_1975 = tpu.memref_slice %arg5[%dma_wait3A_1968] : memref<3x!tpu.dma_semaphore, #tpu.memory_space<semaphore_mem>> -> memref<1x!tpu.dma_semaphore, #tpu.memory_space<semaphore_mem>>
    %dma_wait3A_1976 = tpu.memref_squeeze %dma_wait3A_1975 : memref<1x!tpu.dma_semaphore, #tpu.memory_space<semaphore_mem>> -> memref<!tpu.dma_semaphore, #tpu.memory_space<semaphore_mem>>
    %dma_wait3A_1977 = arith.constant 0 : i32
    %dma_wait3A_1978 = arith.constant 0 : i32
    %dma_wait3A_1979 = tpu.memref_slice %arg4[%dma_wait3A_1967, %dma_wait3A_1977, %dma_wait3A_1978] : memref<3x80x512xf32, #tpu.memory_space<vmem>> -> memref<1x80x512xf32, #tpu.memory_space<vmem>>
    %dma_wait3A_1980 = tpu.memref_squeeze %dma_wait3A_1979 : memref<1x80x512xf32, #tpu.memory_space<vmem>> -> memref<80x512xf32, #tpu.memory_space<vmem>>
    %dma_wait3A_1981 = arith.constant 0 : i32
    %dma_wait3A_1982 = tpu.memref_slice %arg2[%add3A_1966, %dma_wait3A_1981] : memref<100000x512xf32, #tpu.memory_space<hbm>> -> memref<80x512xf32, #tpu.memory_space<hbm>>
    tpu.wait_dma2 semaphore(%dma_wait3A_1976 : memref<!tpu.dma_semaphore, #tpu.memory_space<semaphore_mem>>) src(%dma_wait3A_1982 : memref<80x512xf32, #tpu.memory_space<hbm>>) dst(%dma_wait3A_1980 : memref<80x512xf32, #tpu.memory_space<vmem>>)
    %add3A_1983 = arith.constant 2160 : i32
    %add3A_1984 = arith.addi %mul3A_2, %add3A_1983 : i32
    %dma_start3A_1985 = arith.constant 0 : i32
    %dma_start3A_1986 = arith.constant 0 : i32
    %dma_start3A_1987 = arith.constant 0 : i32
    %dma_start3A_1988 = arith.constant 0 : i32
    %dma_start3A_1989 = tpu.memref_slice %arg4[%dma_start3A_1985, %dma_start3A_1987, %dma_start3A_1988] : memref<3x80x512xf32, #tpu.memory_space<vmem>> -> memref<1x80x512xf32, #tpu.memory_space<vmem>>
    %dma_start3A_1990 = tpu.memref_squeeze %dma_start3A_1989 : memref<1x80x512xf32, #tpu.memory_space<vmem>> -> memref<80x512xf32, #tpu.memory_space<vmem>>
    %dma_start3A_1991 = arith.constant 0 : i32
    %dma_start3A_1992 = tpu.memref_slice %arg3[%add3A_1984, %dma_start3A_1991] : memref<100000x512xf32, #tpu.memory_space<hbm>> -> memref<80x512xf32, #tpu.memory_space<hbm>>
    %dma_start3A_1993 = tpu.memref_slice %arg6[%dma_start3A_1986] : memref<3x!tpu.dma_semaphore, #tpu.memory_space<semaphore_mem>> -> memref<1x!tpu.dma_semaphore, #tpu.memory_space<semaphore_mem>>
    %dma_start3A_1994 = tpu.memref_squeeze %dma_start3A_1993 : memref<1x!tpu.dma_semaphore, #tpu.memory_space<semaphore_mem>> -> memref<!tpu.dma_semaphore, #tpu.memory_space<semaphore_mem>>
    %dma_start3A_1995 = arith.constant 0 : i32
    %dma_start3A_1996 = tpu.memref_slice %arg3[%add3A_1984, %dma_start3A_1995] : memref<100000x512xf32, #tpu.memory_space<hbm>> -> memref<80x512xf32, #tpu.memory_space<hbm>>
    %dma_start3A_1997 = arith.constant 0 : i32
    %dma_start3A_1998 = arith.constant 0 : i32
    %dma_start3A_1999 = tpu.memref_slice %arg4[%dma_start3A_1985, %dma_start3A_1997, %dma_start3A_1998] : memref<3x80x512xf32, #tpu.memory_space<vmem>> -> memref<1x80x512xf32, #tpu.memory_space<vmem>>
    %dma_start3A_2000 = tpu.memref_squeeze %dma_start3A_1999 : memref<1x80x512xf32, #tpu.memory_space<vmem>> -> memref<80x512xf32, #tpu.memory_space<vmem>>
    tpu.enqueue_dma source(%dma_start3A_2000 : memref<80x512xf32, #tpu.memory_space<vmem>>) target(%dma_start3A_1996 : memref<80x512xf32, #tpu.memory_space<hbm>>) target_semaphore(%dma_start3A_1994 : memref<!tpu.dma_semaphore, #tpu.memory_space<semaphore_mem>>)
    %add3A_2001 = arith.constant 2080 : i32
    %add3A_2002 = arith.addi %mul3A_2, %add3A_2001 : i32
    %dma_wait3A_2003 = arith.constant 2 : i32
    %dma_wait3A_2004 = arith.constant 2 : i32
    %dma_wait3A_2005 = arith.constant 0 : i32
    %dma_wait3A_2006 = arith.constant 0 : i32
    %dma_wait3A_2007 = tpu.memref_slice %arg4[%dma_wait3A_2003, %dma_wait3A_2005, %dma_wait3A_2006] : memref<3x80x512xf32, #tpu.memory_space<vmem>> -> memref<1x80x512xf32, #tpu.memory_space<vmem>>
    %dma_wait3A_2008 = tpu.memref_squeeze %dma_wait3A_2007 : memref<1x80x512xf32, #tpu.memory_space<vmem>> -> memref<80x512xf32, #tpu.memory_space<vmem>>
    %dma_wait3A_2009 = arith.constant 0 : i32
    %dma_wait3A_2010 = tpu.memref_slice %arg3[%add3A_2002, %dma_wait3A_2009] : memref<100000x512xf32, #tpu.memory_space<hbm>> -> memref<80x512xf32, #tpu.memory_space<hbm>>
    %dma_wait3A_2011 = tpu.memref_slice %arg6[%dma_wait3A_2004] : memref<3x!tpu.dma_semaphore, #tpu.memory_space<semaphore_mem>> -> memref<1x!tpu.dma_semaphore, #tpu.memory_space<semaphore_mem>>
    %dma_wait3A_2012 = tpu.memref_squeeze %dma_wait3A_2011 : memref<1x!tpu.dma_semaphore, #tpu.memory_space<semaphore_mem>> -> memref<!tpu.dma_semaphore, #tpu.memory_space<semaphore_mem>>
    %dma_wait3A_2013 = arith.constant 0 : i32
    %dma_wait3A_2014 = tpu.memref_slice %arg3[%add3A_2002, %dma_wait3A_2013] : memref<100000x512xf32, #tpu.memory_space<hbm>> -> memref<80x512xf32, #tpu.memory_space<hbm>>
    %dma_wait3A_2015 = arith.constant 0 : i32
    %dma_wait3A_2016 = arith.constant 0 : i32
    %dma_wait3A_2017 = tpu.memref_slice %arg4[%dma_wait3A_2003, %dma_wait3A_2015, %dma_wait3A_2016] : memref<3x80x512xf32, #tpu.memory_space<vmem>> -> memref<1x80x512xf32, #tpu.memory_space<vmem>>
    %dma_wait3A_2018 = tpu.memref_squeeze %dma_wait3A_2017 : memref<1x80x512xf32, #tpu.memory_space<vmem>> -> memref<80x512xf32, #tpu.memory_space<vmem>>
    tpu.wait_dma2 semaphore(%dma_wait3A_2012 : memref<!tpu.dma_semaphore, #tpu.memory_space<semaphore_mem>>) src(%dma_wait3A_2018 : memref<80x512xf32, #tpu.memory_space<vmem>>) dst(%dma_wait3A_2014 : memref<80x512xf32, #tpu.memory_space<hbm>>)
    %add3A_2019 = arith.constant 2320 : i32
    %add3A_2020 = arith.addi %mul3A_2, %add3A_2019 : i32
    %dma_start3A_2021 = arith.constant 2 : i32
    %dma_start3A_2022 = arith.constant 2 : i32
    %dma_start3A_2023 = arith.constant 0 : i32
    %dma_start3A_2024 = arith.constant 0 : i32
    %dma_start3A_2025 = tpu.memref_slice %arg4[%dma_start3A_2021, %dma_start3A_2023, %dma_start3A_2024] : memref<3x80x512xf32, #tpu.memory_space<vmem>> -> memref<1x80x512xf32, #tpu.memory_space<vmem>>
    %dma_start3A_2026 = tpu.memref_squeeze %dma_start3A_2025 : memref<1x80x512xf32, #tpu.memory_space<vmem>> -> memref<80x512xf32, #tpu.memory_space<vmem>>
    %dma_start3A_2027 = arith.constant 0 : i32
    %dma_start3A_2028 = tpu.memref_slice %arg2[%add3A_2020, %dma_start3A_2027] : memref<100000x512xf32, #tpu.memory_space<hbm>> -> memref<80x512xf32, #tpu.memory_space<hbm>>
    %dma_start3A_2029 = tpu.memref_slice %arg5[%dma_start3A_2022] : memref<3x!tpu.dma_semaphore, #tpu.memory_space<semaphore_mem>> -> memref<1x!tpu.dma_semaphore, #tpu.memory_space<semaphore_mem>>
    %dma_start3A_2030 = tpu.memref_squeeze %dma_start3A_2029 : memref<1x!tpu.dma_semaphore, #tpu.memory_space<semaphore_mem>> -> memref<!tpu.dma_semaphore, #tpu.memory_space<semaphore_mem>>
    %dma_start3A_2031 = arith.constant 0 : i32
    %dma_start3A_2032 = arith.constant 0 : i32
    %dma_start3A_2033 = tpu.memref_slice %arg4[%dma_start3A_2021, %dma_start3A_2031, %dma_start3A_2032] : memref<3x80x512xf32, #tpu.memory_space<vmem>> -> memref<1x80x512xf32, #tpu.memory_space<vmem>>
    %dma_start3A_2034 = tpu.memref_squeeze %dma_start3A_2033 : memref<1x80x512xf32, #tpu.memory_space<vmem>> -> memref<80x512xf32, #tpu.memory_space<vmem>>
    %dma_start3A_2035 = arith.constant 0 : i32
    %dma_start3A_2036 = tpu.memref_slice %arg2[%add3A_2020, %dma_start3A_2035] : memref<100000x512xf32, #tpu.memory_space<hbm>> -> memref<80x512xf32, #tpu.memory_space<hbm>>
    tpu.enqueue_dma source(%dma_start3A_2036 : memref<80x512xf32, #tpu.memory_space<hbm>>) target(%dma_start3A_2034 : memref<80x512xf32, #tpu.memory_space<vmem>>) target_semaphore(%dma_start3A_2030 : memref<!tpu.dma_semaphore, #tpu.memory_space<semaphore_mem>>)
    %add3A_2037 = arith.constant 2240 : i32
    %add3A_2038 = arith.addi %mul3A_2, %add3A_2037 : i32
    %dma_wait3A_2039 = arith.constant 1 : i32
    %dma_wait3A_2040 = arith.constant 1 : i32
    %dma_wait3A_2041 = arith.constant 0 : i32
    %dma_wait3A_2042 = arith.constant 0 : i32
    %dma_wait3A_2043 = tpu.memref_slice %arg4[%dma_wait3A_2039, %dma_wait3A_2041, %dma_wait3A_2042] : memref<3x80x512xf32, #tpu.memory_space<vmem>> -> memref<1x80x512xf32, #tpu.memory_space<vmem>>
    %dma_wait3A_2044 = tpu.memref_squeeze %dma_wait3A_2043 : memref<1x80x512xf32, #tpu.memory_space<vmem>> -> memref<80x512xf32, #tpu.memory_space<vmem>>
    %dma_wait3A_2045 = arith.constant 0 : i32
    %dma_wait3A_2046 = tpu.memref_slice %arg2[%add3A_2038, %dma_wait3A_2045] : memref<100000x512xf32, #tpu.memory_space<hbm>> -> memref<80x512xf32, #tpu.memory_space<hbm>>
    %dma_wait3A_2047 = tpu.memref_slice %arg5[%dma_wait3A_2040] : memref<3x!tpu.dma_semaphore, #tpu.memory_space<semaphore_mem>> -> memref<1x!tpu.dma_semaphore, #tpu.memory_space<semaphore_mem>>
    %dma_wait3A_2048 = tpu.memref_squeeze %dma_wait3A_2047 : memref<1x!tpu.dma_semaphore, #tpu.memory_space<semaphore_mem>> -> memref<!tpu.dma_semaphore, #tpu.memory_space<semaphore_mem>>
    %dma_wait3A_2049 = arith.constant 0 : i32
    %dma_wait3A_2050 = arith.constant 0 : i32
    %dma_wait3A_2051 = tpu.memref_slice %arg4[%dma_wait3A_2039, %dma_wait3A_2049, %dma_wait3A_2050] : memref<3x80x512xf32, #tpu.memory_space<vmem>> -> memref<1x80x512xf32, #tpu.memory_space<vmem>>
    %dma_wait3A_2052 = tpu.memref_squeeze %dma_wait3A_2051 : memref<1x80x512xf32, #tpu.memory_space<vmem>> -> memref<80x512xf32, #tpu.memory_space<vmem>>
    %dma_wait3A_2053 = arith.constant 0 : i32
    %dma_wait3A_2054 = tpu.memref_slice %arg2[%add3A_2038, %dma_wait3A_2053] : memref<100000x512xf32, #tpu.memory_space<hbm>> -> memref<80x512xf32, #tpu.memory_space<hbm>>
    tpu.wait_dma2 semaphore(%dma_wait3A_2048 : memref<!tpu.dma_semaphore, #tpu.memory_space<semaphore_mem>>) src(%dma_wait3A_2054 : memref<80x512xf32, #tpu.memory_space<hbm>>) dst(%dma_wait3A_2052 : memref<80x512xf32, #tpu.memory_space<vmem>>)
    %add3A_2055 = arith.constant 2240 : i32
    %add3A_2056 = arith.addi %mul3A_2, %add3A_2055 : i32
    %dma_start3A_2057 = arith.constant 1 : i32
    %dma_start3A_2058 = arith.constant 1 : i32
    %dma_start3A_2059 = arith.constant 0 : i32
    %dma_start3A_2060 = arith.constant 0 : i32
    %dma_start3A_2061 = tpu.memref_slice %arg4[%dma_start3A_2057, %dma_start3A_2059, %dma_start3A_2060] : memref<3x80x512xf32, #tpu.memory_space<vmem>> -> memref<1x80x512xf32, #tpu.memory_space<vmem>>
    %dma_start3A_2062 = tpu.memref_squeeze %dma_start3A_2061 : memref<1x80x512xf32, #tpu.memory_space<vmem>> -> memref<80x512xf32, #tpu.memory_space<vmem>>
    %dma_start3A_2063 = arith.constant 0 : i32
    %dma_start3A_2064 = tpu.memref_slice %arg3[%add3A_2056, %dma_start3A_2063] : memref<100000x512xf32, #tpu.memory_space<hbm>> -> memref<80x512xf32, #tpu.memory_space<hbm>>
    %dma_start3A_2065 = tpu.memref_slice %arg6[%dma_start3A_2058] : memref<3x!tpu.dma_semaphore, #tpu.memory_space<semaphore_mem>> -> memref<1x!tpu.dma_semaphore, #tpu.memory_space<semaphore_mem>>
    %dma_start3A_2066 = tpu.memref_squeeze %dma_start3A_2065 : memref<1x!tpu.dma_semaphore, #tpu.memory_space<semaphore_mem>> -> memref<!tpu.dma_semaphore, #tpu.memory_space<semaphore_mem>>
    %dma_start3A_2067 = arith.constant 0 : i32
    %dma_start3A_2068 = tpu.memref_slice %arg3[%add3A_2056, %dma_start3A_2067] : memref<100000x512xf32, #tpu.memory_space<hbm>> -> memref<80x512xf32, #tpu.memory_space<hbm>>
    %dma_start3A_2069 = arith.constant 0 : i32
    %dma_start3A_2070 = arith.constant 0 : i32
    %dma_start3A_2071 = tpu.memref_slice %arg4[%dma_start3A_2057, %dma_start3A_2069, %dma_start3A_2070] : memref<3x80x512xf32, #tpu.memory_space<vmem>> -> memref<1x80x512xf32, #tpu.memory_space<vmem>>
    %dma_start3A_2072 = tpu.memref_squeeze %dma_start3A_2071 : memref<1x80x512xf32, #tpu.memory_space<vmem>> -> memref<80x512xf32, #tpu.memory_space<vmem>>
    tpu.enqueue_dma source(%dma_start3A_2072 : memref<80x512xf32, #tpu.memory_space<vmem>>) target(%dma_start3A_2068 : memref<80x512xf32, #tpu.memory_space<hbm>>) target_semaphore(%dma_start3A_2066 : memref<!tpu.dma_semaphore, #tpu.memory_space<semaphore_mem>>)
    %add3A_2073 = arith.constant 2160 : i32
    %add3A_2074 = arith.addi %mul3A_2, %add3A_2073 : i32
    %dma_wait3A_2075 = arith.constant 0 : i32
    %dma_wait3A_2076 = arith.constant 0 : i32
    %dma_wait3A_2077 = arith.constant 0 : i32
    %dma_wait3A_2078 = arith.constant 0 : i32
    %dma_wait3A_2079 = tpu.memref_slice %arg4[%dma_wait3A_2075, %dma_wait3A_2077, %dma_wait3A_2078] : memref<3x80x512xf32, #tpu.memory_space<vmem>> -> memref<1x80x512xf32, #tpu.memory_space<vmem>>
    %dma_wait3A_2080 = tpu.memref_squeeze %dma_wait3A_2079 : memref<1x80x512xf32, #tpu.memory_space<vmem>> -> memref<80x512xf32, #tpu.memory_space<vmem>>
    %dma_wait3A_2081 = arith.constant 0 : i32
    %dma_wait3A_2082 = tpu.memref_slice %arg3[%add3A_2074, %dma_wait3A_2081] : memref<100000x512xf32, #tpu.memory_space<hbm>> -> memref<80x512xf32, #tpu.memory_space<hbm>>
    %dma_wait3A_2083 = tpu.memref_slice %arg6[%dma_wait3A_2076] : memref<3x!tpu.dma_semaphore, #tpu.memory_space<semaphore_mem>> -> memref<1x!tpu.dma_semaphore, #tpu.memory_space<semaphore_mem>>
    %dma_wait3A_2084 = tpu.memref_squeeze %dma_wait3A_2083 : memref<1x!tpu.dma_semaphore, #tpu.memory_space<semaphore_mem>> -> memref<!tpu.dma_semaphore, #tpu.memory_space<semaphore_mem>>
    %dma_wait3A_2085 = arith.constant 0 : i32
    %dma_wait3A_2086 = tpu.memref_slice %arg3[%add3A_2074, %dma_wait3A_2085] : memref<100000x512xf32, #tpu.memory_space<hbm>> -> memref<80x512xf32, #tpu.memory_space<hbm>>
    %dma_wait3A_2087 = arith.constant 0 : i32
    %dma_wait3A_2088 = arith.constant 0 : i32
    %dma_wait3A_2089 = tpu.memref_slice %arg4[%dma_wait3A_2075, %dma_wait3A_2087, %dma_wait3A_2088] : memref<3x80x512xf32, #tpu.memory_space<vmem>> -> memref<1x80x512xf32, #tpu.memory_space<vmem>>
    %dma_wait3A_2090 = tpu.memref_squeeze %dma_wait3A_2089 : memref<1x80x512xf32, #tpu.memory_space<vmem>> -> memref<80x512xf32, #tpu.memory_space<vmem>>
    tpu.wait_dma2 semaphore(%dma_wait3A_2084 : memref<!tpu.dma_semaphore, #tpu.memory_space<semaphore_mem>>) src(%dma_wait3A_2090 : memref<80x512xf32, #tpu.memory_space<vmem>>) dst(%dma_wait3A_2086 : memref<80x512xf32, #tpu.memory_space<hbm>>)
    %add3A_2091 = arith.constant 2400 : i32
    %add3A_2092 = arith.addi %mul3A_2, %add3A_2091 : i32
    %dma_start3A_2093 = arith.constant 0 : i32
    %dma_start3A_2094 = arith.constant 0 : i32
    %dma_start3A_2095 = arith.constant 0 : i32
    %dma_start3A_2096 = arith.constant 0 : i32
    %dma_start3A_2097 = tpu.memref_slice %arg4[%dma_start3A_2093, %dma_start3A_2095, %dma_start3A_2096] : memref<3x80x512xf32, #tpu.memory_space<vmem>> -> memref<1x80x512xf32, #tpu.memory_space<vmem>>
    %dma_start3A_2098 = tpu.memref_squeeze %dma_start3A_2097 : memref<1x80x512xf32, #tpu.memory_space<vmem>> -> memref<80x512xf32, #tpu.memory_space<vmem>>
    %dma_start3A_2099 = arith.constant 0 : i32
    %dma_start3A_2100 = tpu.memref_slice %arg2[%add3A_2092, %dma_start3A_2099] : memref<100000x512xf32, #tpu.memory_space<hbm>> -> memref<80x512xf32, #tpu.memory_space<hbm>>
    %dma_start3A_2101 = tpu.memref_slice %arg5[%dma_start3A_2094] : memref<3x!tpu.dma_semaphore, #tpu.memory_space<semaphore_mem>> -> memref<1x!tpu.dma_semaphore, #tpu.memory_space<semaphore_mem>>
    %dma_start3A_2102 = tpu.memref_squeeze %dma_start3A_2101 : memref<1x!tpu.dma_semaphore, #tpu.memory_space<semaphore_mem>> -> memref<!tpu.dma_semaphore, #tpu.memory_space<semaphore_mem>>
    %dma_start3A_2103 = arith.constant 0 : i32
    %dma_start3A_2104 = arith.constant 0 : i32
    %dma_start3A_2105 = tpu.memref_slice %arg4[%dma_start3A_2093, %dma_start3A_2103, %dma_start3A_2104] : memref<3x80x512xf32, #tpu.memory_space<vmem>> -> memref<1x80x512xf32, #tpu.memory_space<vmem>>
    %dma_start3A_2106 = tpu.memref_squeeze %dma_start3A_2105 : memref<1x80x512xf32, #tpu.memory_space<vmem>> -> memref<80x512xf32, #tpu.memory_space<vmem>>
    %dma_start3A_2107 = arith.constant 0 : i32
    %dma_start3A_2108 = tpu.memref_slice %arg2[%add3A_2092, %dma_start3A_2107] : memref<100000x512xf32, #tpu.memory_space<hbm>> -> memref<80x512xf32, #tpu.memory_space<hbm>>
    tpu.enqueue_dma source(%dma_start3A_2108 : memref<80x512xf32, #tpu.memory_space<hbm>>) target(%dma_start3A_2106 : memref<80x512xf32, #tpu.memory_space<vmem>>) target_semaphore(%dma_start3A_2102 : memref<!tpu.dma_semaphore, #tpu.memory_space<semaphore_mem>>)
    %add3A_2109 = arith.constant 2320 : i32
    %add3A_2110 = arith.addi %mul3A_2, %add3A_2109 : i32
    %dma_wait3A_2111 = arith.constant 2 : i32
    %dma_wait3A_2112 = arith.constant 2 : i32
    %dma_wait3A_2113 = arith.constant 0 : i32
    %dma_wait3A_2114 = arith.constant 0 : i32
    %dma_wait3A_2115 = tpu.memref_slice %arg4[%dma_wait3A_2111, %dma_wait3A_2113, %dma_wait3A_2114] : memref<3x80x512xf32, #tpu.memory_space<vmem>> -> memref<1x80x512xf32, #tpu.memory_space<vmem>>
    %dma_wait3A_2116 = tpu.memref_squeeze %dma_wait3A_2115 : memref<1x80x512xf32, #tpu.memory_space<vmem>> -> memref<80x512xf32, #tpu.memory_space<vmem>>
    %dma_wait3A_2117 = arith.constant 0 : i32
    %dma_wait3A_2118 = tpu.memref_slice %arg2[%add3A_2110, %dma_wait3A_2117] : memref<100000x512xf32, #tpu.memory_space<hbm>> -> memref<80x512xf32, #tpu.memory_space<hbm>>
    %dma_wait3A_2119 = tpu.memref_slice %arg5[%dma_wait3A_2112] : memref<3x!tpu.dma_semaphore, #tpu.memory_space<semaphore_mem>> -> memref<1x!tpu.dma_semaphore, #tpu.memory_space<semaphore_mem>>
    %dma_wait3A_2120 = tpu.memref_squeeze %dma_wait3A_2119 : memref<1x!tpu.dma_semaphore, #tpu.memory_space<semaphore_mem>> -> memref<!tpu.dma_semaphore, #tpu.memory_space<semaphore_mem>>
    %dma_wait3A_2121 = arith.constant 0 : i32
    %dma_wait3A_2122 = arith.constant 0 : i32
    %dma_wait3A_2123 = tpu.memref_slice %arg4[%dma_wait3A_2111, %dma_wait3A_2121, %dma_wait3A_2122] : memref<3x80x512xf32, #tpu.memory_space<vmem>> -> memref<1x80x512xf32, #tpu.memory_space<vmem>>
    %dma_wait3A_2124 = tpu.memref_squeeze %dma_wait3A_2123 : memref<1x80x512xf32, #tpu.memory_space<vmem>> -> memref<80x512xf32, #tpu.memory_space<vmem>>
    %dma_wait3A_2125 = arith.constant 0 : i32
    %dma_wait3A_2126 = tpu.memref_slice %arg2[%add3A_2110, %dma_wait3A_2125] : memref<100000x512xf32, #tpu.memory_space<hbm>> -> memref<80x512xf32, #tpu.memory_space<hbm>>
    tpu.wait_dma2 semaphore(%dma_wait3A_2120 : memref<!tpu.dma_semaphore, #tpu.memory_space<semaphore_mem>>) src(%dma_wait3A_2126 : memref<80x512xf32, #tpu.memory_space<hbm>>) dst(%dma_wait3A_2124 : memref<80x512xf32, #tpu.memory_space<vmem>>)
    %add3A_2127 = arith.constant 2320 : i32
    %add3A_2128 = arith.addi %mul3A_2, %add3A_2127 : i32
    %dma_start3A_2129 = arith.constant 2 : i32
    %dma_start3A_2130 = arith.constant 2 : i32
    %dma_start3A_2131 = arith.constant 0 : i32
    %dma_start3A_2132 = arith.constant 0 : i32
    %dma_start3A_2133 = tpu.memref_slice %arg4[%dma_start3A_2129, %dma_start3A_2131, %dma_start3A_2132] : memref<3x80x512xf32, #tpu.memory_space<vmem>> -> memref<1x80x512xf32, #tpu.memory_space<vmem>>
    %dma_start3A_2134 = tpu.memref_squeeze %dma_start3A_2133 : memref<1x80x512xf32, #tpu.memory_space<vmem>> -> memref<80x512xf32, #tpu.memory_space<vmem>>
    %dma_start3A_2135 = arith.constant 0 : i32
    %dma_start3A_2136 = tpu.memref_slice %arg3[%add3A_2128, %dma_start3A_2135] : memref<100000x512xf32, #tpu.memory_space<hbm>> -> memref<80x512xf32, #tpu.memory_space<hbm>>
    %dma_start3A_2137 = tpu.memref_slice %arg6[%dma_start3A_2130] : memref<3x!tpu.dma_semaphore, #tpu.memory_space<semaphore_mem>> -> memref<1x!tpu.dma_semaphore, #tpu.memory_space<semaphore_mem>>
    %dma_start3A_2138 = tpu.memref_squeeze %dma_start3A_2137 : memref<1x!tpu.dma_semaphore, #tpu.memory_space<semaphore_mem>> -> memref<!tpu.dma_semaphore, #tpu.memory_space<semaphore_mem>>
    %dma_start3A_2139 = arith.constant 0 : i32
    %dma_start3A_2140 = tpu.memref_slice %arg3[%add3A_2128, %dma_start3A_2139] : memref<100000x512xf32, #tpu.memory_space<hbm>> -> memref<80x512xf32, #tpu.memory_space<hbm>>
    %dma_start3A_2141 = arith.constant 0 : i32
    %dma_start3A_2142 = arith.constant 0 : i32
    %dma_start3A_2143 = tpu.memref_slice %arg4[%dma_start3A_2129, %dma_start3A_2141, %dma_start3A_2142] : memref<3x80x512xf32, #tpu.memory_space<vmem>> -> memref<1x80x512xf32, #tpu.memory_space<vmem>>
    %dma_start3A_2144 = tpu.memref_squeeze %dma_start3A_2143 : memref<1x80x512xf32, #tpu.memory_space<vmem>> -> memref<80x512xf32, #tpu.memory_space<vmem>>
    tpu.enqueue_dma source(%dma_start3A_2144 : memref<80x512xf32, #tpu.memory_space<vmem>>) target(%dma_start3A_2140 : memref<80x512xf32, #tpu.memory_space<hbm>>) target_semaphore(%dma_start3A_2138 : memref<!tpu.dma_semaphore, #tpu.memory_space<semaphore_mem>>)
    %add3A_2145 = arith.constant 2240 : i32
    %add3A_2146 = arith.addi %mul3A_2, %add3A_2145 : i32
    %dma_wait3A_2147 = arith.constant 1 : i32
    %dma_wait3A_2148 = arith.constant 1 : i32
    %dma_wait3A_2149 = arith.constant 0 : i32
    %dma_wait3A_2150 = arith.constant 0 : i32
    %dma_wait3A_2151 = tpu.memref_slice %arg4[%dma_wait3A_2147, %dma_wait3A_2149, %dma_wait3A_2150] : memref<3x80x512xf32, #tpu.memory_space<vmem>> -> memref<1x80x512xf32, #tpu.memory_space<vmem>>
    %dma_wait3A_2152 = tpu.memref_squeeze %dma_wait3A_2151 : memref<1x80x512xf32, #tpu.memory_space<vmem>> -> memref<80x512xf32, #tpu.memory_space<vmem>>
    %dma_wait3A_2153 = arith.constant 0 : i32
    %dma_wait3A_2154 = tpu.memref_slice %arg3[%add3A_2146, %dma_wait3A_2153] : memref<100000x512xf32, #tpu.memory_space<hbm>> -> memref<80x512xf32, #tpu.memory_space<hbm>>
    %dma_wait3A_2155 = tpu.memref_slice %arg6[%dma_wait3A_2148] : memref<3x!tpu.dma_semaphore, #tpu.memory_space<semaphore_mem>> -> memref<1x!tpu.dma_semaphore, #tpu.memory_space<semaphore_mem>>
    %dma_wait3A_2156 = tpu.memref_squeeze %dma_wait3A_2155 : memref<1x!tpu.dma_semaphore, #tpu.memory_space<semaphore_mem>> -> memref<!tpu.dma_semaphore, #tpu.memory_space<semaphore_mem>>
    %dma_wait3A_2157 = arith.constant 0 : i32
    %dma_wait3A_2158 = tpu.memref_slice %arg3[%add3A_2146, %dma_wait3A_2157] : memref<100000x512xf32, #tpu.memory_space<hbm>> -> memref<80x512xf32, #tpu.memory_space<hbm>>
    %dma_wait3A_2159 = arith.constant 0 : i32
    %dma_wait3A_2160 = arith.constant 0 : i32
    %dma_wait3A_2161 = tpu.memref_slice %arg4[%dma_wait3A_2147, %dma_wait3A_2159, %dma_wait3A_2160] : memref<3x80x512xf32, #tpu.memory_space<vmem>> -> memref<1x80x512xf32, #tpu.memory_space<vmem>>
    %dma_wait3A_2162 = tpu.memref_squeeze %dma_wait3A_2161 : memref<1x80x512xf32, #tpu.memory_space<vmem>> -> memref<80x512xf32, #tpu.memory_space<vmem>>
    tpu.wait_dma2 semaphore(%dma_wait3A_2156 : memref<!tpu.dma_semaphore, #tpu.memory_space<semaphore_mem>>) src(%dma_wait3A_2162 : memref<80x512xf32, #tpu.memory_space<vmem>>) dst(%dma_wait3A_2158 : memref<80x512xf32, #tpu.memory_space<hbm>>)
    %add3A_2163 = arith.constant 2480 : i32
    %add3A_2164 = arith.addi %mul3A_2, %add3A_2163 : i32
    %dma_start3A_2165 = arith.constant 1 : i32
    %dma_start3A_2166 = arith.constant 1 : i32
    %dma_start3A_2167 = arith.constant 0 : i32
    %dma_start3A_2168 = arith.constant 0 : i32
    %dma_start3A_2169 = tpu.memref_slice %arg4[%dma_start3A_2165, %dma_start3A_2167, %dma_start3A_2168] : memref<3x80x512xf32, #tpu.memory_space<vmem>> -> memref<1x80x512xf32, #tpu.memory_space<vmem>>
    %dma_start3A_2170 = tpu.memref_squeeze %dma_start3A_2169 : memref<1x80x512xf32, #tpu.memory_space<vmem>> -> memref<80x512xf32, #tpu.memory_space<vmem>>
    %dma_start3A_2171 = arith.constant 0 : i32
    %dma_start3A_2172 = tpu.memref_slice %arg2[%add3A_2164, %dma_start3A_2171] : memref<100000x512xf32, #tpu.memory_space<hbm>> -> memref<80x512xf32, #tpu.memory_space<hbm>>
    %dma_start3A_2173 = tpu.memref_slice %arg5[%dma_start3A_2166] : memref<3x!tpu.dma_semaphore, #tpu.memory_space<semaphore_mem>> -> memref<1x!tpu.dma_semaphore, #tpu.memory_space<semaphore_mem>>
    %dma_start3A_2174 = tpu.memref_squeeze %dma_start3A_2173 : memref<1x!tpu.dma_semaphore, #tpu.memory_space<semaphore_mem>> -> memref<!tpu.dma_semaphore, #tpu.memory_space<semaphore_mem>>
    %dma_start3A_2175 = arith.constant 0 : i32
    %dma_start3A_2176 = arith.constant 0 : i32
    %dma_start3A_2177 = tpu.memref_slice %arg4[%dma_start3A_2165, %dma_start3A_2175, %dma_start3A_2176] : memref<3x80x512xf32, #tpu.memory_space<vmem>> -> memref<1x80x512xf32, #tpu.memory_space<vmem>>
    %dma_start3A_2178 = tpu.memref_squeeze %dma_start3A_2177 : memref<1x80x512xf32, #tpu.memory_space<vmem>> -> memref<80x512xf32, #tpu.memory_space<vmem>>
    %dma_start3A_2179 = arith.constant 0 : i32
    %dma_start3A_2180 = tpu.memref_slice %arg2[%add3A_2164, %dma_start3A_2179] : memref<100000x512xf32, #tpu.memory_space<hbm>> -> memref<80x512xf32, #tpu.memory_space<hbm>>
    tpu.enqueue_dma source(%dma_start3A_2180 : memref<80x512xf32, #tpu.memory_space<hbm>>) target(%dma_start3A_2178 : memref<80x512xf32, #tpu.memory_space<vmem>>) target_semaphore(%dma_start3A_2174 : memref<!tpu.dma_semaphore, #tpu.memory_space<semaphore_mem>>)
    %add3A_2181 = arith.constant 2400 : i32
    %add3A_2182 = arith.addi %mul3A_2, %add3A_2181 : i32
    %dma_wait3A_2183 = arith.constant 0 : i32
    %dma_wait3A_2184 = arith.constant 0 : i32
    %dma_wait3A_2185 = arith.constant 0 : i32
    %dma_wait3A_2186 = arith.constant 0 : i32
    %dma_wait3A_2187 = tpu.memref_slice %arg4[%dma_wait3A_2183, %dma_wait3A_2185, %dma_wait3A_2186] : memref<3x80x512xf32, #tpu.memory_space<vmem>> -> memref<1x80x512xf32, #tpu.memory_space<vmem>>
    %dma_wait3A_2188 = tpu.memref_squeeze %dma_wait3A_2187 : memref<1x80x512xf32, #tpu.memory_space<vmem>> -> memref<80x512xf32, #tpu.memory_space<vmem>>
    %dma_wait3A_2189 = arith.constant 0 : i32
    %dma_wait3A_2190 = tpu.memref_slice %arg2[%add3A_2182, %dma_wait3A_2189] : memref<100000x512xf32, #tpu.memory_space<hbm>> -> memref<80x512xf32, #tpu.memory_space<hbm>>
    %dma_wait3A_2191 = tpu.memref_slice %arg5[%dma_wait3A_2184] : memref<3x!tpu.dma_semaphore, #tpu.memory_space<semaphore_mem>> -> memref<1x!tpu.dma_semaphore, #tpu.memory_space<semaphore_mem>>
    %dma_wait3A_2192 = tpu.memref_squeeze %dma_wait3A_2191 : memref<1x!tpu.dma_semaphore, #tpu.memory_space<semaphore_mem>> -> memref<!tpu.dma_semaphore, #tpu.memory_space<semaphore_mem>>
    %dma_wait3A_2193 = arith.constant 0 : i32
    %dma_wait3A_2194 = arith.constant 0 : i32
    %dma_wait3A_2195 = tpu.memref_slice %arg4[%dma_wait3A_2183, %dma_wait3A_2193, %dma_wait3A_2194] : memref<3x80x512xf32, #tpu.memory_space<vmem>> -> memref<1x80x512xf32, #tpu.memory_space<vmem>>
    %dma_wait3A_2196 = tpu.memref_squeeze %dma_wait3A_2195 : memref<1x80x512xf32, #tpu.memory_space<vmem>> -> memref<80x512xf32, #tpu.memory_space<vmem>>
    %dma_wait3A_2197 = arith.constant 0 : i32
    %dma_wait3A_2198 = tpu.memref_slice %arg2[%add3A_2182, %dma_wait3A_2197] : memref<100000x512xf32, #tpu.memory_space<hbm>> -> memref<80x512xf32, #tpu.memory_space<hbm>>
    tpu.wait_dma2 semaphore(%dma_wait3A_2192 : memref<!tpu.dma_semaphore, #tpu.memory_space<semaphore_mem>>) src(%dma_wait3A_2198 : memref<80x512xf32, #tpu.memory_space<hbm>>) dst(%dma_wait3A_2196 : memref<80x512xf32, #tpu.memory_space<vmem>>)
    %add3A_2199 = arith.constant 2400 : i32
    %add3A_2200 = arith.addi %mul3A_2, %add3A_2199 : i32
    %dma_start3A_2201 = arith.constant 0 : i32
    %dma_start3A_2202 = arith.constant 0 : i32
    %dma_start3A_2203 = arith.constant 0 : i32
    %dma_start3A_2204 = arith.constant 0 : i32
    %dma_start3A_2205 = tpu.memref_slice %arg4[%dma_start3A_2201, %dma_start3A_2203, %dma_start3A_2204] : memref<3x80x512xf32, #tpu.memory_space<vmem>> -> memref<1x80x512xf32, #tpu.memory_space<vmem>>
    %dma_start3A_2206 = tpu.memref_squeeze %dma_start3A_2205 : memref<1x80x512xf32, #tpu.memory_space<vmem>> -> memref<80x512xf32, #tpu.memory_space<vmem>>
    %dma_start3A_2207 = arith.constant 0 : i32
    %dma_start3A_2208 = tpu.memref_slice %arg3[%add3A_2200, %dma_start3A_2207] : memref<100000x512xf32, #tpu.memory_space<hbm>> -> memref<80x512xf32, #tpu.memory_space<hbm>>
    %dma_start3A_2209 = tpu.memref_slice %arg6[%dma_start3A_2202] : memref<3x!tpu.dma_semaphore, #tpu.memory_space<semaphore_mem>> -> memref<1x!tpu.dma_semaphore, #tpu.memory_space<semaphore_mem>>
    %dma_start3A_2210 = tpu.memref_squeeze %dma_start3A_2209 : memref<1x!tpu.dma_semaphore, #tpu.memory_space<semaphore_mem>> -> memref<!tpu.dma_semaphore, #tpu.memory_space<semaphore_mem>>
    %dma_start3A_2211 = arith.constant 0 : i32
    %dma_start3A_2212 = tpu.memref_slice %arg3[%add3A_2200, %dma_start3A_2211] : memref<100000x512xf32, #tpu.memory_space<hbm>> -> memref<80x512xf32, #tpu.memory_space<hbm>>
    %dma_start3A_2213 = arith.constant 0 : i32
    %dma_start3A_2214 = arith.constant 0 : i32
    %dma_start3A_2215 = tpu.memref_slice %arg4[%dma_start3A_2201, %dma_start3A_2213, %dma_start3A_2214] : memref<3x80x512xf32, #tpu.memory_space<vmem>> -> memref<1x80x512xf32, #tpu.memory_space<vmem>>
    %dma_start3A_2216 = tpu.memref_squeeze %dma_start3A_2215 : memref<1x80x512xf32, #tpu.memory_space<vmem>> -> memref<80x512xf32, #tpu.memory_space<vmem>>
    tpu.enqueue_dma source(%dma_start3A_2216 : memref<80x512xf32, #tpu.memory_space<vmem>>) target(%dma_start3A_2212 : memref<80x512xf32, #tpu.memory_space<hbm>>) target_semaphore(%dma_start3A_2210 : memref<!tpu.dma_semaphore, #tpu.memory_space<semaphore_mem>>)
    %add3A_2217 = arith.constant 2320 : i32
    %add3A_2218 = arith.addi %mul3A_2, %add3A_2217 : i32
    %dma_wait3A_2219 = arith.constant 2 : i32
    %dma_wait3A_2220 = arith.constant 2 : i32
    %dma_wait3A_2221 = arith.constant 0 : i32
    %dma_wait3A_2222 = arith.constant 0 : i32
    %dma_wait3A_2223 = tpu.memref_slice %arg4[%dma_wait3A_2219, %dma_wait3A_2221, %dma_wait3A_2222] : memref<3x80x512xf32, #tpu.memory_space<vmem>> -> memref<1x80x512xf32, #tpu.memory_space<vmem>>
    %dma_wait3A_2224 = tpu.memref_squeeze %dma_wait3A_2223 : memref<1x80x512xf32, #tpu.memory_space<vmem>> -> memref<80x512xf32, #tpu.memory_space<vmem>>
    %dma_wait3A_2225 = arith.constant 0 : i32
    %dma_wait3A_2226 = tpu.memref_slice %arg3[%add3A_2218, %dma_wait3A_2225] : memref<100000x512xf32, #tpu.memory_space<hbm>> -> memref<80x512xf32, #tpu.memory_space<hbm>>
    %dma_wait3A_2227 = tpu.memref_slice %arg6[%dma_wait3A_2220] : memref<3x!tpu.dma_semaphore, #tpu.memory_space<semaphore_mem>> -> memref<1x!tpu.dma_semaphore, #tpu.memory_space<semaphore_mem>>
    %dma_wait3A_2228 = tpu.memref_squeeze %dma_wait3A_2227 : memref<1x!tpu.dma_semaphore, #tpu.memory_space<semaphore_mem>> -> memref<!tpu.dma_semaphore, #tpu.memory_space<semaphore_mem>>
    %dma_wait3A_2229 = arith.constant 0 : i32
    %dma_wait3A_2230 = tpu.memref_slice %arg3[%add3A_2218, %dma_wait3A_2229] : memref<100000x512xf32, #tpu.memory_space<hbm>> -> memref<80x512xf32, #tpu.memory_space<hbm>>
    %dma_wait3A_2231 = arith.constant 0 : i32
    %dma_wait3A_2232 = arith.constant 0 : i32
    %dma_wait3A_2233 = tpu.memref_slice %arg4[%dma_wait3A_2219, %dma_wait3A_2231, %dma_wait3A_2232] : memref<3x80x512xf32, #tpu.memory_space<vmem>> -> memref<1x80x512xf32, #tpu.memory_space<vmem>>
    %dma_wait3A_2234 = tpu.memref_squeeze %dma_wait3A_2233 : memref<1x80x512xf32, #tpu.memory_space<vmem>> -> memref<80x512xf32, #tpu.memory_space<vmem>>
    tpu.wait_dma2 semaphore(%dma_wait3A_2228 : memref<!tpu.dma_semaphore, #tpu.memory_space<semaphore_mem>>) src(%dma_wait3A_2234 : memref<80x512xf32, #tpu.memory_space<vmem>>) dst(%dma_wait3A_2230 : memref<80x512xf32, #tpu.memory_space<hbm>>)
    %add3A_2235 = arith.constant 2560 : i32
    %add3A_2236 = arith.addi %mul3A_2, %add3A_2235 : i32
    %dma_start3A_2237 = arith.constant 2 : i32
    %dma_start3A_2238 = arith.constant 2 : i32
    %dma_start3A_2239 = arith.constant 0 : i32
    %dma_start3A_2240 = arith.constant 0 : i32
    %dma_start3A_2241 = tpu.memref_slice %arg4[%dma_start3A_2237, %dma_start3A_2239, %dma_start3A_2240] : memref<3x80x512xf32, #tpu.memory_space<vmem>> -> memref<1x80x512xf32, #tpu.memory_space<vmem>>
    %dma_start3A_2242 = tpu.memref_squeeze %dma_start3A_2241 : memref<1x80x512xf32, #tpu.memory_space<vmem>> -> memref<80x512xf32, #tpu.memory_space<vmem>>
    %dma_start3A_2243 = arith.constant 0 : i32
    %dma_start3A_2244 = tpu.memref_slice %arg2[%add3A_2236, %dma_start3A_2243] : memref<100000x512xf32, #tpu.memory_space<hbm>> -> memref<80x512xf32, #tpu.memory_space<hbm>>
    %dma_start3A_2245 = tpu.memref_slice %arg5[%dma_start3A_2238] : memref<3x!tpu.dma_semaphore, #tpu.memory_space<semaphore_mem>> -> memref<1x!tpu.dma_semaphore, #tpu.memory_space<semaphore_mem>>
    %dma_start3A_2246 = tpu.memref_squeeze %dma_start3A_2245 : memref<1x!tpu.dma_semaphore, #tpu.memory_space<semaphore_mem>> -> memref<!tpu.dma_semaphore, #tpu.memory_space<semaphore_mem>>
    %dma_start3A_2247 = arith.constant 0 : i32
    %dma_start3A_2248 = arith.constant 0 : i32
    %dma_start3A_2249 = tpu.memref_slice %arg4[%dma_start3A_2237, %dma_start3A_2247, %dma_start3A_2248] : memref<3x80x512xf32, #tpu.memory_space<vmem>> -> memref<1x80x512xf32, #tpu.memory_space<vmem>>
    %dma_start3A_2250 = tpu.memref_squeeze %dma_start3A_2249 : memref<1x80x512xf32, #tpu.memory_space<vmem>> -> memref<80x512xf32, #tpu.memory_space<vmem>>
    %dma_start3A_2251 = arith.constant 0 : i32
    %dma_start3A_2252 = tpu.memref_slice %arg2[%add3A_2236, %dma_start3A_2251] : memref<100000x512xf32, #tpu.memory_space<hbm>> -> memref<80x512xf32, #tpu.memory_space<hbm>>
    tpu.enqueue_dma source(%dma_start3A_2252 : memref<80x512xf32, #tpu.memory_space<hbm>>) target(%dma_start3A_2250 : memref<80x512xf32, #tpu.memory_space<vmem>>) target_semaphore(%dma_start3A_2246 : memref<!tpu.dma_semaphore, #tpu.memory_space<semaphore_mem>>)
    %add3A_2253 = arith.constant 2480 : i32
    %add3A_2254 = arith.addi %mul3A_2, %add3A_2253 : i32
    %dma_wait3A_2255 = arith.constant 1 : i32
    %dma_wait3A_2256 = arith.constant 1 : i32
    %dma_wait3A_2257 = arith.constant 0 : i32
    %dma_wait3A_2258 = arith.constant 0 : i32
    %dma_wait3A_2259 = tpu.memref_slice %arg4[%dma_wait3A_2255, %dma_wait3A_2257, %dma_wait3A_2258] : memref<3x80x512xf32, #tpu.memory_space<vmem>> -> memref<1x80x512xf32, #tpu.memory_space<vmem>>
    %dma_wait3A_2260 = tpu.memref_squeeze %dma_wait3A_2259 : memref<1x80x512xf32, #tpu.memory_space<vmem>> -> memref<80x512xf32, #tpu.memory_space<vmem>>
    %dma_wait3A_2261 = arith.constant 0 : i32
    %dma_wait3A_2262 = tpu.memref_slice %arg2[%add3A_2254, %dma_wait3A_2261] : memref<100000x512xf32, #tpu.memory_space<hbm>> -> memref<80x512xf32, #tpu.memory_space<hbm>>
    %dma_wait3A_2263 = tpu.memref_slice %arg5[%dma_wait3A_2256] : memref<3x!tpu.dma_semaphore, #tpu.memory_space<semaphore_mem>> -> memref<1x!tpu.dma_semaphore, #tpu.memory_space<semaphore_mem>>
    %dma_wait3A_2264 = tpu.memref_squeeze %dma_wait3A_2263 : memref<1x!tpu.dma_semaphore, #tpu.memory_space<semaphore_mem>> -> memref<!tpu.dma_semaphore, #tpu.memory_space<semaphore_mem>>
    %dma_wait3A_2265 = arith.constant 0 : i32
    %dma_wait3A_2266 = arith.constant 0 : i32
    %dma_wait3A_2267 = tpu.memref_slice %arg4[%dma_wait3A_2255, %dma_wait3A_2265, %dma_wait3A_2266] : memref<3x80x512xf32, #tpu.memory_space<vmem>> -> memref<1x80x512xf32, #tpu.memory_space<vmem>>
    %dma_wait3A_2268 = tpu.memref_squeeze %dma_wait3A_2267 : memref<1x80x512xf32, #tpu.memory_space<vmem>> -> memref<80x512xf32, #tpu.memory_space<vmem>>
    %dma_wait3A_2269 = arith.constant 0 : i32
    %dma_wait3A_2270 = tpu.memref_slice %arg2[%add3A_2254, %dma_wait3A_2269] : memref<100000x512xf32, #tpu.memory_space<hbm>> -> memref<80x512xf32, #tpu.memory_space<hbm>>
    tpu.wait_dma2 semaphore(%dma_wait3A_2264 : memref<!tpu.dma_semaphore, #tpu.memory_space<semaphore_mem>>) src(%dma_wait3A_2270 : memref<80x512xf32, #tpu.memory_space<hbm>>) dst(%dma_wait3A_2268 : memref<80x512xf32, #tpu.memory_space<vmem>>)
    %add3A_2271 = arith.constant 2480 : i32
    %add3A_2272 = arith.addi %mul3A_2, %add3A_2271 : i32
    %dma_start3A_2273 = arith.constant 1 : i32
    %dma_start3A_2274 = arith.constant 1 : i32
    %dma_start3A_2275 = arith.constant 0 : i32
    %dma_start3A_2276 = arith.constant 0 : i32
    %dma_start3A_2277 = tpu.memref_slice %arg4[%dma_start3A_2273, %dma_start3A_2275, %dma_start3A_2276] : memref<3x80x512xf32, #tpu.memory_space<vmem>> -> memref<1x80x512xf32, #tpu.memory_space<vmem>>
    %dma_start3A_2278 = tpu.memref_squeeze %dma_start3A_2277 : memref<1x80x512xf32, #tpu.memory_space<vmem>> -> memref<80x512xf32, #tpu.memory_space<vmem>>
    %dma_start3A_2279 = arith.constant 0 : i32
    %dma_start3A_2280 = tpu.memref_slice %arg3[%add3A_2272, %dma_start3A_2279] : memref<100000x512xf32, #tpu.memory_space<hbm>> -> memref<80x512xf32, #tpu.memory_space<hbm>>
    %dma_start3A_2281 = tpu.memref_slice %arg6[%dma_start3A_2274] : memref<3x!tpu.dma_semaphore, #tpu.memory_space<semaphore_mem>> -> memref<1x!tpu.dma_semaphore, #tpu.memory_space<semaphore_mem>>
    %dma_start3A_2282 = tpu.memref_squeeze %dma_start3A_2281 : memref<1x!tpu.dma_semaphore, #tpu.memory_space<semaphore_mem>> -> memref<!tpu.dma_semaphore, #tpu.memory_space<semaphore_mem>>
    %dma_start3A_2283 = arith.constant 0 : i32
    %dma_start3A_2284 = tpu.memref_slice %arg3[%add3A_2272, %dma_start3A_2283] : memref<100000x512xf32, #tpu.memory_space<hbm>> -> memref<80x512xf32, #tpu.memory_space<hbm>>
    %dma_start3A_2285 = arith.constant 0 : i32
    %dma_start3A_2286 = arith.constant 0 : i32
    %dma_start3A_2287 = tpu.memref_slice %arg4[%dma_start3A_2273, %dma_start3A_2285, %dma_start3A_2286] : memref<3x80x512xf32, #tpu.memory_space<vmem>> -> memref<1x80x512xf32, #tpu.memory_space<vmem>>
    %dma_start3A_2288 = tpu.memref_squeeze %dma_start3A_2287 : memref<1x80x512xf32, #tpu.memory_space<vmem>> -> memref<80x512xf32, #tpu.memory_space<vmem>>
    tpu.enqueue_dma source(%dma_start3A_2288 : memref<80x512xf32, #tpu.memory_space<vmem>>) target(%dma_start3A_2284 : memref<80x512xf32, #tpu.memory_space<hbm>>) target_semaphore(%dma_start3A_2282 : memref<!tpu.dma_semaphore, #tpu.memory_space<semaphore_mem>>)
    %add3A_2289 = arith.constant 2400 : i32
    %add3A_2290 = arith.addi %mul3A_2, %add3A_2289 : i32
    %dma_wait3A_2291 = arith.constant 0 : i32
    %dma_wait3A_2292 = arith.constant 0 : i32
    %dma_wait3A_2293 = arith.constant 0 : i32
    %dma_wait3A_2294 = arith.constant 0 : i32
    %dma_wait3A_2295 = tpu.memref_slice %arg4[%dma_wait3A_2291, %dma_wait3A_2293, %dma_wait3A_2294] : memref<3x80x512xf32, #tpu.memory_space<vmem>> -> memref<1x80x512xf32, #tpu.memory_space<vmem>>
    %dma_wait3A_2296 = tpu.memref_squeeze %dma_wait3A_2295 : memref<1x80x512xf32, #tpu.memory_space<vmem>> -> memref<80x512xf32, #tpu.memory_space<vmem>>
    %dma_wait3A_2297 = arith.constant 0 : i32
    %dma_wait3A_2298 = tpu.memref_slice %arg3[%add3A_2290, %dma_wait3A_2297] : memref<100000x512xf32, #tpu.memory_space<hbm>> -> memref<80x512xf32, #tpu.memory_space<hbm>>
    %dma_wait3A_2299 = tpu.memref_slice %arg6[%dma_wait3A_2292] : memref<3x!tpu.dma_semaphore, #tpu.memory_space<semaphore_mem>> -> memref<1x!tpu.dma_semaphore, #tpu.memory_space<semaphore_mem>>
    %dma_wait3A_2300 = tpu.memref_squeeze %dma_wait3A_2299 : memref<1x!tpu.dma_semaphore, #tpu.memory_space<semaphore_mem>> -> memref<!tpu.dma_semaphore, #tpu.memory_space<semaphore_mem>>
    %dma_wait3A_2301 = arith.constant 0 : i32
    %dma_wait3A_2302 = tpu.memref_slice %arg3[%add3A_2290, %dma_wait3A_2301] : memref<100000x512xf32, #tpu.memory_space<hbm>> -> memref<80x512xf32, #tpu.memory_space<hbm>>
    %dma_wait3A_2303 = arith.constant 0 : i32
    %dma_wait3A_2304 = arith.constant 0 : i32
    %dma_wait3A_2305 = tpu.memref_slice %arg4[%dma_wait3A_2291, %dma_wait3A_2303, %dma_wait3A_2304] : memref<3x80x512xf32, #tpu.memory_space<vmem>> -> memref<1x80x512xf32, #tpu.memory_space<vmem>>
    %dma_wait3A_2306 = tpu.memref_squeeze %dma_wait3A_2305 : memref<1x80x512xf32, #tpu.memory_space<vmem>> -> memref<80x512xf32, #tpu.memory_space<vmem>>
    tpu.wait_dma2 semaphore(%dma_wait3A_2300 : memref<!tpu.dma_semaphore, #tpu.memory_space<semaphore_mem>>) src(%dma_wait3A_2306 : memref<80x512xf32, #tpu.memory_space<vmem>>) dst(%dma_wait3A_2302 : memref<80x512xf32, #tpu.memory_space<hbm>>)
    %add3A_2307 = arith.constant 2640 : i32
    %add3A_2308 = arith.addi %mul3A_2, %add3A_2307 : i32
    %dma_start3A_2309 = arith.constant 0 : i32
    %dma_start3A_2310 = arith.constant 0 : i32
    %dma_start3A_2311 = arith.constant 0 : i32
    %dma_start3A_2312 = arith.constant 0 : i32
    %dma_start3A_2313 = tpu.memref_slice %arg4[%dma_start3A_2309, %dma_start3A_2311, %dma_start3A_2312] : memref<3x80x512xf32, #tpu.memory_space<vmem>> -> memref<1x80x512xf32, #tpu.memory_space<vmem>>
    %dma_start3A_2314 = tpu.memref_squeeze %dma_start3A_2313 : memref<1x80x512xf32, #tpu.memory_space<vmem>> -> memref<80x512xf32, #tpu.memory_space<vmem>>
    %dma_start3A_2315 = arith.constant 0 : i32
    %dma_start3A_2316 = tpu.memref_slice %arg2[%add3A_2308, %dma_start3A_2315] : memref<100000x512xf32, #tpu.memory_space<hbm>> -> memref<80x512xf32, #tpu.memory_space<hbm>>
    %dma_start3A_2317 = tpu.memref_slice %arg5[%dma_start3A_2310] : memref<3x!tpu.dma_semaphore, #tpu.memory_space<semaphore_mem>> -> memref<1x!tpu.dma_semaphore, #tpu.memory_space<semaphore_mem>>
    %dma_start3A_2318 = tpu.memref_squeeze %dma_start3A_2317 : memref<1x!tpu.dma_semaphore, #tpu.memory_space<semaphore_mem>> -> memref<!tpu.dma_semaphore, #tpu.memory_space<semaphore_mem>>
    %dma_start3A_2319 = arith.constant 0 : i32
    %dma_start3A_2320 = arith.constant 0 : i32
    %dma_start3A_2321 = tpu.memref_slice %arg4[%dma_start3A_2309, %dma_start3A_2319, %dma_start3A_2320] : memref<3x80x512xf32, #tpu.memory_space<vmem>> -> memref<1x80x512xf32, #tpu.memory_space<vmem>>
    %dma_start3A_2322 = tpu.memref_squeeze %dma_start3A_2321 : memref<1x80x512xf32, #tpu.memory_space<vmem>> -> memref<80x512xf32, #tpu.memory_space<vmem>>
    %dma_start3A_2323 = arith.constant 0 : i32
    %dma_start3A_2324 = tpu.memref_slice %arg2[%add3A_2308, %dma_start3A_2323] : memref<100000x512xf32, #tpu.memory_space<hbm>> -> memref<80x512xf32, #tpu.memory_space<hbm>>
    tpu.enqueue_dma source(%dma_start3A_2324 : memref<80x512xf32, #tpu.memory_space<hbm>>) target(%dma_start3A_2322 : memref<80x512xf32, #tpu.memory_space<vmem>>) target_semaphore(%dma_start3A_2318 : memref<!tpu.dma_semaphore, #tpu.memory_space<semaphore_mem>>)
    %add3A_2325 = arith.constant 2560 : i32
    %add3A_2326 = arith.addi %mul3A_2, %add3A_2325 : i32
    %dma_wait3A_2327 = arith.constant 2 : i32
    %dma_wait3A_2328 = arith.constant 2 : i32
    %dma_wait3A_2329 = arith.constant 0 : i32
    %dma_wait3A_2330 = arith.constant 0 : i32
    %dma_wait3A_2331 = tpu.memref_slice %arg4[%dma_wait3A_2327, %dma_wait3A_2329, %dma_wait3A_2330] : memref<3x80x512xf32, #tpu.memory_space<vmem>> -> memref<1x80x512xf32, #tpu.memory_space<vmem>>
    %dma_wait3A_2332 = tpu.memref_squeeze %dma_wait3A_2331 : memref<1x80x512xf32, #tpu.memory_space<vmem>> -> memref<80x512xf32, #tpu.memory_space<vmem>>
    %dma_wait3A_2333 = arith.constant 0 : i32
    %dma_wait3A_2334 = tpu.memref_slice %arg2[%add3A_2326, %dma_wait3A_2333] : memref<100000x512xf32, #tpu.memory_space<hbm>> -> memref<80x512xf32, #tpu.memory_space<hbm>>
    %dma_wait3A_2335 = tpu.memref_slice %arg5[%dma_wait3A_2328] : memref<3x!tpu.dma_semaphore, #tpu.memory_space<semaphore_mem>> -> memref<1x!tpu.dma_semaphore, #tpu.memory_space<semaphore_mem>>
    %dma_wait3A_2336 = tpu.memref_squeeze %dma_wait3A_2335 : memref<1x!tpu.dma_semaphore, #tpu.memory_space<semaphore_mem>> -> memref<!tpu.dma_semaphore, #tpu.memory_space<semaphore_mem>>
    %dma_wait3A_2337 = arith.constant 0 : i32
    %dma_wait3A_2338 = arith.constant 0 : i32
    %dma_wait3A_2339 = tpu.memref_slice %arg4[%dma_wait3A_2327, %dma_wait3A_2337, %dma_wait3A_2338] : memref<3x80x512xf32, #tpu.memory_space<vmem>> -> memref<1x80x512xf32, #tpu.memory_space<vmem>>
    %dma_wait3A_2340 = tpu.memref_squeeze %dma_wait3A_2339 : memref<1x80x512xf32, #tpu.memory_space<vmem>> -> memref<80x512xf32, #tpu.memory_space<vmem>>
    %dma_wait3A_2341 = arith.constant 0 : i32
    %dma_wait3A_2342 = tpu.memref_slice %arg2[%add3A_2326, %dma_wait3A_2341] : memref<100000x512xf32, #tpu.memory_space<hbm>> -> memref<80x512xf32, #tpu.memory_space<hbm>>
    tpu.wait_dma2 semaphore(%dma_wait3A_2336 : memref<!tpu.dma_semaphore, #tpu.memory_space<semaphore_mem>>) src(%dma_wait3A_2342 : memref<80x512xf32, #tpu.memory_space<hbm>>) dst(%dma_wait3A_2340 : memref<80x512xf32, #tpu.memory_space<vmem>>)
    %add3A_2343 = arith.constant 2560 : i32
    %add3A_2344 = arith.addi %mul3A_2, %add3A_2343 : i32
    %dma_start3A_2345 = arith.constant 2 : i32
    %dma_start3A_2346 = arith.constant 2 : i32
    %dma_start3A_2347 = arith.constant 0 : i32
    %dma_start3A_2348 = arith.constant 0 : i32
    %dma_start3A_2349 = tpu.memref_slice %arg4[%dma_start3A_2345, %dma_start3A_2347, %dma_start3A_2348] : memref<3x80x512xf32, #tpu.memory_space<vmem>> -> memref<1x80x512xf32, #tpu.memory_space<vmem>>
    %dma_start3A_2350 = tpu.memref_squeeze %dma_start3A_2349 : memref<1x80x512xf32, #tpu.memory_space<vmem>> -> memref<80x512xf32, #tpu.memory_space<vmem>>
    %dma_start3A_2351 = arith.constant 0 : i32
    %dma_start3A_2352 = tpu.memref_slice %arg3[%add3A_2344, %dma_start3A_2351] : memref<100000x512xf32, #tpu.memory_space<hbm>> -> memref<80x512xf32, #tpu.memory_space<hbm>>
    %dma_start3A_2353 = tpu.memref_slice %arg6[%dma_start3A_2346] : memref<3x!tpu.dma_semaphore, #tpu.memory_space<semaphore_mem>> -> memref<1x!tpu.dma_semaphore, #tpu.memory_space<semaphore_mem>>
    %dma_start3A_2354 = tpu.memref_squeeze %dma_start3A_2353 : memref<1x!tpu.dma_semaphore, #tpu.memory_space<semaphore_mem>> -> memref<!tpu.dma_semaphore, #tpu.memory_space<semaphore_mem>>
    %dma_start3A_2355 = arith.constant 0 : i32
    %dma_start3A_2356 = tpu.memref_slice %arg3[%add3A_2344, %dma_start3A_2355] : memref<100000x512xf32, #tpu.memory_space<hbm>> -> memref<80x512xf32, #tpu.memory_space<hbm>>
    %dma_start3A_2357 = arith.constant 0 : i32
    %dma_start3A_2358 = arith.constant 0 : i32
    %dma_start3A_2359 = tpu.memref_slice %arg4[%dma_start3A_2345, %dma_start3A_2357, %dma_start3A_2358] : memref<3x80x512xf32, #tpu.memory_space<vmem>> -> memref<1x80x512xf32, #tpu.memory_space<vmem>>
    %dma_start3A_2360 = tpu.memref_squeeze %dma_start3A_2359 : memref<1x80x512xf32, #tpu.memory_space<vmem>> -> memref<80x512xf32, #tpu.memory_space<vmem>>
    tpu.enqueue_dma source(%dma_start3A_2360 : memref<80x512xf32, #tpu.memory_space<vmem>>) target(%dma_start3A_2356 : memref<80x512xf32, #tpu.memory_space<hbm>>) target_semaphore(%dma_start3A_2354 : memref<!tpu.dma_semaphore, #tpu.memory_space<semaphore_mem>>)
    %add3A_2361 = arith.constant 2480 : i32
    %add3A_2362 = arith.addi %mul3A_2, %add3A_2361 : i32
    %dma_wait3A_2363 = arith.constant 1 : i32
    %dma_wait3A_2364 = arith.constant 1 : i32
    %dma_wait3A_2365 = arith.constant 0 : i32
    %dma_wait3A_2366 = arith.constant 0 : i32
    %dma_wait3A_2367 = tpu.memref_slice %arg4[%dma_wait3A_2363, %dma_wait3A_2365, %dma_wait3A_2366] : memref<3x80x512xf32, #tpu.memory_space<vmem>> -> memref<1x80x512xf32, #tpu.memory_space<vmem>>
    %dma_wait3A_2368 = tpu.memref_squeeze %dma_wait3A_2367 : memref<1x80x512xf32, #tpu.memory_space<vmem>> -> memref<80x512xf32, #tpu.memory_space<vmem>>
    %dma_wait3A_2369 = arith.constant 0 : i32
    %dma_wait3A_2370 = tpu.memref_slice %arg3[%add3A_2362, %dma_wait3A_2369] : memref<100000x512xf32, #tpu.memory_space<hbm>> -> memref<80x512xf32, #tpu.memory_space<hbm>>
    %dma_wait3A_2371 = tpu.memref_slice %arg6[%dma_wait3A_2364] : memref<3x!tpu.dma_semaphore, #tpu.memory_space<semaphore_mem>> -> memref<1x!tpu.dma_semaphore, #tpu.memory_space<semaphore_mem>>
    %dma_wait3A_2372 = tpu.memref_squeeze %dma_wait3A_2371 : memref<1x!tpu.dma_semaphore, #tpu.memory_space<semaphore_mem>> -> memref<!tpu.dma_semaphore, #tpu.memory_space<semaphore_mem>>
    %dma_wait3A_2373 = arith.constant 0 : i32
    %dma_wait3A_2374 = tpu.memref_slice %arg3[%add3A_2362, %dma_wait3A_2373] : memref<100000x512xf32, #tpu.memory_space<hbm>> -> memref<80x512xf32, #tpu.memory_space<hbm>>
    %dma_wait3A_2375 = arith.constant 0 : i32
    %dma_wait3A_2376 = arith.constant 0 : i32
    %dma_wait3A_2377 = tpu.memref_slice %arg4[%dma_wait3A_2363, %dma_wait3A_2375, %dma_wait3A_2376] : memref<3x80x512xf32, #tpu.memory_space<vmem>> -> memref<1x80x512xf32, #tpu.memory_space<vmem>>
    %dma_wait3A_2378 = tpu.memref_squeeze %dma_wait3A_2377 : memref<1x80x512xf32, #tpu.memory_space<vmem>> -> memref<80x512xf32, #tpu.memory_space<vmem>>
    tpu.wait_dma2 semaphore(%dma_wait3A_2372 : memref<!tpu.dma_semaphore, #tpu.memory_space<semaphore_mem>>) src(%dma_wait3A_2378 : memref<80x512xf32, #tpu.memory_space<vmem>>) dst(%dma_wait3A_2374 : memref<80x512xf32, #tpu.memory_space<hbm>>)
    %add3A_2379 = arith.constant 2720 : i32
    %add3A_2380 = arith.addi %mul3A_2, %add3A_2379 : i32
    %dma_start3A_2381 = arith.constant 1 : i32
    %dma_start3A_2382 = arith.constant 1 : i32
    %dma_start3A_2383 = arith.constant 0 : i32
    %dma_start3A_2384 = arith.constant 0 : i32
    %dma_start3A_2385 = tpu.memref_slice %arg4[%dma_start3A_2381, %dma_start3A_2383, %dma_start3A_2384] : memref<3x80x512xf32, #tpu.memory_space<vmem>> -> memref<1x80x512xf32, #tpu.memory_space<vmem>>
    %dma_start3A_2386 = tpu.memref_squeeze %dma_start3A_2385 : memref<1x80x512xf32, #tpu.memory_space<vmem>> -> memref<80x512xf32, #tpu.memory_space<vmem>>
    %dma_start3A_2387 = arith.constant 0 : i32
    %dma_start3A_2388 = tpu.memref_slice %arg2[%add3A_2380, %dma_start3A_2387] : memref<100000x512xf32, #tpu.memory_space<hbm>> -> memref<80x512xf32, #tpu.memory_space<hbm>>
    %dma_start3A_2389 = tpu.memref_slice %arg5[%dma_start3A_2382] : memref<3x!tpu.dma_semaphore, #tpu.memory_space<semaphore_mem>> -> memref<1x!tpu.dma_semaphore, #tpu.memory_space<semaphore_mem>>
    %dma_start3A_2390 = tpu.memref_squeeze %dma_start3A_2389 : memref<1x!tpu.dma_semaphore, #tpu.memory_space<semaphore_mem>> -> memref<!tpu.dma_semaphore, #tpu.memory_space<semaphore_mem>>
    %dma_start3A_2391 = arith.constant 0 : i32
    %dma_start3A_2392 = arith.constant 0 : i32
    %dma_start3A_2393 = tpu.memref_slice %arg4[%dma_start3A_2381, %dma_start3A_2391, %dma_start3A_2392] : memref<3x80x512xf32, #tpu.memory_space<vmem>> -> memref<1x80x512xf32, #tpu.memory_space<vmem>>
    %dma_start3A_2394 = tpu.memref_squeeze %dma_start3A_2393 : memref<1x80x512xf32, #tpu.memory_space<vmem>> -> memref<80x512xf32, #tpu.memory_space<vmem>>
    %dma_start3A_2395 = arith.constant 0 : i32
    %dma_start3A_2396 = tpu.memref_slice %arg2[%add3A_2380, %dma_start3A_2395] : memref<100000x512xf32, #tpu.memory_space<hbm>> -> memref<80x512xf32, #tpu.memory_space<hbm>>
    tpu.enqueue_dma source(%dma_start3A_2396 : memref<80x512xf32, #tpu.memory_space<hbm>>) target(%dma_start3A_2394 : memref<80x512xf32, #tpu.memory_space<vmem>>) target_semaphore(%dma_start3A_2390 : memref<!tpu.dma_semaphore, #tpu.memory_space<semaphore_mem>>)
    %add3A_2397 = arith.constant 2640 : i32
    %add3A_2398 = arith.addi %mul3A_2, %add3A_2397 : i32
    %dma_wait3A_2399 = arith.constant 0 : i32
    %dma_wait3A_2400 = arith.constant 0 : i32
    %dma_wait3A_2401 = arith.constant 0 : i32
    %dma_wait3A_2402 = arith.constant 0 : i32
    %dma_wait3A_2403 = tpu.memref_slice %arg4[%dma_wait3A_2399, %dma_wait3A_2401, %dma_wait3A_2402] : memref<3x80x512xf32, #tpu.memory_space<vmem>> -> memref<1x80x512xf32, #tpu.memory_space<vmem>>
    %dma_wait3A_2404 = tpu.memref_squeeze %dma_wait3A_2403 : memref<1x80x512xf32, #tpu.memory_space<vmem>> -> memref<80x512xf32, #tpu.memory_space<vmem>>
    %dma_wait3A_2405 = arith.constant 0 : i32
    %dma_wait3A_2406 = tpu.memref_slice %arg2[%add3A_2398, %dma_wait3A_2405] : memref<100000x512xf32, #tpu.memory_space<hbm>> -> memref<80x512xf32, #tpu.memory_space<hbm>>
    %dma_wait3A_2407 = tpu.memref_slice %arg5[%dma_wait3A_2400] : memref<3x!tpu.dma_semaphore, #tpu.memory_space<semaphore_mem>> -> memref<1x!tpu.dma_semaphore, #tpu.memory_space<semaphore_mem>>
    %dma_wait3A_2408 = tpu.memref_squeeze %dma_wait3A_2407 : memref<1x!tpu.dma_semaphore, #tpu.memory_space<semaphore_mem>> -> memref<!tpu.dma_semaphore, #tpu.memory_space<semaphore_mem>>
    %dma_wait3A_2409 = arith.constant 0 : i32
    %dma_wait3A_2410 = arith.constant 0 : i32
    %dma_wait3A_2411 = tpu.memref_slice %arg4[%dma_wait3A_2399, %dma_wait3A_2409, %dma_wait3A_2410] : memref<3x80x512xf32, #tpu.memory_space<vmem>> -> memref<1x80x512xf32, #tpu.memory_space<vmem>>
    %dma_wait3A_2412 = tpu.memref_squeeze %dma_wait3A_2411 : memref<1x80x512xf32, #tpu.memory_space<vmem>> -> memref<80x512xf32, #tpu.memory_space<vmem>>
    %dma_wait3A_2413 = arith.constant 0 : i32
    %dma_wait3A_2414 = tpu.memref_slice %arg2[%add3A_2398, %dma_wait3A_2413] : memref<100000x512xf32, #tpu.memory_space<hbm>> -> memref<80x512xf32, #tpu.memory_space<hbm>>
    tpu.wait_dma2 semaphore(%dma_wait3A_2408 : memref<!tpu.dma_semaphore, #tpu.memory_space<semaphore_mem>>) src(%dma_wait3A_2414 : memref<80x512xf32, #tpu.memory_space<hbm>>) dst(%dma_wait3A_2412 : memref<80x512xf32, #tpu.memory_space<vmem>>)
    %add3A_2415 = arith.constant 2640 : i32
    %add3A_2416 = arith.addi %mul3A_2, %add3A_2415 : i32
    %dma_start3A_2417 = arith.constant 0 : i32
    %dma_start3A_2418 = arith.constant 0 : i32
    %dma_start3A_2419 = arith.constant 0 : i32
    %dma_start3A_2420 = arith.constant 0 : i32
    %dma_start3A_2421 = tpu.memref_slice %arg4[%dma_start3A_2417, %dma_start3A_2419, %dma_start3A_2420] : memref<3x80x512xf32, #tpu.memory_space<vmem>> -> memref<1x80x512xf32, #tpu.memory_space<vmem>>
    %dma_start3A_2422 = tpu.memref_squeeze %dma_start3A_2421 : memref<1x80x512xf32, #tpu.memory_space<vmem>> -> memref<80x512xf32, #tpu.memory_space<vmem>>
    %dma_start3A_2423 = arith.constant 0 : i32
    %dma_start3A_2424 = tpu.memref_slice %arg3[%add3A_2416, %dma_start3A_2423] : memref<100000x512xf32, #tpu.memory_space<hbm>> -> memref<80x512xf32, #tpu.memory_space<hbm>>
    %dma_start3A_2425 = tpu.memref_slice %arg6[%dma_start3A_2418] : memref<3x!tpu.dma_semaphore, #tpu.memory_space<semaphore_mem>> -> memref<1x!tpu.dma_semaphore, #tpu.memory_space<semaphore_mem>>
    %dma_start3A_2426 = tpu.memref_squeeze %dma_start3A_2425 : memref<1x!tpu.dma_semaphore, #tpu.memory_space<semaphore_mem>> -> memref<!tpu.dma_semaphore, #tpu.memory_space<semaphore_mem>>
    %dma_start3A_2427 = arith.constant 0 : i32
    %dma_start3A_2428 = tpu.memref_slice %arg3[%add3A_2416, %dma_start3A_2427] : memref<100000x512xf32, #tpu.memory_space<hbm>> -> memref<80x512xf32, #tpu.memory_space<hbm>>
    %dma_start3A_2429 = arith.constant 0 : i32
    %dma_start3A_2430 = arith.constant 0 : i32
    %dma_start3A_2431 = tpu.memref_slice %arg4[%dma_start3A_2417, %dma_start3A_2429, %dma_start3A_2430] : memref<3x80x512xf32, #tpu.memory_space<vmem>> -> memref<1x80x512xf32, #tpu.memory_space<vmem>>
    %dma_start3A_2432 = tpu.memref_squeeze %dma_start3A_2431 : memref<1x80x512xf32, #tpu.memory_space<vmem>> -> memref<80x512xf32, #tpu.memory_space<vmem>>
    tpu.enqueue_dma source(%dma_start3A_2432 : memref<80x512xf32, #tpu.memory_space<vmem>>) target(%dma_start3A_2428 : memref<80x512xf32, #tpu.memory_space<hbm>>) target_semaphore(%dma_start3A_2426 : memref<!tpu.dma_semaphore, #tpu.memory_space<semaphore_mem>>)
    %add3A_2433 = arith.constant 2560 : i32
    %add3A_2434 = arith.addi %mul3A_2, %add3A_2433 : i32
    %dma_wait3A_2435 = arith.constant 2 : i32
    %dma_wait3A_2436 = arith.constant 2 : i32
    %dma_wait3A_2437 = arith.constant 0 : i32
    %dma_wait3A_2438 = arith.constant 0 : i32
    %dma_wait3A_2439 = tpu.memref_slice %arg4[%dma_wait3A_2435, %dma_wait3A_2437, %dma_wait3A_2438] : memref<3x80x512xf32, #tpu.memory_space<vmem>> -> memref<1x80x512xf32, #tpu.memory_space<vmem>>
    %dma_wait3A_2440 = tpu.memref_squeeze %dma_wait3A_2439 : memref<1x80x512xf32, #tpu.memory_space<vmem>> -> memref<80x512xf32, #tpu.memory_space<vmem>>
    %dma_wait3A_2441 = arith.constant 0 : i32
    %dma_wait3A_2442 = tpu.memref_slice %arg3[%add3A_2434, %dma_wait3A_2441] : memref<100000x512xf32, #tpu.memory_space<hbm>> -> memref<80x512xf32, #tpu.memory_space<hbm>>
    %dma_wait3A_2443 = tpu.memref_slice %arg6[%dma_wait3A_2436] : memref<3x!tpu.dma_semaphore, #tpu.memory_space<semaphore_mem>> -> memref<1x!tpu.dma_semaphore, #tpu.memory_space<semaphore_mem>>
    %dma_wait3A_2444 = tpu.memref_squeeze %dma_wait3A_2443 : memref<1x!tpu.dma_semaphore, #tpu.memory_space<semaphore_mem>> -> memref<!tpu.dma_semaphore, #tpu.memory_space<semaphore_mem>>
    %dma_wait3A_2445 = arith.constant 0 : i32
    %dma_wait3A_2446 = tpu.memref_slice %arg3[%add3A_2434, %dma_wait3A_2445] : memref<100000x512xf32, #tpu.memory_space<hbm>> -> memref<80x512xf32, #tpu.memory_space<hbm>>
    %dma_wait3A_2447 = arith.constant 0 : i32
    %dma_wait3A_2448 = arith.constant 0 : i32
    %dma_wait3A_2449 = tpu.memref_slice %arg4[%dma_wait3A_2435, %dma_wait3A_2447, %dma_wait3A_2448] : memref<3x80x512xf32, #tpu.memory_space<vmem>> -> memref<1x80x512xf32, #tpu.memory_space<vmem>>
    %dma_wait3A_2450 = tpu.memref_squeeze %dma_wait3A_2449 : memref<1x80x512xf32, #tpu.memory_space<vmem>> -> memref<80x512xf32, #tpu.memory_space<vmem>>
    tpu.wait_dma2 semaphore(%dma_wait3A_2444 : memref<!tpu.dma_semaphore, #tpu.memory_space<semaphore_mem>>) src(%dma_wait3A_2450 : memref<80x512xf32, #tpu.memory_space<vmem>>) dst(%dma_wait3A_2446 : memref<80x512xf32, #tpu.memory_space<hbm>>)
    %add3A_2451 = arith.constant 2800 : i32
    %add3A_2452 = arith.addi %mul3A_2, %add3A_2451 : i32
    %dma_start3A_2453 = arith.constant 2 : i32
    %dma_start3A_2454 = arith.constant 2 : i32
    %dma_start3A_2455 = arith.constant 0 : i32
    %dma_start3A_2456 = arith.constant 0 : i32
    %dma_start3A_2457 = tpu.memref_slice %arg4[%dma_start3A_2453, %dma_start3A_2455, %dma_start3A_2456] : memref<3x80x512xf32, #tpu.memory_space<vmem>> -> memref<1x80x512xf32, #tpu.memory_space<vmem>>
    %dma_start3A_2458 = tpu.memref_squeeze %dma_start3A_2457 : memref<1x80x512xf32, #tpu.memory_space<vmem>> -> memref<80x512xf32, #tpu.memory_space<vmem>>
    %dma_start3A_2459 = arith.constant 0 : i32
    %dma_start3A_2460 = tpu.memref_slice %arg2[%add3A_2452, %dma_start3A_2459] : memref<100000x512xf32, #tpu.memory_space<hbm>> -> memref<80x512xf32, #tpu.memory_space<hbm>>
    %dma_start3A_2461 = tpu.memref_slice %arg5[%dma_start3A_2454] : memref<3x!tpu.dma_semaphore, #tpu.memory_space<semaphore_mem>> -> memref<1x!tpu.dma_semaphore, #tpu.memory_space<semaphore_mem>>
    %dma_start3A_2462 = tpu.memref_squeeze %dma_start3A_2461 : memref<1x!tpu.dma_semaphore, #tpu.memory_space<semaphore_mem>> -> memref<!tpu.dma_semaphore, #tpu.memory_space<semaphore_mem>>
    %dma_start3A_2463 = arith.constant 0 : i32
    %dma_start3A_2464 = arith.constant 0 : i32
    %dma_start3A_2465 = tpu.memref_slice %arg4[%dma_start3A_2453, %dma_start3A_2463, %dma_start3A_2464] : memref<3x80x512xf32, #tpu.memory_space<vmem>> -> memref<1x80x512xf32, #tpu.memory_space<vmem>>
    %dma_start3A_2466 = tpu.memref_squeeze %dma_start3A_2465 : memref<1x80x512xf32, #tpu.memory_space<vmem>> -> memref<80x512xf32, #tpu.memory_space<vmem>>
    %dma_start3A_2467 = arith.constant 0 : i32
    %dma_start3A_2468 = tpu.memref_slice %arg2[%add3A_2452, %dma_start3A_2467] : memref<100000x512xf32, #tpu.memory_space<hbm>> -> memref<80x512xf32, #tpu.memory_space<hbm>>
    tpu.enqueue_dma source(%dma_start3A_2468 : memref<80x512xf32, #tpu.memory_space<hbm>>) target(%dma_start3A_2466 : memref<80x512xf32, #tpu.memory_space<vmem>>) target_semaphore(%dma_start3A_2462 : memref<!tpu.dma_semaphore, #tpu.memory_space<semaphore_mem>>)
    %add3A_2469 = arith.constant 2720 : i32
    %add3A_2470 = arith.addi %mul3A_2, %add3A_2469 : i32
    %dma_wait3A_2471 = arith.constant 1 : i32
    %dma_wait3A_2472 = arith.constant 1 : i32
    %dma_wait3A_2473 = arith.constant 0 : i32
    %dma_wait3A_2474 = arith.constant 0 : i32
    %dma_wait3A_2475 = tpu.memref_slice %arg4[%dma_wait3A_2471, %dma_wait3A_2473, %dma_wait3A_2474] : memref<3x80x512xf32, #tpu.memory_space<vmem>> -> memref<1x80x512xf32, #tpu.memory_space<vmem>>
    %dma_wait3A_2476 = tpu.memref_squeeze %dma_wait3A_2475 : memref<1x80x512xf32, #tpu.memory_space<vmem>> -> memref<80x512xf32, #tpu.memory_space<vmem>>
    %dma_wait3A_2477 = arith.constant 0 : i32
    %dma_wait3A_2478 = tpu.memref_slice %arg2[%add3A_2470, %dma_wait3A_2477] : memref<100000x512xf32, #tpu.memory_space<hbm>> -> memref<80x512xf32, #tpu.memory_space<hbm>>
    %dma_wait3A_2479 = tpu.memref_slice %arg5[%dma_wait3A_2472] : memref<3x!tpu.dma_semaphore, #tpu.memory_space<semaphore_mem>> -> memref<1x!tpu.dma_semaphore, #tpu.memory_space<semaphore_mem>>
    %dma_wait3A_2480 = tpu.memref_squeeze %dma_wait3A_2479 : memref<1x!tpu.dma_semaphore, #tpu.memory_space<semaphore_mem>> -> memref<!tpu.dma_semaphore, #tpu.memory_space<semaphore_mem>>
    %dma_wait3A_2481 = arith.constant 0 : i32
    %dma_wait3A_2482 = arith.constant 0 : i32
    %dma_wait3A_2483 = tpu.memref_slice %arg4[%dma_wait3A_2471, %dma_wait3A_2481, %dma_wait3A_2482] : memref<3x80x512xf32, #tpu.memory_space<vmem>> -> memref<1x80x512xf32, #tpu.memory_space<vmem>>
    %dma_wait3A_2484 = tpu.memref_squeeze %dma_wait3A_2483 : memref<1x80x512xf32, #tpu.memory_space<vmem>> -> memref<80x512xf32, #tpu.memory_space<vmem>>
    %dma_wait3A_2485 = arith.constant 0 : i32
    %dma_wait3A_2486 = tpu.memref_slice %arg2[%add3A_2470, %dma_wait3A_2485] : memref<100000x512xf32, #tpu.memory_space<hbm>> -> memref<80x512xf32, #tpu.memory_space<hbm>>
    tpu.wait_dma2 semaphore(%dma_wait3A_2480 : memref<!tpu.dma_semaphore, #tpu.memory_space<semaphore_mem>>) src(%dma_wait3A_2486 : memref<80x512xf32, #tpu.memory_space<hbm>>) dst(%dma_wait3A_2484 : memref<80x512xf32, #tpu.memory_space<vmem>>)
    %add3A_2487 = arith.constant 2720 : i32
    %add3A_2488 = arith.addi %mul3A_2, %add3A_2487 : i32
    %dma_start3A_2489 = arith.constant 1 : i32
    %dma_start3A_2490 = arith.constant 1 : i32
    %dma_start3A_2491 = arith.constant 0 : i32
    %dma_start3A_2492 = arith.constant 0 : i32
    %dma_start3A_2493 = tpu.memref_slice %arg4[%dma_start3A_2489, %dma_start3A_2491, %dma_start3A_2492] : memref<3x80x512xf32, #tpu.memory_space<vmem>> -> memref<1x80x512xf32, #tpu.memory_space<vmem>>
    %dma_start3A_2494 = tpu.memref_squeeze %dma_start3A_2493 : memref<1x80x512xf32, #tpu.memory_space<vmem>> -> memref<80x512xf32, #tpu.memory_space<vmem>>
    %dma_start3A_2495 = arith.constant 0 : i32
    %dma_start3A_2496 = tpu.memref_slice %arg3[%add3A_2488, %dma_start3A_2495] : memref<100000x512xf32, #tpu.memory_space<hbm>> -> memref<80x512xf32, #tpu.memory_space<hbm>>
    %dma_start3A_2497 = tpu.memref_slice %arg6[%dma_start3A_2490] : memref<3x!tpu.dma_semaphore, #tpu.memory_space<semaphore_mem>> -> memref<1x!tpu.dma_semaphore, #tpu.memory_space<semaphore_mem>>
    %dma_start3A_2498 = tpu.memref_squeeze %dma_start3A_2497 : memref<1x!tpu.dma_semaphore, #tpu.memory_space<semaphore_mem>> -> memref<!tpu.dma_semaphore, #tpu.memory_space<semaphore_mem>>
    %dma_start3A_2499 = arith.constant 0 : i32
    %dma_start3A_2500 = tpu.memref_slice %arg3[%add3A_2488, %dma_start3A_2499] : memref<100000x512xf32, #tpu.memory_space<hbm>> -> memref<80x512xf32, #tpu.memory_space<hbm>>
    %dma_start3A_2501 = arith.constant 0 : i32
    %dma_start3A_2502 = arith.constant 0 : i32
    %dma_start3A_2503 = tpu.memref_slice %arg4[%dma_start3A_2489, %dma_start3A_2501, %dma_start3A_2502] : memref<3x80x512xf32, #tpu.memory_space<vmem>> -> memref<1x80x512xf32, #tpu.memory_space<vmem>>
    %dma_start3A_2504 = tpu.memref_squeeze %dma_start3A_2503 : memref<1x80x512xf32, #tpu.memory_space<vmem>> -> memref<80x512xf32, #tpu.memory_space<vmem>>
    tpu.enqueue_dma source(%dma_start3A_2504 : memref<80x512xf32, #tpu.memory_space<vmem>>) target(%dma_start3A_2500 : memref<80x512xf32, #tpu.memory_space<hbm>>) target_semaphore(%dma_start3A_2498 : memref<!tpu.dma_semaphore, #tpu.memory_space<semaphore_mem>>)
    %add3A_2505 = arith.constant 2640 : i32
    %add3A_2506 = arith.addi %mul3A_2, %add3A_2505 : i32
    %dma_wait3A_2507 = arith.constant 0 : i32
    %dma_wait3A_2508 = arith.constant 0 : i32
    %dma_wait3A_2509 = arith.constant 0 : i32
    %dma_wait3A_2510 = arith.constant 0 : i32
    %dma_wait3A_2511 = tpu.memref_slice %arg4[%dma_wait3A_2507, %dma_wait3A_2509, %dma_wait3A_2510] : memref<3x80x512xf32, #tpu.memory_space<vmem>> -> memref<1x80x512xf32, #tpu.memory_space<vmem>>
    %dma_wait3A_2512 = tpu.memref_squeeze %dma_wait3A_2511 : memref<1x80x512xf32, #tpu.memory_space<vmem>> -> memref<80x512xf32, #tpu.memory_space<vmem>>
    %dma_wait3A_2513 = arith.constant 0 : i32
    %dma_wait3A_2514 = tpu.memref_slice %arg3[%add3A_2506, %dma_wait3A_2513] : memref<100000x512xf32, #tpu.memory_space<hbm>> -> memref<80x512xf32, #tpu.memory_space<hbm>>
    %dma_wait3A_2515 = tpu.memref_slice %arg6[%dma_wait3A_2508] : memref<3x!tpu.dma_semaphore, #tpu.memory_space<semaphore_mem>> -> memref<1x!tpu.dma_semaphore, #tpu.memory_space<semaphore_mem>>
    %dma_wait3A_2516 = tpu.memref_squeeze %dma_wait3A_2515 : memref<1x!tpu.dma_semaphore, #tpu.memory_space<semaphore_mem>> -> memref<!tpu.dma_semaphore, #tpu.memory_space<semaphore_mem>>
    %dma_wait3A_2517 = arith.constant 0 : i32
    %dma_wait3A_2518 = tpu.memref_slice %arg3[%add3A_2506, %dma_wait3A_2517] : memref<100000x512xf32, #tpu.memory_space<hbm>> -> memref<80x512xf32, #tpu.memory_space<hbm>>
    %dma_wait3A_2519 = arith.constant 0 : i32
    %dma_wait3A_2520 = arith.constant 0 : i32
    %dma_wait3A_2521 = tpu.memref_slice %arg4[%dma_wait3A_2507, %dma_wait3A_2519, %dma_wait3A_2520] : memref<3x80x512xf32, #tpu.memory_space<vmem>> -> memref<1x80x512xf32, #tpu.memory_space<vmem>>
    %dma_wait3A_2522 = tpu.memref_squeeze %dma_wait3A_2521 : memref<1x80x512xf32, #tpu.memory_space<vmem>> -> memref<80x512xf32, #tpu.memory_space<vmem>>
    tpu.wait_dma2 semaphore(%dma_wait3A_2516 : memref<!tpu.dma_semaphore, #tpu.memory_space<semaphore_mem>>) src(%dma_wait3A_2522 : memref<80x512xf32, #tpu.memory_space<vmem>>) dst(%dma_wait3A_2518 : memref<80x512xf32, #tpu.memory_space<hbm>>)
    %add3A_2523 = arith.constant 2880 : i32
    %add3A_2524 = arith.addi %mul3A_2, %add3A_2523 : i32
    %dma_start3A_2525 = arith.constant 0 : i32
    %dma_start3A_2526 = arith.constant 0 : i32
    %dma_start3A_2527 = arith.constant 0 : i32
    %dma_start3A_2528 = arith.constant 0 : i32
    %dma_start3A_2529 = tpu.memref_slice %arg4[%dma_start3A_2525, %dma_start3A_2527, %dma_start3A_2528] : memref<3x80x512xf32, #tpu.memory_space<vmem>> -> memref<1x80x512xf32, #tpu.memory_space<vmem>>
    %dma_start3A_2530 = tpu.memref_squeeze %dma_start3A_2529 : memref<1x80x512xf32, #tpu.memory_space<vmem>> -> memref<80x512xf32, #tpu.memory_space<vmem>>
    %dma_start3A_2531 = arith.constant 0 : i32
    %dma_start3A_2532 = tpu.memref_slice %arg2[%add3A_2524, %dma_start3A_2531] : memref<100000x512xf32, #tpu.memory_space<hbm>> -> memref<80x512xf32, #tpu.memory_space<hbm>>
    %dma_start3A_2533 = tpu.memref_slice %arg5[%dma_start3A_2526] : memref<3x!tpu.dma_semaphore, #tpu.memory_space<semaphore_mem>> -> memref<1x!tpu.dma_semaphore, #tpu.memory_space<semaphore_mem>>
    %dma_start3A_2534 = tpu.memref_squeeze %dma_start3A_2533 : memref<1x!tpu.dma_semaphore, #tpu.memory_space<semaphore_mem>> -> memref<!tpu.dma_semaphore, #tpu.memory_space<semaphore_mem>>
    %dma_start3A_2535 = arith.constant 0 : i32
    %dma_start3A_2536 = arith.constant 0 : i32
    %dma_start3A_2537 = tpu.memref_slice %arg4[%dma_start3A_2525, %dma_start3A_2535, %dma_start3A_2536] : memref<3x80x512xf32, #tpu.memory_space<vmem>> -> memref<1x80x512xf32, #tpu.memory_space<vmem>>
    %dma_start3A_2538 = tpu.memref_squeeze %dma_start3A_2537 : memref<1x80x512xf32, #tpu.memory_space<vmem>> -> memref<80x512xf32, #tpu.memory_space<vmem>>
    %dma_start3A_2539 = arith.constant 0 : i32
    %dma_start3A_2540 = tpu.memref_slice %arg2[%add3A_2524, %dma_start3A_2539] : memref<100000x512xf32, #tpu.memory_space<hbm>> -> memref<80x512xf32, #tpu.memory_space<hbm>>
    tpu.enqueue_dma source(%dma_start3A_2540 : memref<80x512xf32, #tpu.memory_space<hbm>>) target(%dma_start3A_2538 : memref<80x512xf32, #tpu.memory_space<vmem>>) target_semaphore(%dma_start3A_2534 : memref<!tpu.dma_semaphore, #tpu.memory_space<semaphore_mem>>)
    %add3A_2541 = arith.constant 2800 : i32
    %add3A_2542 = arith.addi %mul3A_2, %add3A_2541 : i32
    %dma_wait3A_2543 = arith.constant 2 : i32
    %dma_wait3A_2544 = arith.constant 2 : i32
    %dma_wait3A_2545 = arith.constant 0 : i32
    %dma_wait3A_2546 = arith.constant 0 : i32
    %dma_wait3A_2547 = tpu.memref_slice %arg4[%dma_wait3A_2543, %dma_wait3A_2545, %dma_wait3A_2546] : memref<3x80x512xf32, #tpu.memory_space<vmem>> -> memref<1x80x512xf32, #tpu.memory_space<vmem>>
    %dma_wait3A_2548 = tpu.memref_squeeze %dma_wait3A_2547 : memref<1x80x512xf32, #tpu.memory_space<vmem>> -> memref<80x512xf32, #tpu.memory_space<vmem>>
    %dma_wait3A_2549 = arith.constant 0 : i32
    %dma_wait3A_2550 = tpu.memref_slice %arg2[%add3A_2542, %dma_wait3A_2549] : memref<100000x512xf32, #tpu.memory_space<hbm>> -> memref<80x512xf32, #tpu.memory_space<hbm>>
    %dma_wait3A_2551 = tpu.memref_slice %arg5[%dma_wait3A_2544] : memref<3x!tpu.dma_semaphore, #tpu.memory_space<semaphore_mem>> -> memref<1x!tpu.dma_semaphore, #tpu.memory_space<semaphore_mem>>
    %dma_wait3A_2552 = tpu.memref_squeeze %dma_wait3A_2551 : memref<1x!tpu.dma_semaphore, #tpu.memory_space<semaphore_mem>> -> memref<!tpu.dma_semaphore, #tpu.memory_space<semaphore_mem>>
    %dma_wait3A_2553 = arith.constant 0 : i32
    %dma_wait3A_2554 = arith.constant 0 : i32
    %dma_wait3A_2555 = tpu.memref_slice %arg4[%dma_wait3A_2543, %dma_wait3A_2553, %dma_wait3A_2554] : memref<3x80x512xf32, #tpu.memory_space<vmem>> -> memref<1x80x512xf32, #tpu.memory_space<vmem>>
    %dma_wait3A_2556 = tpu.memref_squeeze %dma_wait3A_2555 : memref<1x80x512xf32, #tpu.memory_space<vmem>> -> memref<80x512xf32, #tpu.memory_space<vmem>>
    %dma_wait3A_2557 = arith.constant 0 : i32
    %dma_wait3A_2558 = tpu.memref_slice %arg2[%add3A_2542, %dma_wait3A_2557] : memref<100000x512xf32, #tpu.memory_space<hbm>> -> memref<80x512xf32, #tpu.memory_space<hbm>>
    tpu.wait_dma2 semaphore(%dma_wait3A_2552 : memref<!tpu.dma_semaphore, #tpu.memory_space<semaphore_mem>>) src(%dma_wait3A_2558 : memref<80x512xf32, #tpu.memory_space<hbm>>) dst(%dma_wait3A_2556 : memref<80x512xf32, #tpu.memory_space<vmem>>)
    %add3A_2559 = arith.constant 2800 : i32
    %add3A_2560 = arith.addi %mul3A_2, %add3A_2559 : i32
    %dma_start3A_2561 = arith.constant 2 : i32
    %dma_start3A_2562 = arith.constant 2 : i32
    %dma_start3A_2563 = arith.constant 0 : i32
    %dma_start3A_2564 = arith.constant 0 : i32
    %dma_start3A_2565 = tpu.memref_slice %arg4[%dma_start3A_2561, %dma_start3A_2563, %dma_start3A_2564] : memref<3x80x512xf32, #tpu.memory_space<vmem>> -> memref<1x80x512xf32, #tpu.memory_space<vmem>>
    %dma_start3A_2566 = tpu.memref_squeeze %dma_start3A_2565 : memref<1x80x512xf32, #tpu.memory_space<vmem>> -> memref<80x512xf32, #tpu.memory_space<vmem>>
    %dma_start3A_2567 = arith.constant 0 : i32
    %dma_start3A_2568 = tpu.memref_slice %arg3[%add3A_2560, %dma_start3A_2567] : memref<100000x512xf32, #tpu.memory_space<hbm>> -> memref<80x512xf32, #tpu.memory_space<hbm>>
    %dma_start3A_2569 = tpu.memref_slice %arg6[%dma_start3A_2562] : memref<3x!tpu.dma_semaphore, #tpu.memory_space<semaphore_mem>> -> memref<1x!tpu.dma_semaphore, #tpu.memory_space<semaphore_mem>>
    %dma_start3A_2570 = tpu.memref_squeeze %dma_start3A_2569 : memref<1x!tpu.dma_semaphore, #tpu.memory_space<semaphore_mem>> -> memref<!tpu.dma_semaphore, #tpu.memory_space<semaphore_mem>>
    %dma_start3A_2571 = arith.constant 0 : i32
    %dma_start3A_2572 = tpu.memref_slice %arg3[%add3A_2560, %dma_start3A_2571] : memref<100000x512xf32, #tpu.memory_space<hbm>> -> memref<80x512xf32, #tpu.memory_space<hbm>>
    %dma_start3A_2573 = arith.constant 0 : i32
    %dma_start3A_2574 = arith.constant 0 : i32
    %dma_start3A_2575 = tpu.memref_slice %arg4[%dma_start3A_2561, %dma_start3A_2573, %dma_start3A_2574] : memref<3x80x512xf32, #tpu.memory_space<vmem>> -> memref<1x80x512xf32, #tpu.memory_space<vmem>>
    %dma_start3A_2576 = tpu.memref_squeeze %dma_start3A_2575 : memref<1x80x512xf32, #tpu.memory_space<vmem>> -> memref<80x512xf32, #tpu.memory_space<vmem>>
    tpu.enqueue_dma source(%dma_start3A_2576 : memref<80x512xf32, #tpu.memory_space<vmem>>) target(%dma_start3A_2572 : memref<80x512xf32, #tpu.memory_space<hbm>>) target_semaphore(%dma_start3A_2570 : memref<!tpu.dma_semaphore, #tpu.memory_space<semaphore_mem>>)
    %add3A_2577 = arith.constant 2720 : i32
    %add3A_2578 = arith.addi %mul3A_2, %add3A_2577 : i32
    %dma_wait3A_2579 = arith.constant 1 : i32
    %dma_wait3A_2580 = arith.constant 1 : i32
    %dma_wait3A_2581 = arith.constant 0 : i32
    %dma_wait3A_2582 = arith.constant 0 : i32
    %dma_wait3A_2583 = tpu.memref_slice %arg4[%dma_wait3A_2579, %dma_wait3A_2581, %dma_wait3A_2582] : memref<3x80x512xf32, #tpu.memory_space<vmem>> -> memref<1x80x512xf32, #tpu.memory_space<vmem>>
    %dma_wait3A_2584 = tpu.memref_squeeze %dma_wait3A_2583 : memref<1x80x512xf32, #tpu.memory_space<vmem>> -> memref<80x512xf32, #tpu.memory_space<vmem>>
    %dma_wait3A_2585 = arith.constant 0 : i32
    %dma_wait3A_2586 = tpu.memref_slice %arg3[%add3A_2578, %dma_wait3A_2585] : memref<100000x512xf32, #tpu.memory_space<hbm>> -> memref<80x512xf32, #tpu.memory_space<hbm>>
    %dma_wait3A_2587 = tpu.memref_slice %arg6[%dma_wait3A_2580] : memref<3x!tpu.dma_semaphore, #tpu.memory_space<semaphore_mem>> -> memref<1x!tpu.dma_semaphore, #tpu.memory_space<semaphore_mem>>
    %dma_wait3A_2588 = tpu.memref_squeeze %dma_wait3A_2587 : memref<1x!tpu.dma_semaphore, #tpu.memory_space<semaphore_mem>> -> memref<!tpu.dma_semaphore, #tpu.memory_space<semaphore_mem>>
    %dma_wait3A_2589 = arith.constant 0 : i32
    %dma_wait3A_2590 = tpu.memref_slice %arg3[%add3A_2578, %dma_wait3A_2589] : memref<100000x512xf32, #tpu.memory_space<hbm>> -> memref<80x512xf32, #tpu.memory_space<hbm>>
    %dma_wait3A_2591 = arith.constant 0 : i32
    %dma_wait3A_2592 = arith.constant 0 : i32
    %dma_wait3A_2593 = tpu.memref_slice %arg4[%dma_wait3A_2579, %dma_wait3A_2591, %dma_wait3A_2592] : memref<3x80x512xf32, #tpu.memory_space<vmem>> -> memref<1x80x512xf32, #tpu.memory_space<vmem>>
    %dma_wait3A_2594 = tpu.memref_squeeze %dma_wait3A_2593 : memref<1x80x512xf32, #tpu.memory_space<vmem>> -> memref<80x512xf32, #tpu.memory_space<vmem>>
    tpu.wait_dma2 semaphore(%dma_wait3A_2588 : memref<!tpu.dma_semaphore, #tpu.memory_space<semaphore_mem>>) src(%dma_wait3A_2594 : memref<80x512xf32, #tpu.memory_space<vmem>>) dst(%dma_wait3A_2590 : memref<80x512xf32, #tpu.memory_space<hbm>>)
    %add3A_2595 = arith.constant 2960 : i32
    %add3A_2596 = arith.addi %mul3A_2, %add3A_2595 : i32
    %dma_start3A_2597 = arith.constant 1 : i32
    %dma_start3A_2598 = arith.constant 1 : i32
    %dma_start3A_2599 = arith.constant 0 : i32
    %dma_start3A_2600 = arith.constant 0 : i32
    %dma_start3A_2601 = tpu.memref_slice %arg4[%dma_start3A_2597, %dma_start3A_2599, %dma_start3A_2600] : memref<3x80x512xf32, #tpu.memory_space<vmem>> -> memref<1x80x512xf32, #tpu.memory_space<vmem>>
    %dma_start3A_2602 = tpu.memref_squeeze %dma_start3A_2601 : memref<1x80x512xf32, #tpu.memory_space<vmem>> -> memref<80x512xf32, #tpu.memory_space<vmem>>
    %dma_start3A_2603 = arith.constant 0 : i32
    %dma_start3A_2604 = tpu.memref_slice %arg2[%add3A_2596, %dma_start3A_2603] : memref<100000x512xf32, #tpu.memory_space<hbm>> -> memref<80x512xf32, #tpu.memory_space<hbm>>
    %dma_start3A_2605 = tpu.memref_slice %arg5[%dma_start3A_2598] : memref<3x!tpu.dma_semaphore, #tpu.memory_space<semaphore_mem>> -> memref<1x!tpu.dma_semaphore, #tpu.memory_space<semaphore_mem>>
    %dma_start3A_2606 = tpu.memref_squeeze %dma_start3A_2605 : memref<1x!tpu.dma_semaphore, #tpu.memory_space<semaphore_mem>> -> memref<!tpu.dma_semaphore, #tpu.memory_space<semaphore_mem>>
    %dma_start3A_2607 = arith.constant 0 : i32
    %dma_start3A_2608 = arith.constant 0 : i32
    %dma_start3A_2609 = tpu.memref_slice %arg4[%dma_start3A_2597, %dma_start3A_2607, %dma_start3A_2608] : memref<3x80x512xf32, #tpu.memory_space<vmem>> -> memref<1x80x512xf32, #tpu.memory_space<vmem>>
    %dma_start3A_2610 = tpu.memref_squeeze %dma_start3A_2609 : memref<1x80x512xf32, #tpu.memory_space<vmem>> -> memref<80x512xf32, #tpu.memory_space<vmem>>
    %dma_start3A_2611 = arith.constant 0 : i32
    %dma_start3A_2612 = tpu.memref_slice %arg2[%add3A_2596, %dma_start3A_2611] : memref<100000x512xf32, #tpu.memory_space<hbm>> -> memref<80x512xf32, #tpu.memory_space<hbm>>
    tpu.enqueue_dma source(%dma_start3A_2612 : memref<80x512xf32, #tpu.memory_space<hbm>>) target(%dma_start3A_2610 : memref<80x512xf32, #tpu.memory_space<vmem>>) target_semaphore(%dma_start3A_2606 : memref<!tpu.dma_semaphore, #tpu.memory_space<semaphore_mem>>)
    %add3A_2613 = arith.constant 2880 : i32
    %add3A_2614 = arith.addi %mul3A_2, %add3A_2613 : i32
    %dma_wait3A_2615 = arith.constant 0 : i32
    %dma_wait3A_2616 = arith.constant 0 : i32
    %dma_wait3A_2617 = arith.constant 0 : i32
    %dma_wait3A_2618 = arith.constant 0 : i32
    %dma_wait3A_2619 = tpu.memref_slice %arg4[%dma_wait3A_2615, %dma_wait3A_2617, %dma_wait3A_2618] : memref<3x80x512xf32, #tpu.memory_space<vmem>> -> memref<1x80x512xf32, #tpu.memory_space<vmem>>
    %dma_wait3A_2620 = tpu.memref_squeeze %dma_wait3A_2619 : memref<1x80x512xf32, #tpu.memory_space<vmem>> -> memref<80x512xf32, #tpu.memory_space<vmem>>
    %dma_wait3A_2621 = arith.constant 0 : i32
    %dma_wait3A_2622 = tpu.memref_slice %arg2[%add3A_2614, %dma_wait3A_2621] : memref<100000x512xf32, #tpu.memory_space<hbm>> -> memref<80x512xf32, #tpu.memory_space<hbm>>
    %dma_wait3A_2623 = tpu.memref_slice %arg5[%dma_wait3A_2616] : memref<3x!tpu.dma_semaphore, #tpu.memory_space<semaphore_mem>> -> memref<1x!tpu.dma_semaphore, #tpu.memory_space<semaphore_mem>>
    %dma_wait3A_2624 = tpu.memref_squeeze %dma_wait3A_2623 : memref<1x!tpu.dma_semaphore, #tpu.memory_space<semaphore_mem>> -> memref<!tpu.dma_semaphore, #tpu.memory_space<semaphore_mem>>
    %dma_wait3A_2625 = arith.constant 0 : i32
    %dma_wait3A_2626 = arith.constant 0 : i32
    %dma_wait3A_2627 = tpu.memref_slice %arg4[%dma_wait3A_2615, %dma_wait3A_2625, %dma_wait3A_2626] : memref<3x80x512xf32, #tpu.memory_space<vmem>> -> memref<1x80x512xf32, #tpu.memory_space<vmem>>
    %dma_wait3A_2628 = tpu.memref_squeeze %dma_wait3A_2627 : memref<1x80x512xf32, #tpu.memory_space<vmem>> -> memref<80x512xf32, #tpu.memory_space<vmem>>
    %dma_wait3A_2629 = arith.constant 0 : i32
    %dma_wait3A_2630 = tpu.memref_slice %arg2[%add3A_2614, %dma_wait3A_2629] : memref<100000x512xf32, #tpu.memory_space<hbm>> -> memref<80x512xf32, #tpu.memory_space<hbm>>
    tpu.wait_dma2 semaphore(%dma_wait3A_2624 : memref<!tpu.dma_semaphore, #tpu.memory_space<semaphore_mem>>) src(%dma_wait3A_2630 : memref<80x512xf32, #tpu.memory_space<hbm>>) dst(%dma_wait3A_2628 : memref<80x512xf32, #tpu.memory_space<vmem>>)
    %add3A_2631 = arith.constant 2880 : i32
    %add3A_2632 = arith.addi %mul3A_2, %add3A_2631 : i32
    %dma_start3A_2633 = arith.constant 0 : i32
    %dma_start3A_2634 = arith.constant 0 : i32
    %dma_start3A_2635 = arith.constant 0 : i32
    %dma_start3A_2636 = arith.constant 0 : i32
    %dma_start3A_2637 = tpu.memref_slice %arg4[%dma_start3A_2633, %dma_start3A_2635, %dma_start3A_2636] : memref<3x80x512xf32, #tpu.memory_space<vmem>> -> memref<1x80x512xf32, #tpu.memory_space<vmem>>
    %dma_start3A_2638 = tpu.memref_squeeze %dma_start3A_2637 : memref<1x80x512xf32, #tpu.memory_space<vmem>> -> memref<80x512xf32, #tpu.memory_space<vmem>>
    %dma_start3A_2639 = arith.constant 0 : i32
    %dma_start3A_2640 = tpu.memref_slice %arg3[%add3A_2632, %dma_start3A_2639] : memref<100000x512xf32, #tpu.memory_space<hbm>> -> memref<80x512xf32, #tpu.memory_space<hbm>>
    %dma_start3A_2641 = tpu.memref_slice %arg6[%dma_start3A_2634] : memref<3x!tpu.dma_semaphore, #tpu.memory_space<semaphore_mem>> -> memref<1x!tpu.dma_semaphore, #tpu.memory_space<semaphore_mem>>
    %dma_start3A_2642 = tpu.memref_squeeze %dma_start3A_2641 : memref<1x!tpu.dma_semaphore, #tpu.memory_space<semaphore_mem>> -> memref<!tpu.dma_semaphore, #tpu.memory_space<semaphore_mem>>
    %dma_start3A_2643 = arith.constant 0 : i32
    %dma_start3A_2644 = tpu.memref_slice %arg3[%add3A_2632, %dma_start3A_2643] : memref<100000x512xf32, #tpu.memory_space<hbm>> -> memref<80x512xf32, #tpu.memory_space<hbm>>
    %dma_start3A_2645 = arith.constant 0 : i32
    %dma_start3A_2646 = arith.constant 0 : i32
    %dma_start3A_2647 = tpu.memref_slice %arg4[%dma_start3A_2633, %dma_start3A_2645, %dma_start3A_2646] : memref<3x80x512xf32, #tpu.memory_space<vmem>> -> memref<1x80x512xf32, #tpu.memory_space<vmem>>
    %dma_start3A_2648 = tpu.memref_squeeze %dma_start3A_2647 : memref<1x80x512xf32, #tpu.memory_space<vmem>> -> memref<80x512xf32, #tpu.memory_space<vmem>>
    tpu.enqueue_dma source(%dma_start3A_2648 : memref<80x512xf32, #tpu.memory_space<vmem>>) target(%dma_start3A_2644 : memref<80x512xf32, #tpu.memory_space<hbm>>) target_semaphore(%dma_start3A_2642 : memref<!tpu.dma_semaphore, #tpu.memory_space<semaphore_mem>>)
    %add3A_2649 = arith.constant 2800 : i32
    %add3A_2650 = arith.addi %mul3A_2, %add3A_2649 : i32
    %dma_wait3A_2651 = arith.constant 2 : i32
    %dma_wait3A_2652 = arith.constant 2 : i32
    %dma_wait3A_2653 = arith.constant 0 : i32
    %dma_wait3A_2654 = arith.constant 0 : i32
    %dma_wait3A_2655 = tpu.memref_slice %arg4[%dma_wait3A_2651, %dma_wait3A_2653, %dma_wait3A_2654] : memref<3x80x512xf32, #tpu.memory_space<vmem>> -> memref<1x80x512xf32, #tpu.memory_space<vmem>>
    %dma_wait3A_2656 = tpu.memref_squeeze %dma_wait3A_2655 : memref<1x80x512xf32, #tpu.memory_space<vmem>> -> memref<80x512xf32, #tpu.memory_space<vmem>>
    %dma_wait3A_2657 = arith.constant 0 : i32
    %dma_wait3A_2658 = tpu.memref_slice %arg3[%add3A_2650, %dma_wait3A_2657] : memref<100000x512xf32, #tpu.memory_space<hbm>> -> memref<80x512xf32, #tpu.memory_space<hbm>>
    %dma_wait3A_2659 = tpu.memref_slice %arg6[%dma_wait3A_2652] : memref<3x!tpu.dma_semaphore, #tpu.memory_space<semaphore_mem>> -> memref<1x!tpu.dma_semaphore, #tpu.memory_space<semaphore_mem>>
    %dma_wait3A_2660 = tpu.memref_squeeze %dma_wait3A_2659 : memref<1x!tpu.dma_semaphore, #tpu.memory_space<semaphore_mem>> -> memref<!tpu.dma_semaphore, #tpu.memory_space<semaphore_mem>>
    %dma_wait3A_2661 = arith.constant 0 : i32
    %dma_wait3A_2662 = tpu.memref_slice %arg3[%add3A_2650, %dma_wait3A_2661] : memref<100000x512xf32, #tpu.memory_space<hbm>> -> memref<80x512xf32, #tpu.memory_space<hbm>>
    %dma_wait3A_2663 = arith.constant 0 : i32
    %dma_wait3A_2664 = arith.constant 0 : i32
    %dma_wait3A_2665 = tpu.memref_slice %arg4[%dma_wait3A_2651, %dma_wait3A_2663, %dma_wait3A_2664] : memref<3x80x512xf32, #tpu.memory_space<vmem>> -> memref<1x80x512xf32, #tpu.memory_space<vmem>>
    %dma_wait3A_2666 = tpu.memref_squeeze %dma_wait3A_2665 : memref<1x80x512xf32, #tpu.memory_space<vmem>> -> memref<80x512xf32, #tpu.memory_space<vmem>>
    tpu.wait_dma2 semaphore(%dma_wait3A_2660 : memref<!tpu.dma_semaphore, #tpu.memory_space<semaphore_mem>>) src(%dma_wait3A_2666 : memref<80x512xf32, #tpu.memory_space<vmem>>) dst(%dma_wait3A_2662 : memref<80x512xf32, #tpu.memory_space<hbm>>)
    %add3A_2667 = arith.constant 3040 : i32
    %add3A_2668 = arith.addi %mul3A_2, %add3A_2667 : i32
    %dma_start3A_2669 = arith.constant 2 : i32
    %dma_start3A_2670 = arith.constant 2 : i32
    %dma_start3A_2671 = arith.constant 0 : i32
    %dma_start3A_2672 = arith.constant 0 : i32
    %dma_start3A_2673 = tpu.memref_slice %arg4[%dma_start3A_2669, %dma_start3A_2671, %dma_start3A_2672] : memref<3x80x512xf32, #tpu.memory_space<vmem>> -> memref<1x80x512xf32, #tpu.memory_space<vmem>>
    %dma_start3A_2674 = tpu.memref_squeeze %dma_start3A_2673 : memref<1x80x512xf32, #tpu.memory_space<vmem>> -> memref<80x512xf32, #tpu.memory_space<vmem>>
    %dma_start3A_2675 = arith.constant 0 : i32
    %dma_start3A_2676 = tpu.memref_slice %arg2[%add3A_2668, %dma_start3A_2675] : memref<100000x512xf32, #tpu.memory_space<hbm>> -> memref<80x512xf32, #tpu.memory_space<hbm>>
    %dma_start3A_2677 = tpu.memref_slice %arg5[%dma_start3A_2670] : memref<3x!tpu.dma_semaphore, #tpu.memory_space<semaphore_mem>> -> memref<1x!tpu.dma_semaphore, #tpu.memory_space<semaphore_mem>>
    %dma_start3A_2678 = tpu.memref_squeeze %dma_start3A_2677 : memref<1x!tpu.dma_semaphore, #tpu.memory_space<semaphore_mem>> -> memref<!tpu.dma_semaphore, #tpu.memory_space<semaphore_mem>>
    %dma_start3A_2679 = arith.constant 0 : i32
    %dma_start3A_2680 = arith.constant 0 : i32
    %dma_start3A_2681 = tpu.memref_slice %arg4[%dma_start3A_2669, %dma_start3A_2679, %dma_start3A_2680] : memref<3x80x512xf32, #tpu.memory_space<vmem>> -> memref<1x80x512xf32, #tpu.memory_space<vmem>>
    %dma_start3A_2682 = tpu.memref_squeeze %dma_start3A_2681 : memref<1x80x512xf32, #tpu.memory_space<vmem>> -> memref<80x512xf32, #tpu.memory_space<vmem>>
    %dma_start3A_2683 = arith.constant 0 : i32
    %dma_start3A_2684 = tpu.memref_slice %arg2[%add3A_2668, %dma_start3A_2683] : memref<100000x512xf32, #tpu.memory_space<hbm>> -> memref<80x512xf32, #tpu.memory_space<hbm>>
    tpu.enqueue_dma source(%dma_start3A_2684 : memref<80x512xf32, #tpu.memory_space<hbm>>) target(%dma_start3A_2682 : memref<80x512xf32, #tpu.memory_space<vmem>>) target_semaphore(%dma_start3A_2678 : memref<!tpu.dma_semaphore, #tpu.memory_space<semaphore_mem>>)
    %add3A_2685 = arith.constant 2960 : i32
    %add3A_2686 = arith.addi %mul3A_2, %add3A_2685 : i32
    %dma_wait3A_2687 = arith.constant 1 : i32
    %dma_wait3A_2688 = arith.constant 1 : i32
    %dma_wait3A_2689 = arith.constant 0 : i32
    %dma_wait3A_2690 = arith.constant 0 : i32
    %dma_wait3A_2691 = tpu.memref_slice %arg4[%dma_wait3A_2687, %dma_wait3A_2689, %dma_wait3A_2690] : memref<3x80x512xf32, #tpu.memory_space<vmem>> -> memref<1x80x512xf32, #tpu.memory_space<vmem>>
    %dma_wait3A_2692 = tpu.memref_squeeze %dma_wait3A_2691 : memref<1x80x512xf32, #tpu.memory_space<vmem>> -> memref<80x512xf32, #tpu.memory_space<vmem>>
    %dma_wait3A_2693 = arith.constant 0 : i32
    %dma_wait3A_2694 = tpu.memref_slice %arg2[%add3A_2686, %dma_wait3A_2693] : memref<100000x512xf32, #tpu.memory_space<hbm>> -> memref<80x512xf32, #tpu.memory_space<hbm>>
    %dma_wait3A_2695 = tpu.memref_slice %arg5[%dma_wait3A_2688] : memref<3x!tpu.dma_semaphore, #tpu.memory_space<semaphore_mem>> -> memref<1x!tpu.dma_semaphore, #tpu.memory_space<semaphore_mem>>
    %dma_wait3A_2696 = tpu.memref_squeeze %dma_wait3A_2695 : memref<1x!tpu.dma_semaphore, #tpu.memory_space<semaphore_mem>> -> memref<!tpu.dma_semaphore, #tpu.memory_space<semaphore_mem>>
    %dma_wait3A_2697 = arith.constant 0 : i32
    %dma_wait3A_2698 = arith.constant 0 : i32
    %dma_wait3A_2699 = tpu.memref_slice %arg4[%dma_wait3A_2687, %dma_wait3A_2697, %dma_wait3A_2698] : memref<3x80x512xf32, #tpu.memory_space<vmem>> -> memref<1x80x512xf32, #tpu.memory_space<vmem>>
    %dma_wait3A_2700 = tpu.memref_squeeze %dma_wait3A_2699 : memref<1x80x512xf32, #tpu.memory_space<vmem>> -> memref<80x512xf32, #tpu.memory_space<vmem>>
    %dma_wait3A_2701 = arith.constant 0 : i32
    %dma_wait3A_2702 = tpu.memref_slice %arg2[%add3A_2686, %dma_wait3A_2701] : memref<100000x512xf32, #tpu.memory_space<hbm>> -> memref<80x512xf32, #tpu.memory_space<hbm>>
    tpu.wait_dma2 semaphore(%dma_wait3A_2696 : memref<!tpu.dma_semaphore, #tpu.memory_space<semaphore_mem>>) src(%dma_wait3A_2702 : memref<80x512xf32, #tpu.memory_space<hbm>>) dst(%dma_wait3A_2700 : memref<80x512xf32, #tpu.memory_space<vmem>>)
    %add3A_2703 = arith.constant 2960 : i32
    %add3A_2704 = arith.addi %mul3A_2, %add3A_2703 : i32
    %dma_start3A_2705 = arith.constant 1 : i32
    %dma_start3A_2706 = arith.constant 1 : i32
    %dma_start3A_2707 = arith.constant 0 : i32
    %dma_start3A_2708 = arith.constant 0 : i32
    %dma_start3A_2709 = tpu.memref_slice %arg4[%dma_start3A_2705, %dma_start3A_2707, %dma_start3A_2708] : memref<3x80x512xf32, #tpu.memory_space<vmem>> -> memref<1x80x512xf32, #tpu.memory_space<vmem>>
    %dma_start3A_2710 = tpu.memref_squeeze %dma_start3A_2709 : memref<1x80x512xf32, #tpu.memory_space<vmem>> -> memref<80x512xf32, #tpu.memory_space<vmem>>
    %dma_start3A_2711 = arith.constant 0 : i32
    %dma_start3A_2712 = tpu.memref_slice %arg3[%add3A_2704, %dma_start3A_2711] : memref<100000x512xf32, #tpu.memory_space<hbm>> -> memref<80x512xf32, #tpu.memory_space<hbm>>
    %dma_start3A_2713 = tpu.memref_slice %arg6[%dma_start3A_2706] : memref<3x!tpu.dma_semaphore, #tpu.memory_space<semaphore_mem>> -> memref<1x!tpu.dma_semaphore, #tpu.memory_space<semaphore_mem>>
    %dma_start3A_2714 = tpu.memref_squeeze %dma_start3A_2713 : memref<1x!tpu.dma_semaphore, #tpu.memory_space<semaphore_mem>> -> memref<!tpu.dma_semaphore, #tpu.memory_space<semaphore_mem>>
    %dma_start3A_2715 = arith.constant 0 : i32
    %dma_start3A_2716 = tpu.memref_slice %arg3[%add3A_2704, %dma_start3A_2715] : memref<100000x512xf32, #tpu.memory_space<hbm>> -> memref<80x512xf32, #tpu.memory_space<hbm>>
    %dma_start3A_2717 = arith.constant 0 : i32
    %dma_start3A_2718 = arith.constant 0 : i32
    %dma_start3A_2719 = tpu.memref_slice %arg4[%dma_start3A_2705, %dma_start3A_2717, %dma_start3A_2718] : memref<3x80x512xf32, #tpu.memory_space<vmem>> -> memref<1x80x512xf32, #tpu.memory_space<vmem>>
    %dma_start3A_2720 = tpu.memref_squeeze %dma_start3A_2719 : memref<1x80x512xf32, #tpu.memory_space<vmem>> -> memref<80x512xf32, #tpu.memory_space<vmem>>
    tpu.enqueue_dma source(%dma_start3A_2720 : memref<80x512xf32, #tpu.memory_space<vmem>>) target(%dma_start3A_2716 : memref<80x512xf32, #tpu.memory_space<hbm>>) target_semaphore(%dma_start3A_2714 : memref<!tpu.dma_semaphore, #tpu.memory_space<semaphore_mem>>)
    %add3A_2721 = arith.constant 3040 : i32
    %add3A_2722 = arith.addi %mul3A_2, %add3A_2721 : i32
    %dma_wait3A_2723 = arith.constant 2 : i32
    %dma_wait3A_2724 = arith.constant 2 : i32
    %dma_wait3A_2725 = arith.constant 0 : i32
    %dma_wait3A_2726 = arith.constant 0 : i32
    %dma_wait3A_2727 = tpu.memref_slice %arg4[%dma_wait3A_2723, %dma_wait3A_2725, %dma_wait3A_2726] : memref<3x80x512xf32, #tpu.memory_space<vmem>> -> memref<1x80x512xf32, #tpu.memory_space<vmem>>
    %dma_wait3A_2728 = tpu.memref_squeeze %dma_wait3A_2727 : memref<1x80x512xf32, #tpu.memory_space<vmem>> -> memref<80x512xf32, #tpu.memory_space<vmem>>
    %dma_wait3A_2729 = arith.constant 0 : i32
    %dma_wait3A_2730 = tpu.memref_slice %arg2[%add3A_2722, %dma_wait3A_2729] : memref<100000x512xf32, #tpu.memory_space<hbm>> -> memref<80x512xf32, #tpu.memory_space<hbm>>
    %dma_wait3A_2731 = tpu.memref_slice %arg5[%dma_wait3A_2724] : memref<3x!tpu.dma_semaphore, #tpu.memory_space<semaphore_mem>> -> memref<1x!tpu.dma_semaphore, #tpu.memory_space<semaphore_mem>>
    %dma_wait3A_2732 = tpu.memref_squeeze %dma_wait3A_2731 : memref<1x!tpu.dma_semaphore, #tpu.memory_space<semaphore_mem>> -> memref<!tpu.dma_semaphore, #tpu.memory_space<semaphore_mem>>
    %dma_wait3A_2733 = arith.constant 0 : i32
    %dma_wait3A_2734 = arith.constant 0 : i32
    %dma_wait3A_2735 = tpu.memref_slice %arg4[%dma_wait3A_2723, %dma_wait3A_2733, %dma_wait3A_2734] : memref<3x80x512xf32, #tpu.memory_space<vmem>> -> memref<1x80x512xf32, #tpu.memory_space<vmem>>
    %dma_wait3A_2736 = tpu.memref_squeeze %dma_wait3A_2735 : memref<1x80x512xf32, #tpu.memory_space<vmem>> -> memref<80x512xf32, #tpu.memory_space<vmem>>
    %dma_wait3A_2737 = arith.constant 0 : i32
    %dma_wait3A_2738 = tpu.memref_slice %arg2[%add3A_2722, %dma_wait3A_2737] : memref<100000x512xf32, #tpu.memory_space<hbm>> -> memref<80x512xf32, #tpu.memory_space<hbm>>
    tpu.wait_dma2 semaphore(%dma_wait3A_2732 : memref<!tpu.dma_semaphore, #tpu.memory_space<semaphore_mem>>) src(%dma_wait3A_2738 : memref<80x512xf32, #tpu.memory_space<hbm>>) dst(%dma_wait3A_2736 : memref<80x512xf32, #tpu.memory_space<vmem>>)
    %add3A_2739 = arith.constant 3040 : i32
    %add3A_2740 = arith.addi %mul3A_2, %add3A_2739 : i32
    %dma_start3A_2741 = arith.constant 2 : i32
    %dma_start3A_2742 = arith.constant 2 : i32
    %dma_start3A_2743 = arith.constant 0 : i32
    %dma_start3A_2744 = arith.constant 0 : i32
    %dma_start3A_2745 = tpu.memref_slice %arg4[%dma_start3A_2741, %dma_start3A_2743, %dma_start3A_2744] : memref<3x80x512xf32, #tpu.memory_space<vmem>> -> memref<1x80x512xf32, #tpu.memory_space<vmem>>
    %dma_start3A_2746 = tpu.memref_squeeze %dma_start3A_2745 : memref<1x80x512xf32, #tpu.memory_space<vmem>> -> memref<80x512xf32, #tpu.memory_space<vmem>>
    %dma_start3A_2747 = arith.constant 0 : i32
    %dma_start3A_2748 = tpu.memref_slice %arg3[%add3A_2740, %dma_start3A_2747] : memref<100000x512xf32, #tpu.memory_space<hbm>> -> memref<80x512xf32, #tpu.memory_space<hbm>>
    %dma_start3A_2749 = tpu.memref_slice %arg6[%dma_start3A_2742] : memref<3x!tpu.dma_semaphore, #tpu.memory_space<semaphore_mem>> -> memref<1x!tpu.dma_semaphore, #tpu.memory_space<semaphore_mem>>
    %dma_start3A_2750 = tpu.memref_squeeze %dma_start3A_2749 : memref<1x!tpu.dma_semaphore, #tpu.memory_space<semaphore_mem>> -> memref<!tpu.dma_semaphore, #tpu.memory_space<semaphore_mem>>
    %dma_start3A_2751 = arith.constant 0 : i32
    %dma_start3A_2752 = tpu.memref_slice %arg3[%add3A_2740, %dma_start3A_2751] : memref<100000x512xf32, #tpu.memory_space<hbm>> -> memref<80x512xf32, #tpu.memory_space<hbm>>
    %dma_start3A_2753 = arith.constant 0 : i32
    %dma_start3A_2754 = arith.constant 0 : i32
    %dma_start3A_2755 = tpu.memref_slice %arg4[%dma_start3A_2741, %dma_start3A_2753, %dma_start3A_2754] : memref<3x80x512xf32, #tpu.memory_space<vmem>> -> memref<1x80x512xf32, #tpu.memory_space<vmem>>
    %dma_start3A_2756 = tpu.memref_squeeze %dma_start3A_2755 : memref<1x80x512xf32, #tpu.memory_space<vmem>> -> memref<80x512xf32, #tpu.memory_space<vmem>>
    tpu.enqueue_dma source(%dma_start3A_2756 : memref<80x512xf32, #tpu.memory_space<vmem>>) target(%dma_start3A_2752 : memref<80x512xf32, #tpu.memory_space<hbm>>) target_semaphore(%dma_start3A_2750 : memref<!tpu.dma_semaphore, #tpu.memory_space<semaphore_mem>>)
    %add3A_2757 = arith.constant 2880 : i32
    %add3A_2758 = arith.addi %mul3A_2, %add3A_2757 : i32
    %dma_wait3A_2759 = arith.constant 0 : i32
    %dma_wait3A_2760 = arith.constant 0 : i32
    %dma_wait3A_2761 = arith.constant 0 : i32
    %dma_wait3A_2762 = arith.constant 0 : i32
    %dma_wait3A_2763 = tpu.memref_slice %arg4[%dma_wait3A_2759, %dma_wait3A_2761, %dma_wait3A_2762] : memref<3x80x512xf32, #tpu.memory_space<vmem>> -> memref<1x80x512xf32, #tpu.memory_space<vmem>>
    %dma_wait3A_2764 = tpu.memref_squeeze %dma_wait3A_2763 : memref<1x80x512xf32, #tpu.memory_space<vmem>> -> memref<80x512xf32, #tpu.memory_space<vmem>>
    %dma_wait3A_2765 = arith.constant 0 : i32
    %dma_wait3A_2766 = tpu.memref_slice %arg3[%add3A_2758, %dma_wait3A_2765] : memref<100000x512xf32, #tpu.memory_space<hbm>> -> memref<80x512xf32, #tpu.memory_space<hbm>>
    %dma_wait3A_2767 = tpu.memref_slice %arg6[%dma_wait3A_2760] : memref<3x!tpu.dma_semaphore, #tpu.memory_space<semaphore_mem>> -> memref<1x!tpu.dma_semaphore, #tpu.memory_space<semaphore_mem>>
    %dma_wait3A_2768 = tpu.memref_squeeze %dma_wait3A_2767 : memref<1x!tpu.dma_semaphore, #tpu.memory_space<semaphore_mem>> -> memref<!tpu.dma_semaphore, #tpu.memory_space<semaphore_mem>>
    %dma_wait3A_2769 = arith.constant 0 : i32
    %dma_wait3A_2770 = tpu.memref_slice %arg3[%add3A_2758, %dma_wait3A_2769] : memref<100000x512xf32, #tpu.memory_space<hbm>> -> memref<80x512xf32, #tpu.memory_space<hbm>>
    %dma_wait3A_2771 = arith.constant 0 : i32
    %dma_wait3A_2772 = arith.constant 0 : i32
    %dma_wait3A_2773 = tpu.memref_slice %arg4[%dma_wait3A_2759, %dma_wait3A_2771, %dma_wait3A_2772] : memref<3x80x512xf32, #tpu.memory_space<vmem>> -> memref<1x80x512xf32, #tpu.memory_space<vmem>>
    %dma_wait3A_2774 = tpu.memref_squeeze %dma_wait3A_2773 : memref<1x80x512xf32, #tpu.memory_space<vmem>> -> memref<80x512xf32, #tpu.memory_space<vmem>>
    tpu.wait_dma2 semaphore(%dma_wait3A_2768 : memref<!tpu.dma_semaphore, #tpu.memory_space<semaphore_mem>>) src(%dma_wait3A_2774 : memref<80x512xf32, #tpu.memory_space<vmem>>) dst(%dma_wait3A_2770 : memref<80x512xf32, #tpu.memory_space<hbm>>)
    %add3A_2775 = arith.constant 2960 : i32
    %add3A_2776 = arith.addi %mul3A_2, %add3A_2775 : i32
    %dma_wait3A_2777 = arith.constant 1 : i32
    %dma_wait3A_2778 = arith.constant 1 : i32
    %dma_wait3A_2779 = arith.constant 0 : i32
    %dma_wait3A_2780 = arith.constant 0 : i32
    %dma_wait3A_2781 = tpu.memref_slice %arg4[%dma_wait3A_2777, %dma_wait3A_2779, %dma_wait3A_2780] : memref<3x80x512xf32, #tpu.memory_space<vmem>> -> memref<1x80x512xf32, #tpu.memory_space<vmem>>
    %dma_wait3A_2782 = tpu.memref_squeeze %dma_wait3A_2781 : memref<1x80x512xf32, #tpu.memory_space<vmem>> -> memref<80x512xf32, #tpu.memory_space<vmem>>
    %dma_wait3A_2783 = arith.constant 0 : i32
    %dma_wait3A_2784 = tpu.memref_slice %arg3[%add3A_2776, %dma_wait3A_2783] : memref<100000x512xf32, #tpu.memory_space<hbm>> -> memref<80x512xf32, #tpu.memory_space<hbm>>
    %dma_wait3A_2785 = tpu.memref_slice %arg6[%dma_wait3A_2778] : memref<3x!tpu.dma_semaphore, #tpu.memory_space<semaphore_mem>> -> memref<1x!tpu.dma_semaphore, #tpu.memory_space<semaphore_mem>>
    %dma_wait3A_2786 = tpu.memref_squeeze %dma_wait3A_2785 : memref<1x!tpu.dma_semaphore, #tpu.memory_space<semaphore_mem>> -> memref<!tpu.dma_semaphore, #tpu.memory_space<semaphore_mem>>
    %dma_wait3A_2787 = arith.constant 0 : i32
    %dma_wait3A_2788 = tpu.memref_slice %arg3[%add3A_2776, %dma_wait3A_2787] : memref<100000x512xf32, #tpu.memory_space<hbm>> -> memref<80x512xf32, #tpu.memory_space<hbm>>
    %dma_wait3A_2789 = arith.constant 0 : i32
    %dma_wait3A_2790 = arith.constant 0 : i32
    %dma_wait3A_2791 = tpu.memref_slice %arg4[%dma_wait3A_2777, %dma_wait3A_2789, %dma_wait3A_2790] : memref<3x80x512xf32, #tpu.memory_space<vmem>> -> memref<1x80x512xf32, #tpu.memory_space<vmem>>
    %dma_wait3A_2792 = tpu.memref_squeeze %dma_wait3A_2791 : memref<1x80x512xf32, #tpu.memory_space<vmem>> -> memref<80x512xf32, #tpu.memory_space<vmem>>
    tpu.wait_dma2 semaphore(%dma_wait3A_2786 : memref<!tpu.dma_semaphore, #tpu.memory_space<semaphore_mem>>) src(%dma_wait3A_2792 : memref<80x512xf32, #tpu.memory_space<vmem>>) dst(%dma_wait3A_2788 : memref<80x512xf32, #tpu.memory_space<hbm>>)
    %add3A_2793 = arith.constant 3040 : i32
    %add3A_2794 = arith.addi %mul3A_2, %add3A_2793 : i32
    %dma_wait3A_2795 = arith.constant 2 : i32
    %dma_wait3A_2796 = arith.constant 2 : i32
    %dma_wait3A_2797 = arith.constant 0 : i32
    %dma_wait3A_2798 = arith.constant 0 : i32
    %dma_wait3A_2799 = tpu.memref_slice %arg4[%dma_wait3A_2795, %dma_wait3A_2797, %dma_wait3A_2798] : memref<3x80x512xf32, #tpu.memory_space<vmem>> -> memref<1x80x512xf32, #tpu.memory_space<vmem>>
    %dma_wait3A_2800 = tpu.memref_squeeze %dma_wait3A_2799 : memref<1x80x512xf32, #tpu.memory_space<vmem>> -> memref<80x512xf32, #tpu.memory_space<vmem>>
    %dma_wait3A_2801 = arith.constant 0 : i32
    %dma_wait3A_2802 = tpu.memref_slice %arg3[%add3A_2794, %dma_wait3A_2801] : memref<100000x512xf32, #tpu.memory_space<hbm>> -> memref<80x512xf32, #tpu.memory_space<hbm>>
    %dma_wait3A_2803 = tpu.memref_slice %arg6[%dma_wait3A_2796] : memref<3x!tpu.dma_semaphore, #tpu.memory_space<semaphore_mem>> -> memref<1x!tpu.dma_semaphore, #tpu.memory_space<semaphore_mem>>
    %dma_wait3A_2804 = tpu.memref_squeeze %dma_wait3A_2803 : memref<1x!tpu.dma_semaphore, #tpu.memory_space<semaphore_mem>> -> memref<!tpu.dma_semaphore, #tpu.memory_space<semaphore_mem>>
    %dma_wait3A_2805 = arith.constant 0 : i32
    %dma_wait3A_2806 = tpu.memref_slice %arg3[%add3A_2794, %dma_wait3A_2805] : memref<100000x512xf32, #tpu.memory_space<hbm>> -> memref<80x512xf32, #tpu.memory_space<hbm>>
    %dma_wait3A_2807 = arith.constant 0 : i32
    %dma_wait3A_2808 = arith.constant 0 : i32
    %dma_wait3A_2809 = tpu.memref_slice %arg4[%dma_wait3A_2795, %dma_wait3A_2807, %dma_wait3A_2808] : memref<3x80x512xf32, #tpu.memory_space<vmem>> -> memref<1x80x512xf32, #tpu.memory_space<vmem>>
    %dma_wait3A_2810 = tpu.memref_squeeze %dma_wait3A_2809 : memref<1x80x512xf32, #tpu.memory_space<vmem>> -> memref<80x512xf32, #tpu.memory_space<vmem>>
    tpu.wait_dma2 semaphore(%dma_wait3A_2804 : memref<!tpu.dma_semaphore, #tpu.memory_space<semaphore_mem>>) src(%dma_wait3A_2810 : memref<80x512xf32, #tpu.memory_space<vmem>>) dst(%dma_wait3A_2806 : memref<80x512xf32, #tpu.memory_space<hbm>>)
    %lt3A = arith.constant 20 : i32
    %lt3A_2811 = arith.cmpi slt, %add3A, %lt3A : i32
    %convert_element_type3A_2812 = arith.extui %lt3A_2811 : i1 to i32
    %cond3A_2813 = arith.constant 0 : i32
    %cond3A_2814 = arith.cmpi ne, %convert_element_type3A_2812, %cond3A_2813 : i32
    scf.if %cond3A_2814 {
      %mul3A_2815 = arith.constant 8 : i32
      %mul3A_2816 = arith.muli %add3A, %mul3A_2815 : i32
      %add3A_2817 = arith.constant 99840 : i32
      %add3A_2818 = arith.addi %add3A_2817, %mul3A_2816 : i32
      %run_scoped3A = arith.constant 0 : i32
      "tpu.region"() ({
        %run_scoped3A_2820 = tpu.sem_alloc : memref<!tpu.dma_semaphore, #tpu.memory_space<semaphore_mem>>
        %dma_start3A_2821 = arith.constant 0 : i32
        %dma_start3A_2822 = arith.constant 0 : i32
        %dma_start3A_2823 = tpu.memref_slice %arg4[%run_scoped3A, %dma_start3A_2821, %dma_start3A_2822] : memref<3x80x512xf32, #tpu.memory_space<vmem>> -> memref<1x80x512xf32, #tpu.memory_space<vmem>>
        %dma_start3A_2824 = tpu.memref_squeeze %dma_start3A_2823 : memref<1x80x512xf32, #tpu.memory_space<vmem>> -> memref<80x512xf32, #tpu.memory_space<vmem>>
        %dma_start3A_2825 = arith.constant 0 : i32
        %dma_start3A_2826 = arith.constant 0 : i32
        %dma_start3A_2827 = tpu.memref_slice %dma_start3A_2824[%dma_start3A_2825, %dma_start3A_2826] : memref<80x512xf32, #tpu.memory_space<vmem>> -> memref<8x512xf32, #tpu.memory_space<vmem>>
        %dma_start3A_2828 = arith.constant 0 : i32
        %dma_start3A_2829 = tpu.memref_slice %arg2[%add3A_2818, %dma_start3A_2828] : memref<100000x512xf32, #tpu.memory_space<hbm>> -> memref<8x512xf32, #tpu.memory_space<hbm>>
        %dma_start3A_2830 = arith.constant 0 : i32
        %dma_start3A_2831 = arith.constant 0 : i32
        %dma_start3A_2832 = tpu.memref_slice %arg4[%run_scoped3A, %dma_start3A_2830, %dma_start3A_2831] : memref<3x80x512xf32, #tpu.memory_space<vmem>> -> memref<1x80x512xf32, #tpu.memory_space<vmem>>
        %dma_start3A_2833 = tpu.memref_squeeze %dma_start3A_2832 : memref<1x80x512xf32, #tpu.memory_space<vmem>> -> memref<80x512xf32, #tpu.memory_space<vmem>>
        %dma_start3A_2834 = arith.constant 0 : i32
        %dma_start3A_2835 = arith.constant 0 : i32
        %dma_start3A_2836 = tpu.memref_slice %dma_start3A_2833[%dma_start3A_2834, %dma_start3A_2835] : memref<80x512xf32, #tpu.memory_space<vmem>> -> memref<8x512xf32, #tpu.memory_space<vmem>>
        %dma_start3A_2837 = arith.constant 0 : i32
        %dma_start3A_2838 = tpu.memref_slice %arg2[%add3A_2818, %dma_start3A_2837] : memref<100000x512xf32, #tpu.memory_space<hbm>> -> memref<8x512xf32, #tpu.memory_space<hbm>>
        tpu.enqueue_dma source(%dma_start3A_2838 : memref<8x512xf32, #tpu.memory_space<hbm>>) target(%dma_start3A_2836 : memref<8x512xf32, #tpu.memory_space<vmem>>) target_semaphore(%run_scoped3A_2820 : memref<!tpu.dma_semaphore, #tpu.memory_space<semaphore_mem>>)
        %dma_wait3A_2839 = arith.constant 0 : i32
        %dma_wait3A_2840 = arith.constant 0 : i32
        %dma_wait3A_2841 = tpu.memref_slice %arg4[%run_scoped3A, %dma_wait3A_2839, %dma_wait3A_2840] : memref<3x80x512xf32, #tpu.memory_space<vmem>> -> memref<1x80x512xf32, #tpu.memory_space<vmem>>
        %dma_wait3A_2842 = tpu.memref_squeeze %dma_wait3A_2841 : memref<1x80x512xf32, #tpu.memory_space<vmem>> -> memref<80x512xf32, #tpu.memory_space<vmem>>
        %dma_wait3A_2843 = arith.constant 0 : i32
        %dma_wait3A_2844 = arith.constant 0 : i32
        %dma_wait3A_2845 = tpu.memref_slice %dma_wait3A_2842[%dma_wait3A_2843, %dma_wait3A_2844] : memref<80x512xf32, #tpu.memory_space<vmem>> -> memref<8x512xf32, #tpu.memory_space<vmem>>
        %dma_wait3A_2846 = arith.constant 0 : i32
        %dma_wait3A_2847 = tpu.memref_slice %arg2[%add3A_2818, %dma_wait3A_2846] : memref<100000x512xf32, #tpu.memory_space<hbm>> -> memref<8x512xf32, #tpu.memory_space<hbm>>
        %dma_wait3A_2848 = arith.constant 0 : i32
        %dma_wait3A_2849 = arith.constant 0 : i32
        %dma_wait3A_2850 = tpu.memref_slice %arg4[%run_scoped3A, %dma_wait3A_2848, %dma_wait3A_2849] : memref<3x80x512xf32, #tpu.memory_space<vmem>> -> memref<1x80x512xf32, #tpu.memory_space<vmem>>
        %dma_wait3A_2851 = tpu.memref_squeeze %dma_wait3A_2850 : memref<1x80x512xf32, #tpu.memory_space<vmem>> -> memref<80x512xf32, #tpu.memory_space<vmem>>
        %dma_wait3A_2852 = arith.constant 0 : i32
        %dma_wait3A_2853 = arith.constant 0 : i32
        %dma_wait3A_2854 = tpu.memref_slice %dma_wait3A_2851[%dma_wait3A_2852, %dma_wait3A_2853] : memref<80x512xf32, #tpu.memory_space<vmem>> -> memref<8x512xf32, #tpu.memory_space<vmem>>
        %dma_wait3A_2855 = arith.constant 0 : i32
        %dma_wait3A_2856 = tpu.memref_slice %arg2[%add3A_2818, %dma_wait3A_2855] : memref<100000x512xf32, #tpu.memory_space<hbm>> -> memref<8x512xf32, #tpu.memory_space<hbm>>
        tpu.wait_dma2 semaphore(%run_scoped3A_2820 : memref<!tpu.dma_semaphore, #tpu.memory_space<semaphore_mem>>) src(%dma_wait3A_2856 : memref<8x512xf32, #tpu.memory_space<hbm>>) dst(%dma_wait3A_2854 : memref<8x512xf32, #tpu.memory_space<vmem>>)
        tpu.yield
      }) : () -> ()
      %run_scoped3A_2819 = arith.constant 0 : i32
      "tpu.region"() ({
        %run_scoped3A_2820 = tpu.sem_alloc : memref<!tpu.dma_semaphore, #tpu.memory_space<semaphore_mem>>
        %dma_start3A_2821 = arith.constant 0 : i32
        %dma_start3A_2822 = arith.constant 0 : i32
        %dma_start3A_2823 = tpu.memref_slice %arg4[%run_scoped3A_2819, %dma_start3A_2821, %dma_start3A_2822] : memref<3x80x512xf32, #tpu.memory_space<vmem>> -> memref<1x80x512xf32, #tpu.memory_space<vmem>>
        %dma_start3A_2824 = tpu.memref_squeeze %dma_start3A_2823 : memref<1x80x512xf32, #tpu.memory_space<vmem>> -> memref<80x512xf32, #tpu.memory_space<vmem>>
        %dma_start3A_2825 = arith.constant 0 : i32
        %dma_start3A_2826 = arith.constant 0 : i32
        %dma_start3A_2827 = tpu.memref_slice %dma_start3A_2824[%dma_start3A_2825, %dma_start3A_2826] : memref<80x512xf32, #tpu.memory_space<vmem>> -> memref<8x512xf32, #tpu.memory_space<vmem>>
        %dma_start3A_2828 = arith.constant 0 : i32
        %dma_start3A_2829 = tpu.memref_slice %arg3[%add3A_2818, %dma_start3A_2828] : memref<100000x512xf32, #tpu.memory_space<hbm>> -> memref<8x512xf32, #tpu.memory_space<hbm>>
        %dma_start3A_2830 = arith.constant 0 : i32
        %dma_start3A_2831 = tpu.memref_slice %arg3[%add3A_2818, %dma_start3A_2830] : memref<100000x512xf32, #tpu.memory_space<hbm>> -> memref<8x512xf32, #tpu.memory_space<hbm>>
        %dma_start3A_2832 = arith.constant 0 : i32
        %dma_start3A_2833 = arith.constant 0 : i32
        %dma_start3A_2834 = tpu.memref_slice %arg4[%run_scoped3A_2819, %dma_start3A_2832, %dma_start3A_2833] : memref<3x80x512xf32, #tpu.memory_space<vmem>> -> memref<1x80x512xf32, #tpu.memory_space<vmem>>
        %dma_start3A_2835 = tpu.memref_squeeze %dma_start3A_2834 : memref<1x80x512xf32, #tpu.memory_space<vmem>> -> memref<80x512xf32, #tpu.memory_space<vmem>>
        %dma_start3A_2836 = arith.constant 0 : i32
        %dma_start3A_2837 = arith.constant 0 : i32
        %dma_start3A_2838 = tpu.memref_slice %dma_start3A_2835[%dma_start3A_2836, %dma_start3A_2837] : memref<80x512xf32, #tpu.memory_space<vmem>> -> memref<8x512xf32, #tpu.memory_space<vmem>>
        tpu.enqueue_dma source(%dma_start3A_2838 : memref<8x512xf32, #tpu.memory_space<vmem>>) target(%dma_start3A_2831 : memref<8x512xf32, #tpu.memory_space<hbm>>) target_semaphore(%run_scoped3A_2820 : memref<!tpu.dma_semaphore, #tpu.memory_space<semaphore_mem>>)
        %dma_wait3A_2839 = arith.constant 0 : i32
        %dma_wait3A_2840 = arith.constant 0 : i32
        %dma_wait3A_2841 = tpu.memref_slice %arg4[%run_scoped3A_2819, %dma_wait3A_2839, %dma_wait3A_2840] : memref<3x80x512xf32, #tpu.memory_space<vmem>> -> memref<1x80x512xf32, #tpu.memory_space<vmem>>
        %dma_wait3A_2842 = tpu.memref_squeeze %dma_wait3A_2841 : memref<1x80x512xf32, #tpu.memory_space<vmem>> -> memref<80x512xf32, #tpu.memory_space<vmem>>
        %dma_wait3A_2843 = arith.constant 0 : i32
        %dma_wait3A_2844 = arith.constant 0 : i32
        %dma_wait3A_2845 = tpu.memref_slice %dma_wait3A_2842[%dma_wait3A_2843, %dma_wait3A_2844] : memref<80x512xf32, #tpu.memory_space<vmem>> -> memref<8x512xf32, #tpu.memory_space<vmem>>
        %dma_wait3A_2846 = arith.constant 0 : i32
        %dma_wait3A_2847 = tpu.memref_slice %arg3[%add3A_2818, %dma_wait3A_2846] : memref<100000x512xf32, #tpu.memory_space<hbm>> -> memref<8x512xf32, #tpu.memory_space<hbm>>
        %dma_wait3A_2848 = arith.constant 0 : i32
        %dma_wait3A_2849 = tpu.memref_slice %arg3[%add3A_2818, %dma_wait3A_2848] : memref<100000x512xf32, #tpu.memory_space<hbm>> -> memref<8x512xf32, #tpu.memory_space<hbm>>
        %dma_wait3A_2850 = arith.constant 0 : i32
        %dma_wait3A_2851 = arith.constant 0 : i32
        %dma_wait3A_2852 = tpu.memref_slice %arg4[%run_scoped3A_2819, %dma_wait3A_2850, %dma_wait3A_2851] : memref<3x80x512xf32, #tpu.memory_space<vmem>> -> memref<1x80x512xf32, #tpu.memory_space<vmem>>
        %dma_wait3A_2853 = tpu.memref_squeeze %dma_wait3A_2852 : memref<1x80x512xf32, #tpu.memory_space<vmem>> -> memref<80x512xf32, #tpu.memory_space<vmem>>
        %dma_wait3A_2854 = arith.constant 0 : i32
        %dma_wait3A_2855 = arith.constant 0 : i32
        %dma_wait3A_2856 = tpu.memref_slice %dma_wait3A_2853[%dma_wait3A_2854, %dma_wait3A_2855] : memref<80x512xf32, #tpu.memory_space<vmem>> -> memref<8x512xf32, #tpu.memory_space<vmem>>
        tpu.wait_dma2 semaphore(%run_scoped3A_2820 : memref<!tpu.dma_semaphore, #tpu.memory_space<semaphore_mem>>) src(%dma_wait3A_2856 : memref<8x512xf32, #tpu.memory_space<vmem>>) dst(%dma_wait3A_2849 : memref<8x512xf32, #tpu.memory_space<hbm>>)
        tpu.yield
      }) : () -> ()
    } else {
    }
    return
  }
}

</mosaic_0001>

<sc_bundles>
// kernel: kernel.3.cloned.1.call-start
scs
__scs_entry_jumppad:
0x0: {  	(pc) =	sbr.rel $0x88, $3  }
0x1: {  	(tag) =	ssettag $0x0;
	lr =	simm.s32 $0x1  }
0x2: {  	[smem:$0x3FA0] =	sst lr;
	_ =	strace $0xD0000000  }
0x3: {  	_ = 	snop  }
0x4: {  	_ = 	snop  }
0x5: {  	_ = 	snop  }
0x6: {  	_ = 	snop  }
0x7: {  	_ = 	snop  }
__scs_overlays_trampoline_lowered:
0x8: {  	[smem:$0x3FAF] =	sst s0  }
0x9: {  	[smem:$0x3FB0] =	sst s1  }
0xa: {  	[smem:$0x3FB1] =	sst s2  }
0xb: {  	[smem:$0x3FB2] =	sst s3  }
0xc: {  	[smem:$0x3FB3] =	sst s4  }
0xd: {  	[smem:$0x3FB4] =	sst s5  }
0xe: {  	[smem:$0x3FB5] =	sst s6  }
0xf: {  	[smem:$0x3FB6] =	sst s7  }
0x10: {  	[smem:$0x3FB7] =	sst s8  }
0x11: {  	[smem:$0x3FB8] =	sst s9;
	s0 =	simm.s32 @!p0 $0x0  }
0x12: {  	s1 =	sld [smem:$0x3F9E];
	s0 =	simm.s32 @p0 $0x1  }
0x13: {  	[smem:$0x3FB9] =	sst s0;
	s0 =	simm.s32 @!p1 $0x0  }
0x14: {  	s2 =	sld [smem:$0x3F9D];
	s0 =	simm.s32 @p1 $0x1  }
0x15: {  	[smem:$0x3FBA] =	sst s0;
	s0 =	simm.s32 @!p2 $0x0  }
0x16: {  	s3 =	sld [smem:$0x3FDB];
	s0 =	simm.s32 @p2 $0x1  }
0x17: {  	s4 =	simm.s32 $0x1BF5;
	[smem:$0x3FBC] =	sst s0  }
0x18: {  	s0 =	sld [smem:$0x3F9F];
	_ =	swait.ge [sflag:s4], $0x0  }
0x19: {  	s7 =	sld [smem:$0x3FA0]  }
0x1a: {  	s8 =	sadd.s32 $0xFFFFE003, lr  }
0x1b: {  	s9 =	sadd.s32 $0xFFFFFEF7, lr;
	s5 =	simm.s32 $0xFFFFFFFF;
	p2 =	slt.u32 s8, $0xFFFFF086  }
0x1c: {  	p1 =	slt.u32 s9, $0xF7A;
	s5 =	simm.s32 @!p2 $0x0  }
0x1d: {  	s5 =	simm.s32 @p1 $0x1;
	p0 =	seq.s32 s7, s2  }
0x1e: {  	s7 =	smul.u32 @!p0 $0xF7A, s2;
	p2 =	seq.s32 @!p0 s5, $0x0  }
0x1f: {  	s9 =	smul.u32 $0xF7A, s1;
	s8 =	simm.s32 @!p0 $0x1BF5;
	p2 =	por !p2, p0  }
0x20: {  	[sflag:s8] =	ssyncset.s32 @!p0 $0xFFFFF086;
	s6 =	sadd.s32 @!p0 s3, s7;
	s7 =	simm.s32 @!p0 $0x108  }
0x21: {  	s3 =	sadd.s32 s3, s9;
	s6 =	sadd.s32 @!p0 $0x88, s6;
	s7 =	simm.s32 @p2 $0x1082  }
0x22: {  	[simem:s7], [sflag:s8] =	dma.local @!p0 [hbm:s6], $0xF7A  }
0x23: {  	s9 =	sor.u32 $0xD0000000, s2;
	s6 =	simm.s32 $0x108;
	_ =	swait.ge @!p0 [sflag:s8], $0x0  }
0x24: {  	s3 =	sadd.s32 $0x88, s3;
	s6 =	simm.s32 @!p1 $0x1082;
	[sflag:s4] =	ssyncset.s32 $0xFFFFF086  }
0x25: {  	[simem:s6], [sflag:s4] =	dma.local [hbm:s3], $0xF7A  }
0x26: {  	[smem:$0x3FA0] =	sst s1;
	(tag) =	ssettag s2;
	_ =	strace s9  }
0x27: {  	s1 =	sld [smem:$0x3FB0]  }
0x28: {  	s2 =	sld [smem:$0x3FB1]  }
0x29: {  	s4 =	sld [smem:$0x3FB3]  }
0x2a: {  	p0 =	seq.s32 s5, $0x0;
	s5 =	sld [smem:$0x3FB4]  }
0x2b: {  	s6 =	sld [smem:$0x3FB5]  }
0x2c: {  	s7 =	sld [smem:$0x3FB6]  }
0x2d: {  	s3 =	simm.s32 $0x108;
	s8 =	sld [smem:$0x3FB7]  }
0x2e: {  	s3 =	simm.s32 @!p0 $0x1082;
	s9 =	sld [smem:$0x3FB8]  }
0x2f: {  	lr =	sadd.s32 s0, s3;
	s0 =	sld [smem:$0x3FAF]  }
0x30: {  	s3 =	sld [smem:$0x3FB2]  }
0x31: {  	[smem:$0x3FBB] =	sst s10  }
0x32: {  	s10 =	sld [smem:$0x3FB9];
	_ =	sdelay $0x3  }
0x33: {  	p0 =	seq.s32 s10, $0x1;
	s10 =	sld [smem:$0x3FBB];
	_ =	sdelay $0x3  }
0x34: {  	[smem:$0x3FBB] =	sst s10  }
0x35: {  	s10 =	sld [smem:$0x3FBA];
	_ =	sdelay $0x3  }
0x36: {  	p1 =	seq.s32 s10, $0x1;
	s10 =	sld [smem:$0x3FBB];
	_ =	sdelay $0x3  }
0x37: {  	[smem:$0x3FBB] =	sst s10  }
0x38: {  	s10 =	sld [smem:$0x3FBC]  }
0x39: {  	_ = 	snop;
	(pc) =	sbr.ind lr, $3  }
0x3a: {  	_ = 	snop  }
0x3b: {  	_ = 	snop  }
0x3c: {  	p2 =	seq.s32 s10, $0x1;
	s10 =	sld [smem:$0x3FBB]  }
0x3d: {  	_ =	shalt  }
0x3e: {  	_ =	shalt  }
0x3f: {  	_ =	shalt  }
0x40: {  	_ =	shalt  }
0x41: {  	_ =	shalt  }
0x42: {  	_ =	shalt  }
0x43: {  	_ =	shalt  }
0x44: {  	_ =	shalt  }
0x45: {  	_ =	shalt  }
0x46: {  	_ =	shalt  }
0x47: {  	_ =	shalt  }
0x48: {  	_ =	shalt  }
0x49: {  	_ =	shalt  }
0x4a: {  	_ =	shalt  }
0x4b: {  	_ =	shalt  }
0x4c: {  	_ =	shalt  }
0x4d: {  	_ =	shalt  }
0x4e: {  	_ =	shalt  }
0x4f: {  	_ =	shalt  }
0x50: {  	_ =	shalt  }
0x51: {  	_ =	shalt  }
0x52: {  	_ =	shalt  }
0x53: {  	_ =	shalt  }
0x54: {  	_ =	shalt  }
0x55: {  	_ =	shalt  }
0x56: {  	_ =	shalt  }
0x57: {  	_ =	shalt  }
0x58: {  	_ =	shalt  }
0x59: {  	_ =	shalt  }
0x5a: {  	_ =	shalt  }
0x5b: {  	_ =	shalt  }
0x5c: {  	_ =	shalt  }
0x5d: {  	_ =	shalt  }
0x5e: {  	_ =	shalt  }
0x5f: {  	_ =	shalt  }
0x60: {  	_ =	shalt  }
0x61: {  	_ =	shalt  }
0x62: {  	_ =	shalt  }
0x63: {  	_ =	shalt  }
0x64: {  	_ =	shalt  }
0x65: {  	_ =	shalt  }
0x66: {  	_ =	shalt  }
0x67: {  	_ =	shalt  }
0x68: {  	_ =	shalt  }
0x69: {  	_ =	shalt  }
0x6a: {  	_ =	shalt  }
0x6b: {  	_ =	shalt  }
0x6c: {  	_ =	shalt  }
0x6d: {  	_ =	shalt  }
0x6e: {  	_ =	shalt  }
0x6f: {  	_ =	shalt  }
0x70: {  	_ =	shalt  }
0x71: {  	_ =	shalt  }
0x72: {  	_ =	shalt  }
0x73: {  	_ =	shalt  }
0x74: {  	_ =	shalt  }
0x75: {  	_ =	shalt  }
0x76: {  	_ =	shalt  }
0x77: {  	_ =	shalt  }
0x78: {  	_ =	shalt  }
0x79: {  	_ =	shalt  }
0x7a: {  	_ =	shalt  }
0x7b: {  	_ =	shalt  }
0x7c: {  	_ =	shalt  }
0x7d: {  	_ =	shalt  }
0x7e: {  	_ =	shalt  }
0x7f: {  	_ =	shalt  }
0x80: {  	_ =	shalt  }
0x81: {  	_ =	shalt  }
0x82: {  	_ =	shalt  }
0x83: {  	_ =	shalt  }
0x84: {  	_ =	shalt  }
0x85: {  	_ =	shalt  }
0x86: {  	_ =	shalt  }
0x87: {  	_ =	shalt  }
.Lfunc_end0:
.L_simem_size_0:
called_computation_lowered:
.L_overlay_start_0:
0x88: {  	s2 =	sld [smem:$0x3FD9]  }
0x89: {  	s3 =	sld [smem:$0x3FFE];
	_ =	sdelay $0x1  }
0x8a: {  	s1 =	srdreg.scid  }
0x8b: {  	s0 =	sand.u32 $0x1, s1  }
0x8c: {  	s18 =	sshll.u32 s0, $0xA;
	s2 =	sadd.s32 s3, s2  }
0x8d: {  	s2 =	sadd.s32 s2, s18  }
0x8e: {  	[smem:$0x3FC7] =	sst s2  }
0x8f: {  	_ = 	snop  }
0x90: {  	s2 =	sld [smem:$0x3FC9]  }
0x91: {  	s19 =	sld [smem:$0x3FD0];
	(tm) =	ssettm $0x1  }
0x92: {  	s4 =	sld [smem:$0x3FFB];
	_ =	sdelay $0x3  }
0x93: {  	_ =	strace s4  }
0x94: {  	s4 =	sld [smem:$0x3FFC];
	_ =	sdelay $0x3  }
0x95: {  	_ =	strace s4  }
0x96: {  	s4 =	sld [smem:$0x3FFD];
	_ =	sdelay $0x3  }
0x97: {  	_ =	strace s4  }
0x98: {  	_ =	strace $0x8FFFFFFF  }
0x99: {  	s20 =	sld [smem:$0x3FDB];
	_ =	sdelay $0x1  }
0x9a: {  	s5 =	simm.s32 $_scs_section_size  }
0x9b: {  	s6 =	simm.s32 $_size__tile_overlayer_lowered;
	s7 =	simm.s32 $_tile_overlayer_lowered  }
0x9c: {  	s23 =	simm.s32 $0x1BFF;
	s22 =	sshll.u32 s7, $0x1;
	s4 =	sadd.s32 s5, s20  }
0x9d: {  	s8 =	simm.s32 $0x0;
	s21 =	sshll.u32 s6, $0x1;
	s6 =	sadd.s32 s22, s4  }
0x9e: {  	[timem:s8], [sflag:s23] =	dma.local [hbm:s6], s21  }
0x9f: {  	_ =	swait.ge [sflag:s23], s21  }
0xa0: {  	s5 =	ssub.s32 $0x0, s21;
	[sflag:s23] =	ssyncset.done $0x0  }
0xa1: {  	[sflag:s23] =	ssyncadd.s32 s5;
	_ =	sdelay $0x1  }
0xa2: {  	s24 =	simm.s32 $0x1B8B  }
0xa3: {  	_ =	swait.ge [sflag:s24], $0x1  }
0xa4: {  	[sflag:s24] =	ssyncset.done $0x0  }
0xa5: {  	s25 =	simm.s32 $0x1B8E;
	[sflag:s24] =	ssyncadd.s32 $0xFFFFFFFF  }
0xa6: {  	s26 =	simm.s32 $execute0_lowered;
	[smem:$0x3FD2] =	sst s25  }
0xa7: {  	s5 =	sshll.u32 s26, $0x1;
	_ =	strace $0x80000046;
	[dreg:$0x1] =	wrdreg $0xFFFFFFFF  }
0xa8: {  	s28 =	simm.s32 $_size_execute0_lowered;
	s4 =	sadd.s32 s4, s5;
	[dreg:$0x0] =	wrdreg $0x0  }
0xa9: {  	s5 =	sshll.u32 s28, $0x1;
	[dreg:$0x2] =	wrdreg s4  }
0xaa: {  	[dreg:$0x3] =	wrdreg s5  }
0xab: {  	[dreg:$0x4] =	wrdreg $0xC0  }
0xac: {  	_ =	task [dreg:s8], $0x5FFFF  }
0xad: {  	[dreg:$0x1] =	wrdreg $0xFFFFFFFF  }
0xae: {  	[dreg:$0x0] =	wrdreg $0x60  }
0xaf: {  	[dreg:$0x2] =	wrdreg s2  }
0xb0: {  	[dreg:$0x3] =	wrdreg s19  }
0xb1: {  	[dreg:$0x4] =	wrdreg $0x9  }
0xb2: {  	_ =	task.clear_ibuf [dreg:s8], $0x5FFFF;
	_ =	strace $0x90000046  }
0xb3: {  	s29 =	simm.s32 $0x9;
	_ =	strace $0x80000048  }
0xb4: {  	_ =	swait.ge [sflag:s29], $0x1  }
0xb5: {  	[sflag:s29] =	ssyncadd.s32 $0xFFFFFFFF  }
0xb6: {  	_ =	strace $0x90000048  }
0xb7: {  	_ =	sfence  }
0xb8: {  	s30 =	sld [smem:$0x0];
	_ =	sdelay $0x2  }
0xb9: {  	s31 =	sshll.u32 s1, $0xD;
	s1 =	sshrl.u32 s1, $0x2  }
0xba: {  	s3 =	sand.u32 $0x4000, s31;
	s1 =	sadd.s32 s1, s30  }
0xbb: {  	s0 =	sor.u32 s3, s0;
	s1 =	sshll.u32 s1, $0x11  }
0xbc: {  	s0 =	sor.u32 s1, s0  }
0xbd: {  	s0 =	sadd.s32 $0x8F2B, s0  }
0xbe: {  	[sflag:s0] =	ssyncadd.remote.s32 $0x1  }
0xbf: {  	_ =	sfence.sel $0xFFFF  }
0xc0: {  	[dreg:$0x0] =	wrdreg $0xFFFFFFFF;
	(pc) =	sbr.abs _section_cstart, $3  }
0xc1: {  	[dreg:$0x1] =	wrdreg $0xFFFFFFFF  }
0xc2: {  	_ =	task.clear_ibuf [dreg:s8], $0x2FFFF;
	_ =	strace $0x9FFFFFFF  }
0xc3: {  	(tm) =	ssettm $0x7FFFFFFF  }
tec
execute0_lowered:
.L_overlay_start_1:
0x0: {  	(tag) =	ssettag $0x1  }
0x1: {  	s0 =	srdreg.scid;
	s25 =	stileid.u32  }
0x2: {  	s0 =	sand.u32 $0x1, s0;
	s1 =	sshll.u32 s25, $0x1  }
0x3: {  	s22 =	sor.u32 s0, s1  }
0x4: {  	s2 =	smul.u32 $0x186000, s22  }
0x5: {  	s20 =	rddreg [dreg:$0x0];
	s0 =	ssub.s32 $0x2, s0;
	s4 =	smul.u32 $0x30C00, s22  }
0x6: {  	s21 =	rddreg [dreg:$0x1];
	s1 =	simm.s32 $0x0;
	s3 =	sshrl.u32 s0, $0x1  }
0x7: {  	[smem:$0x7FF] =	sst s1;
	s16 =	sshrl.u32 s2, $0x3;
	s19 =	sadd.s32 s20, s4  }
0x8: {  	s5 =	sadd.s32 s21, s4;
	s18 =	sadd.s32 $0x1400, s16;
	[dreg:$0x3] =	wrdreg s19  }
0x9: {  	s26 =	sadd.s32 $0x2800, s16;
	[dreg:$0x5] =	wrdreg s5;
	s24 =	sadd.s32 s20, s18  }
0xa: {  	s23 =	ssub.s32 s0, s3;
	s6 =	sadd.s32 s20, s26;
	[dreg:$0x4] =	wrdreg s24  }
0xb: {  	s7 =	sadd.s32 $0x3C00, s16;
	s0 =	sadd.s32 s21, s18;
	[dreg:$0x6] =	wrdreg s6  }
0xc: {  	s8 =	sadd.s32 s20, s7;
	[dreg:$0x7] =	wrdreg s0  }
0xd: {  	s9 =	sadd.s32 $0x5000, s16;
	s2 =	sadd.s32 s21, s26;
	[dreg:$0x8] =	wrdreg s8  }
0xe: {  	s10 =	sadd.s32 s20, s9;
	[dreg:$0x9] =	wrdreg s2  }
0xf: {  	s11 =	sadd.s32 $0x6400, s16;
	s3 =	sadd.s32 s21, s7;
	[dreg:$0xa] =	wrdreg s10  }
0x10: {  	s13 =	sadd.s32 $0x7800, s16;
	s12 =	sadd.s32 s20, s11;
	[dreg:$0xb] =	wrdreg s3  }
0x11: {  	s15 =	sadd.s32 $0x8C00, s16;
	s14 =	sadd.s32 s20, s13;
	[dreg:$0xc] =	wrdreg s12  }
0x12: {  	s17 =	sadd.s32 s20, s15;
	[dreg:$0xe] =	wrdreg s14  }
0x13: {  	s0 =	sadd.s32 s21, s9;
	[dreg:$0x10] =	wrdreg s17  }
0x14: {  	s2 =	sadd.s32 s21, s11;
	[dreg:$0xd] =	wrdreg s0  }
0x15: {  	s18 =	sadd.s32 $0xA000, s16;
	s3 =	sadd.s32 s21, s13;
	[dreg:$0xf] =	wrdreg s2  }
0x16: {  	s26 =	sadd.s32 $0xC800, s16;
	s19 =	sadd.s32 s20, s18;
	[dreg:$0x11] =	wrdreg s3  }
0x17: {  	s5 =	sadd.s32 s20, s26;
	[dreg:$0x12] =	wrdreg s19  }
0x18: {  	s7 =	sadd.s32 $0xDC00, s16;
	s6 =	sadd.s32 s21, s26;
	[dreg:$0x17] =	wrdreg s5  }
0x19: {  	s9 =	sadd.s32 s20, s7;
	[dreg:$0x18] =	wrdreg s6  }
0x1a: {  	s28 =	simm.s32 $0x4;
	s0 =	sadd.s32 s21, s15;
	[dreg:$0x19] =	wrdreg s9  }
0x1b: {  	s24 =	sadd.s32 $0xB400, s16;
	s2 =	sadd.s32 s21, s18;
	[dreg:$0x13] =	wrdreg s0  }
0x1c: {  	s8 =	sadd.s32 $0xF000, s16;
	s4 =	sadd.s32 s20, s24;
	[dreg:$0x14] =	wrdreg s2  }
0x1d: {  	s29 =	simm.s32 $0x3;
	s10 =	sadd.s32 s20, s8;
	[dreg:$0x15] =	wrdreg s4  }
0x1e: {  	s12 =	sadd.s32 $0x10400, s16;
	s11 =	sadd.s32 s21, s8;
	[dreg:$0x1b] =	wrdreg s10  }
0x1f: {  	s13 =	sadd.s32 $0x11800, s16;
	s14 =	sadd.s32 s20, s12;
	[dreg:$0x1c] =	wrdreg s11  }
0x20: {  	s30 =	simm.s32 $0x5;
	s15 =	sadd.s32 s20, s13;
	[dreg:$0x1d] =	wrdreg s14  }
0x21: {  	s31 =	simm.s32 $0x6;
	s17 =	sadd.s32 s21, s13;
	[dreg:$0x1f] =	wrdreg s15  }
0x22: {  	s18 =	sadd.s32 $0x12C00, s16;
	s0 =	sadd.s32 s21, s24;
	[smem:$0x7DE] =	sst s17  }
0x23: {  	s19 =	sadd.s32 $0x14000, s16;
	s24 =	sadd.s32 s20, s18;
	[dreg:$0x16] =	wrdreg s0  }
0x24: {  	p1 =	sgt.u32 s25, $0x9;
	s26 =	sadd.s32 s20, s19;
	[smem:$0x7DF] =	sst s24  }
0x25: {  	s5 =	sadd.s32 $0x16800, s16;
	s3 =	sadd.s32 s21, s19;
	[smem:$0x7E1] =	sst s26  }
0x26: {  	s9 =	sadd.s32 $0x17C00, s16;
	s8 =	sadd.s32 s21, s5;
	[smem:$0x7E2] =	sst s3  }
0x27: {  	s25 =	simm.s32 $0x14000;
	s11 =	sadd.s32 s20, s9;
	[smem:$0x7E6] =	sst s8  }
0x28: {  	s4 =	sadd.s32 $0x15400, s16;
	s0 =	sadd.s32 s21, s7;
	[smem:$0x7E7] =	sst s11  }
0x29: {  	p0 =	sne.s32 s22, $0x0;
	s6 =	sadd.s32 s20, s4;
	[dreg:$0x1a] =	wrdreg s0  }
0x2a: {  	s10 =	sadd.s32 $0x19000, s16;
	s7 =	sadd.s32 s20, s5;
	[smem:$0x7E3] =	sst s6  }
0x2b: {  	s14 =	sadd.s32 $0x1A400, s16;
	s13 =	sadd.s32 s21, s10;
	[smem:$0x7E5] =	sst s7  }
0x2c: {  	s15 =	sadd.s32 $0x1B800, s16;
	s17 =	sadd.s32 s20, s14;
	[smem:$0x7EA] =	sst s13  }
0x2d: {  	s19 =	sadd.s32 s21, s15;
	s24 =	sadd.s32 $0x1CC00, s16;
	[smem:$0x7EB] =	sst s17  }
0x2e: {  	s26 =	sadd.s32 $0x1E000, s16;
	s0 =	sadd.s32 s21, s12;
	[smem:$0x7EE] =	sst s19  }
0x2f: {  	s8 =	sadd.s32 $0x20800, s16;
	s12 =	sadd.s32 s20, s10;
	[dreg:$0x1e] =	wrdreg s0  }
0x30: {  	s5 =	sadd.s32 s20, s26;
	s6 =	sadd.s32 s21, s26;
	[smem:$0x7E9] =	sst s12  }
0x31: {  	s7 =	sadd.s32 $0x1F400, s16;
	s10 =	sadd.s32 s20, s8;
	[smem:$0x7F1] =	sst s5  }
0x32: {  	s11 =	sadd.s32 s21, s8;
	s13 =	sadd.s32 $0x23000, s16;
	[smem:$0x7F2] =	sst s6  }
0x33: {  	s19 =	sadd.s32 $0x25800, s16;
	s0 =	sadd.s32 s21, s18;
	[smem:$0x7F5] =	sst s10  }
0x34: {  	s18 =	sadd.s32 s20, s15;
	[smem:$0x7F6] =	sst s11;
	s12 =	sadd.s32 $0x21C00, s16  }
0x35: {  	s15 =	sadd.s32 s20, s13;
	s17 =	sadd.s32 s21, s13;
	s26 =	sadd.s32 s20, s19  }
0x36: {  	s3 =	sadd.s32 s21, s19;
	s5 =	sadd.s32 $0x26C00, s16;
	[smem:$0x7E0] =	sst s0  }
0x37: {  	s11 =	sadd.s32 $0x2A800, s16;
	s13 =	sadd.s32 $0x2BC00, s16;
	[smem:$0x7ED] =	sst s18  }
0x38: {  	s19 =	sadd.s32 $0x2F800, s16;
	s0 =	sadd.s32 s21, s4;
	[smem:$0x7F9] =	sst s15  }
0x39: {  	s4 =	sadd.s32 s20, s24;
	[smem:$0x7FA] =	sst s17;
	s18 =	sadd.s32 $0x24400, s16  }
0x3a: {  	[smem:$0x7FD] =	sst s26;
	s10 =	sadd.s32 s20, s11;
	s11 =	sadd.s32 s21, s11  }
0x3b: {  	s15 =	sadd.s32 $0x2D000, s16;
	s17 =	sadd.s32 $0x2E400, s16;
	[smem:$0x7E4] =	sst s0  }
0x3c: {  	s26 =	simm.s32 $0x2;
	s0 =	sadd.s32 s21, s9;
	[smem:$0x7EF] =	sst s4  }
0x3d: {  	s9 =	sadd.s32 s20, s7;
	s4 =	sadd.s32 s20, s5;
	[smem:$0x7E8] =	sst s0  }
0x3e: {  	s5 =	sadd.s32 s21, s5;
	s0 =	sadd.s32 s21, s14;
	[smem:$0x7F3] =	sst s9  }
0x3f: {  	s14 =	sadd.s32 s20, s12;
	s9 =	sadd.s32 $0x29400, s16;
	[smem:$0x7EC] =	sst s0  }
0x40: {  	s0 =	sadd.s32 s21, s24;
	[smem:$0x7F7] =	sst s14;
	s24 =	sadd.s32 s20, s18  }
0x41: {  	s8 =	sadd.s32 s20, s9;
	s9 =	sadd.s32 s21, s9;
	s14 =	sadd.s32 s20, s15  }
0x42: {  	s15 =	sadd.s32 s21, s15;
	[smem:$0x7F0] =	sst s0;
	s0 =	sadd.s32 s21, s7  }
0x43: {  	[smem:$0x7FB] =	sst s24;
	s7 =	sadd.s32 $0x28000, s16;
	s16 =	sadd.s32 s20, s17  }
0x44: {  	s17 =	sadd.s32 s21, s17;
	s24 =	sshll.u32 s22, $0x9;
	s22 =	smax.u32 s23, $0x1  }
0x45: {  	s23 =	simm.s32 $0xA000;
	[smem:$0x7F4] =	sst s0;
	s0 =	sadd.s32 s21, s12  }
.Ltmp0:
0x46: {  	s6 =	sadd.s32 s20, s7;
	s7 =	sadd.s32 s21, s7;
	(pc) =	sbr.rel .LBB2_1-.Ltmp0, $4  }
0x47: {  	s12 =	sadd.s32 s20, s13;
	s13 =	sadd.s32 s21, s13;
	s24 =	sor.u32 $0x618000, s24  }
0x48: {  	[smem:$0x7F8] =	sst s0;
	s0 =	sadd.s32 s21, s18;
	s18 =	sadd.s32 s20, s19  }
0x49: {  	s19 =	sadd.s32 s21, s19;
	s20 =	sadd.s32 s20, s24;
	[smem:$0x7FC] =	sst s0  }
0x4a: {  	v0 =	vimm.f32 $1.000000000e+00;
	s21 =	sadd.s32 s21, s24;
	s24 =	simm.s32 $0x1;
	_ =	strace $0x80000047  }
.LBB2_3:
0x4b: {  	s0 =	rddreg [dreg:$0x5]  }
0x4c: {  	[hbm4b:s0+s1] =	stream.linear.scatter [tilespmem:s1], [sflag:$0x4], $0xA000, $0x38;
	[tilespmem:$0x1E000] =	vst v63  }
0x4d: {  	s2 =	rddreg [dreg:$0x6]  }
0x4e: {  	[tilespmem:s25], [sflag:$0x3] =	stream.linear.gather [hbm4b:s2+s1], $0xA000, $0x38;
	[tilespmem:$0x1E000] =	vst v63  }
0x4f: {  	_ =	swait.ge [sflag:s26], $0xA000  }
0x50: {  	[sflag:s26] =	ssyncset.done $0x0  }
0x51: {  	s2 =	rddreg [dreg:$0x7];
	[sflag:s26] =	ssyncadd.s32 $0xFFFF6000  }
0x52: {  	[hbm4b:s2+s1] =	stream.linear.scatter [tilespmem:s23], [sflag:$0x5], $0xA000, $0x38;
	[tilespmem:$0x1E000] =	vst v63  }
0x53: {  	_ =	swait.ge [sflag:s28], $0xA000  }
0x54: {  	[sflag:s28] =	ssyncset.done $0x0  }
0x55: {  	s2 =	rddreg [dreg:$0x8];
	[sflag:s28] =	ssyncadd.s32 $0xFFFF6000  }
0x56: {  	[tilespmem:s1], [sflag:$0x1] =	stream.linear.gather [hbm4b:s2+s1], $0xA000, $0x38;
	[tilespmem:$0x1E000] =	vst v63  }
0x57: {  	_ =	swait.ge [sflag:s29], $0xA000  }
0x58: {  	[sflag:s29] =	ssyncset.done $0x0  }
0x59: {  	s2 =	rddreg [dreg:$0x9];
	[sflag:s29] =	ssyncadd.s32 $0xFFFF6000  }
0x5a: {  	[hbm4b:s2+s1] =	stream.linear.scatter [tilespmem:s25], [sflag:$0x6], $0xA000, $0x38;
	[tilespmem:$0x1E000] =	vst v63  }
0x5b: {  	_ =	swait.ge [sflag:s30], $0xA000  }
0x5c: {  	[sflag:s30] =	ssyncset.done $0x0  }
0x5d: {  	s2 =	rddreg [dreg:$0xa];
	[sflag:s30] =	ssyncadd.s32 $0xFFFF6000  }
0x5e: {  	[tilespmem:s23], [sflag:$0x2] =	stream.linear.gather [hbm4b:s2+s1], $0xA000, $0x38;
	[tilespmem:$0x1E000] =	vst v63  }
0x5f: {  	_ =	swait.ge [sflag:s24], $0xA000  }
0x60: {  	[sflag:s24] =	ssyncset.done $0x0  }
0x61: {  	s2 =	rddreg [dreg:$0xb];
	[sflag:s24] =	ssyncadd.s32 $0xFFFF6000  }
0x62: {  	[hbm4b:s2+s1] =	stream.linear.scatter [tilespmem:s1], [sflag:$0x4], $0xA000, $0x38;
	[tilespmem:$0x1E000] =	vst v63  }
0x63: {  	_ =	swait.ge [sflag:s31], $0xA000  }
0x64: {  	[sflag:s31] =	ssyncset.done $0x0  }
0x65: {  	s2 =	rddreg [dreg:$0xc];
	[sflag:s31] =	ssyncadd.s32 $0xFFFF6000  }
0x66: {  	[tilespmem:s25], [sflag:$0x3] =	stream.linear.gather [hbm4b:s2+s1], $0xA000, $0x38;
	[tilespmem:$0x1E000] =	vst v63  }
0x67: {  	_ =	swait.ge [sflag:s26], $0xA000  }
0x68: {  	[sflag:s26] =	ssyncset.done $0x0  }
0x69: {  	s2 =	rddreg [dreg:$0xd];
	[sflag:s26] =	ssyncadd.s32 $0xFFFF6000  }
0x6a: {  	[hbm4b:s2+s1] =	stream.linear.scatter [tilespmem:s23], [sflag:$0x5], $0xA000, $0x38;
	[tilespmem:$0x1E000] =	vst v63  }
0x6b: {  	_ =	swait.ge [sflag:s28], $0xA000  }
0x6c: {  	[sflag:s28] =	ssyncset.done $0x0  }
0x6d: {  	s2 =	rddreg [dreg:$0xe];
	[sflag:s28] =	ssyncadd.s32 $0xFFFF6000  }
0x6e: {  	[tilespmem:s1], [sflag:$0x1] =	stream.linear.gather [hbm4b:s2+s1], $0xA000, $0x38;
	[tilespmem:$0x1E000] =	vst v63  }
0x6f: {  	_ =	swait.ge [sflag:s29], $0xA000  }
0x70: {  	[sflag:s29] =	ssyncset.done $0x0  }
0x71: {  	s2 =	rddreg [dreg:$0xf];
	[sflag:s29] =	ssyncadd.s32 $0xFFFF6000  }
0x72: {  	[hbm4b:s2+s1] =	stream.linear.scatter [tilespmem:s25], [sflag:$0x6], $0xA000, $0x38;
	[tilespmem:$0x1E000] =	vst v63  }
0x73: {  	_ =	swait.ge [sflag:s30], $0xA000  }
0x74: {  	[sflag:s30] =	ssyncset.done $0x0  }
0x75: {  	s2 =	rddreg [dreg:$0x10];
	[sflag:s30] =	ssyncadd.s32 $0xFFFF6000  }
0x76: {  	[tilespmem:s23], [sflag:$0x2] =	stream.linear.gather [hbm4b:s2+s1], $0xA000, $0x38;
	[tilespmem:$0x1E000] =	vst v63  }
0x77: {  	_ =	swait.ge [sflag:s24], $0xA000  }
0x78: {  	[sflag:s24] =	ssyncset.done $0x0  }
0x79: {  	s2 =	rddreg [dreg:$0x11];
	[sflag:s24] =	ssyncadd.s32 $0xFFFF6000  }
0x7a: {  	[hbm4b:s2+s1] =	stream.linear.scatter [tilespmem:s1], [sflag:$0x4], $0xA000, $0x38;
	[tilespmem:$0x1E000] =	vst v63  }
0x7b: {  	_ =	swait.ge [sflag:s31], $0xA000  }
0x7c: {  	[sflag:s31] =	ssyncset.done $0x0  }
0x7d: {  	s2 =	rddreg [dreg:$0x12];
	[sflag:s31] =	ssyncadd.s32 $0xFFFF6000  }
0x7e: {  	[tilespmem:s25], [sflag:$0x3] =	stream.linear.gather [hbm4b:s2+s1], $0xA000, $0x38;
	[tilespmem:$0x1E000] =	vst v63  }
0x7f: {  	_ =	swait.ge [sflag:s26], $0xA000  }
0x80: {  	[sflag:s26] =	ssyncset.done $0x0  }
0x81: {  	s2 =	rddreg [dreg:$0x13];
	[sflag:s26] =	ssyncadd.s32 $0xFFFF6000  }
0x82: {  	[hbm4b:s2+s1] =	stream.linear.scatter [tilespmem:s23], [sflag:$0x5], $0xA000, $0x38;
	[tilespmem:$0x1E000] =	vst v63  }
0x83: {  	_ =	swait.ge [sflag:s28], $0xA000  }
0x84: {  	[sflag:s28] =	ssyncset.done $0x0  }
0x85: {  	s2 =	rddreg [dreg:$0x15];
	[sflag:s28] =	ssyncadd.s32 $0xFFFF6000  }
0x86: {  	[tilespmem:s1], [sflag:$0x1] =	stream.linear.gather [hbm4b:s2+s1], $0xA000, $0x38;
	[tilespmem:$0x1E000] =	vst v63  }
0x87: {  	_ =	swait.ge [sflag:s29], $0xA000  }
0x88: {  	[sflag:s29] =	ssyncset.done $0x0  }
0x89: {  	s2 =	rddreg [dreg:$0x14];
	[sflag:s29] =	ssyncadd.s32 $0xFFFF6000  }
0x8a: {  	[hbm4b:s2+s1] =	stream.linear.scatter [tilespmem:s25], [sflag:$0x6], $0xA000, $0x38;
	[tilespmem:$0x1E000] =	vst v63  }
0x8b: {  	_ =	swait.ge [sflag:s30], $0xA000  }
0x8c: {  	[sflag:s30] =	ssyncset.done $0x0  }
0x8d: {  	s2 =	rddreg [dreg:$0x17];
	[sflag:s30] =	ssyncadd.s32 $0xFFFF6000  }
0x8e: {  	[tilespmem:s23], [sflag:$0x2] =	stream.linear.gather [hbm4b:s2+s1], $0xA000, $0x38;
	[tilespmem:$0x1E000] =	vst v63  }
0x8f: {  	_ =	swait.ge [sflag:s24], $0xA000  }
0x90: {  	[sflag:s24] =	ssyncset.done $0x0  }
0x91: {  	s2 =	rddreg [dreg:$0x16];
	[sflag:s24] =	ssyncadd.s32 $0xFFFF6000  }
0x92: {  	[hbm4b:s2+s1] =	stream.linear.scatter [tilespmem:s1], [sflag:$0x4], $0xA000, $0x38;
	[tilespmem:$0x1E000] =	vst v63  }
0x93: {  	_ =	swait.ge [sflag:s31], $0xA000  }
0x94: {  	[sflag:s31] =	ssyncset.done $0x0  }
0x95: {  	s2 =	rddreg [dreg:$0x19];
	[sflag:s31] =	ssyncadd.s32 $0xFFFF6000  }
0x96: {  	[tilespmem:s25], [sflag:$0x3] =	stream.linear.gather [hbm4b:s2+s1], $0xA000, $0x38;
	[tilespmem:$0x1E000] =	vst v63  }
0x97: {  	_ =	swait.ge [sflag:s26], $0xA000  }
0x98: {  	[sflag:s26] =	ssyncset.done $0x0  }
0x99: {  	s2 =	rddreg [dreg:$0x18];
	[sflag:s26] =	ssyncadd.s32 $0xFFFF6000  }
0x9a: {  	[hbm4b:s2+s1] =	stream.linear.scatter [tilespmem:s23], [sflag:$0x5], $0xA000, $0x38;
	[tilespmem:$0x1E000] =	vst v63  }
0x9b: {  	_ =	swait.ge [sflag:s28], $0xA000  }
0x9c: {  	[sflag:s28] =	ssyncset.done $0x0  }
0x9d: {  	s2 =	rddreg [dreg:$0x1b];
	[sflag:s28] =	ssyncadd.s32 $0xFFFF6000  }
0x9e: {  	[tilespmem:s1], [sflag:$0x1] =	stream.linear.gather [hbm4b:s2+s1], $0xA000, $0x38;
	[tilespmem:$0x1E000] =	vst v63  }
0x9f: {  	_ =	swait.ge [sflag:s29], $0xA000  }
0xa0: {  	[sflag:s29] =	ssyncset.done $0x0  }
0xa1: {  	s2 =	rddreg [dreg:$0x1a];
	[sflag:s29] =	ssyncadd.s32 $0xFFFF6000  }
0xa2: {  	[hbm4b:s2+s1] =	stream.linear.scatter [tilespmem:s25], [sflag:$0x6], $0xA000, $0x38;
	[tilespmem:$0x1E000] =	vst v63  }
0xa3: {  	_ =	swait.ge [sflag:s30], $0xA000  }
0xa4: {  	[sflag:s30] =	ssyncset.done $0x0  }
0xa5: {  	s2 =	rddreg [dreg:$0x1d];
	[sflag:s30] =	ssyncadd.s32 $0xFFFF6000  }
0xa6: {  	[tilespmem:s23], [sflag:$0x2] =	stream.linear.gather [hbm4b:s2+s1], $0xA000, $0x38;
	[tilespmem:$0x1E000] =	vst v63  }
0xa7: {  	_ =	swait.ge [sflag:s24], $0xA000  }
0xa8: {  	[sflag:s24] =	ssyncset.done $0x0  }
0xa9: {  	s2 =	rddreg [dreg:$0x1c];
	[sflag:s24] =	ssyncadd.s32 $0xFFFF6000  }
0xaa: {  	[hbm4b:s2+s1] =	stream.linear.scatter [tilespmem:s1], [sflag:$0x4], $0xA000, $0x38;
	[tilespmem:$0x1E000] =	vst v63  }
0xab: {  	_ =	swait.ge [sflag:s31], $0xA000  }
0xac: {  	[sflag:s31] =	ssyncset.done $0x0  }
0xad: {  	s2 =	rddreg [dreg:$0x1f];
	[sflag:s31] =	ssyncadd.s32 $0xFFFF6000  }
0xae: {  	[tilespmem:s25], [sflag:$0x3] =	stream.linear.gather [hbm4b:s2+s1], $0xA000, $0x38;
	[tilespmem:$0x1E000] =	vst v63  }
0xaf: {  	_ =	swait.ge [sflag:s26], $0xA000  }
0xb0: {  	[sflag:s26] =	ssyncset.done $0x0  }
0xb1: {  	s2 =	rddreg [dreg:$0x1e];
	[sflag:s26] =	ssyncadd.s32 $0xFFFF6000  }
0xb2: {  	[hbm4b:s2+s1] =	stream.linear.scatter [tilespmem:s23], [sflag:$0x5], $0xA000, $0x38;
	[tilespmem:$0x1E000] =	vst v63  }
0xb3: {  	_ =	swait.ge [sflag:s28], $0xA000  }
0xb4: {  	s2 =	sld [smem:$0x7DF]  }
0xb5: {  	[sflag:s28] =	ssyncset.done $0x0  }
0xb6: {  	[sflag:s28] =	ssyncadd.s32 $0xFFFF6000  }
0xb7: {  	[tilespmem:s1], [sflag:$0x1] =	stream.linear.gather [hbm4b:s2+s1], $0xA000, $0x38;
	[tilespmem:$0x1E000] =	vst v63  }
0xb8: {  	_ =	swait.ge [sflag:s29], $0xA000  }
0xb9: {  	s2 =	sld [smem:$0x7DE]  }
0xba: {  	[sflag:s29] =	ssyncset.done $0x0  }
0xbb: {  	[sflag:s29] =	ssyncadd.s32 $0xFFFF6000  }
0xbc: {  	[hbm4b:s2+s1] =	stream.linear.scatter [tilespmem:s25], [sflag:$0x6], $0xA000, $0x38;
	[tilespmem:$0x1E000] =	vst v63  }
0xbd: {  	_ =	swait.ge [sflag:s30], $0xA000  }
0xbe: {  	s2 =	sld [smem:$0x7E1]  }
0xbf: {  	[sflag:s30] =	ssyncset.done $0x0  }
0xc0: {  	[sflag:s30] =	ssyncadd.s32 $0xFFFF6000  }
0xc1: {  	[tilespmem:s23], [sflag:$0x2] =	stream.linear.gather [hbm4b:s2+s1], $0xA000, $0x38;
	[tilespmem:$0x1E000] =	vst v63  }
0xc2: {  	_ =	swait.ge [sflag:s24], $0xA000  }
0xc3: {  	s2 =	sld [smem:$0x7E0]  }
0xc4: {  	[sflag:s24] =	ssyncset.done $0x0  }
0xc5: {  	[sflag:s24] =	ssyncadd.s32 $0xFFFF6000  }
0xc6: {  	[hbm4b:s2+s1] =	stream.linear.scatter [tilespmem:s1], [sflag:$0x4], $0xA000, $0x38;
	[tilespmem:$0x1E000] =	vst v63  }
0xc7: {  	_ =	swait.ge [sflag:s31], $0xA000  }
0xc8: {  	s2 =	sld [smem:$0x7E3]  }
0xc9: {  	[sflag:s31] =	ssyncset.done $0x0  }
0xca: {  	[sflag:s31] =	ssyncadd.s32 $0xFFFF6000  }
0xcb: {  	[tilespmem:s25], [sflag:$0x3] =	stream.linear.gather [hbm4b:s2+s1], $0xA000, $0x38;
	[tilespmem:$0x1E000] =	vst v63  }
0xcc: {  	_ =	swait.ge [sflag:s26], $0xA000  }
0xcd: {  	s2 =	sld [smem:$0x7E2]  }
0xce: {  	[sflag:s26] =	ssyncset.done $0x0  }
0xcf: {  	[sflag:s26] =	ssyncadd.s32 $0xFFFF6000  }
0xd0: {  	[hbm4b:s2+s1] =	stream.linear.scatter [tilespmem:s23], [sflag:$0x5], $0xA000, $0x38;
	[tilespmem:$0x1E000] =	vst v63  }
0xd1: {  	_ =	swait.ge [sflag:s28], $0xA000  }
0xd2: {  	s2 =	sld [smem:$0x7E5]  }
0xd3: {  	[sflag:s28] =	ssyncset.done $0x0  }
0xd4: {  	[sflag:s28] =	ssyncadd.s32 $0xFFFF6000  }
0xd5: {  	[tilespmem:s1], [sflag:$0x1] =	stream.linear.gather [hbm4b:s2+s1], $0xA000, $0x38;
	[tilespmem:$0x1E000] =	vst v63  }
0xd6: {  	_ =	swait.ge [sflag:s29], $0xA000  }
0xd7: {  	s2 =	sld [smem:$0x7E4]  }
0xd8: {  	[sflag:s29] =	ssyncset.done $0x0  }
0xd9: {  	[sflag:s29] =	ssyncadd.s32 $0xFFFF6000  }
0xda: {  	[hbm4b:s2+s1] =	stream.linear.scatter [tilespmem:s25], [sflag:$0x6], $0xA000, $0x38;
	[tilespmem:$0x1E000] =	vst v63  }
0xdb: {  	_ =	swait.ge [sflag:s30], $0xA000  }
0xdc: {  	s2 =	sld [smem:$0x7E7]  }
0xdd: {  	[sflag:s30] =	ssyncset.done $0x0  }
0xde: {  	[sflag:s30] =	ssyncadd.s32 $0xFFFF6000  }
0xdf: {  	[tilespmem:s23], [sflag:$0x2] =	stream.linear.gather [hbm4b:s2+s1], $0xA000, $0x38;
	[tilespmem:$0x1E000] =	vst v63  }
0xe0: {  	_ =	swait.ge [sflag:s24], $0xA000  }
0xe1: {  	s2 =	sld [smem:$0x7E6]  }
0xe2: {  	[sflag:s24] =	ssyncset.done $0x0  }
0xe3: {  	[sflag:s24] =	ssyncadd.s32 $0xFFFF6000  }
0xe4: {  	[hbm4b:s2+s1] =	stream.linear.scatter [tilespmem:s1], [sflag:$0x4], $0xA000, $0x38;
	[tilespmem:$0x1E000] =	vst v63  }
0xe5: {  	_ =	swait.ge [sflag:s31], $0xA000  }
0xe6: {  	s2 =	sld [smem:$0x7E9]  }
0xe7: {  	[sflag:s31] =	ssyncset.done $0x0  }
0xe8: {  	[sflag:s31] =	ssyncadd.s32 $0xFFFF6000  }
0xe9: {  	[tilespmem:s25], [sflag:$0x3] =	stream.linear.gather [hbm4b:s2+s1], $0xA000, $0x38;
	[tilespmem:$0x1E000] =	vst v63  }
0xea: {  	_ =	swait.ge [sflag:s26], $0xA000  }
0xeb: {  	s2 =	sld [smem:$0x7E8]  }
0xec: {  	[sflag:s26] =	ssyncset.done $0x0  }
0xed: {  	[sflag:s26] =	ssyncadd.s32 $0xFFFF6000  }
0xee: {  	[hbm4b:s2+s1] =	stream.linear.scatter [tilespmem:s23], [sflag:$0x5], $0xA000, $0x38;
	[tilespmem:$0x1E000] =	vst v63  }
0xef: {  	_ =	swait.ge [sflag:s28], $0xA000  }
0xf0: {  	s2 =	sld [smem:$0x7EB]  }
0xf1: {  	[sflag:s28] =	ssyncset.done $0x0  }
0xf2: {  	[sflag:s28] =	ssyncadd.s32 $0xFFFF6000  }
0xf3: {  	[tilespmem:s1], [sflag:$0x1] =	stream.linear.gather [hbm4b:s2+s1], $0xA000, $0x38;
	[tilespmem:$0x1E000] =	vst v63  }
0xf4: {  	_ =	swait.ge [sflag:s29], $0xA000  }
0xf5: {  	s2 =	sld [smem:$0x7EA]  }
0xf6: {  	[sflag:s29] =	ssyncset.done $0x0  }
0xf7: {  	[sflag:s29] =	ssyncadd.s32 $0xFFFF6000  }
0xf8: {  	[hbm4b:s2+s1] =	stream.linear.scatter [tilespmem:s25], [sflag:$0x6], $0xA000, $0x38;
	[tilespmem:$0x1E000] =	vst v63  }
0xf9: {  	_ =	swait.ge [sflag:s30], $0xA000  }
0xfa: {  	s2 =	sld [smem:$0x7ED]  }
0xfb: {  	[sflag:s30] =	ssyncset.done $0x0  }
0xfc: {  	[sflag:s30] =	ssyncadd.s32 $0xFFFF6000  }
0xfd: {  	[tilespmem:s23], [sflag:$0x2] =	stream.linear.gather [hbm4b:s2+s1], $0xA000, $0x38;
	[tilespmem:$0x1E000] =	vst v63  }
0xfe: {  	_ =	swait.ge [sflag:s24], $0xA000  }
0xff: {  	s2 =	sld [smem:$0x7EC]  }
0x100: {  	[sflag:s24] =	ssyncset.done $0x0  }
0x101: {  	[sflag:s24] =	ssyncadd.s32 $0xFFFF6000  }
0x102: {  	[hbm4b:s2+s1] =	stream.linear.scatter [tilespmem:s1], [sflag:$0x4], $0xA000, $0x38;
	[tilespmem:$0x1E000] =	vst v63  }
0x103: {  	_ =	swait.ge [sflag:s31], $0xA000  }
0x104: {  	s2 =	sld [smem:$0x7EF]  }
0x105: {  	[sflag:s31] =	ssyncset.done $0x0  }
0x106: {  	[sflag:s31] =	ssyncadd.s32 $0xFFFF6000  }
0x107: {  	[tilespmem:s25], [sflag:$0x3] =	stream.linear.gather [hbm4b:s2+s1], $0xA000, $0x38;
	[tilespmem:$0x1E000] =	vst v63  }
0x108: {  	_ =	swait.ge [sflag:s26], $0xA000  }
0x109: {  	s2 =	sld [smem:$0x7EE]  }
0x10a: {  	[sflag:s26] =	ssyncset.done $0x0  }
0x10b: {  	[sflag:s26] =	ssyncadd.s32 $0xFFFF6000  }
0x10c: {  	[hbm4b:s2+s1] =	stream.linear.scatter [tilespmem:s23], [sflag:$0x5], $0xA000, $0x38;
	[tilespmem:$0x1E000] =	vst v63  }
0x10d: {  	_ =	swait.ge [sflag:s28], $0xA000  }
0x10e: {  	s2 =	sld [smem:$0x7F1]  }
0x10f: {  	[sflag:s28] =	ssyncset.done $0x0  }
0x110: {  	[sflag:s28] =	ssyncadd.s32 $0xFFFF6000  }
0x111: {  	[tilespmem:s1], [sflag:$0x1] =	stream.linear.gather [hbm4b:s2+s1], $0xA000, $0x38;
	[tilespmem:$0x1E000] =	vst v63  }
0x112: {  	_ =	swait.ge [sflag:s29], $0xA000  }
0x113: {  	s2 =	sld [smem:$0x7F0]  }
0x114: {  	[sflag:s29] =	ssyncset.done $0x0  }
0x115: {  	[sflag:s29] =	ssyncadd.s32 $0xFFFF6000  }
0x116: {  	[hbm4b:s2+s1] =	stream.linear.scatter [tilespmem:s25], [sflag:$0x6], $0xA000, $0x38;
	[tilespmem:$0x1E000] =	vst v63  }
0x117: {  	_ =	swait.ge [sflag:s30], $0xA000  }
0x118: {  	s2 =	sld [smem:$0x7F3]  }
0x119: {  	[sflag:s30] =	ssyncset.done $0x0  }
0x11a: {  	[sflag:s30] =	ssyncadd.s32 $0xFFFF6000  }
0x11b: {  	[tilespmem:s23], [sflag:$0x2] =	stream.linear.gather [hbm4b:s2+s1], $0xA000, $0x38;
	[tilespmem:$0x1E000] =	vst v63  }
0x11c: {  	_ =	swait.ge [sflag:s24], $0xA000  }
0x11d: {  	s2 =	sld [smem:$0x7F2]  }
0x11e: {  	[sflag:s24] =	ssyncset.done $0x0  }
0x11f: {  	[sflag:s24] =	ssyncadd.s32 $0xFFFF6000  }
0x120: {  	[hbm4b:s2+s1] =	stream.linear.scatter [tilespmem:s1], [sflag:$0x4], $0xA000, $0x38;
	[tilespmem:$0x1E000] =	vst v63  }
0x121: {  	_ =	swait.ge [sflag:s31], $0xA000  }
0x122: {  	s2 =	sld [smem:$0x7F5]  }
0x123: {  	[sflag:s31] =	ssyncset.done $0x0  }
0x124: {  	[sflag:s31] =	ssyncadd.s32 $0xFFFF6000  }
0x125: {  	[tilespmem:s25], [sflag:$0x3] =	stream.linear.gather [hbm4b:s2+s1], $0xA000, $0x38;
	[tilespmem:$0x1E000] =	vst v63  }
0x126: {  	_ =	swait.ge [sflag:s26], $0xA000  }
0x127: {  	s2 =	sld [smem:$0x7F4]  }
0x128: {  	[sflag:s26] =	ssyncset.done $0x0  }
0x129: {  	[sflag:s26] =	ssyncadd.s32 $0xFFFF6000  }
0x12a: {  	[hbm4b:s2+s1] =	stream.linear.scatter [tilespmem:s23], [sflag:$0x5], $0xA000, $0x38;
	[tilespmem:$0x1E000] =	vst v63  }
0x12b: {  	_ =	swait.ge [sflag:s28], $0xA000  }
0x12c: {  	s2 =	sld [smem:$0x7F7]  }
0x12d: {  	[sflag:s28] =	ssyncset.done $0x0  }
0x12e: {  	[sflag:s28] =	ssyncadd.s32 $0xFFFF6000  }
0x12f: {  	[tilespmem:s1], [sflag:$0x1] =	stream.linear.gather [hbm4b:s2+s1], $0xA000, $0x38;
	[tilespmem:$0x1E000] =	vst v63  }
0x130: {  	_ =	swait.ge [sflag:s29], $0xA000  }
0x131: {  	s2 =	sld [smem:$0x7F6]  }
0x132: {  	[sflag:s29] =	ssyncset.done $0x0  }
0x133: {  	[sflag:s29] =	ssyncadd.s32 $0xFFFF6000  }
0x134: {  	[hbm4b:s2+s1] =	stream.linear.scatter [tilespmem:s25], [sflag:$0x6], $0xA000, $0x38;
	[tilespmem:$0x1E000] =	vst v63  }
0x135: {  	_ =	swait.ge [sflag:s30], $0xA000  }
0x136: {  	s2 =	sld [smem:$0x7F9]  }
0x137: {  	[sflag:s30] =	ssyncset.done $0x0  }
0x138: {  	[sflag:s30] =	ssyncadd.s32 $0xFFFF6000  }
0x139: {  	[tilespmem:s23], [sflag:$0x2] =	stream.linear.gather [hbm4b:s2+s1], $0xA000, $0x38;
	[tilespmem:$0x1E000] =	vst v63  }
0x13a: {  	_ =	swait.ge [sflag:s24], $0xA000  }
0x13b: {  	s2 =	sld [smem:$0x7F8]  }
0x13c: {  	[sflag:s24] =	ssyncset.done $0x0  }
0x13d: {  	[sflag:s24] =	ssyncadd.s32 $0xFFFF6000  }
0x13e: {  	[hbm4b:s2+s1] =	stream.linear.scatter [tilespmem:s1], [sflag:$0x4], $0xA000, $0x38;
	[tilespmem:$0x1E000] =	vst v63  }
0x13f: {  	_ =	swait.ge [sflag:s31], $0xA000  }
0x140: {  	s2 =	sld [smem:$0x7FB]  }
0x141: {  	[sflag:s31] =	ssyncset.done $0x0  }
0x142: {  	[sflag:s31] =	ssyncadd.s32 $0xFFFF6000  }
0x143: {  	[tilespmem:s25], [sflag:$0x3] =	stream.linear.gather [hbm4b:s2+s1], $0xA000, $0x38;
	[tilespmem:$0x1E000] =	vst v63  }
0x144: {  	_ =	swait.ge [sflag:s26], $0xA000  }
0x145: {  	s2 =	sld [smem:$0x7FA]  }
0x146: {  	[sflag:s26] =	ssyncset.done $0x0  }
0x147: {  	[sflag:s26] =	ssyncadd.s32 $0xFFFF6000  }
0x148: {  	[hbm4b:s2+s1] =	stream.linear.scatter [tilespmem:s23], [sflag:$0x5], $0xA000, $0x38;
	[tilespmem:$0x1E000] =	vst v63  }
0x149: {  	_ =	swait.ge [sflag:s28], $0xA000  }
0x14a: {  	s2 =	sld [smem:$0x7FD]  }
0x14b: {  	[sflag:s28] =	ssyncset.done $0x0  }
0x14c: {  	[sflag:s28] =	ssyncadd.s32 $0xFFFF6000  }
0x14d: {  	[tilespmem:s1], [sflag:$0x1] =	stream.linear.gather [hbm4b:s2+s1], $0xA000, $0x38;
	[tilespmem:$0x1E000] =	vst v63  }
0x14e: {  	_ =	swait.ge [sflag:s29], $0xA000  }
0x14f: {  	s2 =	sld [smem:$0x7FC]  }
0x150: {  	[sflag:s29] =	ssyncset.done $0x0  }
0x151: {  	[sflag:s29] =	ssyncadd.s32 $0xFFFF6000  }
0x152: {  	[hbm4b:s2+s1] =	stream.linear.scatter [tilespmem:s25], [sflag:$0x6], $0xA000, $0x38;
	[tilespmem:$0x1E000] =	vst v63  }
0x153: {  	_ =	swait.ge [sflag:s30], $0xA000  }
0x154: {  	[sflag:s30] =	ssyncset.done $0x0  }
0x155: {  	[sflag:s30] =	ssyncadd.s32 $0xFFFF6000  }
0x156: {  	[tilespmem:s23], [sflag:$0x2] =	stream.linear.gather [hbm4b:s4+s1], $0xA000, $0x38;
	[tilespmem:$0x1E000] =	vst v63  }
0x157: {  	_ =	swait.ge [sflag:s24], $0xA000  }
0x158: {  	[sflag:s24] =	ssyncset.done $0x0  }
0x159: {  	[sflag:s24] =	ssyncadd.s32 $0xFFFF6000  }
0x15a: {  	[hbm4b:s3+s1] =	stream.linear.scatter [tilespmem:s1], [sflag:$0x4], $0xA000, $0x38;
	[tilespmem:$0x1E000] =	vst v63  }
0x15b: {  	_ =	swait.ge [sflag:s31], $0xA000  }
0x15c: {  	[sflag:s31] =	ssyncset.done $0x0  }
0x15d: {  	[sflag:s31] =	ssyncadd.s32 $0xFFFF6000  }
0x15e: {  	[tilespmem:s25], [sflag:$0x3] =	stream.linear.gather [hbm4b:s6+s1], $0xA000, $0x38;
	[tilespmem:$0x1E000] =	vst v63  }
0x15f: {  	_ =	swait.ge [sflag:s26], $0xA000  }
0x160: {  	[sflag:s26] =	ssyncset.done $0x0  }
0x161: {  	[sflag:s26] =	ssyncadd.s32 $0xFFFF6000  }
0x162: {  	[hbm4b:s5+s1] =	stream.linear.scatter [tilespmem:s23], [sflag:$0x5], $0xA000, $0x38;
	[tilespmem:$0x1E000] =	vst v63  }
0x163: {  	_ =	swait.ge [sflag:s28], $0xA000  }
0x164: {  	[sflag:s28] =	ssyncset.done $0x0  }
0x165: {  	[sflag:s28] =	ssyncadd.s32 $0xFFFF6000  }
0x166: {  	[tilespmem:s1], [sflag:$0x1] =	stream.linear.gather [hbm4b:s8+s1], $0xA000, $0x38;
	[tilespmem:$0x1E000] =	vst v63  }
0x167: {  	_ =	swait.ge [sflag:s29], $0xA000  }
0x168: {  	[sflag:s29] =	ssyncset.done $0x0  }
0x169: {  	[sflag:s29] =	ssyncadd.s32 $0xFFFF6000  }
0x16a: {  	[hbm4b:s7+s1] =	stream.linear.scatter [tilespmem:s25], [sflag:$0x6], $0xA000, $0x38;
	[tilespmem:$0x1E000] =	vst v63  }
0x16b: {  	_ =	swait.ge [sflag:s30], $0xA000  }
0x16c: {  	[sflag:s30] =	ssyncset.done $0x0  }
0x16d: {  	[sflag:s30] =	ssyncadd.s32 $0xFFFF6000  }
0x16e: {  	[tilespmem:s23], [sflag:$0x2] =	stream.linear.gather [hbm4b:s10+s1], $0xA000, $0x38;
	[tilespmem:$0x1E000] =	vst v63  }
0x16f: {  	_ =	swait.ge [sflag:s24], $0xA000  }
0x170: {  	[sflag:s24] =	ssyncset.done $0x0  }
0x171: {  	[sflag:s24] =	ssyncadd.s32 $0xFFFF6000  }
0x172: {  	[hbm4b:s9+s1] =	stream.linear.scatter [tilespmem:s1], [sflag:$0x4], $0xA000, $0x38;
	[tilespmem:$0x1E000] =	vst v63  }
0x173: {  	_ =	swait.ge [sflag:s31], $0xA000  }
0x174: {  	[sflag:s31] =	ssyncset.done $0x0  }
0x175: {  	[sflag:s31] =	ssyncadd.s32 $0xFFFF6000  }
0x176: {  	[tilespmem:s25], [sflag:$0x3] =	stream.linear.gather [hbm4b:s12+s1], $0xA000, $0x38;
	[tilespmem:$0x1E000] =	vst v63  }
0x177: {  	_ =	swait.ge [sflag:s26], $0xA000  }
0x178: {  	[sflag:s26] =	ssyncset.done $0x0  }
0x179: {  	[sflag:s26] =	ssyncadd.s32 $0xFFFF6000  }
0x17a: {  	[hbm4b:s11+s1] =	stream.linear.scatter [tilespmem:s23], [sflag:$0x5], $0xA000, $0x38;
	[tilespmem:$0x1E000] =	vst v63  }
0x17b: {  	_ =	swait.ge [sflag:s28], $0xA000  }
0x17c: {  	[sflag:s28] =	ssyncset.done $0x0  }
0x17d: {  	[sflag:s28] =	ssyncadd.s32 $0xFFFF6000  }
0x17e: {  	[tilespmem:s1], [sflag:$0x1] =	stream.linear.gather [hbm4b:s14+s1], $0xA000, $0x38;
	[tilespmem:$0x1E000] =	vst v63  }
0x17f: {  	_ =	swait.ge [sflag:s29], $0xA000  }
0x180: {  	[sflag:s29] =	ssyncset.done $0x0  }
0x181: {  	[sflag:s29] =	ssyncadd.s32 $0xFFFF6000  }
0x182: {  	[hbm4b:s13+s1] =	stream.linear.scatter [tilespmem:s25], [sflag:$0x6], $0xA000, $0x38;
	[tilespmem:$0x1E000] =	vst v63  }
0x183: {  	_ =	swait.ge [sflag:s30], $0xA000  }
0x184: {  	[sflag:s30] =	ssyncset.done $0x0  }
0x185: {  	[sflag:s30] =	ssyncadd.s32 $0xFFFF6000  }
0x186: {  	[tilespmem:s23], [sflag:$0x2] =	stream.linear.gather [hbm4b:s16+s1], $0xA000, $0x38;
	[tilespmem:$0x1E000] =	vst v63  }
0x187: {  	_ =	swait.ge [sflag:s24], $0xA000  }
0x188: {  	[sflag:s24] =	ssyncset.done $0x0  }
0x189: {  	[sflag:s24] =	ssyncadd.s32 $0xFFFF6000  }
0x18a: {  	[hbm4b:s15+s1] =	stream.linear.scatter [tilespmem:s1], [sflag:$0x4], $0xA000, $0x38;
	[tilespmem:$0x1E000] =	vst v63  }
0x18b: {  	_ =	swait.ge [sflag:s31], $0xA000  }
0x18c: {  	[sflag:s31] =	ssyncset.done $0x0  }
0x18d: {  	[sflag:s31] =	ssyncadd.s32 $0xFFFF6000  }
0x18e: {  	[tilespmem:s25], [sflag:$0x3] =	stream.linear.gather [hbm4b:s18+s1], $0xA000, $0x38;
	[tilespmem:$0x1E000] =	vst v63  }
0x18f: {  	_ =	swait.ge [sflag:s26], $0xA000  }
0x190: {  	[sflag:s26] =	ssyncset.done $0x0  }
0x191: {  	[sflag:s26] =	ssyncadd.s32 $0xFFFF6000  }
0x192: {  	[hbm4b:s17+s1] =	stream.linear.scatter [tilespmem:s23], [sflag:$0x5], $0xA000, $0x38;
	[tilespmem:$0x1E000] =	vst v63  }
0x193: {  	_ =	swait.ge [sflag:s29], $0xA000  }
0x194: {  	[sflag:s29] =	ssyncset.done $0x0  }
0x195: {  	[sflag:s29] =	ssyncadd.s32 $0xFFFF6000  }
0x196: {  	[hbm4b:s19+s1] =	stream.linear.scatter [tilespmem:s25], [sflag:$0x6], $0xA000, $0x38;
	[tilespmem:$0x1E000] =	vst v63  }
0x197: {  	_ =	swait.ge [sflag:s28], $0xA000  }
0x198: {  	[sflag:s28] =	ssyncset.done $0x0  }
0x199: {  	[sflag:s28] =	ssyncadd.s32 $0xFFFF6000  }
0x19a: {  	_ =	swait.ge [sflag:s30], $0xA000  }
0x19b: {  	[sflag:s30] =	ssyncset.done $0x0  }
0x19c: {  	[sflag:s30] =	ssyncadd.s32 $0xFFFF6000  }
0x19d: {  	_ =	swait.ge [sflag:s31], $0xA000  }
0x19e: {  	[sflag:s31] =	ssyncset.done $0x0  }
0x19f: {  	s0 =	simm.s32 @!p1 $0x0;
	s2 =	simm.s32 @!p1 $0x7;
	[sflag:s31] =	ssyncadd.s32 $0xFFFF6000  }
0x1a0: {  	[tilespmem:s0], [sflag:$0x7] =	stream.linear.gather @!p1 [hbm4b:s20+s0], $0x1000, $0x38;
	[tilespmem:$0x1E000] =	vst v63  }
0x1a1: {  	s22 =	sadd.s32 $0xFFFFFFFF, s22;
	_ =	swait.ge @!p1 [sflag:s2], $0x1000  }
0x1a2: {  	p2 =	sne.s32 s22, $0x0;
	[sflag:s2] =	ssyncset.done @!p1 $0x0  }
.Ltmp1:
0x1a3: {  	[sflag:s2] =	ssyncadd.s32 @!p1 $0xFFFFF000;
	(pc) =	sbr.rel @!p2 .LBB2_4-.Ltmp1, $4  }
0x1a4: {  	[hbm4b:s21+s0] =	stream.linear.scatter @!p1 [tilespmem:s0], [sflag:$0x7], $0x1000, $0x38;
	[tilespmem:$0x1E000] =	vst v63  }
0x1a5: {  	_ =	swait.ge @!p1 [sflag:s2], $0x1000  }
0x1a6: {  	[sflag:s2] =	ssyncset.done @!p1 $0x0  }
0x1a7: {  	[sflag:s2] =	ssyncadd.s32 @!p1 $0xFFFFF000  }
.LBB2_1:
0x1a8: {  	s0 =	rddreg [dreg:$0x3]  }
0x1a9: {  	[tilespmem:s1], [sflag:$0x1] =	stream.linear.gather [hbm4b:s0+s1], $0xA000, $0x38;
	[tilespmem:$0x1E000] =	vst v63  }
.Ltmp2:
0x1aa: {  	s2 =	rddreg [dreg:$0x4];
	(pc) =	sbr.rel @p0 .LBB2_3-.Ltmp2, $4  }
0x1ab: {  	[tilespmem:s23], [sflag:$0x2] =	stream.linear.gather [hbm4b:s2+s1], $0xA000, $0x38;
	[tilespmem:$0x1E000] =	vst v63  }
0x1ac: {  	_ =	swait.ge [sflag:s24], $0xA000  }
0x1ad: {  	[sflag:s24] =	ssyncset.done $0x0  }
0x1ae: {  	[sflag:s24] =	ssyncadd.s32 $0xFFFF6000  }
0x1af: {  	[tilespmem:$0x80] =	vst v0  }
0x1b0: {  	[tilespmem:$0x90] =	vst v0  }
0x1b1: {  	[tilespmem:$0xA0] =	vst v0  }
0x1b2: {  	[tilespmem:$0xB0] =	vst v0  }
0x1b3: {  	[tilespmem:$0xC0] =	vst v0  }
0x1b4: {  	[tilespmem:$0xD0] =	vst v0  }
0x1b5: {  	[tilespmem:$0xE0] =	vst v0  }
0x1b6: {  	[tilespmem:$0xF0] =	vst v0  }
0x1b7: {  	[tilespmem:$0x480] =	vst v0  }
0x1b8: {  	[tilespmem:$0x490] =	vst v0  }
0x1b9: {  	[tilespmem:$0x4A0] =	vst v0  }
0x1ba: {  	[tilespmem:$0x4B0] =	vst v0  }
0x1bb: {  	[tilespmem:$0x4C0] =	vst v0  }
0x1bc: {  	[tilespmem:$0x4D0] =	vst v0  }
0x1bd: {  	[tilespmem:$0x4E0] =	vst v0  }
0x1be: {  	[tilespmem:$0x4F0] =	vst v0  }
0x1bf: {  	[tilespmem:$0x880] =	vst v0  }
0x1c0: {  	[tilespmem:$0x890] =	vst v0  }
0x1c1: {  	[tilespmem:$0x8A0] =	vst v0  }
0x1c2: {  	[tilespmem:$0x8B0] =	vst v0  }
0x1c3: {  	[tilespmem:$0x8C0] =	vst v0  }
0x1c4: {  	[tilespmem:$0x8D0] =	vst v0  }
0x1c5: {  	[tilespmem:$0x8E0] =	vst v0  }
0x1c6: {  	[tilespmem:$0x8F0] =	vst v0  }
0x1c7: {  	[tilespmem:$0xC80] =	vst v0  }
0x1c8: {  	[tilespmem:$0xC90] =	vst v0  }
0x1c9: {  	[tilespmem:$0xCA0] =	vst v0  }
0x1ca: {  	[tilespmem:$0xCB0] =	vst v0  }
0x1cb: {  	[tilespmem:$0xCC0] =	vst v0  }
0x1cc: {  	[tilespmem:$0xCD0] =	vst v0  }
0x1cd: {  	[tilespmem:$0xCE0] =	vst v0  }
0x1ce: {  	[tilespmem:$0xCF0] =	vst v0  }
0x1cf: {  	[tilespmem:$0x100] =	vst v0  }
0x1d0: {  	[tilespmem:$0x110] =	vst v0  }
0x1d1: {  	[tilespmem:$0x120] =	vst v0  }
0x1d2: {  	[tilespmem:$0x130] =	vst v0  }
0x1d3: {  	[tilespmem:$0x140] =	vst v0  }
0x1d4: {  	[tilespmem:$0x150] =	vst v0  }
0x1d5: {  	[tilespmem:$0x160] =	vst v0  }
0x1d6: {  	[tilespmem:$0x170] =	vst v0  }
0x1d7: {  	[tilespmem:$0x500] =	vst v0  }
0x1d8: {  	[tilespmem:$0x510] =	vst v0  }
0x1d9: {  	[tilespmem:$0x520] =	vst v0  }
0x1da: {  	[tilespmem:$0x530] =	vst v0  }
0x1db: {  	[tilespmem:$0x540] =	vst v0  }
0x1dc: {  	[tilespmem:$0x550] =	vst v0  }
0x1dd: {  	[tilespmem:$0x560] =	vst v0  }
0x1de: {  	[tilespmem:$0x570] =	vst v0  }
0x1df: {  	[tilespmem:$0x900] =	vst v0  }
0x1e0: {  	[tilespmem:$0x910] =	vst v0  }
0x1e1: {  	[tilespmem:$0x920] =	vst v0  }
0x1e2: {  	[tilespmem:$0x930] =	vst v0  }
0x1e3: {  	[tilespmem:$0x940] =	vst v0  }
0x1e4: {  	[tilespmem:$0x950] =	vst v0  }
0x1e5: {  	[tilespmem:$0x960] =	vst v0  }
0x1e6: {  	[tilespmem:$0x970] =	vst v0  }
0x1e7: {  	[tilespmem:$0xD00] =	vst v0  }
0x1e8: {  	[tilespmem:$0xD10] =	vst v0  }
0x1e9: {  	[tilespmem:$0xD20] =	vst v0  }
.Ltmp3:
0x1ea: {  	[tilespmem:$0xD30] =	vst v0;
	(pc) =	sbr.rel .LBB2_3-.Ltmp3, $4  }
0x1eb: {  	[tilespmem:$0xD40] =	vst v0  }
0x1ec: {  	[tilespmem:$0xD50] =	vst v0  }
0x1ed: {  	[tilespmem:$0xD60] =	vst v0  }
0x1ee: {  	[tilespmem:$0xD70] =	vst v0  }
.LBB2_4:
0x1ef: {  	_ =	sfence.sel $0x180000  }
0x1f0: {  	[bflag:$0x0] =	sbarrier.arrive $0xFFFF  }
0x1f1: {  	_ =	strace $0x90000047  }
0x1f2: {  	s0 =	stileid.u32;
	[bflag:$0x2] =	sbarrier.arrive $0xFFFF  }
0x1f3: {  	p0 =	sne.s32 s0, $0x0;
	s0 =	rddreg [dreg:$0x2]  }
0x1f4: {  	s0 =	sadd.s32 @!p0 $0x100000, s0  }
0x1f5: {  	[sflag:s0] =	ssyncadd.tile.s32 @!p0 $0x1;
	_ =	shalt  }
.Lfunc_end2:
_tile_overlayer_lowered:
.L_overlay_start_2:
0x1f6: {  	(tag) =	ssettag $0x2  }
0x1f7: {  	s0 =	rddreg [dreg:$0x0];
	s2 =	stileid.u32  }
0x1f8: {  	s1 =	rddreg [dreg:$0x1];
	p0 =	sne.s32 s2, $0x0  }
0x1f9: {  	s3 =	rddreg [dreg:$0x2];
	[bflag:$0x3] =	sbarrier.arrive $0xFFFF;
	s2 =	simm.s32 @!p0 $0x1C07  }
0x1fa: {  	[timem:s3], [sflag:s2] =	dma.local @!p0 [hbm:s0], s1  }
0x1fb: {  	s0 =	simm.s32 @!p0 $0x7  }
0x1fc: {  	_ =	swait.ge @!p0 [sflag:s0], s1  }
0x1fd: {  	s1 =	ssub.s32 @!p0 $0x0, s1;
	[sflag:s0] =	ssyncset.done @!p0 $0x0  }
0x1fe: {  	[sflag:s0] =	ssyncadd.s32 @!p0 s1  }
0x1ff: {  	[bflag:$0x3] =	sbarrier.arrive $0xFFFF  }
0x200: {  	_ =	shalt  }

</sc_bundles>
